<compile_context>
chip_gen: v7x
topology: tpu7x:2x2x1
jax: 0.10.2.dev20260603
libtpu: 0.0.44.dev20260713+nightly
codegen_flags: <defaults>
</compile_context>

<pallas_src>
import functools

import jax
import jax.numpy as jnp
from jax import lax
from jax.experimental import pallas as pl
from jax.experimental.pallas import tpu as pltpu
from jax.experimental.pallas import tpu_sc as plsc

_MEAN = 3.5
_B = 16384
_D = 128
_NW = 32
_PER_W = _B // _NW
_CHUNK = 64
_N_CHUNKS = _PER_W // _CHUNK
_L = 16
_GROUPS = _CHUNK // _L
_NVEC = _D // _L


def _mf_body(u_idx_h, v_idx_h, u_mx_h, v_mx_h, u_bias_h, v_bias_h, out_h,
             uidx_v, vidx_v, urows, vrows, ubias_v, vbias_v, out_v, sems):
    wid = lax.axis_index("s") * 2 + lax.axis_index("c")
    base = wid * _PER_W
    cp_iu = pltpu.async_copy(u_idx_h.at[pl.ds(base, _PER_W)], uidx_v, sems.at[0])
    cp_iv = pltpu.async_copy(v_idx_h.at[pl.ds(base, _PER_W)], vidx_v, sems.at[0])
    cp_iu.wait()
    cp_iv.wait()

    lane = lax.iota(jnp.int32, _L)
    xor_idx = [jnp.bitwise_xor(lane, s) for s in (1, 2, 4, 8)]

    def copies(c, buf):
        iu = uidx_v.at[pl.ds(c * _CHUNK, _CHUNK)]
        iv = vidx_v.at[pl.ds(c * _CHUNK, _CHUNK)]
        sem = sems.at[buf]
        return (
            pltpu.make_async_copy(u_mx_h.at[iu], urows.at[buf], sem),
            pltpu.make_async_copy(v_mx_h.at[iv], vrows.at[buf], sem),
            pltpu.make_async_copy(u_bias_h.at[iu], ubias_v.at[buf], sem),
            pltpu.make_async_copy(v_bias_h.at[iv], vbias_v.at[buf], sem),
        )

    def issue(c, buf):
        for cp in copies(c, buf):
            cp.start()

    def wait(c, buf):
        for cp in copies(c, buf):
            cp.wait()

    def perm(x, stage):
        return x.at[xor_idx[stage]].get(mode="promise_in_bounds")

    def compute_chunk(c, buf):
        def gbody(gg, carry):
          for half in (0, 1):
            g = gg * 2 + half

            def elem(e):
                acc = None
                for j in range(_NVEC):
                    uu = urows[buf, e, pl.ds(j * _L, _L)]
                    vv = vrows[buf, e, pl.ds(j * _L, _L)]
                    p = uu * vv
                    acc = p if acc is None else acc + p
                return acc

            masks = [(lane & s) == 0 for s in (1, 2, 4, 8)]

            def combine(a, b, stage):
                return jnp.where(masks[stage],
                                 a + perm(a, stage), b + perm(b, stage))

            stack = []
            for k in range(_L):
                node = (0, elem(g * _L + k))
                while stack and stack[-1][0] == node[0]:
                    lvl, prev = stack.pop()
                    node = (lvl + 1, combine(prev, node[1], lvl))
                stack.append(node)
            res = stack[0][1]

            b_u = ubias_v[buf, pl.ds(g * _L, _L)]
            b_v = vbias_v[buf, pl.ds(g * _L, _L)]
            out_v[pl.ds(c * _CHUNK + g * _L, _L)] = res + b_u + b_v + _MEAN
          return carry

        lax.fori_loop(0, _GROUPS // 2, gbody, 0)

    issue(0, 0)
    issue(1, 1)

    def chunk_body(c, carry):
        buf = lax.rem(c, 2)
        wait(c, buf)
        compute_chunk(c, buf)

        @pl.when(c + 2 < _N_CHUNKS)
        def _():
            issue(c + 2, buf)
        return carry

    lax.fori_loop(0, _N_CHUNKS, chunk_body, 0)

    pltpu.sync_copy(out_v, out_h.at[pl.ds(base, _PER_W)])


@jax.jit
def kernel(u_idx, v_idx, u_mx, v_mx, u_bias, v_bias):
    mesh = plsc.VectorSubcoreMesh(core_axis_name="c", subcore_axis_name="s")
    run = functools.partial(
        pl.kernel,
        out_type=jax.ShapeDtypeStruct((_B,), jnp.float32),
        mesh=mesh,
        scratch_types=[
            pltpu.VMEM((_PER_W,), jnp.int32),
            pltpu.VMEM((_PER_W,), jnp.int32),
            pltpu.VMEM((2, _CHUNK, _D), jnp.float32),
            pltpu.VMEM((2, _CHUNK, _D), jnp.float32),
            pltpu.VMEM((2, _CHUNK), jnp.float32),
            pltpu.VMEM((2, _CHUNK), jnp.float32),
            pltpu.VMEM((_PER_W,), jnp.float32),
            pltpu.SemaphoreType.DMA((2,)),
        ],
        compiler_params=pltpu.CompilerParams(needs_layout_passes=False),
    )(_mf_body)
    return run(u_idx.astype(jnp.int32), v_idx.astype(jnp.int32),
               u_mx, v_mx, u_bias.reshape(-1), v_bias.reshape(-1))

# --- scband reference (transcript-rebuilt; emitter-appended) ---
"""Pipeline reference for scband-mfmodel-24842090840134 (READ-ONLY COPY).

The authoritative reference and input builder live on the scoring server;
editing this copy changes nothing except your own understanding.
"""

import jax, jax.numpy as jnp
import numpy as np

N_USER = 100000
N_ITEM = 100000
N_LATENT = 128
MEAN = 3.5
BATCH = 16384

def setup_inputs(seed: int = 0) -> dict:
    key = jax.random.key(seed)
    k1, k2, k3, k4 = jax.random.split(key, 4)
    u_idx = jax.random.randint(k1, (BATCH,), 0, N_USER, dtype=jnp.int64 if jax.config.jax_enable_x64 else jnp.int32)
    v_idx = jax.random.randint(k2, (BATCH,), 0, N_ITEM, dtype=jnp.int64 if jax.config.jax_enable_x64 else jnp.int32)
    u_mx = jax.random.normal(k3, (N_USER, N_LATENT), dtype=jnp.float32) * 0.01
    v_mx = jax.random.normal(k4, (N_ITEM, N_LATENT), dtype=jnp.float32) * 0.01
    u_bias = jnp.zeros((N_USER, 1), dtype=jnp.float32)
    v_bias = jnp.zeros((N_ITEM, 1), dtype=jnp.float32)
    return {"u_idx": u_idx, "v_idx": v_idx, "u_mx": u_mx, "v_mx": v_mx, "u_bias": u_bias, "v_bias": v_bias}

def reference(u_idx, v_idx, u_mx, v_mx, u_bias, v_bias):
    u_vec = jnp.take(u_mx, u_idx, axis=0)
    v_vec = jnp.take(v_mx, v_idx, axis=0)
    pred = jnp.sum(u_vec * v_vec, axis=1) + MEAN + jnp.take(u_bias, u_idx, axis=0).reshape(-1) + jnp.take(v_bias, v_idx, axis=0).reshape(-1)
    return pred

if __name__ == "__main__":
    import jax
    _d = setup_inputs()
    print(jax.jit(kernel)(*tuple(_d.values())))

</pallas_src>

<mosaic_0001>
#map = affine_map<(d0, d1) -> (0)>
#map1 = affine_map<(d0, d1) -> (0, 0)>
module attributes {stable_mosaic.version = 14 : i64} {
  func.func @_mf_body(%arg0: i32, %arg1: i32, %arg2: memref<16384xi32, #tpu.memory_space<hbm>>, %arg3: memref<16384xi32, #tpu.memory_space<hbm>>, %arg4: memref<100000x128xf32, #tpu.memory_space<hbm>>, %arg5: memref<100000x128xf32, #tpu.memory_space<hbm>>, %arg6: memref<100000xf32, #tpu.memory_space<hbm>>, %arg7: memref<100000xf32, #tpu.memory_space<hbm>>, %arg8: memref<16384xf32, #tpu.memory_space<hbm>>, %arg9: memref<512xi32, #tpu.memory_space<vmem>>, %arg10: memref<512xi32, #tpu.memory_space<vmem>>, %arg11: memref<2x64x128xf32, #tpu.memory_space<vmem>>, %arg12: memref<2x64x128xf32, #tpu.memory_space<vmem>>, %arg13: memref<2x64xf32, #tpu.memory_space<vmem>>, %arg14: memref<2x64xf32, #tpu.memory_space<vmem>>, %arg15: memref<512xf32, #tpu.memory_space<vmem>>, %arg16: memref<2x!tpu.dma_semaphore, #tpu.memory_space<semaphore_mem>>) attributes {dimension_semantics = [#tpu.dimension_semantics<core_parallel>, #tpu.dimension_semantics<subcore_parallel>], iteration_bounds = array<i64: 2, 16>, scalar_prefetch = 0 : i64, scratch_operands = 8 : i64, tpu.core_type = #tpu.core_type<sc_vector_subcore>, window_params = [{transform_indices = #map}, {transform_indices = #map}, {transform_indices = #map1}, {transform_indices = #map1}, {transform_indices = #map}, {transform_indices = #map}, {transform_indices = #map}]} {
    %mul3A = arith.constant 2 : i32
    %mul3A_0 = arith.muli %arg1, %mul3A : i32
    %add3A = arith.addi %mul3A_0, %arg0 : i32
    %mul3A_1 = arith.constant 512 : i32
    %mul3A_2 = arith.muli %add3A, %mul3A_1 : i32
    %dma_start3A = arith.constant 0 : i32
    %dma_start3A_3 = tpu.memref_slice %arg2[%mul3A_2] : memref<16384xi32, #tpu.memory_space<hbm>> -> memref<512xi32, #tpu.memory_space<hbm>>
    %dma_start3A_4 = tpu.memref_slice %arg16[%dma_start3A] : memref<2x!tpu.dma_semaphore, #tpu.memory_space<semaphore_mem>> -> memref<1x!tpu.dma_semaphore, #tpu.memory_space<semaphore_mem>>
    %dma_start3A_5 = tpu.memref_squeeze %dma_start3A_4 : memref<1x!tpu.dma_semaphore, #tpu.memory_space<semaphore_mem>> -> memref<!tpu.dma_semaphore, #tpu.memory_space<semaphore_mem>>
    %dma_start3A_6 = tpu.memref_slice %arg2[%mul3A_2] : memref<16384xi32, #tpu.memory_space<hbm>> -> memref<512xi32, #tpu.memory_space<hbm>>
    tpu.enqueue_dma source(%dma_start3A_6 : memref<512xi32, #tpu.memory_space<hbm>>) target(%arg9 : memref<512xi32, #tpu.memory_space<vmem>>) target_semaphore(%dma_start3A_5 : memref<!tpu.dma_semaphore, #tpu.memory_space<semaphore_mem>>)
    %dma_start3A_7 = arith.constant 0 : i32
    %dma_start3A_8 = tpu.memref_slice %arg3[%mul3A_2] : memref<16384xi32, #tpu.memory_space<hbm>> -> memref<512xi32, #tpu.memory_space<hbm>>
    %dma_start3A_9 = tpu.memref_slice %arg16[%dma_start3A_7] : memref<2x!tpu.dma_semaphore, #tpu.memory_space<semaphore_mem>> -> memref<1x!tpu.dma_semaphore, #tpu.memory_space<semaphore_mem>>
    %dma_start3A_10 = tpu.memref_squeeze %dma_start3A_9 : memref<1x!tpu.dma_semaphore, #tpu.memory_space<semaphore_mem>> -> memref<!tpu.dma_semaphore, #tpu.memory_space<semaphore_mem>>
    %dma_start3A_11 = tpu.memref_slice %arg3[%mul3A_2] : memref<16384xi32, #tpu.memory_space<hbm>> -> memref<512xi32, #tpu.memory_space<hbm>>
    tpu.enqueue_dma source(%dma_start3A_11 : memref<512xi32, #tpu.memory_space<hbm>>) target(%arg10 : memref<512xi32, #tpu.memory_space<vmem>>) target_semaphore(%dma_start3A_10 : memref<!tpu.dma_semaphore, #tpu.memory_space<semaphore_mem>>)
    %dma_wait3A = arith.constant 0 : i32
    %dma_wait3A_12 = tpu.memref_slice %arg2[%mul3A_2] : memref<16384xi32, #tpu.memory_space<hbm>> -> memref<512xi32, #tpu.memory_space<hbm>>
    %dma_wait3A_13 = tpu.memref_slice %arg16[%dma_wait3A] : memref<2x!tpu.dma_semaphore, #tpu.memory_space<semaphore_mem>> -> memref<1x!tpu.dma_semaphore, #tpu.memory_space<semaphore_mem>>
    %dma_wait3A_14 = tpu.memref_squeeze %dma_wait3A_13 : memref<1x!tpu.dma_semaphore, #tpu.memory_space<semaphore_mem>> -> memref<!tpu.dma_semaphore, #tpu.memory_space<semaphore_mem>>
    %dma_wait3A_15 = tpu.memref_slice %arg2[%mul3A_2] : memref<16384xi32, #tpu.memory_space<hbm>> -> memref<512xi32, #tpu.memory_space<hbm>>
    tpu.wait_dma2 semaphore(%dma_wait3A_14 : memref<!tpu.dma_semaphore, #tpu.memory_space<semaphore_mem>>) src(%dma_wait3A_15 : memref<512xi32, #tpu.memory_space<hbm>>) dst(%arg9 : memref<512xi32, #tpu.memory_space<vmem>>)
    %dma_wait3A_16 = arith.constant 0 : i32
    %dma_wait3A_17 = tpu.memref_slice %arg3[%mul3A_2] : memref<16384xi32, #tpu.memory_space<hbm>> -> memref<512xi32, #tpu.memory_space<hbm>>
    %dma_wait3A_18 = tpu.memref_slice %arg16[%dma_wait3A_16] : memref<2x!tpu.dma_semaphore, #tpu.memory_space<semaphore_mem>> -> memref<1x!tpu.dma_semaphore, #tpu.memory_space<semaphore_mem>>
    %dma_wait3A_19 = tpu.memref_squeeze %dma_wait3A_18 : memref<1x!tpu.dma_semaphore, #tpu.memory_space<semaphore_mem>> -> memref<!tpu.dma_semaphore, #tpu.memory_space<semaphore_mem>>
    %dma_wait3A_20 = tpu.memref_slice %arg3[%mul3A_2] : memref<16384xi32, #tpu.memory_space<hbm>> -> memref<512xi32, #tpu.memory_space<hbm>>
    tpu.wait_dma2 semaphore(%dma_wait3A_19 : memref<!tpu.dma_semaphore, #tpu.memory_space<semaphore_mem>>) src(%dma_wait3A_20 : memref<512xi32, #tpu.memory_space<hbm>>) dst(%arg10 : memref<512xi32, #tpu.memory_space<vmem>>)
    %iota3A = tpu.iota {dimensions = array<i32: 0>} : vector<16xi32>
    %xor3A = arith.constant 1 : i32
    %xor3A_21 = vector.broadcast %xor3A : i32 to vector<16xi32>
    %xor3A_22 = arith.xori %iota3A, %xor3A_21 : vector<16xi32>
    %xor3A_23 = arith.constant 2 : i32
    %xor3A_24 = vector.broadcast %xor3A_23 : i32 to vector<16xi32>
    %xor3A_25 = arith.xori %iota3A, %xor3A_24 : vector<16xi32>
    %xor3A_26 = arith.constant 4 : i32
    %xor3A_27 = vector.broadcast %xor3A_26 : i32 to vector<16xi32>
    %xor3A_28 = arith.xori %iota3A, %xor3A_27 : vector<16xi32>
    %xor3A_29 = arith.constant 8 : i32
    %xor3A_30 = vector.broadcast %xor3A_29 : i32 to vector<16xi32>
    %xor3A_31 = arith.xori %iota3A, %xor3A_30 : vector<16xi32>
    %dma_start3A_32 = arith.constant 0 : i32
    %dma_start3A_33 = arith.constant 0 : i32
    %dma_start3A_34 = arith.constant 0 : i32
    %dma_start3A_35 = arith.constant 0 : i32
    %dma_start3A_36 = tpu.memref_slice %arg11[%dma_start3A_32, %dma_start3A_34, %dma_start3A_35] : memref<2x64x128xf32, #tpu.memory_space<vmem>> -> memref<1x64x128xf32, #tpu.memory_space<vmem>>
    %dma_start3A_37 = tpu.memref_squeeze %dma_start3A_36 : memref<1x64x128xf32, #tpu.memory_space<vmem>> -> memref<64x128xf32, #tpu.memory_space<vmem>>
    %dma_start3A_38 = arith.constant 0 : i32
    %dma_start3A_39 = tpu.memref_slice %arg9[%dma_start3A_38] : memref<512xi32, #tpu.memory_space<vmem>> -> memref<64xi32, #tpu.memory_space<vmem>>
    %dma_start3A_40 = arith.constant 0 : i32
    %dma_start3A_41 = arith.constant 0 : i32
    %dma_start3A_42 = tpu.memref_slice %arg4[%dma_start3A_40, %dma_start3A_41] : memref<100000x128xf32, #tpu.memory_space<hbm>> -> memref<100000x128xf32, #tpu.memory_space<hbm>>
    %dma_start3A_43 = tpu.memref_slice %arg16[%dma_start3A_33] : memref<2x!tpu.dma_semaphore, #tpu.memory_space<semaphore_mem>> -> memref<1x!tpu.dma_semaphore, #tpu.memory_space<semaphore_mem>>
    %dma_start3A_44 = tpu.memref_squeeze %dma_start3A_43 : memref<1x!tpu.dma_semaphore, #tpu.memory_space<semaphore_mem>> -> memref<!tpu.dma_semaphore, #tpu.memory_space<semaphore_mem>>
    tpu.enqueue_indirect_dma source(%dma_start3A_42 : memref<100000x128xf32, #tpu.memory_space<hbm>>) target(%dma_start3A_37 : memref<64x128xf32, #tpu.memory_space<vmem>>) offsets(%dma_start3A_39 : memref<64xi32, #tpu.memory_space<vmem>>) semaphore(%dma_start3A_44 : memref<!tpu.dma_semaphore, #tpu.memory_space<semaphore_mem>>)
    %dma_start3A_45 = arith.constant 0 : i32
    %dma_start3A_46 = arith.constant 0 : i32
    %dma_start3A_47 = arith.constant 0 : i32
    %dma_start3A_48 = arith.constant 0 : i32
    %dma_start3A_49 = tpu.memref_slice %arg12[%dma_start3A_45, %dma_start3A_47, %dma_start3A_48] : memref<2x64x128xf32, #tpu.memory_space<vmem>> -> memref<1x64x128xf32, #tpu.memory_space<vmem>>
    %dma_start3A_50 = tpu.memref_squeeze %dma_start3A_49 : memref<1x64x128xf32, #tpu.memory_space<vmem>> -> memref<64x128xf32, #tpu.memory_space<vmem>>
    %dma_start3A_51 = arith.constant 0 : i32
    %dma_start3A_52 = tpu.memref_slice %arg10[%dma_start3A_51] : memref<512xi32, #tpu.memory_space<vmem>> -> memref<64xi32, #tpu.memory_space<vmem>>
    %dma_start3A_53 = arith.constant 0 : i32
    %dma_start3A_54 = arith.constant 0 : i32
    %dma_start3A_55 = tpu.memref_slice %arg5[%dma_start3A_53, %dma_start3A_54] : memref<100000x128xf32, #tpu.memory_space<hbm>> -> memref<100000x128xf32, #tpu.memory_space<hbm>>
    %dma_start3A_56 = tpu.memref_slice %arg16[%dma_start3A_46] : memref<2x!tpu.dma_semaphore, #tpu.memory_space<semaphore_mem>> -> memref<1x!tpu.dma_semaphore, #tpu.memory_space<semaphore_mem>>
    %dma_start3A_57 = tpu.memref_squeeze %dma_start3A_56 : memref<1x!tpu.dma_semaphore, #tpu.memory_space<semaphore_mem>> -> memref<!tpu.dma_semaphore, #tpu.memory_space<semaphore_mem>>
    tpu.enqueue_indirect_dma source(%dma_start3A_55 : memref<100000x128xf32, #tpu.memory_space<hbm>>) target(%dma_start3A_50 : memref<64x128xf32, #tpu.memory_space<vmem>>) offsets(%dma_start3A_52 : memref<64xi32, #tpu.memory_space<vmem>>) semaphore(%dma_start3A_57 : memref<!tpu.dma_semaphore, #tpu.memory_space<semaphore_mem>>)
    %dma_start3A_58 = arith.constant 0 : i32
    %dma_start3A_59 = arith.constant 0 : i32
    %dma_start3A_60 = arith.constant 0 : i32
    %dma_start3A_61 = tpu.memref_slice %arg13[%dma_start3A_58, %dma_start3A_60] : memref<2x64xf32, #tpu.memory_space<vmem>> -> memref<1x64xf32, #tpu.memory_space<vmem>>
    %dma_start3A_62 = tpu.memref_squeeze %dma_start3A_61 : memref<1x64xf32, #tpu.memory_space<vmem>> -> memref<64xf32, #tpu.memory_space<vmem>>
    %dma_start3A_63 = arith.constant 0 : i32
    %dma_start3A_64 = tpu.memref_slice %arg9[%dma_start3A_63] : memref<512xi32, #tpu.memory_space<vmem>> -> memref<64xi32, #tpu.memory_space<vmem>>
    %dma_start3A_65 = arith.constant 0 : i32
    %dma_start3A_66 = tpu.memref_slice %arg6[%dma_start3A_65] : memref<100000xf32, #tpu.memory_space<hbm>> -> memref<100000xf32, #tpu.memory_space<hbm>>
    %dma_start3A_67 = tpu.memref_slice %arg16[%dma_start3A_59] : memref<2x!tpu.dma_semaphore, #tpu.memory_space<semaphore_mem>> -> memref<1x!tpu.dma_semaphore, #tpu.memory_space<semaphore_mem>>
    %dma_start3A_68 = tpu.memref_squeeze %dma_start3A_67 : memref<1x!tpu.dma_semaphore, #tpu.memory_space<semaphore_mem>> -> memref<!tpu.dma_semaphore, #tpu.memory_space<semaphore_mem>>
    tpu.enqueue_indirect_dma source(%dma_start3A_66 : memref<100000xf32, #tpu.memory_space<hbm>>) target(%dma_start3A_62 : memref<64xf32, #tpu.memory_space<vmem>>) offsets(%dma_start3A_64 : memref<64xi32, #tpu.memory_space<vmem>>) semaphore(%dma_start3A_68 : memref<!tpu.dma_semaphore, #tpu.memory_space<semaphore_mem>>)
    %dma_start3A_69 = arith.constant 0 : i32
    %dma_start3A_70 = arith.constant 0 : i32
    %dma_start3A_71 = arith.constant 0 : i32
    %dma_start3A_72 = tpu.memref_slice %arg14[%dma_start3A_69, %dma_start3A_71] : memref<2x64xf32, #tpu.memory_space<vmem>> -> memref<1x64xf32, #tpu.memory_space<vmem>>
    %dma_start3A_73 = tpu.memref_squeeze %dma_start3A_72 : memref<1x64xf32, #tpu.memory_space<vmem>> -> memref<64xf32, #tpu.memory_space<vmem>>
    %dma_start3A_74 = arith.constant 0 : i32
    %dma_start3A_75 = tpu.memref_slice %arg10[%dma_start3A_74] : memref<512xi32, #tpu.memory_space<vmem>> -> memref<64xi32, #tpu.memory_space<vmem>>
    %dma_start3A_76 = arith.constant 0 : i32
    %dma_start3A_77 = tpu.memref_slice %arg7[%dma_start3A_76] : memref<100000xf32, #tpu.memory_space<hbm>> -> memref<100000xf32, #tpu.memory_space<hbm>>
    %dma_start3A_78 = tpu.memref_slice %arg16[%dma_start3A_70] : memref<2x!tpu.dma_semaphore, #tpu.memory_space<semaphore_mem>> -> memref<1x!tpu.dma_semaphore, #tpu.memory_space<semaphore_mem>>
    %dma_start3A_79 = tpu.memref_squeeze %dma_start3A_78 : memref<1x!tpu.dma_semaphore, #tpu.memory_space<semaphore_mem>> -> memref<!tpu.dma_semaphore, #tpu.memory_space<semaphore_mem>>
    tpu.enqueue_indirect_dma source(%dma_start3A_77 : memref<100000xf32, #tpu.memory_space<hbm>>) target(%dma_start3A_73 : memref<64xf32, #tpu.memory_space<vmem>>) offsets(%dma_start3A_75 : memref<64xi32, #tpu.memory_space<vmem>>) semaphore(%dma_start3A_79 : memref<!tpu.dma_semaphore, #tpu.memory_space<semaphore_mem>>)
    %dma_start3A_80 = arith.constant 1 : i32
    %dma_start3A_81 = arith.constant 1 : i32
    %dma_start3A_82 = arith.constant 0 : i32
    %dma_start3A_83 = arith.constant 0 : i32
    %dma_start3A_84 = tpu.memref_slice %arg11[%dma_start3A_80, %dma_start3A_82, %dma_start3A_83] : memref<2x64x128xf32, #tpu.memory_space<vmem>> -> memref<1x64x128xf32, #tpu.memory_space<vmem>>
    %dma_start3A_85 = tpu.memref_squeeze %dma_start3A_84 : memref<1x64x128xf32, #tpu.memory_space<vmem>> -> memref<64x128xf32, #tpu.memory_space<vmem>>
    %dma_start3A_86 = arith.constant 64 : i32
    %dma_start3A_87 = tpu.memref_slice %arg9[%dma_start3A_86] : memref<512xi32, #tpu.memory_space<vmem>> -> memref<64xi32, #tpu.memory_space<vmem>>
    %dma_start3A_88 = arith.constant 0 : i32
    %dma_start3A_89 = arith.constant 0 : i32
    %dma_start3A_90 = tpu.memref_slice %arg4[%dma_start3A_88, %dma_start3A_89] : memref<100000x128xf32, #tpu.memory_space<hbm>> -> memref<100000x128xf32, #tpu.memory_space<hbm>>
    %dma_start3A_91 = tpu.memref_slice %arg16[%dma_start3A_81] : memref<2x!tpu.dma_semaphore, #tpu.memory_space<semaphore_mem>> -> memref<1x!tpu.dma_semaphore, #tpu.memory_space<semaphore_mem>>
    %dma_start3A_92 = tpu.memref_squeeze %dma_start3A_91 : memref<1x!tpu.dma_semaphore, #tpu.memory_space<semaphore_mem>> -> memref<!tpu.dma_semaphore, #tpu.memory_space<semaphore_mem>>
    tpu.enqueue_indirect_dma source(%dma_start3A_90 : memref<100000x128xf32, #tpu.memory_space<hbm>>) target(%dma_start3A_85 : memref<64x128xf32, #tpu.memory_space<vmem>>) offsets(%dma_start3A_87 : memref<64xi32, #tpu.memory_space<vmem>>) semaphore(%dma_start3A_92 : memref<!tpu.dma_semaphore, #tpu.memory_space<semaphore_mem>>)
    %dma_start3A_93 = arith.constant 1 : i32
    %dma_start3A_94 = arith.constant 1 : i32
    %dma_start3A_95 = arith.constant 0 : i32
    %dma_start3A_96 = arith.constant 0 : i32
    %dma_start3A_97 = tpu.memref_slice %arg12[%dma_start3A_93, %dma_start3A_95, %dma_start3A_96] : memref<2x64x128xf32, #tpu.memory_space<vmem>> -> memref<1x64x128xf32, #tpu.memory_space<vmem>>
    %dma_start3A_98 = tpu.memref_squeeze %dma_start3A_97 : memref<1x64x128xf32, #tpu.memory_space<vmem>> -> memref<64x128xf32, #tpu.memory_space<vmem>>
    %dma_start3A_99 = arith.constant 64 : i32
    %dma_start3A_100 = tpu.memref_slice %arg10[%dma_start3A_99] : memref<512xi32, #tpu.memory_space<vmem>> -> memref<64xi32, #tpu.memory_space<vmem>>
    %dma_start3A_101 = arith.constant 0 : i32
    %dma_start3A_102 = arith.constant 0 : i32
    %dma_start3A_103 = tpu.memref_slice %arg5[%dma_start3A_101, %dma_start3A_102] : memref<100000x128xf32, #tpu.memory_space<hbm>> -> memref<100000x128xf32, #tpu.memory_space<hbm>>
    %dma_start3A_104 = tpu.memref_slice %arg16[%dma_start3A_94] : memref<2x!tpu.dma_semaphore, #tpu.memory_space<semaphore_mem>> -> memref<1x!tpu.dma_semaphore, #tpu.memory_space<semaphore_mem>>
    %dma_start3A_105 = tpu.memref_squeeze %dma_start3A_104 : memref<1x!tpu.dma_semaphore, #tpu.memory_space<semaphore_mem>> -> memref<!tpu.dma_semaphore, #tpu.memory_space<semaphore_mem>>
    tpu.enqueue_indirect_dma source(%dma_start3A_103 : memref<100000x128xf32, #tpu.memory_space<hbm>>) target(%dma_start3A_98 : memref<64x128xf32, #tpu.memory_space<vmem>>) offsets(%dma_start3A_100 : memref<64xi32, #tpu.memory_space<vmem>>) semaphore(%dma_start3A_105 : memref<!tpu.dma_semaphore, #tpu.memory_space<semaphore_mem>>)
    %dma_start3A_106 = arith.constant 1 : i32
    %dma_start3A_107 = arith.constant 1 : i32
    %dma_start3A_108 = arith.constant 0 : i32
    %dma_start3A_109 = tpu.memref_slice %arg13[%dma_start3A_106, %dma_start3A_108] : memref<2x64xf32, #tpu.memory_space<vmem>> -> memref<1x64xf32, #tpu.memory_space<vmem>>
    %dma_start3A_110 = tpu.memref_squeeze %dma_start3A_109 : memref<1x64xf32, #tpu.memory_space<vmem>> -> memref<64xf32, #tpu.memory_space<vmem>>
    %dma_start3A_111 = arith.constant 64 : i32
    %dma_start3A_112 = tpu.memref_slice %arg9[%dma_start3A_111] : memref<512xi32, #tpu.memory_space<vmem>> -> memref<64xi32, #tpu.memory_space<vmem>>
    %dma_start3A_113 = arith.constant 0 : i32
    %dma_start3A_114 = tpu.memref_slice %arg6[%dma_start3A_113] : memref<100000xf32, #tpu.memory_space<hbm>> -> memref<100000xf32, #tpu.memory_space<hbm>>
    %dma_start3A_115 = tpu.memref_slice %arg16[%dma_start3A_107] : memref<2x!tpu.dma_semaphore, #tpu.memory_space<semaphore_mem>> -> memref<1x!tpu.dma_semaphore, #tpu.memory_space<semaphore_mem>>
    %dma_start3A_116 = tpu.memref_squeeze %dma_start3A_115 : memref<1x!tpu.dma_semaphore, #tpu.memory_space<semaphore_mem>> -> memref<!tpu.dma_semaphore, #tpu.memory_space<semaphore_mem>>
    tpu.enqueue_indirect_dma source(%dma_start3A_114 : memref<100000xf32, #tpu.memory_space<hbm>>) target(%dma_start3A_110 : memref<64xf32, #tpu.memory_space<vmem>>) offsets(%dma_start3A_112 : memref<64xi32, #tpu.memory_space<vmem>>) semaphore(%dma_start3A_116 : memref<!tpu.dma_semaphore, #tpu.memory_space<semaphore_mem>>)
    %dma_start3A_117 = arith.constant 1 : i32
    %dma_start3A_118 = arith.constant 1 : i32
    %dma_start3A_119 = arith.constant 0 : i32
    %dma_start3A_120 = tpu.memref_slice %arg14[%dma_start3A_117, %dma_start3A_119] : memref<2x64xf32, #tpu.memory_space<vmem>> -> memref<1x64xf32, #tpu.memory_space<vmem>>
    %dma_start3A_121 = tpu.memref_squeeze %dma_start3A_120 : memref<1x64xf32, #tpu.memory_space<vmem>> -> memref<64xf32, #tpu.memory_space<vmem>>
    %dma_start3A_122 = arith.constant 64 : i32
    %dma_start3A_123 = tpu.memref_slice %arg10[%dma_start3A_122] : memref<512xi32, #tpu.memory_space<vmem>> -> memref<64xi32, #tpu.memory_space<vmem>>
    %dma_start3A_124 = arith.constant 0 : i32
    %dma_start3A_125 = tpu.memref_slice %arg7[%dma_start3A_124] : memref<100000xf32, #tpu.memory_space<hbm>> -> memref<100000xf32, #tpu.memory_space<hbm>>
    %dma_start3A_126 = tpu.memref_slice %arg16[%dma_start3A_118] : memref<2x!tpu.dma_semaphore, #tpu.memory_space<semaphore_mem>> -> memref<1x!tpu.dma_semaphore, #tpu.memory_space<semaphore_mem>>
    %dma_start3A_127 = tpu.memref_squeeze %dma_start3A_126 : memref<1x!tpu.dma_semaphore, #tpu.memory_space<semaphore_mem>> -> memref<!tpu.dma_semaphore, #tpu.memory_space<semaphore_mem>>
    tpu.enqueue_indirect_dma source(%dma_start3A_125 : memref<100000xf32, #tpu.memory_space<hbm>>) target(%dma_start3A_121 : memref<64xf32, #tpu.memory_space<vmem>>) offsets(%dma_start3A_123 : memref<64xi32, #tpu.memory_space<vmem>>) semaphore(%dma_start3A_127 : memref<!tpu.dma_semaphore, #tpu.memory_space<semaphore_mem>>)
    %scan3A = arith.constant 0 : i32
    %scan3A_128 = arith.constant 0 : i32
    %scan3A_129 = arith.constant 8 : i32
    %scan3A_130 = arith.addi %scan3A_128, %scan3A_129 : i32
    %scan3A_131 = arith.constant 1 : i32
    scf.for %scan3A_133 = %scan3A_128 to %scan3A_130 step %scan3A_131  : i32 {
      %rem3A = arith.constant 2 : i32
      %rem3A_134 = arith.remsi %scan3A_133, %rem3A : i32
      %mul3A_135 = arith.constant 64 : i32
      %mul3A_136 = arith.muli %scan3A_133, %mul3A_135 : i32
      %mul3A_137 = arith.constant 64 : i32
      %mul3A_138 = arith.muli %scan3A_133, %mul3A_137 : i32
      %dma_wait3A_139 = arith.constant 0 : i32
      %dma_wait3A_140 = arith.constant 0 : i32
      %dma_wait3A_141 = tpu.memref_slice %arg11[%rem3A_134, %dma_wait3A_139, %dma_wait3A_140] : memref<2x64x128xf32, #tpu.memory_space<vmem>> -> memref<1x64x128xf32, #tpu.memory_space<vmem>>
      %dma_wait3A_142 = tpu.memref_squeeze %dma_wait3A_141 : memref<1x64x128xf32, #tpu.memory_space<vmem>> -> memref<64x128xf32, #tpu.memory_space<vmem>>
      %dma_wait3A_143 = tpu.memref_slice %arg9[%mul3A_136] : memref<512xi32, #tpu.memory_space<vmem>> -> memref<64xi32, #tpu.memory_space<vmem>>
      %dma_wait3A_144 = arith.constant 0 : i32
      %dma_wait3A_145 = arith.constant 0 : i32
      %dma_wait3A_146 = tpu.memref_slice %arg4[%dma_wait3A_144, %dma_wait3A_145] : memref<100000x128xf32, #tpu.memory_space<hbm>> -> memref<100000x128xf32, #tpu.memory_space<hbm>>
      %dma_wait3A_147 = tpu.memref_slice %arg16[%rem3A_134] : memref<2x!tpu.dma_semaphore, #tpu.memory_space<semaphore_mem>> -> memref<1x!tpu.dma_semaphore, #tpu.memory_space<semaphore_mem>>
      %dma_wait3A_148 = tpu.memref_squeeze %dma_wait3A_147 : memref<1x!tpu.dma_semaphore, #tpu.memory_space<semaphore_mem>> -> memref<!tpu.dma_semaphore, #tpu.memory_space<semaphore_mem>>
      tpu.wait_indirect_dma semaphore(%dma_wait3A_148 : memref<!tpu.dma_semaphore, #tpu.memory_space<semaphore_mem>>) src(%dma_wait3A_146 : memref<100000x128xf32, #tpu.memory_space<hbm>>) dst(%dma_wait3A_142 : memref<64x128xf32, #tpu.memory_space<vmem>>)
      %dma_wait3A_149 = arith.constant 0 : i32
      %dma_wait3A_150 = arith.constant 0 : i32
      %dma_wait3A_151 = tpu.memref_slice %arg12[%rem3A_134, %dma_wait3A_149, %dma_wait3A_150] : memref<2x64x128xf32, #tpu.memory_space<vmem>> -> memref<1x64x128xf32, #tpu.memory_space<vmem>>
      %dma_wait3A_152 = tpu.memref_squeeze %dma_wait3A_151 : memref<1x64x128xf32, #tpu.memory_space<vmem>> -> memref<64x128xf32, #tpu.memory_space<vmem>>
      %dma_wait3A_153 = tpu.memref_slice %arg10[%mul3A_138] : memref<512xi32, #tpu.memory_space<vmem>> -> memref<64xi32, #tpu.memory_space<vmem>>
      %dma_wait3A_154 = arith.constant 0 : i32
      %dma_wait3A_155 = arith.constant 0 : i32
      %dma_wait3A_156 = tpu.memref_slice %arg5[%dma_wait3A_154, %dma_wait3A_155] : memref<100000x128xf32, #tpu.memory_space<hbm>> -> memref<100000x128xf32, #tpu.memory_space<hbm>>
      %dma_wait3A_157 = tpu.memref_slice %arg16[%rem3A_134] : memref<2x!tpu.dma_semaphore, #tpu.memory_space<semaphore_mem>> -> memref<1x!tpu.dma_semaphore, #tpu.memory_space<semaphore_mem>>
      %dma_wait3A_158 = tpu.memref_squeeze %dma_wait3A_157 : memref<1x!tpu.dma_semaphore, #tpu.memory_space<semaphore_mem>> -> memref<!tpu.dma_semaphore, #tpu.memory_space<semaphore_mem>>
      tpu.wait_indirect_dma semaphore(%dma_wait3A_158 : memref<!tpu.dma_semaphore, #tpu.memory_space<semaphore_mem>>) src(%dma_wait3A_156 : memref<100000x128xf32, #tpu.memory_space<hbm>>) dst(%dma_wait3A_152 : memref<64x128xf32, #tpu.memory_space<vmem>>)
      %dma_wait3A_159 = arith.constant 0 : i32
      %dma_wait3A_160 = tpu.memref_slice %arg13[%rem3A_134, %dma_wait3A_159] : memref<2x64xf32, #tpu.memory_space<vmem>> -> memref<1x64xf32, #tpu.memory_space<vmem>>
      %dma_wait3A_161 = tpu.memref_squeeze %dma_wait3A_160 : memref<1x64xf32, #tpu.memory_space<vmem>> -> memref<64xf32, #tpu.memory_space<vmem>>
      %dma_wait3A_162 = tpu.memref_slice %arg9[%mul3A_136] : memref<512xi32, #tpu.memory_space<vmem>> -> memref<64xi32, #tpu.memory_space<vmem>>
      %dma_wait3A_163 = arith.constant 0 : i32
      %dma_wait3A_164 = tpu.memref_slice %arg6[%dma_wait3A_163] : memref<100000xf32, #tpu.memory_space<hbm>> -> memref<100000xf32, #tpu.memory_space<hbm>>
      %dma_wait3A_165 = tpu.memref_slice %arg16[%rem3A_134] : memref<2x!tpu.dma_semaphore, #tpu.memory_space<semaphore_mem>> -> memref<1x!tpu.dma_semaphore, #tpu.memory_space<semaphore_mem>>
      %dma_wait3A_166 = tpu.memref_squeeze %dma_wait3A_165 : memref<1x!tpu.dma_semaphore, #tpu.memory_space<semaphore_mem>> -> memref<!tpu.dma_semaphore, #tpu.memory_space<semaphore_mem>>
      tpu.wait_indirect_dma semaphore(%dma_wait3A_166 : memref<!tpu.dma_semaphore, #tpu.memory_space<semaphore_mem>>) src(%dma_wait3A_164 : memref<100000xf32, #tpu.memory_space<hbm>>) dst(%dma_wait3A_161 : memref<64xf32, #tpu.memory_space<vmem>>)
      %dma_wait3A_167 = arith.constant 0 : i32
      %dma_wait3A_168 = tpu.memref_slice %arg14[%rem3A_134, %dma_wait3A_167] : memref<2x64xf32, #tpu.memory_space<vmem>> -> memref<1x64xf32, #tpu.memory_space<vmem>>
      %dma_wait3A_169 = tpu.memref_squeeze %dma_wait3A_168 : memref<1x64xf32, #tpu.memory_space<vmem>> -> memref<64xf32, #tpu.memory_space<vmem>>
      %dma_wait3A_170 = tpu.memref_slice %arg10[%mul3A_138] : memref<512xi32, #tpu.memory_space<vmem>> -> memref<64xi32, #tpu.memory_space<vmem>>
      %dma_wait3A_171 = arith.constant 0 : i32
      %dma_wait3A_172 = tpu.memref_slice %arg7[%dma_wait3A_171] : memref<100000xf32, #tpu.memory_space<hbm>> -> memref<100000xf32, #tpu.memory_space<hbm>>
      %dma_wait3A_173 = tpu.memref_slice %arg16[%rem3A_134] : memref<2x!tpu.dma_semaphore, #tpu.memory_space<semaphore_mem>> -> memref<1x!tpu.dma_semaphore, #tpu.memory_space<semaphore_mem>>
      %dma_wait3A_174 = tpu.memref_squeeze %dma_wait3A_173 : memref<1x!tpu.dma_semaphore, #tpu.memory_space<semaphore_mem>> -> memref<!tpu.dma_semaphore, #tpu.memory_space<semaphore_mem>>
      tpu.wait_indirect_dma semaphore(%dma_wait3A_174 : memref<!tpu.dma_semaphore, #tpu.memory_space<semaphore_mem>>) src(%dma_wait3A_172 : memref<100000xf32, #tpu.memory_space<hbm>>) dst(%dma_wait3A_169 : memref<64xf32, #tpu.memory_space<vmem>>)
      %scan3A_175 = arith.constant 0 : i32
      %scan3A_176 = arith.constant 0 : i32
      %scan3A_177 = arith.constant 2 : i32
      %scan3A_178 = arith.addi %scan3A_176, %scan3A_177 : i32
      %scan3A_179 = arith.constant 1 : i32
      scf.for %scan3A_185 = %scan3A_176 to %scan3A_178 step %scan3A_179  : i32 {
        %mul3A_186 = arith.constant 2 : i32
        %mul3A_187 = arith.muli %scan3A_185, %mul3A_186 : i32
        %add3A_188 = arith.constant 0 : i32
        %add3A_189 = arith.addi %mul3A_187, %add3A_188 : i32
        %and3A = arith.constant 1 : i32
        %and3A_190 = vector.broadcast %and3A : i32 to vector<16xi32>
        %and3A_191 = arith.andi %iota3A, %and3A_190 : vector<16xi32>
        %eq3A = arith.constant 0 : i32
        %eq3A_192 = vector.broadcast %eq3A : i32 to vector<16xi32>
        %eq3A_193 = arith.cmpi eq, %and3A_191, %eq3A_192 : vector<16xi32>
        %and3A_194 = arith.constant 2 : i32
        %and3A_195 = vector.broadcast %and3A_194 : i32 to vector<16xi32>
        %and3A_196 = arith.andi %iota3A, %and3A_195 : vector<16xi32>
        %eq3A_197 = arith.constant 0 : i32
        %eq3A_198 = vector.broadcast %eq3A_197 : i32 to vector<16xi32>
        %eq3A_199 = arith.cmpi eq, %and3A_196, %eq3A_198 : vector<16xi32>
        %and3A_200 = arith.constant 4 : i32
        %and3A_201 = vector.broadcast %and3A_200 : i32 to vector<16xi32>
        %and3A_202 = arith.andi %iota3A, %and3A_201 : vector<16xi32>
        %eq3A_203 = arith.constant 0 : i32
        %eq3A_204 = vector.broadcast %eq3A_203 : i32 to vector<16xi32>
        %eq3A_205 = arith.cmpi eq, %and3A_202, %eq3A_204 : vector<16xi32>
        %and3A_206 = arith.constant 8 : i32
        %and3A_207 = vector.broadcast %and3A_206 : i32 to vector<16xi32>
        %and3A_208 = arith.andi %iota3A, %and3A_207 : vector<16xi32>
        %eq3A_209 = arith.constant 0 : i32
        %eq3A_210 = vector.broadcast %eq3A_209 : i32 to vector<16xi32>
        %eq3A_211 = arith.cmpi eq, %and3A_208, %eq3A_210 : vector<16xi32>
        %mul3A_212 = arith.constant 16 : i32
        %mul3A_213 = arith.muli %add3A_189, %mul3A_212 : i32
        %add3A_214 = arith.constant 0 : i32
        %add3A_215 = arith.addi %mul3A_213, %add3A_214 : i32
        %get3A = arith.index_cast %rem3A_134 : i32 to index
        %get3A_216 = arith.index_cast %add3A_215 : i32 to index
        %get3A_217 = arith.constant 0 : index
        %get3A_218 = tpu.vector_load %arg11[%get3A, %get3A_216, %get3A_217] {strides = array<i32>} : memref<2x64x128xf32, #tpu.memory_space<vmem>>, vector<16xf32>,
        %get3A_219 = arith.index_cast %rem3A_134 : i32 to index
        %get3A_220 = arith.index_cast %add3A_215 : i32 to index
        %get3A_221 = arith.constant 0 : index
        %get3A_222 = tpu.vector_load %arg12[%get3A_219, %get3A_220, %get3A_221] {strides = array<i32>} : memref<2x64x128xf32, #tpu.memory_space<vmem>>, vector<16xf32>,
        %mul3A_223 = arith.mulf %get3A_218, %get3A_222 : vector<16xf32>
        %get3A_224 = arith.index_cast %rem3A_134 : i32 to index
        %get3A_225 = arith.index_cast %add3A_215 : i32 to index
        %get3A_226 = arith.constant 16 : index
        %get3A_227 = tpu.vector_load %arg11[%get3A_224, %get3A_225, %get3A_226] {strides = array<i32>} : memref<2x64x128xf32, #tpu.memory_space<vmem>>, vector<16xf32>,
        %get3A_228 = arith.index_cast %rem3A_134 : i32 to index
        %get3A_229 = arith.index_cast %add3A_215 : i32 to index
        %get3A_230 = arith.constant 16 : index
        %get3A_231 = tpu.vector_load %arg12[%get3A_228, %get3A_229, %get3A_230] {strides = array<i32>} : memref<2x64x128xf32, #tpu.memory_space<vmem>>, vector<16xf32>,
        %mul3A_232 = arith.mulf %get3A_227, %get3A_231 : vector<16xf32>
        %add3A_233 = arith.addf %mul3A_223, %mul3A_232 : vector<16xf32>
        %get3A_234 = arith.index_cast %rem3A_134 : i32 to index
        %get3A_235 = arith.index_cast %add3A_215 : i32 to index
        %get3A_236 = arith.constant 32 : index
        %get3A_237 = tpu.vector_load %arg11[%get3A_234, %get3A_235, %get3A_236] {strides = array<i32>} : memref<2x64x128xf32, #tpu.memory_space<vmem>>, vector<16xf32>,
        %get3A_238 = arith.index_cast %rem3A_134 : i32 to index
        %get3A_239 = arith.index_cast %add3A_215 : i32 to index
        %get3A_240 = arith.constant 32 : index
        %get3A_241 = tpu.vector_load %arg12[%get3A_238, %get3A_239, %get3A_240] {strides = array<i32>} : memref<2x64x128xf32, #tpu.memory_space<vmem>>, vector<16xf32>,
        %mul3A_242 = arith.mulf %get3A_237, %get3A_241 : vector<16xf32>
        %add3A_243 = arith.addf %add3A_233, %mul3A_242 : vector<16xf32>
        %get3A_244 = arith.index_cast %rem3A_134 : i32 to index
        %get3A_245 = arith.index_cast %add3A_215 : i32 to index
        %get3A_246 = arith.constant 48 : index
        %get3A_247 = tpu.vector_load %arg11[%get3A_244, %get3A_245, %get3A_246] {strides = array<i32>} : memref<2x64x128xf32, #tpu.memory_space<vmem>>, vector<16xf32>,
        %get3A_248 = arith.index_cast %rem3A_134 : i32 to index
        %get3A_249 = arith.index_cast %add3A_215 : i32 to index
        %get3A_250 = arith.constant 48 : index
        %get3A_251 = tpu.vector_load %arg12[%get3A_248, %get3A_249, %get3A_250] {strides = array<i32>} : memref<2x64x128xf32, #tpu.memory_space<vmem>>, vector<16xf32>,
        %mul3A_252 = arith.mulf %get3A_247, %get3A_251 : vector<16xf32>
        %add3A_253 = arith.addf %add3A_243, %mul3A_252 : vector<16xf32>
        %get3A_254 = arith.index_cast %rem3A_134 : i32 to index
        %get3A_255 = arith.index_cast %add3A_215 : i32 to index
        %get3A_256 = arith.constant 64 : index
        %get3A_257 = tpu.vector_load %arg11[%get3A_254, %get3A_255, %get3A_256] {strides = array<i32>} : memref<2x64x128xf32, #tpu.memory_space<vmem>>, vector<16xf32>,
        %get3A_258 = arith.index_cast %rem3A_134 : i32 to index
        %get3A_259 = arith.index_cast %add3A_215 : i32 to index
        %get3A_260 = arith.constant 64 : index
        %get3A_261 = tpu.vector_load %arg12[%get3A_258, %get3A_259, %get3A_260] {strides = array<i32>} : memref<2x64x128xf32, #tpu.memory_space<vmem>>, vector<16xf32>,
        %mul3A_262 = arith.mulf %get3A_257, %get3A_261 : vector<16xf32>
        %add3A_263 = arith.addf %add3A_253, %mul3A_262 : vector<16xf32>
        %get3A_264 = arith.index_cast %rem3A_134 : i32 to index
        %get3A_265 = arith.index_cast %add3A_215 : i32 to index
        %get3A_266 = arith.constant 80 : index
        %get3A_267 = tpu.vector_load %arg11[%get3A_264, %get3A_265, %get3A_266] {strides = array<i32>} : memref<2x64x128xf32, #tpu.memory_space<vmem>>, vector<16xf32>,
        %get3A_268 = arith.index_cast %rem3A_134 : i32 to index
        %get3A_269 = arith.index_cast %add3A_215 : i32 to index
        %get3A_270 = arith.constant 80 : index
        %get3A_271 = tpu.vector_load %arg12[%get3A_268, %get3A_269, %get3A_270] {strides = array<i32>} : memref<2x64x128xf32, #tpu.memory_space<vmem>>, vector<16xf32>,
        %mul3A_272 = arith.mulf %get3A_267, %get3A_271 : vector<16xf32>
        %add3A_273 = arith.addf %add3A_263, %mul3A_272 : vector<16xf32>
        %get3A_274 = arith.index_cast %rem3A_134 : i32 to index
        %get3A_275 = arith.index_cast %add3A_215 : i32 to index
        %get3A_276 = arith.constant 96 : index
        %get3A_277 = tpu.vector_load %arg11[%get3A_274, %get3A_275, %get3A_276] {strides = array<i32>} : memref<2x64x128xf32, #tpu.memory_space<vmem>>, vector<16xf32>,
        %get3A_278 = arith.index_cast %rem3A_134 : i32 to index
        %get3A_279 = arith.index_cast %add3A_215 : i32 to index
        %get3A_280 = arith.constant 96 : index
        %get3A_281 = tpu.vector_load %arg12[%get3A_278, %get3A_279, %get3A_280] {strides = array<i32>} : memref<2x64x128xf32, #tpu.memory_space<vmem>>, vector<16xf32>,
        %mul3A_282 = arith.mulf %get3A_277, %get3A_281 : vector<16xf32>
        %add3A_283 = arith.addf %add3A_273, %mul3A_282 : vector<16xf32>
        %get3A_284 = arith.index_cast %rem3A_134 : i32 to index
        %get3A_285 = arith.index_cast %add3A_215 : i32 to index
        %get3A_286 = arith.constant 112 : index
        %get3A_287 = tpu.vector_load %arg11[%get3A_284, %get3A_285, %get3A_286] {strides = array<i32>} : memref<2x64x128xf32, #tpu.memory_space<vmem>>, vector<16xf32>,
        %get3A_288 = arith.index_cast %rem3A_134 : i32 to index
        %get3A_289 = arith.index_cast %add3A_215 : i32 to index
        %get3A_290 = arith.constant 112 : index
        %get3A_291 = tpu.vector_load %arg12[%get3A_288, %get3A_289, %get3A_290] {strides = array<i32>} : memref<2x64x128xf32, #tpu.memory_space<vmem>>, vector<16xf32>,
        %mul3A_292 = arith.mulf %get3A_287, %get3A_291 : vector<16xf32>
        %add3A_293 = arith.addf %add3A_283, %mul3A_292 : vector<16xf32>
        %mul3A_294 = arith.constant 16 : i32
        %mul3A_295 = arith.muli %add3A_189, %mul3A_294 : i32
        %add3A_296 = arith.constant 1 : i32
        %add3A_297 = arith.addi %mul3A_295, %add3A_296 : i32
        %get3A_298 = arith.index_cast %rem3A_134 : i32 to index
        %get3A_299 = arith.index_cast %add3A_297 : i32 to index
        %get3A_300 = arith.constant 0 : index
        %get3A_301 = tpu.vector_load %arg11[%get3A_298, %get3A_299, %get3A_300] {strides = array<i32>} : memref<2x64x128xf32, #tpu.memory_space<vmem>>, vector<16xf32>,
        %get3A_302 = arith.index_cast %rem3A_134 : i32 to index
        %get3A_303 = arith.index_cast %add3A_297 : i32 to index
        %get3A_304 = arith.constant 0 : index
        %get3A_305 = tpu.vector_load %arg12[%get3A_302, %get3A_303, %get3A_304] {strides = array<i32>} : memref<2x64x128xf32, #tpu.memory_space<vmem>>, vector<16xf32>,
        %mul3A_306 = arith.mulf %get3A_301, %get3A_305 : vector<16xf32>
        %get3A_307 = arith.index_cast %rem3A_134 : i32 to index
        %get3A_308 = arith.index_cast %add3A_297 : i32 to index
        %get3A_309 = arith.constant 16 : index
        %get3A_310 = tpu.vector_load %arg11[%get3A_307, %get3A_308, %get3A_309] {strides = array<i32>} : memref<2x64x128xf32, #tpu.memory_space<vmem>>, vector<16xf32>,
        %get3A_311 = arith.index_cast %rem3A_134 : i32 to index
        %get3A_312 = arith.index_cast %add3A_297 : i32 to index
        %get3A_313 = arith.constant 16 : index
        %get3A_314 = tpu.vector_load %arg12[%get3A_311, %get3A_312, %get3A_313] {strides = array<i32>} : memref<2x64x128xf32, #tpu.memory_space<vmem>>, vector<16xf32>,
        %mul3A_315 = arith.mulf %get3A_310, %get3A_314 : vector<16xf32>
        %add3A_316 = arith.addf %mul3A_306, %mul3A_315 : vector<16xf32>
        %get3A_317 = arith.index_cast %rem3A_134 : i32 to index
        %get3A_318 = arith.index_cast %add3A_297 : i32 to index
        %get3A_319 = arith.constant 32 : index
        %get3A_320 = tpu.vector_load %arg11[%get3A_317, %get3A_318, %get3A_319] {strides = array<i32>} : memref<2x64x128xf32, #tpu.memory_space<vmem>>, vector<16xf32>,
        %get3A_321 = arith.index_cast %rem3A_134 : i32 to index
        %get3A_322 = arith.index_cast %add3A_297 : i32 to index
        %get3A_323 = arith.constant 32 : index
        %get3A_324 = tpu.vector_load %arg12[%get3A_321, %get3A_322, %get3A_323] {strides = array<i32>} : memref<2x64x128xf32, #tpu.memory_space<vmem>>, vector<16xf32>,
        %mul3A_325 = arith.mulf %get3A_320, %get3A_324 : vector<16xf32>
        %add3A_326 = arith.addf %add3A_316, %mul3A_325 : vector<16xf32>
        %get3A_327 = arith.index_cast %rem3A_134 : i32 to index
        %get3A_328 = arith.index_cast %add3A_297 : i32 to index
        %get3A_329 = arith.constant 48 : index
        %get3A_330 = tpu.vector_load %arg11[%get3A_327, %get3A_328, %get3A_329] {strides = array<i32>} : memref<2x64x128xf32, #tpu.memory_space<vmem>>, vector<16xf32>,
        %get3A_331 = arith.index_cast %rem3A_134 : i32 to index
        %get3A_332 = arith.index_cast %add3A_297 : i32 to index
        %get3A_333 = arith.constant 48 : index
        %get3A_334 = tpu.vector_load %arg12[%get3A_331, %get3A_332, %get3A_333] {strides = array<i32>} : memref<2x64x128xf32, #tpu.memory_space<vmem>>, vector<16xf32>,
        %mul3A_335 = arith.mulf %get3A_330, %get3A_334 : vector<16xf32>
        %add3A_336 = arith.addf %add3A_326, %mul3A_335 : vector<16xf32>
        %get3A_337 = arith.index_cast %rem3A_134 : i32 to index
        %get3A_338 = arith.index_cast %add3A_297 : i32 to index
        %get3A_339 = arith.constant 64 : index
        %get3A_340 = tpu.vector_load %arg11[%get3A_337, %get3A_338, %get3A_339] {strides = array<i32>} : memref<2x64x128xf32, #tpu.memory_space<vmem>>, vector<16xf32>,
        %get3A_341 = arith.index_cast %rem3A_134 : i32 to index
        %get3A_342 = arith.index_cast %add3A_297 : i32 to index
        %get3A_343 = arith.constant 64 : index
        %get3A_344 = tpu.vector_load %arg12[%get3A_341, %get3A_342, %get3A_343] {strides = array<i32>} : memref<2x64x128xf32, #tpu.memory_space<vmem>>, vector<16xf32>,
        %mul3A_345 = arith.mulf %get3A_340, %get3A_344 : vector<16xf32>
        %add3A_346 = arith.addf %add3A_336, %mul3A_345 : vector<16xf32>
        %get3A_347 = arith.index_cast %rem3A_134 : i32 to index
        %get3A_348 = arith.index_cast %add3A_297 : i32 to index
        %get3A_349 = arith.constant 80 : index
        %get3A_350 = tpu.vector_load %arg11[%get3A_347, %get3A_348, %get3A_349] {strides = array<i32>} : memref<2x64x128xf32, #tpu.memory_space<vmem>>, vector<16xf32>,
        %get3A_351 = arith.index_cast %rem3A_134 : i32 to index
        %get3A_352 = arith.index_cast %add3A_297 : i32 to index
        %get3A_353 = arith.constant 80 : index
        %get3A_354 = tpu.vector_load %arg12[%get3A_351, %get3A_352, %get3A_353] {strides = array<i32>} : memref<2x64x128xf32, #tpu.memory_space<vmem>>, vector<16xf32>,
        %mul3A_355 = arith.mulf %get3A_350, %get3A_354 : vector<16xf32>
        %add3A_356 = arith.addf %add3A_346, %mul3A_355 : vector<16xf32>
        %get3A_357 = arith.index_cast %rem3A_134 : i32 to index
        %get3A_358 = arith.index_cast %add3A_297 : i32 to index
        %get3A_359 = arith.constant 96 : index
        %get3A_360 = tpu.vector_load %arg11[%get3A_357, %get3A_358, %get3A_359] {strides = array<i32>} : memref<2x64x128xf32, #tpu.memory_space<vmem>>, vector<16xf32>,
        %get3A_361 = arith.index_cast %rem3A_134 : i32 to index
        %get3A_362 = arith.index_cast %add3A_297 : i32 to index
        %get3A_363 = arith.constant 96 : index
        %get3A_364 = tpu.vector_load %arg12[%get3A_361, %get3A_362, %get3A_363] {strides = array<i32>} : memref<2x64x128xf32, #tpu.memory_space<vmem>>, vector<16xf32>,
        %mul3A_365 = arith.mulf %get3A_360, %get3A_364 : vector<16xf32>
        %add3A_366 = arith.addf %add3A_356, %mul3A_365 : vector<16xf32>
        %get3A_367 = arith.index_cast %rem3A_134 : i32 to index
        %get3A_368 = arith.index_cast %add3A_297 : i32 to index
        %get3A_369 = arith.constant 112 : index
        %get3A_370 = tpu.vector_load %arg11[%get3A_367, %get3A_368, %get3A_369] {strides = array<i32>} : memref<2x64x128xf32, #tpu.memory_space<vmem>>, vector<16xf32>,
        %get3A_371 = arith.index_cast %rem3A_134 : i32 to index
        %get3A_372 = arith.index_cast %add3A_297 : i32 to index
        %get3A_373 = arith.constant 112 : index
        %get3A_374 = tpu.vector_load %arg12[%get3A_371, %get3A_372, %get3A_373] {strides = array<i32>} : memref<2x64x128xf32, #tpu.memory_space<vmem>>, vector<16xf32>,
        %mul3A_375 = arith.mulf %get3A_370, %get3A_374 : vector<16xf32>
        %add3A_376 = arith.addf %add3A_366, %mul3A_375 : vector<16xf32>
        %lt3A_377 = arith.constant 0 : i32
        %lt3A_378 = vector.broadcast %lt3A_377 : i32 to vector<16xi32>
        %lt3A_379 = arith.cmpi slt, %xor3A_22, %lt3A_378 : vector<16xi32>
        %add3A_380 = arith.constant 16 : i32
        %add3A_381 = vector.broadcast %add3A_380 : i32 to vector<16xi32>
        %add3A_382 = arith.addi %xor3A_22, %add3A_381 : vector<16xi32>
        %select_n3A = arith.select %lt3A_379, %add3A_382, %xor3A_22 : vector<16xi1>, vector<16xi32>
        %broadcast_in_dim3A = vector.shape_cast %select_n3A : vector<16xi32> to vector<16x1xi32>
        %gather3A = vector.shape_cast %broadcast_in_dim3A : vector<16x1xi32> to vector<16xi32>
        %gather3A_383 = tpu.dynamic_gather %add3A_293[%gather3A] in [0] : vector<16xf32>, vector<16xi32> -> vector<16xf32>
        %add3A_384 = arith.addf %add3A_293, %gather3A_383 : vector<16xf32>
        %lt3A_385 = arith.constant 0 : i32
        %lt3A_386 = vector.broadcast %lt3A_385 : i32 to vector<16xi32>
        %lt3A_387 = arith.cmpi slt, %xor3A_22, %lt3A_386 : vector<16xi32>
        %add3A_388 = arith.constant 16 : i32
        %add3A_389 = vector.broadcast %add3A_388 : i32 to vector<16xi32>
        %add3A_390 = arith.addi %xor3A_22, %add3A_389 : vector<16xi32>
        %select_n3A_391 = arith.select %lt3A_387, %add3A_390, %xor3A_22 : vector<16xi1>, vector<16xi32>
        %broadcast_in_dim3A_392 = vector.shape_cast %select_n3A_391 : vector<16xi32> to vector<16x1xi32>
        %gather3A_393 = vector.shape_cast %broadcast_in_dim3A_392 : vector<16x1xi32> to vector<16xi32>
        %gather3A_394 = tpu.dynamic_gather %add3A_376[%gather3A_393] in [0] : vector<16xf32>, vector<16xi32> -> vector<16xf32>
        %add3A_395 = arith.addf %add3A_376, %gather3A_394 : vector<16xf32>
        %select_n3A_396 = arith.select %eq3A_193, %add3A_384, %add3A_395 : vector<16xi1>, vector<16xf32>
        %mul3A_397 = arith.constant 16 : i32
        %mul3A_398 = arith.muli %add3A_189, %mul3A_397 : i32
        %add3A_399 = arith.constant 2 : i32
        %add3A_400 = arith.addi %mul3A_398, %add3A_399 : i32
        %get3A_401 = arith.index_cast %rem3A_134 : i32 to index
        %get3A_402 = arith.index_cast %add3A_400 : i32 to index
        %get3A_403 = arith.constant 0 : index
        %get3A_404 = tpu.vector_load %arg11[%get3A_401, %get3A_402, %get3A_403] {strides = array<i32>} : memref<2x64x128xf32, #tpu.memory_space<vmem>>, vector<16xf32>,
        %get3A_405 = arith.index_cast %rem3A_134 : i32 to index
        %get3A_406 = arith.index_cast %add3A_400 : i32 to index
        %get3A_407 = arith.constant 0 : index
        %get3A_408 = tpu.vector_load %arg12[%get3A_405, %get3A_406, %get3A_407] {strides = array<i32>} : memref<2x64x128xf32, #tpu.memory_space<vmem>>, vector<16xf32>,
        %mul3A_409 = arith.mulf %get3A_404, %get3A_408 : vector<16xf32>
        %get3A_410 = arith.index_cast %rem3A_134 : i32 to index
        %get3A_411 = arith.index_cast %add3A_400 : i32 to index
        %get3A_412 = arith.constant 16 : index
        %get3A_413 = tpu.vector_load %arg11[%get3A_410, %get3A_411, %get3A_412] {strides = array<i32>} : memref<2x64x128xf32, #tpu.memory_space<vmem>>, vector<16xf32>,
        %get3A_414 = arith.index_cast %rem3A_134 : i32 to index
        %get3A_415 = arith.index_cast %add3A_400 : i32 to index
        %get3A_416 = arith.constant 16 : index
        %get3A_417 = tpu.vector_load %arg12[%get3A_414, %get3A_415, %get3A_416] {strides = array<i32>} : memref<2x64x128xf32, #tpu.memory_space<vmem>>, vector<16xf32>,
        %mul3A_418 = arith.mulf %get3A_413, %get3A_417 : vector<16xf32>
        %add3A_419 = arith.addf %mul3A_409, %mul3A_418 : vector<16xf32>
        %get3A_420 = arith.index_cast %rem3A_134 : i32 to index
        %get3A_421 = arith.index_cast %add3A_400 : i32 to index
        %get3A_422 = arith.constant 32 : index
        %get3A_423 = tpu.vector_load %arg11[%get3A_420, %get3A_421, %get3A_422] {strides = array<i32>} : memref<2x64x128xf32, #tpu.memory_space<vmem>>, vector<16xf32>,
        %get3A_424 = arith.index_cast %rem3A_134 : i32 to index
        %get3A_425 = arith.index_cast %add3A_400 : i32 to index
        %get3A_426 = arith.constant 32 : index
        %get3A_427 = tpu.vector_load %arg12[%get3A_424, %get3A_425, %get3A_426] {strides = array<i32>} : memref<2x64x128xf32, #tpu.memory_space<vmem>>, vector<16xf32>,
        %mul3A_428 = arith.mulf %get3A_423, %get3A_427 : vector<16xf32>
        %add3A_429 = arith.addf %add3A_419, %mul3A_428 : vector<16xf32>
        %get3A_430 = arith.index_cast %rem3A_134 : i32 to index
        %get3A_431 = arith.index_cast %add3A_400 : i32 to index
        %get3A_432 = arith.constant 48 : index
        %get3A_433 = tpu.vector_load %arg11[%get3A_430, %get3A_431, %get3A_432] {strides = array<i32>} : memref<2x64x128xf32, #tpu.memory_space<vmem>>, vector<16xf32>,
        %get3A_434 = arith.index_cast %rem3A_134 : i32 to index
        %get3A_435 = arith.index_cast %add3A_400 : i32 to index
        %get3A_436 = arith.constant 48 : index
        %get3A_437 = tpu.vector_load %arg12[%get3A_434, %get3A_435, %get3A_436] {strides = array<i32>} : memref<2x64x128xf32, #tpu.memory_space<vmem>>, vector<16xf32>,
        %mul3A_438 = arith.mulf %get3A_433, %get3A_437 : vector<16xf32>
        %add3A_439 = arith.addf %add3A_429, %mul3A_438 : vector<16xf32>
        %get3A_440 = arith.index_cast %rem3A_134 : i32 to index
        %get3A_441 = arith.index_cast %add3A_400 : i32 to index
        %get3A_442 = arith.constant 64 : index
        %get3A_443 = tpu.vector_load %arg11[%get3A_440, %get3A_441, %get3A_442] {strides = array<i32>} : memref<2x64x128xf32, #tpu.memory_space<vmem>>, vector<16xf32>,
        %get3A_444 = arith.index_cast %rem3A_134 : i32 to index
        %get3A_445 = arith.index_cast %add3A_400 : i32 to index
        %get3A_446 = arith.constant 64 : index
        %get3A_447 = tpu.vector_load %arg12[%get3A_444, %get3A_445, %get3A_446] {strides = array<i32>} : memref<2x64x128xf32, #tpu.memory_space<vmem>>, vector<16xf32>,
        %mul3A_448 = arith.mulf %get3A_443, %get3A_447 : vector<16xf32>
        %add3A_449 = arith.addf %add3A_439, %mul3A_448 : vector<16xf32>
        %get3A_450 = arith.index_cast %rem3A_134 : i32 to index
        %get3A_451 = arith.index_cast %add3A_400 : i32 to index
        %get3A_452 = arith.constant 80 : index
        %get3A_453 = tpu.vector_load %arg11[%get3A_450, %get3A_451, %get3A_452] {strides = array<i32>} : memref<2x64x128xf32, #tpu.memory_space<vmem>>, vector<16xf32>,
        %get3A_454 = arith.index_cast %rem3A_134 : i32 to index
        %get3A_455 = arith.index_cast %add3A_400 : i32 to index
        %get3A_456 = arith.constant 80 : index
        %get3A_457 = tpu.vector_load %arg12[%get3A_454, %get3A_455, %get3A_456] {strides = array<i32>} : memref<2x64x128xf32, #tpu.memory_space<vmem>>, vector<16xf32>,
        %mul3A_458 = arith.mulf %get3A_453, %get3A_457 : vector<16xf32>
        %add3A_459 = arith.addf %add3A_449, %mul3A_458 : vector<16xf32>
        %get3A_460 = arith.index_cast %rem3A_134 : i32 to index
        %get3A_461 = arith.index_cast %add3A_400 : i32 to index
        %get3A_462 = arith.constant 96 : index
        %get3A_463 = tpu.vector_load %arg11[%get3A_460, %get3A_461, %get3A_462] {strides = array<i32>} : memref<2x64x128xf32, #tpu.memory_space<vmem>>, vector<16xf32>,
        %get3A_464 = arith.index_cast %rem3A_134 : i32 to index
        %get3A_465 = arith.index_cast %add3A_400 : i32 to index
        %get3A_466 = arith.constant 96 : index
        %get3A_467 = tpu.vector_load %arg12[%get3A_464, %get3A_465, %get3A_466] {strides = array<i32>} : memref<2x64x128xf32, #tpu.memory_space<vmem>>, vector<16xf32>,
        %mul3A_468 = arith.mulf %get3A_463, %get3A_467 : vector<16xf32>
        %add3A_469 = arith.addf %add3A_459, %mul3A_468 : vector<16xf32>
        %get3A_470 = arith.index_cast %rem3A_134 : i32 to index
        %get3A_471 = arith.index_cast %add3A_400 : i32 to index
        %get3A_472 = arith.constant 112 : index
        %get3A_473 = tpu.vector_load %arg11[%get3A_470, %get3A_471, %get3A_472] {strides = array<i32>} : memref<2x64x128xf32, #tpu.memory_space<vmem>>, vector<16xf32>,
        %get3A_474 = arith.index_cast %rem3A_134 : i32 to index
        %get3A_475 = arith.index_cast %add3A_400 : i32 to index
        %get3A_476 = arith.constant 112 : index
        %get3A_477 = tpu.vector_load %arg12[%get3A_474, %get3A_475, %get3A_476] {strides = array<i32>} : memref<2x64x128xf32, #tpu.memory_space<vmem>>, vector<16xf32>,
        %mul3A_478 = arith.mulf %get3A_473, %get3A_477 : vector<16xf32>
        %add3A_479 = arith.addf %add3A_469, %mul3A_478 : vector<16xf32>
        %mul3A_480 = arith.constant 16 : i32
        %mul3A_481 = arith.muli %add3A_189, %mul3A_480 : i32
        %add3A_482 = arith.constant 3 : i32
        %add3A_483 = arith.addi %mul3A_481, %add3A_482 : i32
        %get3A_484 = arith.index_cast %rem3A_134 : i32 to index
        %get3A_485 = arith.index_cast %add3A_483 : i32 to index
        %get3A_486 = arith.constant 0 : index
        %get3A_487 = tpu.vector_load %arg11[%get3A_484, %get3A_485, %get3A_486] {strides = array<i32>} : memref<2x64x128xf32, #tpu.memory_space<vmem>>, vector<16xf32>,
        %get3A_488 = arith.index_cast %rem3A_134 : i32 to index
        %get3A_489 = arith.index_cast %add3A_483 : i32 to index
        %get3A_490 = arith.constant 0 : index
        %get3A_491 = tpu.vector_load %arg12[%get3A_488, %get3A_489, %get3A_490] {strides = array<i32>} : memref<2x64x128xf32, #tpu.memory_space<vmem>>, vector<16xf32>,
        %mul3A_492 = arith.mulf %get3A_487, %get3A_491 : vector<16xf32>
        %get3A_493 = arith.index_cast %rem3A_134 : i32 to index
        %get3A_494 = arith.index_cast %add3A_483 : i32 to index
        %get3A_495 = arith.constant 16 : index
        %get3A_496 = tpu.vector_load %arg11[%get3A_493, %get3A_494, %get3A_495] {strides = array<i32>} : memref<2x64x128xf32, #tpu.memory_space<vmem>>, vector<16xf32>,
        %get3A_497 = arith.index_cast %rem3A_134 : i32 to index
        %get3A_498 = arith.index_cast %add3A_483 : i32 to index
        %get3A_499 = arith.constant 16 : index
        %get3A_500 = tpu.vector_load %arg12[%get3A_497, %get3A_498, %get3A_499] {strides = array<i32>} : memref<2x64x128xf32, #tpu.memory_space<vmem>>, vector<16xf32>,
        %mul3A_501 = arith.mulf %get3A_496, %get3A_500 : vector<16xf32>
        %add3A_502 = arith.addf %mul3A_492, %mul3A_501 : vector<16xf32>
        %get3A_503 = arith.index_cast %rem3A_134 : i32 to index
        %get3A_504 = arith.index_cast %add3A_483 : i32 to index
        %get3A_505 = arith.constant 32 : index
        %get3A_506 = tpu.vector_load %arg11[%get3A_503, %get3A_504, %get3A_505] {strides = array<i32>} : memref<2x64x128xf32, #tpu.memory_space<vmem>>, vector<16xf32>,
        %get3A_507 = arith.index_cast %rem3A_134 : i32 to index
        %get3A_508 = arith.index_cast %add3A_483 : i32 to index
        %get3A_509 = arith.constant 32 : index
        %get3A_510 = tpu.vector_load %arg12[%get3A_507, %get3A_508, %get3A_509] {strides = array<i32>} : memref<2x64x128xf32, #tpu.memory_space<vmem>>, vector<16xf32>,
        %mul3A_511 = arith.mulf %get3A_506, %get3A_510 : vector<16xf32>
        %add3A_512 = arith.addf %add3A_502, %mul3A_511 : vector<16xf32>
        %get3A_513 = arith.index_cast %rem3A_134 : i32 to index
        %get3A_514 = arith.index_cast %add3A_483 : i32 to index
        %get3A_515 = arith.constant 48 : index
        %get3A_516 = tpu.vector_load %arg11[%get3A_513, %get3A_514, %get3A_515] {strides = array<i32>} : memref<2x64x128xf32, #tpu.memory_space<vmem>>, vector<16xf32>,
        %get3A_517 = arith.index_cast %rem3A_134 : i32 to index
        %get3A_518 = arith.index_cast %add3A_483 : i32 to index
        %get3A_519 = arith.constant 48 : index
        %get3A_520 = tpu.vector_load %arg12[%get3A_517, %get3A_518, %get3A_519] {strides = array<i32>} : memref<2x64x128xf32, #tpu.memory_space<vmem>>, vector<16xf32>,
        %mul3A_521 = arith.mulf %get3A_516, %get3A_520 : vector<16xf32>
        %add3A_522 = arith.addf %add3A_512, %mul3A_521 : vector<16xf32>
        %get3A_523 = arith.index_cast %rem3A_134 : i32 to index
        %get3A_524 = arith.index_cast %add3A_483 : i32 to index
        %get3A_525 = arith.constant 64 : index
        %get3A_526 = tpu.vector_load %arg11[%get3A_523, %get3A_524, %get3A_525] {strides = array<i32>} : memref<2x64x128xf32, #tpu.memory_space<vmem>>, vector<16xf32>,
        %get3A_527 = arith.index_cast %rem3A_134 : i32 to index
        %get3A_528 = arith.index_cast %add3A_483 : i32 to index
        %get3A_529 = arith.constant 64 : index
        %get3A_530 = tpu.vector_load %arg12[%get3A_527, %get3A_528, %get3A_529] {strides = array<i32>} : memref<2x64x128xf32, #tpu.memory_space<vmem>>, vector<16xf32>,
        %mul3A_531 = arith.mulf %get3A_526, %get3A_530 : vector<16xf32>
        %add3A_532 = arith.addf %add3A_522, %mul3A_531 : vector<16xf32>
        %get3A_533 = arith.index_cast %rem3A_134 : i32 to index
        %get3A_534 = arith.index_cast %add3A_483 : i32 to index
        %get3A_535 = arith.constant 80 : index
        %get3A_536 = tpu.vector_load %arg11[%get3A_533, %get3A_534, %get3A_535] {strides = array<i32>} : memref<2x64x128xf32, #tpu.memory_space<vmem>>, vector<16xf32>,
        %get3A_537 = arith.index_cast %rem3A_134 : i32 to index
        %get3A_538 = arith.index_cast %add3A_483 : i32 to index
        %get3A_539 = arith.constant 80 : index
        %get3A_540 = tpu.vector_load %arg12[%get3A_537, %get3A_538, %get3A_539] {strides = array<i32>} : memref<2x64x128xf32, #tpu.memory_space<vmem>>, vector<16xf32>,
        %mul3A_541 = arith.mulf %get3A_536, %get3A_540 : vector<16xf32>
        %add3A_542 = arith.addf %add3A_532, %mul3A_541 : vector<16xf32>
        %get3A_543 = arith.index_cast %rem3A_134 : i32 to index
        %get3A_544 = arith.index_cast %add3A_483 : i32 to index
        %get3A_545 = arith.constant 96 : index
        %get3A_546 = tpu.vector_load %arg11[%get3A_543, %get3A_544, %get3A_545] {strides = array<i32>} : memref<2x64x128xf32, #tpu.memory_space<vmem>>, vector<16xf32>,
        %get3A_547 = arith.index_cast %rem3A_134 : i32 to index
        %get3A_548 = arith.index_cast %add3A_483 : i32 to index
        %get3A_549 = arith.constant 96 : index
        %get3A_550 = tpu.vector_load %arg12[%get3A_547, %get3A_548, %get3A_549] {strides = array<i32>} : memref<2x64x128xf32, #tpu.memory_space<vmem>>, vector<16xf32>,
        %mul3A_551 = arith.mulf %get3A_546, %get3A_550 : vector<16xf32>
        %add3A_552 = arith.addf %add3A_542, %mul3A_551 : vector<16xf32>
        %get3A_553 = arith.index_cast %rem3A_134 : i32 to index
        %get3A_554 = arith.index_cast %add3A_483 : i32 to index
        %get3A_555 = arith.constant 112 : index
        %get3A_556 = tpu.vector_load %arg11[%get3A_553, %get3A_554, %get3A_555] {strides = array<i32>} : memref<2x64x128xf32, #tpu.memory_space<vmem>>, vector<16xf32>,
        %get3A_557 = arith.index_cast %rem3A_134 : i32 to index
        %get3A_558 = arith.index_cast %add3A_483 : i32 to index
        %get3A_559 = arith.constant 112 : index
        %get3A_560 = tpu.vector_load %arg12[%get3A_557, %get3A_558, %get3A_559] {strides = array<i32>} : memref<2x64x128xf32, #tpu.memory_space<vmem>>, vector<16xf32>,
        %mul3A_561 = arith.mulf %get3A_556, %get3A_560 : vector<16xf32>
        %add3A_562 = arith.addf %add3A_552, %mul3A_561 : vector<16xf32>
        %lt3A_563 = arith.constant 0 : i32
        %lt3A_564 = vector.broadcast %lt3A_563 : i32 to vector<16xi32>
        %lt3A_565 = arith.cmpi slt, %xor3A_22, %lt3A_564 : vector<16xi32>
        %add3A_566 = arith.constant 16 : i32
        %add3A_567 = vector.broadcast %add3A_566 : i32 to vector<16xi32>
        %add3A_568 = arith.addi %xor3A_22, %add3A_567 : vector<16xi32>
        %select_n3A_569 = arith.select %lt3A_565, %add3A_568, %xor3A_22 : vector<16xi1>, vector<16xi32>
        %broadcast_in_dim3A_570 = vector.shape_cast %select_n3A_569 : vector<16xi32> to vector<16x1xi32>
        %gather3A_571 = vector.shape_cast %broadcast_in_dim3A_570 : vector<16x1xi32> to vector<16xi32>
        %gather3A_572 = tpu.dynamic_gather %add3A_479[%gather3A_571] in [0] : vector<16xf32>, vector<16xi32> -> vector<16xf32>
        %add3A_573 = arith.addf %add3A_479, %gather3A_572 : vector<16xf32>
        %lt3A_574 = arith.constant 0 : i32
        %lt3A_575 = vector.broadcast %lt3A_574 : i32 to vector<16xi32>
        %lt3A_576 = arith.cmpi slt, %xor3A_22, %lt3A_575 : vector<16xi32>
        %add3A_577 = arith.constant 16 : i32
        %add3A_578 = vector.broadcast %add3A_577 : i32 to vector<16xi32>
        %add3A_579 = arith.addi %xor3A_22, %add3A_578 : vector<16xi32>
        %select_n3A_580 = arith.select %lt3A_576, %add3A_579, %xor3A_22 : vector<16xi1>, vector<16xi32>
        %broadcast_in_dim3A_581 = vector.shape_cast %select_n3A_580 : vector<16xi32> to vector<16x1xi32>
        %gather3A_582 = vector.shape_cast %broadcast_in_dim3A_581 : vector<16x1xi32> to vector<16xi32>
        %gather3A_583 = tpu.dynamic_gather %add3A_562[%gather3A_582] in [0] : vector<16xf32>, vector<16xi32> -> vector<16xf32>
        %add3A_584 = arith.addf %add3A_562, %gather3A_583 : vector<16xf32>
        %select_n3A_585 = arith.select %eq3A_193, %add3A_573, %add3A_584 : vector<16xi1>, vector<16xf32>
        %lt3A_586 = arith.constant 0 : i32
        %lt3A_587 = vector.broadcast %lt3A_586 : i32 to vector<16xi32>
        %lt3A_588 = arith.cmpi slt, %xor3A_25, %lt3A_587 : vector<16xi32>
        %add3A_589 = arith.constant 16 : i32
        %add3A_590 = vector.broadcast %add3A_589 : i32 to vector<16xi32>
        %add3A_591 = arith.addi %xor3A_25, %add3A_590 : vector<16xi32>
        %select_n3A_592 = arith.select %lt3A_588, %add3A_591, %xor3A_25 : vector<16xi1>, vector<16xi32>
        %broadcast_in_dim3A_593 = vector.shape_cast %select_n3A_592 : vector<16xi32> to vector<16x1xi32>
        %gather3A_594 = vector.shape_cast %broadcast_in_dim3A_593 : vector<16x1xi32> to vector<16xi32>
        %gather3A_595 = tpu.dynamic_gather %select_n3A_396[%gather3A_594] in [0] : vector<16xf32>, vector<16xi32> -> vector<16xf32>
        %add3A_596 = arith.addf %select_n3A_396, %gather3A_595 : vector<16xf32>
        %lt3A_597 = arith.constant 0 : i32
        %lt3A_598 = vector.broadcast %lt3A_597 : i32 to vector<16xi32>
        %lt3A_599 = arith.cmpi slt, %xor3A_25, %lt3A_598 : vector<16xi32>
        %add3A_600 = arith.constant 16 : i32
        %add3A_601 = vector.broadcast %add3A_600 : i32 to vector<16xi32>
        %add3A_602 = arith.addi %xor3A_25, %add3A_601 : vector<16xi32>
        %select_n3A_603 = arith.select %lt3A_599, %add3A_602, %xor3A_25 : vector<16xi1>, vector<16xi32>
        %broadcast_in_dim3A_604 = vector.shape_cast %select_n3A_603 : vector<16xi32> to vector<16x1xi32>
        %gather3A_605 = vector.shape_cast %broadcast_in_dim3A_604 : vector<16x1xi32> to vector<16xi32>
        %gather3A_606 = tpu.dynamic_gather %select_n3A_585[%gather3A_605] in [0] : vector<16xf32>, vector<16xi32> -> vector<16xf32>
        %add3A_607 = arith.addf %select_n3A_585, %gather3A_606 : vector<16xf32>
        %select_n3A_608 = arith.select %eq3A_199, %add3A_596, %add3A_607 : vector<16xi1>, vector<16xf32>
        %mul3A_609 = arith.constant 16 : i32
        %mul3A_610 = arith.muli %add3A_189, %mul3A_609 : i32
        %add3A_611 = arith.constant 4 : i32
        %add3A_612 = arith.addi %mul3A_610, %add3A_611 : i32
        %get3A_613 = arith.index_cast %rem3A_134 : i32 to index
        %get3A_614 = arith.index_cast %add3A_612 : i32 to index
        %get3A_615 = arith.constant 0 : index
        %get3A_616 = tpu.vector_load %arg11[%get3A_613, %get3A_614, %get3A_615] {strides = array<i32>} : memref<2x64x128xf32, #tpu.memory_space<vmem>>, vector<16xf32>,
        %get3A_617 = arith.index_cast %rem3A_134 : i32 to index
        %get3A_618 = arith.index_cast %add3A_612 : i32 to index
        %get3A_619 = arith.constant 0 : index
        %get3A_620 = tpu.vector_load %arg12[%get3A_617, %get3A_618, %get3A_619] {strides = array<i32>} : memref<2x64x128xf32, #tpu.memory_space<vmem>>, vector<16xf32>,
        %mul3A_621 = arith.mulf %get3A_616, %get3A_620 : vector<16xf32>
        %get3A_622 = arith.index_cast %rem3A_134 : i32 to index
        %get3A_623 = arith.index_cast %add3A_612 : i32 to index
        %get3A_624 = arith.constant 16 : index
        %get3A_625 = tpu.vector_load %arg11[%get3A_622, %get3A_623, %get3A_624] {strides = array<i32>} : memref<2x64x128xf32, #tpu.memory_space<vmem>>, vector<16xf32>,
        %get3A_626 = arith.index_cast %rem3A_134 : i32 to index
        %get3A_627 = arith.index_cast %add3A_612 : i32 to index
        %get3A_628 = arith.constant 16 : index
        %get3A_629 = tpu.vector_load %arg12[%get3A_626, %get3A_627, %get3A_628] {strides = array<i32>} : memref<2x64x128xf32, #tpu.memory_space<vmem>>, vector<16xf32>,
        %mul3A_630 = arith.mulf %get3A_625, %get3A_629 : vector<16xf32>
        %add3A_631 = arith.addf %mul3A_621, %mul3A_630 : vector<16xf32>
        %get3A_632 = arith.index_cast %rem3A_134 : i32 to index
        %get3A_633 = arith.index_cast %add3A_612 : i32 to index
        %get3A_634 = arith.constant 32 : index
        %get3A_635 = tpu.vector_load %arg11[%get3A_632, %get3A_633, %get3A_634] {strides = array<i32>} : memref<2x64x128xf32, #tpu.memory_space<vmem>>, vector<16xf32>,
        %get3A_636 = arith.index_cast %rem3A_134 : i32 to index
        %get3A_637 = arith.index_cast %add3A_612 : i32 to index
        %get3A_638 = arith.constant 32 : index
        %get3A_639 = tpu.vector_load %arg12[%get3A_636, %get3A_637, %get3A_638] {strides = array<i32>} : memref<2x64x128xf32, #tpu.memory_space<vmem>>, vector<16xf32>,
        %mul3A_640 = arith.mulf %get3A_635, %get3A_639 : vector<16xf32>
        %add3A_641 = arith.addf %add3A_631, %mul3A_640 : vector<16xf32>
        %get3A_642 = arith.index_cast %rem3A_134 : i32 to index
        %get3A_643 = arith.index_cast %add3A_612 : i32 to index
        %get3A_644 = arith.constant 48 : index
        %get3A_645 = tpu.vector_load %arg11[%get3A_642, %get3A_643, %get3A_644] {strides = array<i32>} : memref<2x64x128xf32, #tpu.memory_space<vmem>>, vector<16xf32>,
        %get3A_646 = arith.index_cast %rem3A_134 : i32 to index
        %get3A_647 = arith.index_cast %add3A_612 : i32 to index
        %get3A_648 = arith.constant 48 : index
        %get3A_649 = tpu.vector_load %arg12[%get3A_646, %get3A_647, %get3A_648] {strides = array<i32>} : memref<2x64x128xf32, #tpu.memory_space<vmem>>, vector<16xf32>,
        %mul3A_650 = arith.mulf %get3A_645, %get3A_649 : vector<16xf32>
        %add3A_651 = arith.addf %add3A_641, %mul3A_650 : vector<16xf32>
        %get3A_652 = arith.index_cast %rem3A_134 : i32 to index
        %get3A_653 = arith.index_cast %add3A_612 : i32 to index
        %get3A_654 = arith.constant 64 : index
        %get3A_655 = tpu.vector_load %arg11[%get3A_652, %get3A_653, %get3A_654] {strides = array<i32>} : memref<2x64x128xf32, #tpu.memory_space<vmem>>, vector<16xf32>,
        %get3A_656 = arith.index_cast %rem3A_134 : i32 to index
        %get3A_657 = arith.index_cast %add3A_612 : i32 to index
        %get3A_658 = arith.constant 64 : index
        %get3A_659 = tpu.vector_load %arg12[%get3A_656, %get3A_657, %get3A_658] {strides = array<i32>} : memref<2x64x128xf32, #tpu.memory_space<vmem>>, vector<16xf32>,
        %mul3A_660 = arith.mulf %get3A_655, %get3A_659 : vector<16xf32>
        %add3A_661 = arith.addf %add3A_651, %mul3A_660 : vector<16xf32>
        %get3A_662 = arith.index_cast %rem3A_134 : i32 to index
        %get3A_663 = arith.index_cast %add3A_612 : i32 to index
        %get3A_664 = arith.constant 80 : index
        %get3A_665 = tpu.vector_load %arg11[%get3A_662, %get3A_663, %get3A_664] {strides = array<i32>} : memref<2x64x128xf32, #tpu.memory_space<vmem>>, vector<16xf32>,
        %get3A_666 = arith.index_cast %rem3A_134 : i32 to index
        %get3A_667 = arith.index_cast %add3A_612 : i32 to index
        %get3A_668 = arith.constant 80 : index
        %get3A_669 = tpu.vector_load %arg12[%get3A_666, %get3A_667, %get3A_668] {strides = array<i32>} : memref<2x64x128xf32, #tpu.memory_space<vmem>>, vector<16xf32>,
        %mul3A_670 = arith.mulf %get3A_665, %get3A_669 : vector<16xf32>
        %add3A_671 = arith.addf %add3A_661, %mul3A_670 : vector<16xf32>
        %get3A_672 = arith.index_cast %rem3A_134 : i32 to index
        %get3A_673 = arith.index_cast %add3A_612 : i32 to index
        %get3A_674 = arith.constant 96 : index
        %get3A_675 = tpu.vector_load %arg11[%get3A_672, %get3A_673, %get3A_674] {strides = array<i32>} : memref<2x64x128xf32, #tpu.memory_space<vmem>>, vector<16xf32>,
        %get3A_676 = arith.index_cast %rem3A_134 : i32 to index
        %get3A_677 = arith.index_cast %add3A_612 : i32 to index
        %get3A_678 = arith.constant 96 : index
        %get3A_679 = tpu.vector_load %arg12[%get3A_676, %get3A_677, %get3A_678] {strides = array<i32>} : memref<2x64x128xf32, #tpu.memory_space<vmem>>, vector<16xf32>,
        %mul3A_680 = arith.mulf %get3A_675, %get3A_679 : vector<16xf32>
        %add3A_681 = arith.addf %add3A_671, %mul3A_680 : vector<16xf32>
        %get3A_682 = arith.index_cast %rem3A_134 : i32 to index
        %get3A_683 = arith.index_cast %add3A_612 : i32 to index
        %get3A_684 = arith.constant 112 : index
        %get3A_685 = tpu.vector_load %arg11[%get3A_682, %get3A_683, %get3A_684] {strides = array<i32>} : memref<2x64x128xf32, #tpu.memory_space<vmem>>, vector<16xf32>,
        %get3A_686 = arith.index_cast %rem3A_134 : i32 to index
        %get3A_687 = arith.index_cast %add3A_612 : i32 to index
        %get3A_688 = arith.constant 112 : index
        %get3A_689 = tpu.vector_load %arg12[%get3A_686, %get3A_687, %get3A_688] {strides = array<i32>} : memref<2x64x128xf32, #tpu.memory_space<vmem>>, vector<16xf32>,
        %mul3A_690 = arith.mulf %get3A_685, %get3A_689 : vector<16xf32>
        %add3A_691 = arith.addf %add3A_681, %mul3A_690 : vector<16xf32>
        %mul3A_692 = arith.constant 16 : i32
        %mul3A_693 = arith.muli %add3A_189, %mul3A_692 : i32
        %add3A_694 = arith.constant 5 : i32
        %add3A_695 = arith.addi %mul3A_693, %add3A_694 : i32
        %get3A_696 = arith.index_cast %rem3A_134 : i32 to index
        %get3A_697 = arith.index_cast %add3A_695 : i32 to index
        %get3A_698 = arith.constant 0 : index
        %get3A_699 = tpu.vector_load %arg11[%get3A_696, %get3A_697, %get3A_698] {strides = array<i32>} : memref<2x64x128xf32, #tpu.memory_space<vmem>>, vector<16xf32>,
        %get3A_700 = arith.index_cast %rem3A_134 : i32 to index
        %get3A_701 = arith.index_cast %add3A_695 : i32 to index
        %get3A_702 = arith.constant 0 : index
        %get3A_703 = tpu.vector_load %arg12[%get3A_700, %get3A_701, %get3A_702] {strides = array<i32>} : memref<2x64x128xf32, #tpu.memory_space<vmem>>, vector<16xf32>,
        %mul3A_704 = arith.mulf %get3A_699, %get3A_703 : vector<16xf32>
        %get3A_705 = arith.index_cast %rem3A_134 : i32 to index
        %get3A_706 = arith.index_cast %add3A_695 : i32 to index
        %get3A_707 = arith.constant 16 : index
        %get3A_708 = tpu.vector_load %arg11[%get3A_705, %get3A_706, %get3A_707] {strides = array<i32>} : memref<2x64x128xf32, #tpu.memory_space<vmem>>, vector<16xf32>,
        %get3A_709 = arith.index_cast %rem3A_134 : i32 to index
        %get3A_710 = arith.index_cast %add3A_695 : i32 to index
        %get3A_711 = arith.constant 16 : index
        %get3A_712 = tpu.vector_load %arg12[%get3A_709, %get3A_710, %get3A_711] {strides = array<i32>} : memref<2x64x128xf32, #tpu.memory_space<vmem>>, vector<16xf32>,
        %mul3A_713 = arith.mulf %get3A_708, %get3A_712 : vector<16xf32>
        %add3A_714 = arith.addf %mul3A_704, %mul3A_713 : vector<16xf32>
        %get3A_715 = arith.index_cast %rem3A_134 : i32 to index
        %get3A_716 = arith.index_cast %add3A_695 : i32 to index
        %get3A_717 = arith.constant 32 : index
        %get3A_718 = tpu.vector_load %arg11[%get3A_715, %get3A_716, %get3A_717] {strides = array<i32>} : memref<2x64x128xf32, #tpu.memory_space<vmem>>, vector<16xf32>,
        %get3A_719 = arith.index_cast %rem3A_134 : i32 to index
        %get3A_720 = arith.index_cast %add3A_695 : i32 to index
        %get3A_721 = arith.constant 32 : index
        %get3A_722 = tpu.vector_load %arg12[%get3A_719, %get3A_720, %get3A_721] {strides = array<i32>} : memref<2x64x128xf32, #tpu.memory_space<vmem>>, vector<16xf32>,
        %mul3A_723 = arith.mulf %get3A_718, %get3A_722 : vector<16xf32>
        %add3A_724 = arith.addf %add3A_714, %mul3A_723 : vector<16xf32>
        %get3A_725 = arith.index_cast %rem3A_134 : i32 to index
        %get3A_726 = arith.index_cast %add3A_695 : i32 to index
        %get3A_727 = arith.constant 48 : index
        %get3A_728 = tpu.vector_load %arg11[%get3A_725, %get3A_726, %get3A_727] {strides = array<i32>} : memref<2x64x128xf32, #tpu.memory_space<vmem>>, vector<16xf32>,
        %get3A_729 = arith.index_cast %rem3A_134 : i32 to index
        %get3A_730 = arith.index_cast %add3A_695 : i32 to index
        %get3A_731 = arith.constant 48 : index
        %get3A_732 = tpu.vector_load %arg12[%get3A_729, %get3A_730, %get3A_731] {strides = array<i32>} : memref<2x64x128xf32, #tpu.memory_space<vmem>>, vector<16xf32>,
        %mul3A_733 = arith.mulf %get3A_728, %get3A_732 : vector<16xf32>
        %add3A_734 = arith.addf %add3A_724, %mul3A_733 : vector<16xf32>
        %get3A_735 = arith.index_cast %rem3A_134 : i32 to index
        %get3A_736 = arith.index_cast %add3A_695 : i32 to index
        %get3A_737 = arith.constant 64 : index
        %get3A_738 = tpu.vector_load %arg11[%get3A_735, %get3A_736, %get3A_737] {strides = array<i32>} : memref<2x64x128xf32, #tpu.memory_space<vmem>>, vector<16xf32>,
        %get3A_739 = arith.index_cast %rem3A_134 : i32 to index
        %get3A_740 = arith.index_cast %add3A_695 : i32 to index
        %get3A_741 = arith.constant 64 : index
        %get3A_742 = tpu.vector_load %arg12[%get3A_739, %get3A_740, %get3A_741] {strides = array<i32>} : memref<2x64x128xf32, #tpu.memory_space<vmem>>, vector<16xf32>,
        %mul3A_743 = arith.mulf %get3A_738, %get3A_742 : vector<16xf32>
        %add3A_744 = arith.addf %add3A_734, %mul3A_743 : vector<16xf32>
        %get3A_745 = arith.index_cast %rem3A_134 : i32 to index
        %get3A_746 = arith.index_cast %add3A_695 : i32 to index
        %get3A_747 = arith.constant 80 : index
        %get3A_748 = tpu.vector_load %arg11[%get3A_745, %get3A_746, %get3A_747] {strides = array<i32>} : memref<2x64x128xf32, #tpu.memory_space<vmem>>, vector<16xf32>,
        %get3A_749 = arith.index_cast %rem3A_134 : i32 to index
        %get3A_750 = arith.index_cast %add3A_695 : i32 to index
        %get3A_751 = arith.constant 80 : index
        %get3A_752 = tpu.vector_load %arg12[%get3A_749, %get3A_750, %get3A_751] {strides = array<i32>} : memref<2x64x128xf32, #tpu.memory_space<vmem>>, vector<16xf32>,
        %mul3A_753 = arith.mulf %get3A_748, %get3A_752 : vector<16xf32>
        %add3A_754 = arith.addf %add3A_744, %mul3A_753 : vector<16xf32>
        %get3A_755 = arith.index_cast %rem3A_134 : i32 to index
        %get3A_756 = arith.index_cast %add3A_695 : i32 to index
        %get3A_757 = arith.constant 96 : index
        %get3A_758 = tpu.vector_load %arg11[%get3A_755, %get3A_756, %get3A_757] {strides = array<i32>} : memref<2x64x128xf32, #tpu.memory_space<vmem>>, vector<16xf32>,
        %get3A_759 = arith.index_cast %rem3A_134 : i32 to index
        %get3A_760 = arith.index_cast %add3A_695 : i32 to index
        %get3A_761 = arith.constant 96 : index
        %get3A_762 = tpu.vector_load %arg12[%get3A_759, %get3A_760, %get3A_761] {strides = array<i32>} : memref<2x64x128xf32, #tpu.memory_space<vmem>>, vector<16xf32>,
        %mul3A_763 = arith.mulf %get3A_758, %get3A_762 : vector<16xf32>
        %add3A_764 = arith.addf %add3A_754, %mul3A_763 : vector<16xf32>
        %get3A_765 = arith.index_cast %rem3A_134 : i32 to index
        %get3A_766 = arith.index_cast %add3A_695 : i32 to index
        %get3A_767 = arith.constant 112 : index
        %get3A_768 = tpu.vector_load %arg11[%get3A_765, %get3A_766, %get3A_767] {strides = array<i32>} : memref<2x64x128xf32, #tpu.memory_space<vmem>>, vector<16xf32>,
        %get3A_769 = arith.index_cast %rem3A_134 : i32 to index
        %get3A_770 = arith.index_cast %add3A_695 : i32 to index
        %get3A_771 = arith.constant 112 : index
        %get3A_772 = tpu.vector_load %arg12[%get3A_769, %get3A_770, %get3A_771] {strides = array<i32>} : memref<2x64x128xf32, #tpu.memory_space<vmem>>, vector<16xf32>,
        %mul3A_773 = arith.mulf %get3A_768, %get3A_772 : vector<16xf32>
        %add3A_774 = arith.addf %add3A_764, %mul3A_773 : vector<16xf32>
        %lt3A_775 = arith.constant 0 : i32
        %lt3A_776 = vector.broadcast %lt3A_775 : i32 to vector<16xi32>
        %lt3A_777 = arith.cmpi slt, %xor3A_22, %lt3A_776 : vector<16xi32>
        %add3A_778 = arith.constant 16 : i32
        %add3A_779 = vector.broadcast %add3A_778 : i32 to vector<16xi32>
        %add3A_780 = arith.addi %xor3A_22, %add3A_779 : vector<16xi32>
        %select_n3A_781 = arith.select %lt3A_777, %add3A_780, %xor3A_22 : vector<16xi1>, vector<16xi32>
        %broadcast_in_dim3A_782 = vector.shape_cast %select_n3A_781 : vector<16xi32> to vector<16x1xi32>
        %gather3A_783 = vector.shape_cast %broadcast_in_dim3A_782 : vector<16x1xi32> to vector<16xi32>
        %gather3A_784 = tpu.dynamic_gather %add3A_691[%gather3A_783] in [0] : vector<16xf32>, vector<16xi32> -> vector<16xf32>
        %add3A_785 = arith.addf %add3A_691, %gather3A_784 : vector<16xf32>
        %lt3A_786 = arith.constant 0 : i32
        %lt3A_787 = vector.broadcast %lt3A_786 : i32 to vector<16xi32>
        %lt3A_788 = arith.cmpi slt, %xor3A_22, %lt3A_787 : vector<16xi32>
        %add3A_789 = arith.constant 16 : i32
        %add3A_790 = vector.broadcast %add3A_789 : i32 to vector<16xi32>
        %add3A_791 = arith.addi %xor3A_22, %add3A_790 : vector<16xi32>
        %select_n3A_792 = arith.select %lt3A_788, %add3A_791, %xor3A_22 : vector<16xi1>, vector<16xi32>
        %broadcast_in_dim3A_793 = vector.shape_cast %select_n3A_792 : vector<16xi32> to vector<16x1xi32>
        %gather3A_794 = vector.shape_cast %broadcast_in_dim3A_793 : vector<16x1xi32> to vector<16xi32>
        %gather3A_795 = tpu.dynamic_gather %add3A_774[%gather3A_794] in [0] : vector<16xf32>, vector<16xi32> -> vector<16xf32>
        %add3A_796 = arith.addf %add3A_774, %gather3A_795 : vector<16xf32>
        %select_n3A_797 = arith.select %eq3A_193, %add3A_785, %add3A_796 : vector<16xi1>, vector<16xf32>
        %mul3A_798 = arith.constant 16 : i32
        %mul3A_799 = arith.muli %add3A_189, %mul3A_798 : i32
        %add3A_800 = arith.constant 6 : i32
        %add3A_801 = arith.addi %mul3A_799, %add3A_800 : i32
        %get3A_802 = arith.index_cast %rem3A_134 : i32 to index
        %get3A_803 = arith.index_cast %add3A_801 : i32 to index
        %get3A_804 = arith.constant 0 : index
        %get3A_805 = tpu.vector_load %arg11[%get3A_802, %get3A_803, %get3A_804] {strides = array<i32>} : memref<2x64x128xf32, #tpu.memory_space<vmem>>, vector<16xf32>,
        %get3A_806 = arith.index_cast %rem3A_134 : i32 to index
        %get3A_807 = arith.index_cast %add3A_801 : i32 to index
        %get3A_808 = arith.constant 0 : index
        %get3A_809 = tpu.vector_load %arg12[%get3A_806, %get3A_807, %get3A_808] {strides = array<i32>} : memref<2x64x128xf32, #tpu.memory_space<vmem>>, vector<16xf32>,
        %mul3A_810 = arith.mulf %get3A_805, %get3A_809 : vector<16xf32>
        %get3A_811 = arith.index_cast %rem3A_134 : i32 to index
        %get3A_812 = arith.index_cast %add3A_801 : i32 to index
        %get3A_813 = arith.constant 16 : index
        %get3A_814 = tpu.vector_load %arg11[%get3A_811, %get3A_812, %get3A_813] {strides = array<i32>} : memref<2x64x128xf32, #tpu.memory_space<vmem>>, vector<16xf32>,
        %get3A_815 = arith.index_cast %rem3A_134 : i32 to index
        %get3A_816 = arith.index_cast %add3A_801 : i32 to index
        %get3A_817 = arith.constant 16 : index
        %get3A_818 = tpu.vector_load %arg12[%get3A_815, %get3A_816, %get3A_817] {strides = array<i32>} : memref<2x64x128xf32, #tpu.memory_space<vmem>>, vector<16xf32>,
        %mul3A_819 = arith.mulf %get3A_814, %get3A_818 : vector<16xf32>
        %add3A_820 = arith.addf %mul3A_810, %mul3A_819 : vector<16xf32>
        %get3A_821 = arith.index_cast %rem3A_134 : i32 to index
        %get3A_822 = arith.index_cast %add3A_801 : i32 to index
        %get3A_823 = arith.constant 32 : index
        %get3A_824 = tpu.vector_load %arg11[%get3A_821, %get3A_822, %get3A_823] {strides = array<i32>} : memref<2x64x128xf32, #tpu.memory_space<vmem>>, vector<16xf32>,
        %get3A_825 = arith.index_cast %rem3A_134 : i32 to index
        %get3A_826 = arith.index_cast %add3A_801 : i32 to index
        %get3A_827 = arith.constant 32 : index
        %get3A_828 = tpu.vector_load %arg12[%get3A_825, %get3A_826, %get3A_827] {strides = array<i32>} : memref<2x64x128xf32, #tpu.memory_space<vmem>>, vector<16xf32>,
        %mul3A_829 = arith.mulf %get3A_824, %get3A_828 : vector<16xf32>
        %add3A_830 = arith.addf %add3A_820, %mul3A_829 : vector<16xf32>
        %get3A_831 = arith.index_cast %rem3A_134 : i32 to index
        %get3A_832 = arith.index_cast %add3A_801 : i32 to index
        %get3A_833 = arith.constant 48 : index
        %get3A_834 = tpu.vector_load %arg11[%get3A_831, %get3A_832, %get3A_833] {strides = array<i32>} : memref<2x64x128xf32, #tpu.memory_space<vmem>>, vector<16xf32>,
        %get3A_835 = arith.index_cast %rem3A_134 : i32 to index
        %get3A_836 = arith.index_cast %add3A_801 : i32 to index
        %get3A_837 = arith.constant 48 : index
        %get3A_838 = tpu.vector_load %arg12[%get3A_835, %get3A_836, %get3A_837] {strides = array<i32>} : memref<2x64x128xf32, #tpu.memory_space<vmem>>, vector<16xf32>,
        %mul3A_839 = arith.mulf %get3A_834, %get3A_838 : vector<16xf32>
        %add3A_840 = arith.addf %add3A_830, %mul3A_839 : vector<16xf32>
        %get3A_841 = arith.index_cast %rem3A_134 : i32 to index
        %get3A_842 = arith.index_cast %add3A_801 : i32 to index
        %get3A_843 = arith.constant 64 : index
        %get3A_844 = tpu.vector_load %arg11[%get3A_841, %get3A_842, %get3A_843] {strides = array<i32>} : memref<2x64x128xf32, #tpu.memory_space<vmem>>, vector<16xf32>,
        %get3A_845 = arith.index_cast %rem3A_134 : i32 to index
        %get3A_846 = arith.index_cast %add3A_801 : i32 to index
        %get3A_847 = arith.constant 64 : index
        %get3A_848 = tpu.vector_load %arg12[%get3A_845, %get3A_846, %get3A_847] {strides = array<i32>} : memref<2x64x128xf32, #tpu.memory_space<vmem>>, vector<16xf32>,
        %mul3A_849 = arith.mulf %get3A_844, %get3A_848 : vector<16xf32>
        %add3A_850 = arith.addf %add3A_840, %mul3A_849 : vector<16xf32>
        %get3A_851 = arith.index_cast %rem3A_134 : i32 to index
        %get3A_852 = arith.index_cast %add3A_801 : i32 to index
        %get3A_853 = arith.constant 80 : index
        %get3A_854 = tpu.vector_load %arg11[%get3A_851, %get3A_852, %get3A_853] {strides = array<i32>} : memref<2x64x128xf32, #tpu.memory_space<vmem>>, vector<16xf32>,
        %get3A_855 = arith.index_cast %rem3A_134 : i32 to index
        %get3A_856 = arith.index_cast %add3A_801 : i32 to index
        %get3A_857 = arith.constant 80 : index
        %get3A_858 = tpu.vector_load %arg12[%get3A_855, %get3A_856, %get3A_857] {strides = array<i32>} : memref<2x64x128xf32, #tpu.memory_space<vmem>>, vector<16xf32>,
        %mul3A_859 = arith.mulf %get3A_854, %get3A_858 : vector<16xf32>
        %add3A_860 = arith.addf %add3A_850, %mul3A_859 : vector<16xf32>
        %get3A_861 = arith.index_cast %rem3A_134 : i32 to index
        %get3A_862 = arith.index_cast %add3A_801 : i32 to index
        %get3A_863 = arith.constant 96 : index
        %get3A_864 = tpu.vector_load %arg11[%get3A_861, %get3A_862, %get3A_863] {strides = array<i32>} : memref<2x64x128xf32, #tpu.memory_space<vmem>>, vector<16xf32>,
        %get3A_865 = arith.index_cast %rem3A_134 : i32 to index
        %get3A_866 = arith.index_cast %add3A_801 : i32 to index
        %get3A_867 = arith.constant 96 : index
        %get3A_868 = tpu.vector_load %arg12[%get3A_865, %get3A_866, %get3A_867] {strides = array<i32>} : memref<2x64x128xf32, #tpu.memory_space<vmem>>, vector<16xf32>,
        %mul3A_869 = arith.mulf %get3A_864, %get3A_868 : vector<16xf32>
        %add3A_870 = arith.addf %add3A_860, %mul3A_869 : vector<16xf32>
        %get3A_871 = arith.index_cast %rem3A_134 : i32 to index
        %get3A_872 = arith.index_cast %add3A_801 : i32 to index
        %get3A_873 = arith.constant 112 : index
        %get3A_874 = tpu.vector_load %arg11[%get3A_871, %get3A_872, %get3A_873] {strides = array<i32>} : memref<2x64x128xf32, #tpu.memory_space<vmem>>, vector<16xf32>,
        %get3A_875 = arith.index_cast %rem3A_134 : i32 to index
        %get3A_876 = arith.index_cast %add3A_801 : i32 to index
        %get3A_877 = arith.constant 112 : index
        %get3A_878 = tpu.vector_load %arg12[%get3A_875, %get3A_876, %get3A_877] {strides = array<i32>} : memref<2x64x128xf32, #tpu.memory_space<vmem>>, vector<16xf32>,
        %mul3A_879 = arith.mulf %get3A_874, %get3A_878 : vector<16xf32>
        %add3A_880 = arith.addf %add3A_870, %mul3A_879 : vector<16xf32>
        %mul3A_881 = arith.constant 16 : i32
        %mul3A_882 = arith.muli %add3A_189, %mul3A_881 : i32
        %add3A_883 = arith.constant 7 : i32
        %add3A_884 = arith.addi %mul3A_882, %add3A_883 : i32
        %get3A_885 = arith.index_cast %rem3A_134 : i32 to index
        %get3A_886 = arith.index_cast %add3A_884 : i32 to index
        %get3A_887 = arith.constant 0 : index
        %get3A_888 = tpu.vector_load %arg11[%get3A_885, %get3A_886, %get3A_887] {strides = array<i32>} : memref<2x64x128xf32, #tpu.memory_space<vmem>>, vector<16xf32>,
        %get3A_889 = arith.index_cast %rem3A_134 : i32 to index
        %get3A_890 = arith.index_cast %add3A_884 : i32 to index
        %get3A_891 = arith.constant 0 : index
        %get3A_892 = tpu.vector_load %arg12[%get3A_889, %get3A_890, %get3A_891] {strides = array<i32>} : memref<2x64x128xf32, #tpu.memory_space<vmem>>, vector<16xf32>,
        %mul3A_893 = arith.mulf %get3A_888, %get3A_892 : vector<16xf32>
        %get3A_894 = arith.index_cast %rem3A_134 : i32 to index
        %get3A_895 = arith.index_cast %add3A_884 : i32 to index
        %get3A_896 = arith.constant 16 : index
        %get3A_897 = tpu.vector_load %arg11[%get3A_894, %get3A_895, %get3A_896] {strides = array<i32>} : memref<2x64x128xf32, #tpu.memory_space<vmem>>, vector<16xf32>,
        %get3A_898 = arith.index_cast %rem3A_134 : i32 to index
        %get3A_899 = arith.index_cast %add3A_884 : i32 to index
        %get3A_900 = arith.constant 16 : index
        %get3A_901 = tpu.vector_load %arg12[%get3A_898, %get3A_899, %get3A_900] {strides = array<i32>} : memref<2x64x128xf32, #tpu.memory_space<vmem>>, vector<16xf32>,
        %mul3A_902 = arith.mulf %get3A_897, %get3A_901 : vector<16xf32>
        %add3A_903 = arith.addf %mul3A_893, %mul3A_902 : vector<16xf32>
        %get3A_904 = arith.index_cast %rem3A_134 : i32 to index
        %get3A_905 = arith.index_cast %add3A_884 : i32 to index
        %get3A_906 = arith.constant 32 : index
        %get3A_907 = tpu.vector_load %arg11[%get3A_904, %get3A_905, %get3A_906] {strides = array<i32>} : memref<2x64x128xf32, #tpu.memory_space<vmem>>, vector<16xf32>,
        %get3A_908 = arith.index_cast %rem3A_134 : i32 to index
        %get3A_909 = arith.index_cast %add3A_884 : i32 to index
        %get3A_910 = arith.constant 32 : index
        %get3A_911 = tpu.vector_load %arg12[%get3A_908, %get3A_909, %get3A_910] {strides = array<i32>} : memref<2x64x128xf32, #tpu.memory_space<vmem>>, vector<16xf32>,
        %mul3A_912 = arith.mulf %get3A_907, %get3A_911 : vector<16xf32>
        %add3A_913 = arith.addf %add3A_903, %mul3A_912 : vector<16xf32>
        %get3A_914 = arith.index_cast %rem3A_134 : i32 to index
        %get3A_915 = arith.index_cast %add3A_884 : i32 to index
        %get3A_916 = arith.constant 48 : index
        %get3A_917 = tpu.vector_load %arg11[%get3A_914, %get3A_915, %get3A_916] {strides = array<i32>} : memref<2x64x128xf32, #tpu.memory_space<vmem>>, vector<16xf32>,
        %get3A_918 = arith.index_cast %rem3A_134 : i32 to index
        %get3A_919 = arith.index_cast %add3A_884 : i32 to index
        %get3A_920 = arith.constant 48 : index
        %get3A_921 = tpu.vector_load %arg12[%get3A_918, %get3A_919, %get3A_920] {strides = array<i32>} : memref<2x64x128xf32, #tpu.memory_space<vmem>>, vector<16xf32>,
        %mul3A_922 = arith.mulf %get3A_917, %get3A_921 : vector<16xf32>
        %add3A_923 = arith.addf %add3A_913, %mul3A_922 : vector<16xf32>
        %get3A_924 = arith.index_cast %rem3A_134 : i32 to index
        %get3A_925 = arith.index_cast %add3A_884 : i32 to index
        %get3A_926 = arith.constant 64 : index
        %get3A_927 = tpu.vector_load %arg11[%get3A_924, %get3A_925, %get3A_926] {strides = array<i32>} : memref<2x64x128xf32, #tpu.memory_space<vmem>>, vector<16xf32>,
        %get3A_928 = arith.index_cast %rem3A_134 : i32 to index
        %get3A_929 = arith.index_cast %add3A_884 : i32 to index
        %get3A_930 = arith.constant 64 : index
        %get3A_931 = tpu.vector_load %arg12[%get3A_928, %get3A_929, %get3A_930] {strides = array<i32>} : memref<2x64x128xf32, #tpu.memory_space<vmem>>, vector<16xf32>,
        %mul3A_932 = arith.mulf %get3A_927, %get3A_931 : vector<16xf32>
        %add3A_933 = arith.addf %add3A_923, %mul3A_932 : vector<16xf32>
        %get3A_934 = arith.index_cast %rem3A_134 : i32 to index
        %get3A_935 = arith.index_cast %add3A_884 : i32 to index
        %get3A_936 = arith.constant 80 : index
        %get3A_937 = tpu.vector_load %arg11[%get3A_934, %get3A_935, %get3A_936] {strides = array<i32>} : memref<2x64x128xf32, #tpu.memory_space<vmem>>, vector<16xf32>,
        %get3A_938 = arith.index_cast %rem3A_134 : i32 to index
        %get3A_939 = arith.index_cast %add3A_884 : i32 to index
        %get3A_940 = arith.constant 80 : index
        %get3A_941 = tpu.vector_load %arg12[%get3A_938, %get3A_939, %get3A_940] {strides = array<i32>} : memref<2x64x128xf32, #tpu.memory_space<vmem>>, vector<16xf32>,
        %mul3A_942 = arith.mulf %get3A_937, %get3A_941 : vector<16xf32>
        %add3A_943 = arith.addf %add3A_933, %mul3A_942 : vector<16xf32>
        %get3A_944 = arith.index_cast %rem3A_134 : i32 to index
        %get3A_945 = arith.index_cast %add3A_884 : i32 to index
        %get3A_946 = arith.constant 96 : index
        %get3A_947 = tpu.vector_load %arg11[%get3A_944, %get3A_945, %get3A_946] {strides = array<i32>} : memref<2x64x128xf32, #tpu.memory_space<vmem>>, vector<16xf32>,
        %get3A_948 = arith.index_cast %rem3A_134 : i32 to index
        %get3A_949 = arith.index_cast %add3A_884 : i32 to index
        %get3A_950 = arith.constant 96 : index
        %get3A_951 = tpu.vector_load %arg12[%get3A_948, %get3A_949, %get3A_950] {strides = array<i32>} : memref<2x64x128xf32, #tpu.memory_space<vmem>>, vector<16xf32>,
        %mul3A_952 = arith.mulf %get3A_947, %get3A_951 : vector<16xf32>
        %add3A_953 = arith.addf %add3A_943, %mul3A_952 : vector<16xf32>
        %get3A_954 = arith.index_cast %rem3A_134 : i32 to index
        %get3A_955 = arith.index_cast %add3A_884 : i32 to index
        %get3A_956 = arith.constant 112 : index
        %get3A_957 = tpu.vector_load %arg11[%get3A_954, %get3A_955, %get3A_956] {strides = array<i32>} : memref<2x64x128xf32, #tpu.memory_space<vmem>>, vector<16xf32>,
        %get3A_958 = arith.index_cast %rem3A_134 : i32 to index
        %get3A_959 = arith.index_cast %add3A_884 : i32 to index
        %get3A_960 = arith.constant 112 : index
        %get3A_961 = tpu.vector_load %arg12[%get3A_958, %get3A_959, %get3A_960] {strides = array<i32>} : memref<2x64x128xf32, #tpu.memory_space<vmem>>, vector<16xf32>,
        %mul3A_962 = arith.mulf %get3A_957, %get3A_961 : vector<16xf32>
        %add3A_963 = arith.addf %add3A_953, %mul3A_962 : vector<16xf32>
        %lt3A_964 = arith.constant 0 : i32
        %lt3A_965 = vector.broadcast %lt3A_964 : i32 to vector<16xi32>
        %lt3A_966 = arith.cmpi slt, %xor3A_22, %lt3A_965 : vector<16xi32>
        %add3A_967 = arith.constant 16 : i32
        %add3A_968 = vector.broadcast %add3A_967 : i32 to vector<16xi32>
        %add3A_969 = arith.addi %xor3A_22, %add3A_968 : vector<16xi32>
        %select_n3A_970 = arith.select %lt3A_966, %add3A_969, %xor3A_22 : vector<16xi1>, vector<16xi32>
        %broadcast_in_dim3A_971 = vector.shape_cast %select_n3A_970 : vector<16xi32> to vector<16x1xi32>
        %gather3A_972 = vector.shape_cast %broadcast_in_dim3A_971 : vector<16x1xi32> to vector<16xi32>
        %gather3A_973 = tpu.dynamic_gather %add3A_880[%gather3A_972] in [0] : vector<16xf32>, vector<16xi32> -> vector<16xf32>
        %add3A_974 = arith.addf %add3A_880, %gather3A_973 : vector<16xf32>
        %lt3A_975 = arith.constant 0 : i32
        %lt3A_976 = vector.broadcast %lt3A_975 : i32 to vector<16xi32>
        %lt3A_977 = arith.cmpi slt, %xor3A_22, %lt3A_976 : vector<16xi32>
        %add3A_978 = arith.constant 16 : i32
        %add3A_979 = vector.broadcast %add3A_978 : i32 to vector<16xi32>
        %add3A_980 = arith.addi %xor3A_22, %add3A_979 : vector<16xi32>
        %select_n3A_981 = arith.select %lt3A_977, %add3A_980, %xor3A_22 : vector<16xi1>, vector<16xi32>
        %broadcast_in_dim3A_982 = vector.shape_cast %select_n3A_981 : vector<16xi32> to vector<16x1xi32>
        %gather3A_983 = vector.shape_cast %broadcast_in_dim3A_982 : vector<16x1xi32> to vector<16xi32>
        %gather3A_984 = tpu.dynamic_gather %add3A_963[%gather3A_983] in [0] : vector<16xf32>, vector<16xi32> -> vector<16xf32>
        %add3A_985 = arith.addf %add3A_963, %gather3A_984 : vector<16xf32>
        %select_n3A_986 = arith.select %eq3A_193, %add3A_974, %add3A_985 : vector<16xi1>, vector<16xf32>
        %lt3A_987 = arith.constant 0 : i32
        %lt3A_988 = vector.broadcast %lt3A_987 : i32 to vector<16xi32>
        %lt3A_989 = arith.cmpi slt, %xor3A_25, %lt3A_988 : vector<16xi32>
        %add3A_990 = arith.constant 16 : i32
        %add3A_991 = vector.broadcast %add3A_990 : i32 to vector<16xi32>
        %add3A_992 = arith.addi %xor3A_25, %add3A_991 : vector<16xi32>
        %select_n3A_993 = arith.select %lt3A_989, %add3A_992, %xor3A_25 : vector<16xi1>, vector<16xi32>
        %broadcast_in_dim3A_994 = vector.shape_cast %select_n3A_993 : vector<16xi32> to vector<16x1xi32>
        %gather3A_995 = vector.shape_cast %broadcast_in_dim3A_994 : vector<16x1xi32> to vector<16xi32>
        %gather3A_996 = tpu.dynamic_gather %select_n3A_797[%gather3A_995] in [0] : vector<16xf32>, vector<16xi32> -> vector<16xf32>
        %add3A_997 = arith.addf %select_n3A_797, %gather3A_996 : vector<16xf32>
        %lt3A_998 = arith.constant 0 : i32
        %lt3A_999 = vector.broadcast %lt3A_998 : i32 to vector<16xi32>
        %lt3A_1000 = arith.cmpi slt, %xor3A_25, %lt3A_999 : vector<16xi32>
        %add3A_1001 = arith.constant 16 : i32
        %add3A_1002 = vector.broadcast %add3A_1001 : i32 to vector<16xi32>
        %add3A_1003 = arith.addi %xor3A_25, %add3A_1002 : vector<16xi32>
        %select_n3A_1004 = arith.select %lt3A_1000, %add3A_1003, %xor3A_25 : vector<16xi1>, vector<16xi32>
        %broadcast_in_dim3A_1005 = vector.shape_cast %select_n3A_1004 : vector<16xi32> to vector<16x1xi32>
        %gather3A_1006 = vector.shape_cast %broadcast_in_dim3A_1005 : vector<16x1xi32> to vector<16xi32>
        %gather3A_1007 = tpu.dynamic_gather %select_n3A_986[%gather3A_1006] in [0] : vector<16xf32>, vector<16xi32> -> vector<16xf32>
        %add3A_1008 = arith.addf %select_n3A_986, %gather3A_1007 : vector<16xf32>
        %select_n3A_1009 = arith.select %eq3A_199, %add3A_997, %add3A_1008 : vector<16xi1>, vector<16xf32>
        %lt3A_1010 = arith.constant 0 : i32
        %lt3A_1011 = vector.broadcast %lt3A_1010 : i32 to vector<16xi32>
        %lt3A_1012 = arith.cmpi slt, %xor3A_28, %lt3A_1011 : vector<16xi32>
        %add3A_1013 = arith.constant 16 : i32
        %add3A_1014 = vector.broadcast %add3A_1013 : i32 to vector<16xi32>
        %add3A_1015 = arith.addi %xor3A_28, %add3A_1014 : vector<16xi32>
        %select_n3A_1016 = arith.select %lt3A_1012, %add3A_1015, %xor3A_28 : vector<16xi1>, vector<16xi32>
        %broadcast_in_dim3A_1017 = vector.shape_cast %select_n3A_1016 : vector<16xi32> to vector<16x1xi32>
        %gather3A_1018 = vector.shape_cast %broadcast_in_dim3A_1017 : vector<16x1xi32> to vector<16xi32>
        %gather3A_1019 = tpu.dynamic_gather %select_n3A_608[%gather3A_1018] in [0] : vector<16xf32>, vector<16xi32> -> vector<16xf32>
        %add3A_1020 = arith.addf %select_n3A_608, %gather3A_1019 : vector<16xf32>
        %lt3A_1021 = arith.constant 0 : i32
        %lt3A_1022 = vector.broadcast %lt3A_1021 : i32 to vector<16xi32>
        %lt3A_1023 = arith.cmpi slt, %xor3A_28, %lt3A_1022 : vector<16xi32>
        %add3A_1024 = arith.constant 16 : i32
        %add3A_1025 = vector.broadcast %add3A_1024 : i32 to vector<16xi32>
        %add3A_1026 = arith.addi %xor3A_28, %add3A_1025 : vector<16xi32>
        %select_n3A_1027 = arith.select %lt3A_1023, %add3A_1026, %xor3A_28 : vector<16xi1>, vector<16xi32>
        %broadcast_in_dim3A_1028 = vector.shape_cast %select_n3A_1027 : vector<16xi32> to vector<16x1xi32>
        %gather3A_1029 = vector.shape_cast %broadcast_in_dim3A_1028 : vector<16x1xi32> to vector<16xi32>
        %gather3A_1030 = tpu.dynamic_gather %select_n3A_1009[%gather3A_1029] in [0] : vector<16xf32>, vector<16xi32> -> vector<16xf32>
        %add3A_1031 = arith.addf %select_n3A_1009, %gather3A_1030 : vector<16xf32>
        %select_n3A_1032 = arith.select %eq3A_205, %add3A_1020, %add3A_1031 : vector<16xi1>, vector<16xf32>
        %mul3A_1033 = arith.constant 16 : i32
        %mul3A_1034 = arith.muli %add3A_189, %mul3A_1033 : i32
        %add3A_1035 = arith.constant 8 : i32
        %add3A_1036 = arith.addi %mul3A_1034, %add3A_1035 : i32
        %get3A_1037 = arith.index_cast %rem3A_134 : i32 to index
        %get3A_1038 = arith.index_cast %add3A_1036 : i32 to index
        %get3A_1039 = arith.constant 0 : index
        %get3A_1040 = tpu.vector_load %arg11[%get3A_1037, %get3A_1038, %get3A_1039] {strides = array<i32>} : memref<2x64x128xf32, #tpu.memory_space<vmem>>, vector<16xf32>,
        %get3A_1041 = arith.index_cast %rem3A_134 : i32 to index
        %get3A_1042 = arith.index_cast %add3A_1036 : i32 to index
        %get3A_1043 = arith.constant 0 : index
        %get3A_1044 = tpu.vector_load %arg12[%get3A_1041, %get3A_1042, %get3A_1043] {strides = array<i32>} : memref<2x64x128xf32, #tpu.memory_space<vmem>>, vector<16xf32>,
        %mul3A_1045 = arith.mulf %get3A_1040, %get3A_1044 : vector<16xf32>
        %get3A_1046 = arith.index_cast %rem3A_134 : i32 to index
        %get3A_1047 = arith.index_cast %add3A_1036 : i32 to index
        %get3A_1048 = arith.constant 16 : index
        %get3A_1049 = tpu.vector_load %arg11[%get3A_1046, %get3A_1047, %get3A_1048] {strides = array<i32>} : memref<2x64x128xf32, #tpu.memory_space<vmem>>, vector<16xf32>,
        %get3A_1050 = arith.index_cast %rem3A_134 : i32 to index
        %get3A_1051 = arith.index_cast %add3A_1036 : i32 to index
        %get3A_1052 = arith.constant 16 : index
        %get3A_1053 = tpu.vector_load %arg12[%get3A_1050, %get3A_1051, %get3A_1052] {strides = array<i32>} : memref<2x64x128xf32, #tpu.memory_space<vmem>>, vector<16xf32>,
        %mul3A_1054 = arith.mulf %get3A_1049, %get3A_1053 : vector<16xf32>
        %add3A_1055 = arith.addf %mul3A_1045, %mul3A_1054 : vector<16xf32>
        %get3A_1056 = arith.index_cast %rem3A_134 : i32 to index
        %get3A_1057 = arith.index_cast %add3A_1036 : i32 to index
        %get3A_1058 = arith.constant 32 : index
        %get3A_1059 = tpu.vector_load %arg11[%get3A_1056, %get3A_1057, %get3A_1058] {strides = array<i32>} : memref<2x64x128xf32, #tpu.memory_space<vmem>>, vector<16xf32>,
        %get3A_1060 = arith.index_cast %rem3A_134 : i32 to index
        %get3A_1061 = arith.index_cast %add3A_1036 : i32 to index
        %get3A_1062 = arith.constant 32 : index
        %get3A_1063 = tpu.vector_load %arg12[%get3A_1060, %get3A_1061, %get3A_1062] {strides = array<i32>} : memref<2x64x128xf32, #tpu.memory_space<vmem>>, vector<16xf32>,
        %mul3A_1064 = arith.mulf %get3A_1059, %get3A_1063 : vector<16xf32>
        %add3A_1065 = arith.addf %add3A_1055, %mul3A_1064 : vector<16xf32>
        %get3A_1066 = arith.index_cast %rem3A_134 : i32 to index
        %get3A_1067 = arith.index_cast %add3A_1036 : i32 to index
        %get3A_1068 = arith.constant 48 : index
        %get3A_1069 = tpu.vector_load %arg11[%get3A_1066, %get3A_1067, %get3A_1068] {strides = array<i32>} : memref<2x64x128xf32, #tpu.memory_space<vmem>>, vector<16xf32>,
        %get3A_1070 = arith.index_cast %rem3A_134 : i32 to index
        %get3A_1071 = arith.index_cast %add3A_1036 : i32 to index
        %get3A_1072 = arith.constant 48 : index
        %get3A_1073 = tpu.vector_load %arg12[%get3A_1070, %get3A_1071, %get3A_1072] {strides = array<i32>} : memref<2x64x128xf32, #tpu.memory_space<vmem>>, vector<16xf32>,
        %mul3A_1074 = arith.mulf %get3A_1069, %get3A_1073 : vector<16xf32>
        %add3A_1075 = arith.addf %add3A_1065, %mul3A_1074 : vector<16xf32>
        %get3A_1076 = arith.index_cast %rem3A_134 : i32 to index
        %get3A_1077 = arith.index_cast %add3A_1036 : i32 to index
        %get3A_1078 = arith.constant 64 : index
        %get3A_1079 = tpu.vector_load %arg11[%get3A_1076, %get3A_1077, %get3A_1078] {strides = array<i32>} : memref<2x64x128xf32, #tpu.memory_space<vmem>>, vector<16xf32>,
        %get3A_1080 = arith.index_cast %rem3A_134 : i32 to index
        %get3A_1081 = arith.index_cast %add3A_1036 : i32 to index
        %get3A_1082 = arith.constant 64 : index
        %get3A_1083 = tpu.vector_load %arg12[%get3A_1080, %get3A_1081, %get3A_1082] {strides = array<i32>} : memref<2x64x128xf32, #tpu.memory_space<vmem>>, vector<16xf32>,
        %mul3A_1084 = arith.mulf %get3A_1079, %get3A_1083 : vector<16xf32>
        %add3A_1085 = arith.addf %add3A_1075, %mul3A_1084 : vector<16xf32>
        %get3A_1086 = arith.index_cast %rem3A_134 : i32 to index
        %get3A_1087 = arith.index_cast %add3A_1036 : i32 to index
        %get3A_1088 = arith.constant 80 : index
        %get3A_1089 = tpu.vector_load %arg11[%get3A_1086, %get3A_1087, %get3A_1088] {strides = array<i32>} : memref<2x64x128xf32, #tpu.memory_space<vmem>>, vector<16xf32>,
        %get3A_1090 = arith.index_cast %rem3A_134 : i32 to index
        %get3A_1091 = arith.index_cast %add3A_1036 : i32 to index
        %get3A_1092 = arith.constant 80 : index
        %get3A_1093 = tpu.vector_load %arg12[%get3A_1090, %get3A_1091, %get3A_1092] {strides = array<i32>} : memref<2x64x128xf32, #tpu.memory_space<vmem>>, vector<16xf32>,
        %mul3A_1094 = arith.mulf %get3A_1089, %get3A_1093 : vector<16xf32>
        %add3A_1095 = arith.addf %add3A_1085, %mul3A_1094 : vector<16xf32>
        %get3A_1096 = arith.index_cast %rem3A_134 : i32 to index
        %get3A_1097 = arith.index_cast %add3A_1036 : i32 to index
        %get3A_1098 = arith.constant 96 : index
        %get3A_1099 = tpu.vector_load %arg11[%get3A_1096, %get3A_1097, %get3A_1098] {strides = array<i32>} : memref<2x64x128xf32, #tpu.memory_space<vmem>>, vector<16xf32>,
        %get3A_1100 = arith.index_cast %rem3A_134 : i32 to index
        %get3A_1101 = arith.index_cast %add3A_1036 : i32 to index
        %get3A_1102 = arith.constant 96 : index
        %get3A_1103 = tpu.vector_load %arg12[%get3A_1100, %get3A_1101, %get3A_1102] {strides = array<i32>} : memref<2x64x128xf32, #tpu.memory_space<vmem>>, vector<16xf32>,
        %mul3A_1104 = arith.mulf %get3A_1099, %get3A_1103 : vector<16xf32>
        %add3A_1105 = arith.addf %add3A_1095, %mul3A_1104 : vector<16xf32>
        %get3A_1106 = arith.index_cast %rem3A_134 : i32 to index
        %get3A_1107 = arith.index_cast %add3A_1036 : i32 to index
        %get3A_1108 = arith.constant 112 : index
        %get3A_1109 = tpu.vector_load %arg11[%get3A_1106, %get3A_1107, %get3A_1108] {strides = array<i32>} : memref<2x64x128xf32, #tpu.memory_space<vmem>>, vector<16xf32>,
        %get3A_1110 = arith.index_cast %rem3A_134 : i32 to index
        %get3A_1111 = arith.index_cast %add3A_1036 : i32 to index
        %get3A_1112 = arith.constant 112 : index
        %get3A_1113 = tpu.vector_load %arg12[%get3A_1110, %get3A_1111, %get3A_1112] {strides = array<i32>} : memref<2x64x128xf32, #tpu.memory_space<vmem>>, vector<16xf32>,
        %mul3A_1114 = arith.mulf %get3A_1109, %get3A_1113 : vector<16xf32>
        %add3A_1115 = arith.addf %add3A_1105, %mul3A_1114 : vector<16xf32>
        %mul3A_1116 = arith.constant 16 : i32
        %mul3A_1117 = arith.muli %add3A_189, %mul3A_1116 : i32
        %add3A_1118 = arith.constant 9 : i32
        %add3A_1119 = arith.addi %mul3A_1117, %add3A_1118 : i32
        %get3A_1120 = arith.index_cast %rem3A_134 : i32 to index
        %get3A_1121 = arith.index_cast %add3A_1119 : i32 to index
        %get3A_1122 = arith.constant 0 : index
        %get3A_1123 = tpu.vector_load %arg11[%get3A_1120, %get3A_1121, %get3A_1122] {strides = array<i32>} : memref<2x64x128xf32, #tpu.memory_space<vmem>>, vector<16xf32>,
        %get3A_1124 = arith.index_cast %rem3A_134 : i32 to index
        %get3A_1125 = arith.index_cast %add3A_1119 : i32 to index
        %get3A_1126 = arith.constant 0 : index
        %get3A_1127 = tpu.vector_load %arg12[%get3A_1124, %get3A_1125, %get3A_1126] {strides = array<i32>} : memref<2x64x128xf32, #tpu.memory_space<vmem>>, vector<16xf32>,
        %mul3A_1128 = arith.mulf %get3A_1123, %get3A_1127 : vector<16xf32>
        %get3A_1129 = arith.index_cast %rem3A_134 : i32 to index
        %get3A_1130 = arith.index_cast %add3A_1119 : i32 to index
        %get3A_1131 = arith.constant 16 : index
        %get3A_1132 = tpu.vector_load %arg11[%get3A_1129, %get3A_1130, %get3A_1131] {strides = array<i32>} : memref<2x64x128xf32, #tpu.memory_space<vmem>>, vector<16xf32>,
        %get3A_1133 = arith.index_cast %rem3A_134 : i32 to index
        %get3A_1134 = arith.index_cast %add3A_1119 : i32 to index
        %get3A_1135 = arith.constant 16 : index
        %get3A_1136 = tpu.vector_load %arg12[%get3A_1133, %get3A_1134, %get3A_1135] {strides = array<i32>} : memref<2x64x128xf32, #tpu.memory_space<vmem>>, vector<16xf32>,
        %mul3A_1137 = arith.mulf %get3A_1132, %get3A_1136 : vector<16xf32>
        %add3A_1138 = arith.addf %mul3A_1128, %mul3A_1137 : vector<16xf32>
        %get3A_1139 = arith.index_cast %rem3A_134 : i32 to index
        %get3A_1140 = arith.index_cast %add3A_1119 : i32 to index
        %get3A_1141 = arith.constant 32 : index
        %get3A_1142 = tpu.vector_load %arg11[%get3A_1139, %get3A_1140, %get3A_1141] {strides = array<i32>} : memref<2x64x128xf32, #tpu.memory_space<vmem>>, vector<16xf32>,
        %get3A_1143 = arith.index_cast %rem3A_134 : i32 to index
        %get3A_1144 = arith.index_cast %add3A_1119 : i32 to index
        %get3A_1145 = arith.constant 32 : index
        %get3A_1146 = tpu.vector_load %arg12[%get3A_1143, %get3A_1144, %get3A_1145] {strides = array<i32>} : memref<2x64x128xf32, #tpu.memory_space<vmem>>, vector<16xf32>,
        %mul3A_1147 = arith.mulf %get3A_1142, %get3A_1146 : vector<16xf32>
        %add3A_1148 = arith.addf %add3A_1138, %mul3A_1147 : vector<16xf32>
        %get3A_1149 = arith.index_cast %rem3A_134 : i32 to index
        %get3A_1150 = arith.index_cast %add3A_1119 : i32 to index
        %get3A_1151 = arith.constant 48 : index
        %get3A_1152 = tpu.vector_load %arg11[%get3A_1149, %get3A_1150, %get3A_1151] {strides = array<i32>} : memref<2x64x128xf32, #tpu.memory_space<vmem>>, vector<16xf32>,
        %get3A_1153 = arith.index_cast %rem3A_134 : i32 to index
        %get3A_1154 = arith.index_cast %add3A_1119 : i32 to index
        %get3A_1155 = arith.constant 48 : index
        %get3A_1156 = tpu.vector_load %arg12[%get3A_1153, %get3A_1154, %get3A_1155] {strides = array<i32>} : memref<2x64x128xf32, #tpu.memory_space<vmem>>, vector<16xf32>,
        %mul3A_1157 = arith.mulf %get3A_1152, %get3A_1156 : vector<16xf32>
        %add3A_1158 = arith.addf %add3A_1148, %mul3A_1157 : vector<16xf32>
        %get3A_1159 = arith.index_cast %rem3A_134 : i32 to index
        %get3A_1160 = arith.index_cast %add3A_1119 : i32 to index
        %get3A_1161 = arith.constant 64 : index
        %get3A_1162 = tpu.vector_load %arg11[%get3A_1159, %get3A_1160, %get3A_1161] {strides = array<i32>} : memref<2x64x128xf32, #tpu.memory_space<vmem>>, vector<16xf32>,
        %get3A_1163 = arith.index_cast %rem3A_134 : i32 to index
        %get3A_1164 = arith.index_cast %add3A_1119 : i32 to index
        %get3A_1165 = arith.constant 64 : index
        %get3A_1166 = tpu.vector_load %arg12[%get3A_1163, %get3A_1164, %get3A_1165] {strides = array<i32>} : memref<2x64x128xf32, #tpu.memory_space<vmem>>, vector<16xf32>,
        %mul3A_1167 = arith.mulf %get3A_1162, %get3A_1166 : vector<16xf32>
        %add3A_1168 = arith.addf %add3A_1158, %mul3A_1167 : vector<16xf32>
        %get3A_1169 = arith.index_cast %rem3A_134 : i32 to index
        %get3A_1170 = arith.index_cast %add3A_1119 : i32 to index
        %get3A_1171 = arith.constant 80 : index
        %get3A_1172 = tpu.vector_load %arg11[%get3A_1169, %get3A_1170, %get3A_1171] {strides = array<i32>} : memref<2x64x128xf32, #tpu.memory_space<vmem>>, vector<16xf32>,
        %get3A_1173 = arith.index_cast %rem3A_134 : i32 to index
        %get3A_1174 = arith.index_cast %add3A_1119 : i32 to index
        %get3A_1175 = arith.constant 80 : index
        %get3A_1176 = tpu.vector_load %arg12[%get3A_1173, %get3A_1174, %get3A_1175] {strides = array<i32>} : memref<2x64x128xf32, #tpu.memory_space<vmem>>, vector<16xf32>,
        %mul3A_1177 = arith.mulf %get3A_1172, %get3A_1176 : vector<16xf32>
        %add3A_1178 = arith.addf %add3A_1168, %mul3A_1177 : vector<16xf32>
        %get3A_1179 = arith.index_cast %rem3A_134 : i32 to index
        %get3A_1180 = arith.index_cast %add3A_1119 : i32 to index
        %get3A_1181 = arith.constant 96 : index
        %get3A_1182 = tpu.vector_load %arg11[%get3A_1179, %get3A_1180, %get3A_1181] {strides = array<i32>} : memref<2x64x128xf32, #tpu.memory_space<vmem>>, vector<16xf32>,
        %get3A_1183 = arith.index_cast %rem3A_134 : i32 to index
        %get3A_1184 = arith.index_cast %add3A_1119 : i32 to index
        %get3A_1185 = arith.constant 96 : index
        %get3A_1186 = tpu.vector_load %arg12[%get3A_1183, %get3A_1184, %get3A_1185] {strides = array<i32>} : memref<2x64x128xf32, #tpu.memory_space<vmem>>, vector<16xf32>,
        %mul3A_1187 = arith.mulf %get3A_1182, %get3A_1186 : vector<16xf32>
        %add3A_1188 = arith.addf %add3A_1178, %mul3A_1187 : vector<16xf32>
        %get3A_1189 = arith.index_cast %rem3A_134 : i32 to index
        %get3A_1190 = arith.index_cast %add3A_1119 : i32 to index
        %get3A_1191 = arith.constant 112 : index
        %get3A_1192 = tpu.vector_load %arg11[%get3A_1189, %get3A_1190, %get3A_1191] {strides = array<i32>} : memref<2x64x128xf32, #tpu.memory_space<vmem>>, vector<16xf32>,
        %get3A_1193 = arith.index_cast %rem3A_134 : i32 to index
        %get3A_1194 = arith.index_cast %add3A_1119 : i32 to index
        %get3A_1195 = arith.constant 112 : index
        %get3A_1196 = tpu.vector_load %arg12[%get3A_1193, %get3A_1194, %get3A_1195] {strides = array<i32>} : memref<2x64x128xf32, #tpu.memory_space<vmem>>, vector<16xf32>,
        %mul3A_1197 = arith.mulf %get3A_1192, %get3A_1196 : vector<16xf32>
        %add3A_1198 = arith.addf %add3A_1188, %mul3A_1197 : vector<16xf32>
        %lt3A_1199 = arith.constant 0 : i32
        %lt3A_1200 = vector.broadcast %lt3A_1199 : i32 to vector<16xi32>
        %lt3A_1201 = arith.cmpi slt, %xor3A_22, %lt3A_1200 : vector<16xi32>
        %add3A_1202 = arith.constant 16 : i32
        %add3A_1203 = vector.broadcast %add3A_1202 : i32 to vector<16xi32>
        %add3A_1204 = arith.addi %xor3A_22, %add3A_1203 : vector<16xi32>
        %select_n3A_1205 = arith.select %lt3A_1201, %add3A_1204, %xor3A_22 : vector<16xi1>, vector<16xi32>
        %broadcast_in_dim3A_1206 = vector.shape_cast %select_n3A_1205 : vector<16xi32> to vector<16x1xi32>
        %gather3A_1207 = vector.shape_cast %broadcast_in_dim3A_1206 : vector<16x1xi32> to vector<16xi32>
        %gather3A_1208 = tpu.dynamic_gather %add3A_1115[%gather3A_1207] in [0] : vector<16xf32>, vector<16xi32> -> vector<16xf32>
        %add3A_1209 = arith.addf %add3A_1115, %gather3A_1208 : vector<16xf32>
        %lt3A_1210 = arith.constant 0 : i32
        %lt3A_1211 = vector.broadcast %lt3A_1210 : i32 to vector<16xi32>
        %lt3A_1212 = arith.cmpi slt, %xor3A_22, %lt3A_1211 : vector<16xi32>
        %add3A_1213 = arith.constant 16 : i32
        %add3A_1214 = vector.broadcast %add3A_1213 : i32 to vector<16xi32>
        %add3A_1215 = arith.addi %xor3A_22, %add3A_1214 : vector<16xi32>
        %select_n3A_1216 = arith.select %lt3A_1212, %add3A_1215, %xor3A_22 : vector<16xi1>, vector<16xi32>
        %broadcast_in_dim3A_1217 = vector.shape_cast %select_n3A_1216 : vector<16xi32> to vector<16x1xi32>
        %gather3A_1218 = vector.shape_cast %broadcast_in_dim3A_1217 : vector<16x1xi32> to vector<16xi32>
        %gather3A_1219 = tpu.dynamic_gather %add3A_1198[%gather3A_1218] in [0] : vector<16xf32>, vector<16xi32> -> vector<16xf32>
        %add3A_1220 = arith.addf %add3A_1198, %gather3A_1219 : vector<16xf32>
        %select_n3A_1221 = arith.select %eq3A_193, %add3A_1209, %add3A_1220 : vector<16xi1>, vector<16xf32>
        %mul3A_1222 = arith.constant 16 : i32
        %mul3A_1223 = arith.muli %add3A_189, %mul3A_1222 : i32
        %add3A_1224 = arith.constant 10 : i32
        %add3A_1225 = arith.addi %mul3A_1223, %add3A_1224 : i32
        %get3A_1226 = arith.index_cast %rem3A_134 : i32 to index
        %get3A_1227 = arith.index_cast %add3A_1225 : i32 to index
        %get3A_1228 = arith.constant 0 : index
        %get3A_1229 = tpu.vector_load %arg11[%get3A_1226, %get3A_1227, %get3A_1228] {strides = array<i32>} : memref<2x64x128xf32, #tpu.memory_space<vmem>>, vector<16xf32>,
        %get3A_1230 = arith.index_cast %rem3A_134 : i32 to index
        %get3A_1231 = arith.index_cast %add3A_1225 : i32 to index
        %get3A_1232 = arith.constant 0 : index
        %get3A_1233 = tpu.vector_load %arg12[%get3A_1230, %get3A_1231, %get3A_1232] {strides = array<i32>} : memref<2x64x128xf32, #tpu.memory_space<vmem>>, vector<16xf32>,
        %mul3A_1234 = arith.mulf %get3A_1229, %get3A_1233 : vector<16xf32>
        %get3A_1235 = arith.index_cast %rem3A_134 : i32 to index
        %get3A_1236 = arith.index_cast %add3A_1225 : i32 to index
        %get3A_1237 = arith.constant 16 : index
        %get3A_1238 = tpu.vector_load %arg11[%get3A_1235, %get3A_1236, %get3A_1237] {strides = array<i32>} : memref<2x64x128xf32, #tpu.memory_space<vmem>>, vector<16xf32>,
        %get3A_1239 = arith.index_cast %rem3A_134 : i32 to index
        %get3A_1240 = arith.index_cast %add3A_1225 : i32 to index
        %get3A_1241 = arith.constant 16 : index
        %get3A_1242 = tpu.vector_load %arg12[%get3A_1239, %get3A_1240, %get3A_1241] {strides = array<i32>} : memref<2x64x128xf32, #tpu.memory_space<vmem>>, vector<16xf32>,
        %mul3A_1243 = arith.mulf %get3A_1238, %get3A_1242 : vector<16xf32>
        %add3A_1244 = arith.addf %mul3A_1234, %mul3A_1243 : vector<16xf32>
        %get3A_1245 = arith.index_cast %rem3A_134 : i32 to index
        %get3A_1246 = arith.index_cast %add3A_1225 : i32 to index
        %get3A_1247 = arith.constant 32 : index
        %get3A_1248 = tpu.vector_load %arg11[%get3A_1245, %get3A_1246, %get3A_1247] {strides = array<i32>} : memref<2x64x128xf32, #tpu.memory_space<vmem>>, vector<16xf32>,
        %get3A_1249 = arith.index_cast %rem3A_134 : i32 to index
        %get3A_1250 = arith.index_cast %add3A_1225 : i32 to index
        %get3A_1251 = arith.constant 32 : index
        %get3A_1252 = tpu.vector_load %arg12[%get3A_1249, %get3A_1250, %get3A_1251] {strides = array<i32>} : memref<2x64x128xf32, #tpu.memory_space<vmem>>, vector<16xf32>,
        %mul3A_1253 = arith.mulf %get3A_1248, %get3A_1252 : vector<16xf32>
        %add3A_1254 = arith.addf %add3A_1244, %mul3A_1253 : vector<16xf32>
        %get3A_1255 = arith.index_cast %rem3A_134 : i32 to index
        %get3A_1256 = arith.index_cast %add3A_1225 : i32 to index
        %get3A_1257 = arith.constant 48 : index
        %get3A_1258 = tpu.vector_load %arg11[%get3A_1255, %get3A_1256, %get3A_1257] {strides = array<i32>} : memref<2x64x128xf32, #tpu.memory_space<vmem>>, vector<16xf32>,
        %get3A_1259 = arith.index_cast %rem3A_134 : i32 to index
        %get3A_1260 = arith.index_cast %add3A_1225 : i32 to index
        %get3A_1261 = arith.constant 48 : index
        %get3A_1262 = tpu.vector_load %arg12[%get3A_1259, %get3A_1260, %get3A_1261] {strides = array<i32>} : memref<2x64x128xf32, #tpu.memory_space<vmem>>, vector<16xf32>,
        %mul3A_1263 = arith.mulf %get3A_1258, %get3A_1262 : vector<16xf32>
        %add3A_1264 = arith.addf %add3A_1254, %mul3A_1263 : vector<16xf32>
        %get3A_1265 = arith.index_cast %rem3A_134 : i32 to index
        %get3A_1266 = arith.index_cast %add3A_1225 : i32 to index
        %get3A_1267 = arith.constant 64 : index
        %get3A_1268 = tpu.vector_load %arg11[%get3A_1265, %get3A_1266, %get3A_1267] {strides = array<i32>} : memref<2x64x128xf32, #tpu.memory_space<vmem>>, vector<16xf32>,
        %get3A_1269 = arith.index_cast %rem3A_134 : i32 to index
        %get3A_1270 = arith.index_cast %add3A_1225 : i32 to index
        %get3A_1271 = arith.constant 64 : index
        %get3A_1272 = tpu.vector_load %arg12[%get3A_1269, %get3A_1270, %get3A_1271] {strides = array<i32>} : memref<2x64x128xf32, #tpu.memory_space<vmem>>, vector<16xf32>,
        %mul3A_1273 = arith.mulf %get3A_1268, %get3A_1272 : vector<16xf32>
        %add3A_1274 = arith.addf %add3A_1264, %mul3A_1273 : vector<16xf32>
        %get3A_1275 = arith.index_cast %rem3A_134 : i32 to index
        %get3A_1276 = arith.index_cast %add3A_1225 : i32 to index
        %get3A_1277 = arith.constant 80 : index
        %get3A_1278 = tpu.vector_load %arg11[%get3A_1275, %get3A_1276, %get3A_1277] {strides = array<i32>} : memref<2x64x128xf32, #tpu.memory_space<vmem>>, vector<16xf32>,
        %get3A_1279 = arith.index_cast %rem3A_134 : i32 to index
        %get3A_1280 = arith.index_cast %add3A_1225 : i32 to index
        %get3A_1281 = arith.constant 80 : index
        %get3A_1282 = tpu.vector_load %arg12[%get3A_1279, %get3A_1280, %get3A_1281] {strides = array<i32>} : memref<2x64x128xf32, #tpu.memory_space<vmem>>, vector<16xf32>,
        %mul3A_1283 = arith.mulf %get3A_1278, %get3A_1282 : vector<16xf32>
        %add3A_1284 = arith.addf %add3A_1274, %mul3A_1283 : vector<16xf32>
        %get3A_1285 = arith.index_cast %rem3A_134 : i32 to index
        %get3A_1286 = arith.index_cast %add3A_1225 : i32 to index
        %get3A_1287 = arith.constant 96 : index
        %get3A_1288 = tpu.vector_load %arg11[%get3A_1285, %get3A_1286, %get3A_1287] {strides = array<i32>} : memref<2x64x128xf32, #tpu.memory_space<vmem>>, vector<16xf32>,
        %get3A_1289 = arith.index_cast %rem3A_134 : i32 to index
        %get3A_1290 = arith.index_cast %add3A_1225 : i32 to index
        %get3A_1291 = arith.constant 96 : index
        %get3A_1292 = tpu.vector_load %arg12[%get3A_1289, %get3A_1290, %get3A_1291] {strides = array<i32>} : memref<2x64x128xf32, #tpu.memory_space<vmem>>, vector<16xf32>,
        %mul3A_1293 = arith.mulf %get3A_1288, %get3A_1292 : vector<16xf32>
        %add3A_1294 = arith.addf %add3A_1284, %mul3A_1293 : vector<16xf32>
        %get3A_1295 = arith.index_cast %rem3A_134 : i32 to index
        %get3A_1296 = arith.index_cast %add3A_1225 : i32 to index
        %get3A_1297 = arith.constant 112 : index
        %get3A_1298 = tpu.vector_load %arg11[%get3A_1295, %get3A_1296, %get3A_1297] {strides = array<i32>} : memref<2x64x128xf32, #tpu.memory_space<vmem>>, vector<16xf32>,
        %get3A_1299 = arith.index_cast %rem3A_134 : i32 to index
        %get3A_1300 = arith.index_cast %add3A_1225 : i32 to index
        %get3A_1301 = arith.constant 112 : index
        %get3A_1302 = tpu.vector_load %arg12[%get3A_1299, %get3A_1300, %get3A_1301] {strides = array<i32>} : memref<2x64x128xf32, #tpu.memory_space<vmem>>, vector<16xf32>,
        %mul3A_1303 = arith.mulf %get3A_1298, %get3A_1302 : vector<16xf32>
        %add3A_1304 = arith.addf %add3A_1294, %mul3A_1303 : vector<16xf32>
        %mul3A_1305 = arith.constant 16 : i32
        %mul3A_1306 = arith.muli %add3A_189, %mul3A_1305 : i32
        %add3A_1307 = arith.constant 11 : i32
        %add3A_1308 = arith.addi %mul3A_1306, %add3A_1307 : i32
        %get3A_1309 = arith.index_cast %rem3A_134 : i32 to index
        %get3A_1310 = arith.index_cast %add3A_1308 : i32 to index
        %get3A_1311 = arith.constant 0 : index
        %get3A_1312 = tpu.vector_load %arg11[%get3A_1309, %get3A_1310, %get3A_1311] {strides = array<i32>} : memref<2x64x128xf32, #tpu.memory_space<vmem>>, vector<16xf32>,
        %get3A_1313 = arith.index_cast %rem3A_134 : i32 to index
        %get3A_1314 = arith.index_cast %add3A_1308 : i32 to index
        %get3A_1315 = arith.constant 0 : index
        %get3A_1316 = tpu.vector_load %arg12[%get3A_1313, %get3A_1314, %get3A_1315] {strides = array<i32>} : memref<2x64x128xf32, #tpu.memory_space<vmem>>, vector<16xf32>,
        %mul3A_1317 = arith.mulf %get3A_1312, %get3A_1316 : vector<16xf32>
        %get3A_1318 = arith.index_cast %rem3A_134 : i32 to index
        %get3A_1319 = arith.index_cast %add3A_1308 : i32 to index
        %get3A_1320 = arith.constant 16 : index
        %get3A_1321 = tpu.vector_load %arg11[%get3A_1318, %get3A_1319, %get3A_1320] {strides = array<i32>} : memref<2x64x128xf32, #tpu.memory_space<vmem>>, vector<16xf32>,
        %get3A_1322 = arith.index_cast %rem3A_134 : i32 to index
        %get3A_1323 = arith.index_cast %add3A_1308 : i32 to index
        %get3A_1324 = arith.constant 16 : index
        %get3A_1325 = tpu.vector_load %arg12[%get3A_1322, %get3A_1323, %get3A_1324] {strides = array<i32>} : memref<2x64x128xf32, #tpu.memory_space<vmem>>, vector<16xf32>,
        %mul3A_1326 = arith.mulf %get3A_1321, %get3A_1325 : vector<16xf32>
        %add3A_1327 = arith.addf %mul3A_1317, %mul3A_1326 : vector<16xf32>
        %get3A_1328 = arith.index_cast %rem3A_134 : i32 to index
        %get3A_1329 = arith.index_cast %add3A_1308 : i32 to index
        %get3A_1330 = arith.constant 32 : index
        %get3A_1331 = tpu.vector_load %arg11[%get3A_1328, %get3A_1329, %get3A_1330] {strides = array<i32>} : memref<2x64x128xf32, #tpu.memory_space<vmem>>, vector<16xf32>,
        %get3A_1332 = arith.index_cast %rem3A_134 : i32 to index
        %get3A_1333 = arith.index_cast %add3A_1308 : i32 to index
        %get3A_1334 = arith.constant 32 : index
        %get3A_1335 = tpu.vector_load %arg12[%get3A_1332, %get3A_1333, %get3A_1334] {strides = array<i32>} : memref<2x64x128xf32, #tpu.memory_space<vmem>>, vector<16xf32>,
        %mul3A_1336 = arith.mulf %get3A_1331, %get3A_1335 : vector<16xf32>
        %add3A_1337 = arith.addf %add3A_1327, %mul3A_1336 : vector<16xf32>
        %get3A_1338 = arith.index_cast %rem3A_134 : i32 to index
        %get3A_1339 = arith.index_cast %add3A_1308 : i32 to index
        %get3A_1340 = arith.constant 48 : index
        %get3A_1341 = tpu.vector_load %arg11[%get3A_1338, %get3A_1339, %get3A_1340] {strides = array<i32>} : memref<2x64x128xf32, #tpu.memory_space<vmem>>, vector<16xf32>,
        %get3A_1342 = arith.index_cast %rem3A_134 : i32 to index
        %get3A_1343 = arith.index_cast %add3A_1308 : i32 to index
        %get3A_1344 = arith.constant 48 : index
        %get3A_1345 = tpu.vector_load %arg12[%get3A_1342, %get3A_1343, %get3A_1344] {strides = array<i32>} : memref<2x64x128xf32, #tpu.memory_space<vmem>>, vector<16xf32>,
        %mul3A_1346 = arith.mulf %get3A_1341, %get3A_1345 : vector<16xf32>
        %add3A_1347 = arith.addf %add3A_1337, %mul3A_1346 : vector<16xf32>
        %get3A_1348 = arith.index_cast %rem3A_134 : i32 to index
        %get3A_1349 = arith.index_cast %add3A_1308 : i32 to index
        %get3A_1350 = arith.constant 64 : index
        %get3A_1351 = tpu.vector_load %arg11[%get3A_1348, %get3A_1349, %get3A_1350] {strides = array<i32>} : memref<2x64x128xf32, #tpu.memory_space<vmem>>, vector<16xf32>,
        %get3A_1352 = arith.index_cast %rem3A_134 : i32 to index
        %get3A_1353 = arith.index_cast %add3A_1308 : i32 to index
        %get3A_1354 = arith.constant 64 : index
        %get3A_1355 = tpu.vector_load %arg12[%get3A_1352, %get3A_1353, %get3A_1354] {strides = array<i32>} : memref<2x64x128xf32, #tpu.memory_space<vmem>>, vector<16xf32>,
        %mul3A_1356 = arith.mulf %get3A_1351, %get3A_1355 : vector<16xf32>
        %add3A_1357 = arith.addf %add3A_1347, %mul3A_1356 : vector<16xf32>
        %get3A_1358 = arith.index_cast %rem3A_134 : i32 to index
        %get3A_1359 = arith.index_cast %add3A_1308 : i32 to index
        %get3A_1360 = arith.constant 80 : index
        %get3A_1361 = tpu.vector_load %arg11[%get3A_1358, %get3A_1359, %get3A_1360] {strides = array<i32>} : memref<2x64x128xf32, #tpu.memory_space<vmem>>, vector<16xf32>,
        %get3A_1362 = arith.index_cast %rem3A_134 : i32 to index
        %get3A_1363 = arith.index_cast %add3A_1308 : i32 to index
        %get3A_1364 = arith.constant 80 : index
        %get3A_1365 = tpu.vector_load %arg12[%get3A_1362, %get3A_1363, %get3A_1364] {strides = array<i32>} : memref<2x64x128xf32, #tpu.memory_space<vmem>>, vector<16xf32>,
        %mul3A_1366 = arith.mulf %get3A_1361, %get3A_1365 : vector<16xf32>
        %add3A_1367 = arith.addf %add3A_1357, %mul3A_1366 : vector<16xf32>
        %get3A_1368 = arith.index_cast %rem3A_134 : i32 to index
        %get3A_1369 = arith.index_cast %add3A_1308 : i32 to index
        %get3A_1370 = arith.constant 96 : index
        %get3A_1371 = tpu.vector_load %arg11[%get3A_1368, %get3A_1369, %get3A_1370] {strides = array<i32>} : memref<2x64x128xf32, #tpu.memory_space<vmem>>, vector<16xf32>,
        %get3A_1372 = arith.index_cast %rem3A_134 : i32 to index
        %get3A_1373 = arith.index_cast %add3A_1308 : i32 to index
        %get3A_1374 = arith.constant 96 : index
        %get3A_1375 = tpu.vector_load %arg12[%get3A_1372, %get3A_1373, %get3A_1374] {strides = array<i32>} : memref<2x64x128xf32, #tpu.memory_space<vmem>>, vector<16xf32>,
        %mul3A_1376 = arith.mulf %get3A_1371, %get3A_1375 : vector<16xf32>
        %add3A_1377 = arith.addf %add3A_1367, %mul3A_1376 : vector<16xf32>
        %get3A_1378 = arith.index_cast %rem3A_134 : i32 to index
        %get3A_1379 = arith.index_cast %add3A_1308 : i32 to index
        %get3A_1380 = arith.constant 112 : index
        %get3A_1381 = tpu.vector_load %arg11[%get3A_1378, %get3A_1379, %get3A_1380] {strides = array<i32>} : memref<2x64x128xf32, #tpu.memory_space<vmem>>, vector<16xf32>,
        %get3A_1382 = arith.index_cast %rem3A_134 : i32 to index
        %get3A_1383 = arith.index_cast %add3A_1308 : i32 to index
        %get3A_1384 = arith.constant 112 : index
        %get3A_1385 = tpu.vector_load %arg12[%get3A_1382, %get3A_1383, %get3A_1384] {strides = array<i32>} : memref<2x64x128xf32, #tpu.memory_space<vmem>>, vector<16xf32>,
        %mul3A_1386 = arith.mulf %get3A_1381, %get3A_1385 : vector<16xf32>
        %add3A_1387 = arith.addf %add3A_1377, %mul3A_1386 : vector<16xf32>
        %lt3A_1388 = arith.constant 0 : i32
        %lt3A_1389 = vector.broadcast %lt3A_1388 : i32 to vector<16xi32>
        %lt3A_1390 = arith.cmpi slt, %xor3A_22, %lt3A_1389 : vector<16xi32>
        %add3A_1391 = arith.constant 16 : i32
        %add3A_1392 = vector.broadcast %add3A_1391 : i32 to vector<16xi32>
        %add3A_1393 = arith.addi %xor3A_22, %add3A_1392 : vector<16xi32>
        %select_n3A_1394 = arith.select %lt3A_1390, %add3A_1393, %xor3A_22 : vector<16xi1>, vector<16xi32>
        %broadcast_in_dim3A_1395 = vector.shape_cast %select_n3A_1394 : vector<16xi32> to vector<16x1xi32>
        %gather3A_1396 = vector.shape_cast %broadcast_in_dim3A_1395 : vector<16x1xi32> to vector<16xi32>
        %gather3A_1397 = tpu.dynamic_gather %add3A_1304[%gather3A_1396] in [0] : vector<16xf32>, vector<16xi32> -> vector<16xf32>
        %add3A_1398 = arith.addf %add3A_1304, %gather3A_1397 : vector<16xf32>
        %lt3A_1399 = arith.constant 0 : i32
        %lt3A_1400 = vector.broadcast %lt3A_1399 : i32 to vector<16xi32>
        %lt3A_1401 = arith.cmpi slt, %xor3A_22, %lt3A_1400 : vector<16xi32>
        %add3A_1402 = arith.constant 16 : i32
        %add3A_1403 = vector.broadcast %add3A_1402 : i32 to vector<16xi32>
        %add3A_1404 = arith.addi %xor3A_22, %add3A_1403 : vector<16xi32>
        %select_n3A_1405 = arith.select %lt3A_1401, %add3A_1404, %xor3A_22 : vector<16xi1>, vector<16xi32>
        %broadcast_in_dim3A_1406 = vector.shape_cast %select_n3A_1405 : vector<16xi32> to vector<16x1xi32>
        %gather3A_1407 = vector.shape_cast %broadcast_in_dim3A_1406 : vector<16x1xi32> to vector<16xi32>
        %gather3A_1408 = tpu.dynamic_gather %add3A_1387[%gather3A_1407] in [0] : vector<16xf32>, vector<16xi32> -> vector<16xf32>
        %add3A_1409 = arith.addf %add3A_1387, %gather3A_1408 : vector<16xf32>
        %select_n3A_1410 = arith.select %eq3A_193, %add3A_1398, %add3A_1409 : vector<16xi1>, vector<16xf32>
        %lt3A_1411 = arith.constant 0 : i32
        %lt3A_1412 = vector.broadcast %lt3A_1411 : i32 to vector<16xi32>
        %lt3A_1413 = arith.cmpi slt, %xor3A_25, %lt3A_1412 : vector<16xi32>
        %add3A_1414 = arith.constant 16 : i32
        %add3A_1415 = vector.broadcast %add3A_1414 : i32 to vector<16xi32>
        %add3A_1416 = arith.addi %xor3A_25, %add3A_1415 : vector<16xi32>
        %select_n3A_1417 = arith.select %lt3A_1413, %add3A_1416, %xor3A_25 : vector<16xi1>, vector<16xi32>
        %broadcast_in_dim3A_1418 = vector.shape_cast %select_n3A_1417 : vector<16xi32> to vector<16x1xi32>
        %gather3A_1419 = vector.shape_cast %broadcast_in_dim3A_1418 : vector<16x1xi32> to vector<16xi32>
        %gather3A_1420 = tpu.dynamic_gather %select_n3A_1221[%gather3A_1419] in [0] : vector<16xf32>, vector<16xi32> -> vector<16xf32>
        %add3A_1421 = arith.addf %select_n3A_1221, %gather3A_1420 : vector<16xf32>
        %lt3A_1422 = arith.constant 0 : i32
        %lt3A_1423 = vector.broadcast %lt3A_1422 : i32 to vector<16xi32>
        %lt3A_1424 = arith.cmpi slt, %xor3A_25, %lt3A_1423 : vector<16xi32>
        %add3A_1425 = arith.constant 16 : i32
        %add3A_1426 = vector.broadcast %add3A_1425 : i32 to vector<16xi32>
        %add3A_1427 = arith.addi %xor3A_25, %add3A_1426 : vector<16xi32>
        %select_n3A_1428 = arith.select %lt3A_1424, %add3A_1427, %xor3A_25 : vector<16xi1>, vector<16xi32>
        %broadcast_in_dim3A_1429 = vector.shape_cast %select_n3A_1428 : vector<16xi32> to vector<16x1xi32>
        %gather3A_1430 = vector.shape_cast %broadcast_in_dim3A_1429 : vector<16x1xi32> to vector<16xi32>
        %gather3A_1431 = tpu.dynamic_gather %select_n3A_1410[%gather3A_1430] in [0] : vector<16xf32>, vector<16xi32> -> vector<16xf32>
        %add3A_1432 = arith.addf %select_n3A_1410, %gather3A_1431 : vector<16xf32>
        %select_n3A_1433 = arith.select %eq3A_199, %add3A_1421, %add3A_1432 : vector<16xi1>, vector<16xf32>
        %mul3A_1434 = arith.constant 16 : i32
        %mul3A_1435 = arith.muli %add3A_189, %mul3A_1434 : i32
        %add3A_1436 = arith.constant 12 : i32
        %add3A_1437 = arith.addi %mul3A_1435, %add3A_1436 : i32
        %get3A_1438 = arith.index_cast %rem3A_134 : i32 to index
        %get3A_1439 = arith.index_cast %add3A_1437 : i32 to index
        %get3A_1440 = arith.constant 0 : index
        %get3A_1441 = tpu.vector_load %arg11[%get3A_1438, %get3A_1439, %get3A_1440] {strides = array<i32>} : memref<2x64x128xf32, #tpu.memory_space<vmem>>, vector<16xf32>,
        %get3A_1442 = arith.index_cast %rem3A_134 : i32 to index
        %get3A_1443 = arith.index_cast %add3A_1437 : i32 to index
        %get3A_1444 = arith.constant 0 : index
        %get3A_1445 = tpu.vector_load %arg12[%get3A_1442, %get3A_1443, %get3A_1444] {strides = array<i32>} : memref<2x64x128xf32, #tpu.memory_space<vmem>>, vector<16xf32>,
        %mul3A_1446 = arith.mulf %get3A_1441, %get3A_1445 : vector<16xf32>
        %get3A_1447 = arith.index_cast %rem3A_134 : i32 to index
        %get3A_1448 = arith.index_cast %add3A_1437 : i32 to index
        %get3A_1449 = arith.constant 16 : index
        %get3A_1450 = tpu.vector_load %arg11[%get3A_1447, %get3A_1448, %get3A_1449] {strides = array<i32>} : memref<2x64x128xf32, #tpu.memory_space<vmem>>, vector<16xf32>,
        %get3A_1451 = arith.index_cast %rem3A_134 : i32 to index
        %get3A_1452 = arith.index_cast %add3A_1437 : i32 to index
        %get3A_1453 = arith.constant 16 : index
        %get3A_1454 = tpu.vector_load %arg12[%get3A_1451, %get3A_1452, %get3A_1453] {strides = array<i32>} : memref<2x64x128xf32, #tpu.memory_space<vmem>>, vector<16xf32>,
        %mul3A_1455 = arith.mulf %get3A_1450, %get3A_1454 : vector<16xf32>
        %add3A_1456 = arith.addf %mul3A_1446, %mul3A_1455 : vector<16xf32>
        %get3A_1457 = arith.index_cast %rem3A_134 : i32 to index
        %get3A_1458 = arith.index_cast %add3A_1437 : i32 to index
        %get3A_1459 = arith.constant 32 : index
        %get3A_1460 = tpu.vector_load %arg11[%get3A_1457, %get3A_1458, %get3A_1459] {strides = array<i32>} : memref<2x64x128xf32, #tpu.memory_space<vmem>>, vector<16xf32>,
        %get3A_1461 = arith.index_cast %rem3A_134 : i32 to index
        %get3A_1462 = arith.index_cast %add3A_1437 : i32 to index
        %get3A_1463 = arith.constant 32 : index
        %get3A_1464 = tpu.vector_load %arg12[%get3A_1461, %get3A_1462, %get3A_1463] {strides = array<i32>} : memref<2x64x128xf32, #tpu.memory_space<vmem>>, vector<16xf32>,
        %mul3A_1465 = arith.mulf %get3A_1460, %get3A_1464 : vector<16xf32>
        %add3A_1466 = arith.addf %add3A_1456, %mul3A_1465 : vector<16xf32>
        %get3A_1467 = arith.index_cast %rem3A_134 : i32 to index
        %get3A_1468 = arith.index_cast %add3A_1437 : i32 to index
        %get3A_1469 = arith.constant 48 : index
        %get3A_1470 = tpu.vector_load %arg11[%get3A_1467, %get3A_1468, %get3A_1469] {strides = array<i32>} : memref<2x64x128xf32, #tpu.memory_space<vmem>>, vector<16xf32>,
        %get3A_1471 = arith.index_cast %rem3A_134 : i32 to index
        %get3A_1472 = arith.index_cast %add3A_1437 : i32 to index
        %get3A_1473 = arith.constant 48 : index
        %get3A_1474 = tpu.vector_load %arg12[%get3A_1471, %get3A_1472, %get3A_1473] {strides = array<i32>} : memref<2x64x128xf32, #tpu.memory_space<vmem>>, vector<16xf32>,
        %mul3A_1475 = arith.mulf %get3A_1470, %get3A_1474 : vector<16xf32>
        %add3A_1476 = arith.addf %add3A_1466, %mul3A_1475 : vector<16xf32>
        %get3A_1477 = arith.index_cast %rem3A_134 : i32 to index
        %get3A_1478 = arith.index_cast %add3A_1437 : i32 to index
        %get3A_1479 = arith.constant 64 : index
        %get3A_1480 = tpu.vector_load %arg11[%get3A_1477, %get3A_1478, %get3A_1479] {strides = array<i32>} : memref<2x64x128xf32, #tpu.memory_space<vmem>>, vector<16xf32>,
        %get3A_1481 = arith.index_cast %rem3A_134 : i32 to index
        %get3A_1482 = arith.index_cast %add3A_1437 : i32 to index
        %get3A_1483 = arith.constant 64 : index
        %get3A_1484 = tpu.vector_load %arg12[%get3A_1481, %get3A_1482, %get3A_1483] {strides = array<i32>} : memref<2x64x128xf32, #tpu.memory_space<vmem>>, vector<16xf32>,
        %mul3A_1485 = arith.mulf %get3A_1480, %get3A_1484 : vector<16xf32>
        %add3A_1486 = arith.addf %add3A_1476, %mul3A_1485 : vector<16xf32>
        %get3A_1487 = arith.index_cast %rem3A_134 : i32 to index
        %get3A_1488 = arith.index_cast %add3A_1437 : i32 to index
        %get3A_1489 = arith.constant 80 : index
        %get3A_1490 = tpu.vector_load %arg11[%get3A_1487, %get3A_1488, %get3A_1489] {strides = array<i32>} : memref<2x64x128xf32, #tpu.memory_space<vmem>>, vector<16xf32>,
        %get3A_1491 = arith.index_cast %rem3A_134 : i32 to index
        %get3A_1492 = arith.index_cast %add3A_1437 : i32 to index
        %get3A_1493 = arith.constant 80 : index
        %get3A_1494 = tpu.vector_load %arg12[%get3A_1491, %get3A_1492, %get3A_1493] {strides = array<i32>} : memref<2x64x128xf32, #tpu.memory_space<vmem>>, vector<16xf32>,
        %mul3A_1495 = arith.mulf %get3A_1490, %get3A_1494 : vector<16xf32>
        %add3A_1496 = arith.addf %add3A_1486, %mul3A_1495 : vector<16xf32>
        %get3A_1497 = arith.index_cast %rem3A_134 : i32 to index
        %get3A_1498 = arith.index_cast %add3A_1437 : i32 to index
        %get3A_1499 = arith.constant 96 : index
        %get3A_1500 = tpu.vector_load %arg11[%get3A_1497, %get3A_1498, %get3A_1499] {strides = array<i32>} : memref<2x64x128xf32, #tpu.memory_space<vmem>>, vector<16xf32>,
        %get3A_1501 = arith.index_cast %rem3A_134 : i32 to index
        %get3A_1502 = arith.index_cast %add3A_1437 : i32 to index
        %get3A_1503 = arith.constant 96 : index
        %get3A_1504 = tpu.vector_load %arg12[%get3A_1501, %get3A_1502, %get3A_1503] {strides = array<i32>} : memref<2x64x128xf32, #tpu.memory_space<vmem>>, vector<16xf32>,
        %mul3A_1505 = arith.mulf %get3A_1500, %get3A_1504 : vector<16xf32>
        %add3A_1506 = arith.addf %add3A_1496, %mul3A_1505 : vector<16xf32>
        %get3A_1507 = arith.index_cast %rem3A_134 : i32 to index
        %get3A_1508 = arith.index_cast %add3A_1437 : i32 to index
        %get3A_1509 = arith.constant 112 : index
        %get3A_1510 = tpu.vector_load %arg11[%get3A_1507, %get3A_1508, %get3A_1509] {strides = array<i32>} : memref<2x64x128xf32, #tpu.memory_space<vmem>>, vector<16xf32>,
        %get3A_1511 = arith.index_cast %rem3A_134 : i32 to index
        %get3A_1512 = arith.index_cast %add3A_1437 : i32 to index
        %get3A_1513 = arith.constant 112 : index
        %get3A_1514 = tpu.vector_load %arg12[%get3A_1511, %get3A_1512, %get3A_1513] {strides = array<i32>} : memref<2x64x128xf32, #tpu.memory_space<vmem>>, vector<16xf32>,
        %mul3A_1515 = arith.mulf %get3A_1510, %get3A_1514 : vector<16xf32>
        %add3A_1516 = arith.addf %add3A_1506, %mul3A_1515 : vector<16xf32>
        %mul3A_1517 = arith.constant 16 : i32
        %mul3A_1518 = arith.muli %add3A_189, %mul3A_1517 : i32
        %add3A_1519 = arith.constant 13 : i32
        %add3A_1520 = arith.addi %mul3A_1518, %add3A_1519 : i32
        %get3A_1521 = arith.index_cast %rem3A_134 : i32 to index
        %get3A_1522 = arith.index_cast %add3A_1520 : i32 to index
        %get3A_1523 = arith.constant 0 : index
        %get3A_1524 = tpu.vector_load %arg11[%get3A_1521, %get3A_1522, %get3A_1523] {strides = array<i32>} : memref<2x64x128xf32, #tpu.memory_space<vmem>>, vector<16xf32>,
        %get3A_1525 = arith.index_cast %rem3A_134 : i32 to index
        %get3A_1526 = arith.index_cast %add3A_1520 : i32 to index
        %get3A_1527 = arith.constant 0 : index
        %get3A_1528 = tpu.vector_load %arg12[%get3A_1525, %get3A_1526, %get3A_1527] {strides = array<i32>} : memref<2x64x128xf32, #tpu.memory_space<vmem>>, vector<16xf32>,
        %mul3A_1529 = arith.mulf %get3A_1524, %get3A_1528 : vector<16xf32>
        %get3A_1530 = arith.index_cast %rem3A_134 : i32 to index
        %get3A_1531 = arith.index_cast %add3A_1520 : i32 to index
        %get3A_1532 = arith.constant 16 : index
        %get3A_1533 = tpu.vector_load %arg11[%get3A_1530, %get3A_1531, %get3A_1532] {strides = array<i32>} : memref<2x64x128xf32, #tpu.memory_space<vmem>>, vector<16xf32>,
        %get3A_1534 = arith.index_cast %rem3A_134 : i32 to index
        %get3A_1535 = arith.index_cast %add3A_1520 : i32 to index
        %get3A_1536 = arith.constant 16 : index
        %get3A_1537 = tpu.vector_load %arg12[%get3A_1534, %get3A_1535, %get3A_1536] {strides = array<i32>} : memref<2x64x128xf32, #tpu.memory_space<vmem>>, vector<16xf32>,
        %mul3A_1538 = arith.mulf %get3A_1533, %get3A_1537 : vector<16xf32>
        %add3A_1539 = arith.addf %mul3A_1529, %mul3A_1538 : vector<16xf32>
        %get3A_1540 = arith.index_cast %rem3A_134 : i32 to index
        %get3A_1541 = arith.index_cast %add3A_1520 : i32 to index
        %get3A_1542 = arith.constant 32 : index
        %get3A_1543 = tpu.vector_load %arg11[%get3A_1540, %get3A_1541, %get3A_1542] {strides = array<i32>} : memref<2x64x128xf32, #tpu.memory_space<vmem>>, vector<16xf32>,
        %get3A_1544 = arith.index_cast %rem3A_134 : i32 to index
        %get3A_1545 = arith.index_cast %add3A_1520 : i32 to index
        %get3A_1546 = arith.constant 32 : index
        %get3A_1547 = tpu.vector_load %arg12[%get3A_1544, %get3A_1545, %get3A_1546] {strides = array<i32>} : memref<2x64x128xf32, #tpu.memory_space<vmem>>, vector<16xf32>,
        %mul3A_1548 = arith.mulf %get3A_1543, %get3A_1547 : vector<16xf32>
        %add3A_1549 = arith.addf %add3A_1539, %mul3A_1548 : vector<16xf32>
        %get3A_1550 = arith.index_cast %rem3A_134 : i32 to index
        %get3A_1551 = arith.index_cast %add3A_1520 : i32 to index
        %get3A_1552 = arith.constant 48 : index
        %get3A_1553 = tpu.vector_load %arg11[%get3A_1550, %get3A_1551, %get3A_1552] {strides = array<i32>} : memref<2x64x128xf32, #tpu.memory_space<vmem>>, vector<16xf32>,
        %get3A_1554 = arith.index_cast %rem3A_134 : i32 to index
        %get3A_1555 = arith.index_cast %add3A_1520 : i32 to index
        %get3A_1556 = arith.constant 48 : index
        %get3A_1557 = tpu.vector_load %arg12[%get3A_1554, %get3A_1555, %get3A_1556] {strides = array<i32>} : memref<2x64x128xf32, #tpu.memory_space<vmem>>, vector<16xf32>,
        %mul3A_1558 = arith.mulf %get3A_1553, %get3A_1557 : vector<16xf32>
        %add3A_1559 = arith.addf %add3A_1549, %mul3A_1558 : vector<16xf32>
        %get3A_1560 = arith.index_cast %rem3A_134 : i32 to index
        %get3A_1561 = arith.index_cast %add3A_1520 : i32 to index
        %get3A_1562 = arith.constant 64 : index
        %get3A_1563 = tpu.vector_load %arg11[%get3A_1560, %get3A_1561, %get3A_1562] {strides = array<i32>} : memref<2x64x128xf32, #tpu.memory_space<vmem>>, vector<16xf32>,
        %get3A_1564 = arith.index_cast %rem3A_134 : i32 to index
        %get3A_1565 = arith.index_cast %add3A_1520 : i32 to index
        %get3A_1566 = arith.constant 64 : index
        %get3A_1567 = tpu.vector_load %arg12[%get3A_1564, %get3A_1565, %get3A_1566] {strides = array<i32>} : memref<2x64x128xf32, #tpu.memory_space<vmem>>, vector<16xf32>,
        %mul3A_1568 = arith.mulf %get3A_1563, %get3A_1567 : vector<16xf32>
        %add3A_1569 = arith.addf %add3A_1559, %mul3A_1568 : vector<16xf32>
        %get3A_1570 = arith.index_cast %rem3A_134 : i32 to index
        %get3A_1571 = arith.index_cast %add3A_1520 : i32 to index
        %get3A_1572 = arith.constant 80 : index
        %get3A_1573 = tpu.vector_load %arg11[%get3A_1570, %get3A_1571, %get3A_1572] {strides = array<i32>} : memref<2x64x128xf32, #tpu.memory_space<vmem>>, vector<16xf32>,
        %get3A_1574 = arith.index_cast %rem3A_134 : i32 to index
        %get3A_1575 = arith.index_cast %add3A_1520 : i32 to index
        %get3A_1576 = arith.constant 80 : index
        %get3A_1577 = tpu.vector_load %arg12[%get3A_1574, %get3A_1575, %get3A_1576] {strides = array<i32>} : memref<2x64x128xf32, #tpu.memory_space<vmem>>, vector<16xf32>,
        %mul3A_1578 = arith.mulf %get3A_1573, %get3A_1577 : vector<16xf32>
        %add3A_1579 = arith.addf %add3A_1569, %mul3A_1578 : vector<16xf32>
        %get3A_1580 = arith.index_cast %rem3A_134 : i32 to index
        %get3A_1581 = arith.index_cast %add3A_1520 : i32 to index
        %get3A_1582 = arith.constant 96 : index
        %get3A_1583 = tpu.vector_load %arg11[%get3A_1580, %get3A_1581, %get3A_1582] {strides = array<i32>} : memref<2x64x128xf32, #tpu.memory_space<vmem>>, vector<16xf32>,
        %get3A_1584 = arith.index_cast %rem3A_134 : i32 to index
        %get3A_1585 = arith.index_cast %add3A_1520 : i32 to index
        %get3A_1586 = arith.constant 96 : index
        %get3A_1587 = tpu.vector_load %arg12[%get3A_1584, %get3A_1585, %get3A_1586] {strides = array<i32>} : memref<2x64x128xf32, #tpu.memory_space<vmem>>, vector<16xf32>,
        %mul3A_1588 = arith.mulf %get3A_1583, %get3A_1587 : vector<16xf32>
        %add3A_1589 = arith.addf %add3A_1579, %mul3A_1588 : vector<16xf32>
        %get3A_1590 = arith.index_cast %rem3A_134 : i32 to index
        %get3A_1591 = arith.index_cast %add3A_1520 : i32 to index
        %get3A_1592 = arith.constant 112 : index
        %get3A_1593 = tpu.vector_load %arg11[%get3A_1590, %get3A_1591, %get3A_1592] {strides = array<i32>} : memref<2x64x128xf32, #tpu.memory_space<vmem>>, vector<16xf32>,
        %get3A_1594 = arith.index_cast %rem3A_134 : i32 to index
        %get3A_1595 = arith.index_cast %add3A_1520 : i32 to index
        %get3A_1596 = arith.constant 112 : index
        %get3A_1597 = tpu.vector_load %arg12[%get3A_1594, %get3A_1595, %get3A_1596] {strides = array<i32>} : memref<2x64x128xf32, #tpu.memory_space<vmem>>, vector<16xf32>,
        %mul3A_1598 = arith.mulf %get3A_1593, %get3A_1597 : vector<16xf32>
        %add3A_1599 = arith.addf %add3A_1589, %mul3A_1598 : vector<16xf32>
        %lt3A_1600 = arith.constant 0 : i32
        %lt3A_1601 = vector.broadcast %lt3A_1600 : i32 to vector<16xi32>
        %lt3A_1602 = arith.cmpi slt, %xor3A_22, %lt3A_1601 : vector<16xi32>
        %add3A_1603 = arith.constant 16 : i32
        %add3A_1604 = vector.broadcast %add3A_1603 : i32 to vector<16xi32>
        %add3A_1605 = arith.addi %xor3A_22, %add3A_1604 : vector<16xi32>
        %select_n3A_1606 = arith.select %lt3A_1602, %add3A_1605, %xor3A_22 : vector<16xi1>, vector<16xi32>
        %broadcast_in_dim3A_1607 = vector.shape_cast %select_n3A_1606 : vector<16xi32> to vector<16x1xi32>
        %gather3A_1608 = vector.shape_cast %broadcast_in_dim3A_1607 : vector<16x1xi32> to vector<16xi32>
        %gather3A_1609 = tpu.dynamic_gather %add3A_1516[%gather3A_1608] in [0] : vector<16xf32>, vector<16xi32> -> vector<16xf32>
        %add3A_1610 = arith.addf %add3A_1516, %gather3A_1609 : vector<16xf32>
        %lt3A_1611 = arith.constant 0 : i32
        %lt3A_1612 = vector.broadcast %lt3A_1611 : i32 to vector<16xi32>
        %lt3A_1613 = arith.cmpi slt, %xor3A_22, %lt3A_1612 : vector<16xi32>
        %add3A_1614 = arith.constant 16 : i32
        %add3A_1615 = vector.broadcast %add3A_1614 : i32 to vector<16xi32>
        %add3A_1616 = arith.addi %xor3A_22, %add3A_1615 : vector<16xi32>
        %select_n3A_1617 = arith.select %lt3A_1613, %add3A_1616, %xor3A_22 : vector<16xi1>, vector<16xi32>
        %broadcast_in_dim3A_1618 = vector.shape_cast %select_n3A_1617 : vector<16xi32> to vector<16x1xi32>
        %gather3A_1619 = vector.shape_cast %broadcast_in_dim3A_1618 : vector<16x1xi32> to vector<16xi32>
        %gather3A_1620 = tpu.dynamic_gather %add3A_1599[%gather3A_1619] in [0] : vector<16xf32>, vector<16xi32> -> vector<16xf32>
        %add3A_1621 = arith.addf %add3A_1599, %gather3A_1620 : vector<16xf32>
        %select_n3A_1622 = arith.select %eq3A_193, %add3A_1610, %add3A_1621 : vector<16xi1>, vector<16xf32>
        %mul3A_1623 = arith.constant 16 : i32
        %mul3A_1624 = arith.muli %add3A_189, %mul3A_1623 : i32
        %add3A_1625 = arith.constant 14 : i32
        %add3A_1626 = arith.addi %mul3A_1624, %add3A_1625 : i32
        %get3A_1627 = arith.index_cast %rem3A_134 : i32 to index
        %get3A_1628 = arith.index_cast %add3A_1626 : i32 to index
        %get3A_1629 = arith.constant 0 : index
        %get3A_1630 = tpu.vector_load %arg11[%get3A_1627, %get3A_1628, %get3A_1629] {strides = array<i32>} : memref<2x64x128xf32, #tpu.memory_space<vmem>>, vector<16xf32>,
        %get3A_1631 = arith.index_cast %rem3A_134 : i32 to index
        %get3A_1632 = arith.index_cast %add3A_1626 : i32 to index
        %get3A_1633 = arith.constant 0 : index
        %get3A_1634 = tpu.vector_load %arg12[%get3A_1631, %get3A_1632, %get3A_1633] {strides = array<i32>} : memref<2x64x128xf32, #tpu.memory_space<vmem>>, vector<16xf32>,
        %mul3A_1635 = arith.mulf %get3A_1630, %get3A_1634 : vector<16xf32>
        %get3A_1636 = arith.index_cast %rem3A_134 : i32 to index
        %get3A_1637 = arith.index_cast %add3A_1626 : i32 to index
        %get3A_1638 = arith.constant 16 : index
        %get3A_1639 = tpu.vector_load %arg11[%get3A_1636, %get3A_1637, %get3A_1638] {strides = array<i32>} : memref<2x64x128xf32, #tpu.memory_space<vmem>>, vector<16xf32>,
        %get3A_1640 = arith.index_cast %rem3A_134 : i32 to index
        %get3A_1641 = arith.index_cast %add3A_1626 : i32 to index
        %get3A_1642 = arith.constant 16 : index
        %get3A_1643 = tpu.vector_load %arg12[%get3A_1640, %get3A_1641, %get3A_1642] {strides = array<i32>} : memref<2x64x128xf32, #tpu.memory_space<vmem>>, vector<16xf32>,
        %mul3A_1644 = arith.mulf %get3A_1639, %get3A_1643 : vector<16xf32>
        %add3A_1645 = arith.addf %mul3A_1635, %mul3A_1644 : vector<16xf32>
        %get3A_1646 = arith.index_cast %rem3A_134 : i32 to index
        %get3A_1647 = arith.index_cast %add3A_1626 : i32 to index
        %get3A_1648 = arith.constant 32 : index
        %get3A_1649 = tpu.vector_load %arg11[%get3A_1646, %get3A_1647, %get3A_1648] {strides = array<i32>} : memref<2x64x128xf32, #tpu.memory_space<vmem>>, vector<16xf32>,
        %get3A_1650 = arith.index_cast %rem3A_134 : i32 to index
        %get3A_1651 = arith.index_cast %add3A_1626 : i32 to index
        %get3A_1652 = arith.constant 32 : index
        %get3A_1653 = tpu.vector_load %arg12[%get3A_1650, %get3A_1651, %get3A_1652] {strides = array<i32>} : memref<2x64x128xf32, #tpu.memory_space<vmem>>, vector<16xf32>,
        %mul3A_1654 = arith.mulf %get3A_1649, %get3A_1653 : vector<16xf32>
        %add3A_1655 = arith.addf %add3A_1645, %mul3A_1654 : vector<16xf32>
        %get3A_1656 = arith.index_cast %rem3A_134 : i32 to index
        %get3A_1657 = arith.index_cast %add3A_1626 : i32 to index
        %get3A_1658 = arith.constant 48 : index
        %get3A_1659 = tpu.vector_load %arg11[%get3A_1656, %get3A_1657, %get3A_1658] {strides = array<i32>} : memref<2x64x128xf32, #tpu.memory_space<vmem>>, vector<16xf32>,
        %get3A_1660 = arith.index_cast %rem3A_134 : i32 to index
        %get3A_1661 = arith.index_cast %add3A_1626 : i32 to index
        %get3A_1662 = arith.constant 48 : index
        %get3A_1663 = tpu.vector_load %arg12[%get3A_1660, %get3A_1661, %get3A_1662] {strides = array<i32>} : memref<2x64x128xf32, #tpu.memory_space<vmem>>, vector<16xf32>,
        %mul3A_1664 = arith.mulf %get3A_1659, %get3A_1663 : vector<16xf32>
        %add3A_1665 = arith.addf %add3A_1655, %mul3A_1664 : vector<16xf32>
        %get3A_1666 = arith.index_cast %rem3A_134 : i32 to index
        %get3A_1667 = arith.index_cast %add3A_1626 : i32 to index
        %get3A_1668 = arith.constant 64 : index
        %get3A_1669 = tpu.vector_load %arg11[%get3A_1666, %get3A_1667, %get3A_1668] {strides = array<i32>} : memref<2x64x128xf32, #tpu.memory_space<vmem>>, vector<16xf32>,
        %get3A_1670 = arith.index_cast %rem3A_134 : i32 to index
        %get3A_1671 = arith.index_cast %add3A_1626 : i32 to index
        %get3A_1672 = arith.constant 64 : index
        %get3A_1673 = tpu.vector_load %arg12[%get3A_1670, %get3A_1671, %get3A_1672] {strides = array<i32>} : memref<2x64x128xf32, #tpu.memory_space<vmem>>, vector<16xf32>,
        %mul3A_1674 = arith.mulf %get3A_1669, %get3A_1673 : vector<16xf32>
        %add3A_1675 = arith.addf %add3A_1665, %mul3A_1674 : vector<16xf32>
        %get3A_1676 = arith.index_cast %rem3A_134 : i32 to index
        %get3A_1677 = arith.index_cast %add3A_1626 : i32 to index
        %get3A_1678 = arith.constant 80 : index
        %get3A_1679 = tpu.vector_load %arg11[%get3A_1676, %get3A_1677, %get3A_1678] {strides = array<i32>} : memref<2x64x128xf32, #tpu.memory_space<vmem>>, vector<16xf32>,
        %get3A_1680 = arith.index_cast %rem3A_134 : i32 to index
        %get3A_1681 = arith.index_cast %add3A_1626 : i32 to index
        %get3A_1682 = arith.constant 80 : index
        %get3A_1683 = tpu.vector_load %arg12[%get3A_1680, %get3A_1681, %get3A_1682] {strides = array<i32>} : memref<2x64x128xf32, #tpu.memory_space<vmem>>, vector<16xf32>,
        %mul3A_1684 = arith.mulf %get3A_1679, %get3A_1683 : vector<16xf32>
        %add3A_1685 = arith.addf %add3A_1675, %mul3A_1684 : vector<16xf32>
        %get3A_1686 = arith.index_cast %rem3A_134 : i32 to index
        %get3A_1687 = arith.index_cast %add3A_1626 : i32 to index
        %get3A_1688 = arith.constant 96 : index
        %get3A_1689 = tpu.vector_load %arg11[%get3A_1686, %get3A_1687, %get3A_1688] {strides = array<i32>} : memref<2x64x128xf32, #tpu.memory_space<vmem>>, vector<16xf32>,
        %get3A_1690 = arith.index_cast %rem3A_134 : i32 to index
        %get3A_1691 = arith.index_cast %add3A_1626 : i32 to index
        %get3A_1692 = arith.constant 96 : index
        %get3A_1693 = tpu.vector_load %arg12[%get3A_1690, %get3A_1691, %get3A_1692] {strides = array<i32>} : memref<2x64x128xf32, #tpu.memory_space<vmem>>, vector<16xf32>,
        %mul3A_1694 = arith.mulf %get3A_1689, %get3A_1693 : vector<16xf32>
        %add3A_1695 = arith.addf %add3A_1685, %mul3A_1694 : vector<16xf32>
        %get3A_1696 = arith.index_cast %rem3A_134 : i32 to index
        %get3A_1697 = arith.index_cast %add3A_1626 : i32 to index
        %get3A_1698 = arith.constant 112 : index
        %get3A_1699 = tpu.vector_load %arg11[%get3A_1696, %get3A_1697, %get3A_1698] {strides = array<i32>} : memref<2x64x128xf32, #tpu.memory_space<vmem>>, vector<16xf32>,
        %get3A_1700 = arith.index_cast %rem3A_134 : i32 to index
        %get3A_1701 = arith.index_cast %add3A_1626 : i32 to index
        %get3A_1702 = arith.constant 112 : index
        %get3A_1703 = tpu.vector_load %arg12[%get3A_1700, %get3A_1701, %get3A_1702] {strides = array<i32>} : memref<2x64x128xf32, #tpu.memory_space<vmem>>, vector<16xf32>,
        %mul3A_1704 = arith.mulf %get3A_1699, %get3A_1703 : vector<16xf32>
        %add3A_1705 = arith.addf %add3A_1695, %mul3A_1704 : vector<16xf32>
        %mul3A_1706 = arith.constant 16 : i32
        %mul3A_1707 = arith.muli %add3A_189, %mul3A_1706 : i32
        %add3A_1708 = arith.constant 15 : i32
        %add3A_1709 = arith.addi %mul3A_1707, %add3A_1708 : i32
        %get3A_1710 = arith.index_cast %rem3A_134 : i32 to index
        %get3A_1711 = arith.index_cast %add3A_1709 : i32 to index
        %get3A_1712 = arith.constant 0 : index
        %get3A_1713 = tpu.vector_load %arg11[%get3A_1710, %get3A_1711, %get3A_1712] {strides = array<i32>} : memref<2x64x128xf32, #tpu.memory_space<vmem>>, vector<16xf32>,
        %get3A_1714 = arith.index_cast %rem3A_134 : i32 to index
        %get3A_1715 = arith.index_cast %add3A_1709 : i32 to index
        %get3A_1716 = arith.constant 0 : index
        %get3A_1717 = tpu.vector_load %arg12[%get3A_1714, %get3A_1715, %get3A_1716] {strides = array<i32>} : memref<2x64x128xf32, #tpu.memory_space<vmem>>, vector<16xf32>,
        %mul3A_1718 = arith.mulf %get3A_1713, %get3A_1717 : vector<16xf32>
        %get3A_1719 = arith.index_cast %rem3A_134 : i32 to index
        %get3A_1720 = arith.index_cast %add3A_1709 : i32 to index
        %get3A_1721 = arith.constant 16 : index
        %get3A_1722 = tpu.vector_load %arg11[%get3A_1719, %get3A_1720, %get3A_1721] {strides = array<i32>} : memref<2x64x128xf32, #tpu.memory_space<vmem>>, vector<16xf32>,
        %get3A_1723 = arith.index_cast %rem3A_134 : i32 to index
        %get3A_1724 = arith.index_cast %add3A_1709 : i32 to index
        %get3A_1725 = arith.constant 16 : index
        %get3A_1726 = tpu.vector_load %arg12[%get3A_1723, %get3A_1724, %get3A_1725] {strides = array<i32>} : memref<2x64x128xf32, #tpu.memory_space<vmem>>, vector<16xf32>,
        %mul3A_1727 = arith.mulf %get3A_1722, %get3A_1726 : vector<16xf32>
        %add3A_1728 = arith.addf %mul3A_1718, %mul3A_1727 : vector<16xf32>
        %get3A_1729 = arith.index_cast %rem3A_134 : i32 to index
        %get3A_1730 = arith.index_cast %add3A_1709 : i32 to index
        %get3A_1731 = arith.constant 32 : index
        %get3A_1732 = tpu.vector_load %arg11[%get3A_1729, %get3A_1730, %get3A_1731] {strides = array<i32>} : memref<2x64x128xf32, #tpu.memory_space<vmem>>, vector<16xf32>,
        %get3A_1733 = arith.index_cast %rem3A_134 : i32 to index
        %get3A_1734 = arith.index_cast %add3A_1709 : i32 to index
        %get3A_1735 = arith.constant 32 : index
        %get3A_1736 = tpu.vector_load %arg12[%get3A_1733, %get3A_1734, %get3A_1735] {strides = array<i32>} : memref<2x64x128xf32, #tpu.memory_space<vmem>>, vector<16xf32>,
        %mul3A_1737 = arith.mulf %get3A_1732, %get3A_1736 : vector<16xf32>
        %add3A_1738 = arith.addf %add3A_1728, %mul3A_1737 : vector<16xf32>
        %get3A_1739 = arith.index_cast %rem3A_134 : i32 to index
        %get3A_1740 = arith.index_cast %add3A_1709 : i32 to index
        %get3A_1741 = arith.constant 48 : index
        %get3A_1742 = tpu.vector_load %arg11[%get3A_1739, %get3A_1740, %get3A_1741] {strides = array<i32>} : memref<2x64x128xf32, #tpu.memory_space<vmem>>, vector<16xf32>,
        %get3A_1743 = arith.index_cast %rem3A_134 : i32 to index
        %get3A_1744 = arith.index_cast %add3A_1709 : i32 to index
        %get3A_1745 = arith.constant 48 : index
        %get3A_1746 = tpu.vector_load %arg12[%get3A_1743, %get3A_1744, %get3A_1745] {strides = array<i32>} : memref<2x64x128xf32, #tpu.memory_space<vmem>>, vector<16xf32>,
        %mul3A_1747 = arith.mulf %get3A_1742, %get3A_1746 : vector<16xf32>
        %add3A_1748 = arith.addf %add3A_1738, %mul3A_1747 : vector<16xf32>
        %get3A_1749 = arith.index_cast %rem3A_134 : i32 to index
        %get3A_1750 = arith.index_cast %add3A_1709 : i32 to index
        %get3A_1751 = arith.constant 64 : index
        %get3A_1752 = tpu.vector_load %arg11[%get3A_1749, %get3A_1750, %get3A_1751] {strides = array<i32>} : memref<2x64x128xf32, #tpu.memory_space<vmem>>, vector<16xf32>,
        %get3A_1753 = arith.index_cast %rem3A_134 : i32 to index
        %get3A_1754 = arith.index_cast %add3A_1709 : i32 to index
        %get3A_1755 = arith.constant 64 : index
        %get3A_1756 = tpu.vector_load %arg12[%get3A_1753, %get3A_1754, %get3A_1755] {strides = array<i32>} : memref<2x64x128xf32, #tpu.memory_space<vmem>>, vector<16xf32>,
        %mul3A_1757 = arith.mulf %get3A_1752, %get3A_1756 : vector<16xf32>
        %add3A_1758 = arith.addf %add3A_1748, %mul3A_1757 : vector<16xf32>
        %get3A_1759 = arith.index_cast %rem3A_134 : i32 to index
        %get3A_1760 = arith.index_cast %add3A_1709 : i32 to index
        %get3A_1761 = arith.constant 80 : index
        %get3A_1762 = tpu.vector_load %arg11[%get3A_1759, %get3A_1760, %get3A_1761] {strides = array<i32>} : memref<2x64x128xf32, #tpu.memory_space<vmem>>, vector<16xf32>,
        %get3A_1763 = arith.index_cast %rem3A_134 : i32 to index
        %get3A_1764 = arith.index_cast %add3A_1709 : i32 to index
        %get3A_1765 = arith.constant 80 : index
        %get3A_1766 = tpu.vector_load %arg12[%get3A_1763, %get3A_1764, %get3A_1765] {strides = array<i32>} : memref<2x64x128xf32, #tpu.memory_space<vmem>>, vector<16xf32>,
        %mul3A_1767 = arith.mulf %get3A_1762, %get3A_1766 : vector<16xf32>
        %add3A_1768 = arith.addf %add3A_1758, %mul3A_1767 : vector<16xf32>
        %get3A_1769 = arith.index_cast %rem3A_134 : i32 to index
        %get3A_1770 = arith.index_cast %add3A_1709 : i32 to index
        %get3A_1771 = arith.constant 96 : index
        %get3A_1772 = tpu.vector_load %arg11[%get3A_1769, %get3A_1770, %get3A_1771] {strides = array<i32>} : memref<2x64x128xf32, #tpu.memory_space<vmem>>, vector<16xf32>,
        %get3A_1773 = arith.index_cast %rem3A_134 : i32 to index
        %get3A_1774 = arith.index_cast %add3A_1709 : i32 to index
        %get3A_1775 = arith.constant 96 : index
        %get3A_1776 = tpu.vector_load %arg12[%get3A_1773, %get3A_1774, %get3A_1775] {strides = array<i32>} : memref<2x64x128xf32, #tpu.memory_space<vmem>>, vector<16xf32>,
        %mul3A_1777 = arith.mulf %get3A_1772, %get3A_1776 : vector<16xf32>
        %add3A_1778 = arith.addf %add3A_1768, %mul3A_1777 : vector<16xf32>
        %get3A_1779 = arith.index_cast %rem3A_134 : i32 to index
        %get3A_1780 = arith.index_cast %add3A_1709 : i32 to index
        %get3A_1781 = arith.constant 112 : index
        %get3A_1782 = tpu.vector_load %arg11[%get3A_1779, %get3A_1780, %get3A_1781] {strides = array<i32>} : memref<2x64x128xf32, #tpu.memory_space<vmem>>, vector<16xf32>,
        %get3A_1783 = arith.index_cast %rem3A_134 : i32 to index
        %get3A_1784 = arith.index_cast %add3A_1709 : i32 to index
        %get3A_1785 = arith.constant 112 : index
        %get3A_1786 = tpu.vector_load %arg12[%get3A_1783, %get3A_1784, %get3A_1785] {strides = array<i32>} : memref<2x64x128xf32, #tpu.memory_space<vmem>>, vector<16xf32>,
        %mul3A_1787 = arith.mulf %get3A_1782, %get3A_1786 : vector<16xf32>
        %add3A_1788 = arith.addf %add3A_1778, %mul3A_1787 : vector<16xf32>
        %lt3A_1789 = arith.constant 0 : i32
        %lt3A_1790 = vector.broadcast %lt3A_1789 : i32 to vector<16xi32>
        %lt3A_1791 = arith.cmpi slt, %xor3A_22, %lt3A_1790 : vector<16xi32>
        %add3A_1792 = arith.constant 16 : i32
        %add3A_1793 = vector.broadcast %add3A_1792 : i32 to vector<16xi32>
        %add3A_1794 = arith.addi %xor3A_22, %add3A_1793 : vector<16xi32>
        %select_n3A_1795 = arith.select %lt3A_1791, %add3A_1794, %xor3A_22 : vector<16xi1>, vector<16xi32>
        %broadcast_in_dim3A_1796 = vector.shape_cast %select_n3A_1795 : vector<16xi32> to vector<16x1xi32>
        %gather3A_1797 = vector.shape_cast %broadcast_in_dim3A_1796 : vector<16x1xi32> to vector<16xi32>
        %gather3A_1798 = tpu.dynamic_gather %add3A_1705[%gather3A_1797] in [0] : vector<16xf32>, vector<16xi32> -> vector<16xf32>
        %add3A_1799 = arith.addf %add3A_1705, %gather3A_1798 : vector<16xf32>
        %lt3A_1800 = arith.constant 0 : i32
        %lt3A_1801 = vector.broadcast %lt3A_1800 : i32 to vector<16xi32>
        %lt3A_1802 = arith.cmpi slt, %xor3A_22, %lt3A_1801 : vector<16xi32>
        %add3A_1803 = arith.constant 16 : i32
        %add3A_1804 = vector.broadcast %add3A_1803 : i32 to vector<16xi32>
        %add3A_1805 = arith.addi %xor3A_22, %add3A_1804 : vector<16xi32>
        %select_n3A_1806 = arith.select %lt3A_1802, %add3A_1805, %xor3A_22 : vector<16xi1>, vector<16xi32>
        %broadcast_in_dim3A_1807 = vector.shape_cast %select_n3A_1806 : vector<16xi32> to vector<16x1xi32>
        %gather3A_1808 = vector.shape_cast %broadcast_in_dim3A_1807 : vector<16x1xi32> to vector<16xi32>
        %gather3A_1809 = tpu.dynamic_gather %add3A_1788[%gather3A_1808] in [0] : vector<16xf32>, vector<16xi32> -> vector<16xf32>
        %add3A_1810 = arith.addf %add3A_1788, %gather3A_1809 : vector<16xf32>
        %select_n3A_1811 = arith.select %eq3A_193, %add3A_1799, %add3A_1810 : vector<16xi1>, vector<16xf32>
        %lt3A_1812 = arith.constant 0 : i32
        %lt3A_1813 = vector.broadcast %lt3A_1812 : i32 to vector<16xi32>
        %lt3A_1814 = arith.cmpi slt, %xor3A_25, %lt3A_1813 : vector<16xi32>
        %add3A_1815 = arith.constant 16 : i32
        %add3A_1816 = vector.broadcast %add3A_1815 : i32 to vector<16xi32>
        %add3A_1817 = arith.addi %xor3A_25, %add3A_1816 : vector<16xi32>
        %select_n3A_1818 = arith.select %lt3A_1814, %add3A_1817, %xor3A_25 : vector<16xi1>, vector<16xi32>
        %broadcast_in_dim3A_1819 = vector.shape_cast %select_n3A_1818 : vector<16xi32> to vector<16x1xi32>
        %gather3A_1820 = vector.shape_cast %broadcast_in_dim3A_1819 : vector<16x1xi32> to vector<16xi32>
        %gather3A_1821 = tpu.dynamic_gather %select_n3A_1622[%gather3A_1820] in [0] : vector<16xf32>, vector<16xi32> -> vector<16xf32>
        %add3A_1822 = arith.addf %select_n3A_1622, %gather3A_1821 : vector<16xf32>
        %lt3A_1823 = arith.constant 0 : i32
        %lt3A_1824 = vector.broadcast %lt3A_1823 : i32 to vector<16xi32>
        %lt3A_1825 = arith.cmpi slt, %xor3A_25, %lt3A_1824 : vector<16xi32>
        %add3A_1826 = arith.constant 16 : i32
        %add3A_1827 = vector.broadcast %add3A_1826 : i32 to vector<16xi32>
        %add3A_1828 = arith.addi %xor3A_25, %add3A_1827 : vector<16xi32>
        %select_n3A_1829 = arith.select %lt3A_1825, %add3A_1828, %xor3A_25 : vector<16xi1>, vector<16xi32>
        %broadcast_in_dim3A_1830 = vector.shape_cast %select_n3A_1829 : vector<16xi32> to vector<16x1xi32>
        %gather3A_1831 = vector.shape_cast %broadcast_in_dim3A_1830 : vector<16x1xi32> to vector<16xi32>
        %gather3A_1832 = tpu.dynamic_gather %select_n3A_1811[%gather3A_1831] in [0] : vector<16xf32>, vector<16xi32> -> vector<16xf32>
        %add3A_1833 = arith.addf %select_n3A_1811, %gather3A_1832 : vector<16xf32>
        %select_n3A_1834 = arith.select %eq3A_199, %add3A_1822, %add3A_1833 : vector<16xi1>, vector<16xf32>
        %lt3A_1835 = arith.constant 0 : i32
        %lt3A_1836 = vector.broadcast %lt3A_1835 : i32 to vector<16xi32>
        %lt3A_1837 = arith.cmpi slt, %xor3A_28, %lt3A_1836 : vector<16xi32>
        %add3A_1838 = arith.constant 16 : i32
        %add3A_1839 = vector.broadcast %add3A_1838 : i32 to vector<16xi32>
        %add3A_1840 = arith.addi %xor3A_28, %add3A_1839 : vector<16xi32>
        %select_n3A_1841 = arith.select %lt3A_1837, %add3A_1840, %xor3A_28 : vector<16xi1>, vector<16xi32>
        %broadcast_in_dim3A_1842 = vector.shape_cast %select_n3A_1841 : vector<16xi32> to vector<16x1xi32>
        %gather3A_1843 = vector.shape_cast %broadcast_in_dim3A_1842 : vector<16x1xi32> to vector<16xi32>
        %gather3A_1844 = tpu.dynamic_gather %select_n3A_1433[%gather3A_1843] in [0] : vector<16xf32>, vector<16xi32> -> vector<16xf32>
        %add3A_1845 = arith.addf %select_n3A_1433, %gather3A_1844 : vector<16xf32>
        %lt3A_1846 = arith.constant 0 : i32
        %lt3A_1847 = vector.broadcast %lt3A_1846 : i32 to vector<16xi32>
        %lt3A_1848 = arith.cmpi slt, %xor3A_28, %lt3A_1847 : vector<16xi32>
        %add3A_1849 = arith.constant 16 : i32
        %add3A_1850 = vector.broadcast %add3A_1849 : i32 to vector<16xi32>
        %add3A_1851 = arith.addi %xor3A_28, %add3A_1850 : vector<16xi32>
        %select_n3A_1852 = arith.select %lt3A_1848, %add3A_1851, %xor3A_28 : vector<16xi1>, vector<16xi32>
        %broadcast_in_dim3A_1853 = vector.shape_cast %select_n3A_1852 : vector<16xi32> to vector<16x1xi32>
        %gather3A_1854 = vector.shape_cast %broadcast_in_dim3A_1853 : vector<16x1xi32> to vector<16xi32>
        %gather3A_1855 = tpu.dynamic_gather %select_n3A_1834[%gather3A_1854] in [0] : vector<16xf32>, vector<16xi32> -> vector<16xf32>
        %add3A_1856 = arith.addf %select_n3A_1834, %gather3A_1855 : vector<16xf32>
        %select_n3A_1857 = arith.select %eq3A_205, %add3A_1845, %add3A_1856 : vector<16xi1>, vector<16xf32>
        %lt3A_1858 = arith.constant 0 : i32
        %lt3A_1859 = vector.broadcast %lt3A_1858 : i32 to vector<16xi32>
        %lt3A_1860 = arith.cmpi slt, %xor3A_31, %lt3A_1859 : vector<16xi32>
        %add3A_1861 = arith.constant 16 : i32
        %add3A_1862 = vector.broadcast %add3A_1861 : i32 to vector<16xi32>
        %add3A_1863 = arith.addi %xor3A_31, %add3A_1862 : vector<16xi32>
        %select_n3A_1864 = arith.select %lt3A_1860, %add3A_1863, %xor3A_31 : vector<16xi1>, vector<16xi32>
        %broadcast_in_dim3A_1865 = vector.shape_cast %select_n3A_1864 : vector<16xi32> to vector<16x1xi32>
        %gather3A_1866 = vector.shape_cast %broadcast_in_dim3A_1865 : vector<16x1xi32> to vector<16xi32>
        %gather3A_1867 = tpu.dynamic_gather %select_n3A_1032[%gather3A_1866] in [0] : vector<16xf32>, vector<16xi32> -> vector<16xf32>
        %add3A_1868 = arith.addf %select_n3A_1032, %gather3A_1867 : vector<16xf32>
        %lt3A_1869 = arith.constant 0 : i32
        %lt3A_1870 = vector.broadcast %lt3A_1869 : i32 to vector<16xi32>
        %lt3A_1871 = arith.cmpi slt, %xor3A_31, %lt3A_1870 : vector<16xi32>
        %add3A_1872 = arith.constant 16 : i32
        %add3A_1873 = vector.broadcast %add3A_1872 : i32 to vector<16xi32>
        %add3A_1874 = arith.addi %xor3A_31, %add3A_1873 : vector<16xi32>
        %select_n3A_1875 = arith.select %lt3A_1871, %add3A_1874, %xor3A_31 : vector<16xi1>, vector<16xi32>
        %broadcast_in_dim3A_1876 = vector.shape_cast %select_n3A_1875 : vector<16xi32> to vector<16x1xi32>
        %gather3A_1877 = vector.shape_cast %broadcast_in_dim3A_1876 : vector<16x1xi32> to vector<16xi32>
        %gather3A_1878 = tpu.dynamic_gather %select_n3A_1857[%gather3A_1877] in [0] : vector<16xf32>, vector<16xi32> -> vector<16xf32>
        %add3A_1879 = arith.addf %select_n3A_1857, %gather3A_1878 : vector<16xf32>
        %select_n3A_1880 = arith.select %eq3A_211, %add3A_1868, %add3A_1879 : vector<16xi1>, vector<16xf32>
        %mul3A_1881 = arith.constant 16 : i32
        %mul3A_1882 = arith.muli %add3A_189, %mul3A_1881 : i32
        %get3A_1883 = arith.index_cast %rem3A_134 : i32 to index
        %get3A_1884 = arith.index_cast %mul3A_1882 : i32 to index
        %get3A_1885 = tpu.vector_load %arg13[%get3A_1883, %get3A_1884] {strides = array<i32>} : memref<2x64xf32, #tpu.memory_space<vmem>>, vector<16xf32>,
        %mul3A_1886 = arith.constant 16 : i32
        %mul3A_1887 = arith.muli %add3A_189, %mul3A_1886 : i32
        %get3A_1888 = arith.index_cast %rem3A_134 : i32 to index
        %get3A_1889 = arith.index_cast %mul3A_1887 : i32 to index
        %get3A_1890 = tpu.vector_load %arg14[%get3A_1888, %get3A_1889] {strides = array<i32>} : memref<2x64xf32, #tpu.memory_space<vmem>>, vector<16xf32>,
        %add3A_1891 = arith.addf %select_n3A_1880, %get3A_1885 : vector<16xf32>
        %add3A_1892 = arith.addf %add3A_1891, %get3A_1890 : vector<16xf32>
        %add3A_1893 = arith.constant 3.500000e+00 : f32
        %add3A_1894 = vector.broadcast %add3A_1893 : f32 to vector<16xf32>
        %add3A_1895 = arith.addf %add3A_1892, %add3A_1894 : vector<16xf32>
        %mul3A_1896 = arith.constant 64 : i32
        %mul3A_1897 = arith.muli %scan3A_133, %mul3A_1896 : i32
        %mul3A_1898 = arith.constant 16 : i32
        %mul3A_1899 = arith.muli %add3A_189, %mul3A_1898 : i32
        %add3A_1900 = arith.addi %mul3A_1897, %mul3A_1899 : i32
        %swap3A = arith.index_cast %add3A_1900 : i32 to index
        %swap3A_1901 = tpu.vector_load %arg15[%swap3A] {strides = array<i32>} : memref<512xf32, #tpu.memory_space<vmem>>, vector<16xf32>,
        tpu.vector_store %arg15[%swap3A], %add3A_1895 {strides = array<i32>} : memref<512xf32, #tpu.memory_space<vmem>>, vector<16xf32>,
        %mul3A_1902 = arith.constant 2 : i32
        %mul3A_1903 = arith.muli %scan3A_185, %mul3A_1902 : i32
        %add3A_1904 = arith.constant 1 : i32
        %add3A_1905 = arith.addi %mul3A_1903, %add3A_1904 : i32
        %and3A_1906 = arith.constant 1 : i32
        %and3A_1907 = vector.broadcast %and3A_1906 : i32 to vector<16xi32>
        %and3A_1908 = arith.andi %iota3A, %and3A_1907 : vector<16xi32>
        %eq3A_1909 = arith.constant 0 : i32
        %eq3A_1910 = vector.broadcast %eq3A_1909 : i32 to vector<16xi32>
        %eq3A_1911 = arith.cmpi eq, %and3A_1908, %eq3A_1910 : vector<16xi32>
        %and3A_1912 = arith.constant 2 : i32
        %and3A_1913 = vector.broadcast %and3A_1912 : i32 to vector<16xi32>
        %and3A_1914 = arith.andi %iota3A, %and3A_1913 : vector<16xi32>
        %eq3A_1915 = arith.constant 0 : i32
        %eq3A_1916 = vector.broadcast %eq3A_1915 : i32 to vector<16xi32>
        %eq3A_1917 = arith.cmpi eq, %and3A_1914, %eq3A_1916 : vector<16xi32>
        %and3A_1918 = arith.constant 4 : i32
        %and3A_1919 = vector.broadcast %and3A_1918 : i32 to vector<16xi32>
        %and3A_1920 = arith.andi %iota3A, %and3A_1919 : vector<16xi32>
        %eq3A_1921 = arith.constant 0 : i32
        %eq3A_1922 = vector.broadcast %eq3A_1921 : i32 to vector<16xi32>
        %eq3A_1923 = arith.cmpi eq, %and3A_1920, %eq3A_1922 : vector<16xi32>
        %and3A_1924 = arith.constant 8 : i32
        %and3A_1925 = vector.broadcast %and3A_1924 : i32 to vector<16xi32>
        %and3A_1926 = arith.andi %iota3A, %and3A_1925 : vector<16xi32>
        %eq3A_1927 = arith.constant 0 : i32
        %eq3A_1928 = vector.broadcast %eq3A_1927 : i32 to vector<16xi32>
        %eq3A_1929 = arith.cmpi eq, %and3A_1926, %eq3A_1928 : vector<16xi32>
        %mul3A_1930 = arith.constant 16 : i32
        %mul3A_1931 = arith.muli %add3A_1905, %mul3A_1930 : i32
        %add3A_1932 = arith.constant 0 : i32
        %add3A_1933 = arith.addi %mul3A_1931, %add3A_1932 : i32
        %get3A_1934 = arith.index_cast %rem3A_134 : i32 to index
        %get3A_1935 = arith.index_cast %add3A_1933 : i32 to index
        %get3A_1936 = arith.constant 0 : index
        %get3A_1937 = tpu.vector_load %arg11[%get3A_1934, %get3A_1935, %get3A_1936] {strides = array<i32>} : memref<2x64x128xf32, #tpu.memory_space<vmem>>, vector<16xf32>,
        %get3A_1938 = arith.index_cast %rem3A_134 : i32 to index
        %get3A_1939 = arith.index_cast %add3A_1933 : i32 to index
        %get3A_1940 = arith.constant 0 : index
        %get3A_1941 = tpu.vector_load %arg12[%get3A_1938, %get3A_1939, %get3A_1940] {strides = array<i32>} : memref<2x64x128xf32, #tpu.memory_space<vmem>>, vector<16xf32>,
        %mul3A_1942 = arith.mulf %get3A_1937, %get3A_1941 : vector<16xf32>
        %get3A_1943 = arith.index_cast %rem3A_134 : i32 to index
        %get3A_1944 = arith.index_cast %add3A_1933 : i32 to index
        %get3A_1945 = arith.constant 16 : index
        %get3A_1946 = tpu.vector_load %arg11[%get3A_1943, %get3A_1944, %get3A_1945] {strides = array<i32>} : memref<2x64x128xf32, #tpu.memory_space<vmem>>, vector<16xf32>,
        %get3A_1947 = arith.index_cast %rem3A_134 : i32 to index
        %get3A_1948 = arith.index_cast %add3A_1933 : i32 to index
        %get3A_1949 = arith.constant 16 : index
        %get3A_1950 = tpu.vector_load %arg12[%get3A_1947, %get3A_1948, %get3A_1949] {strides = array<i32>} : memref<2x64x128xf32, #tpu.memory_space<vmem>>, vector<16xf32>,
        %mul3A_1951 = arith.mulf %get3A_1946, %get3A_1950 : vector<16xf32>
        %add3A_1952 = arith.addf %mul3A_1942, %mul3A_1951 : vector<16xf32>
        %get3A_1953 = arith.index_cast %rem3A_134 : i32 to index
        %get3A_1954 = arith.index_cast %add3A_1933 : i32 to index
        %get3A_1955 = arith.constant 32 : index
        %get3A_1956 = tpu.vector_load %arg11[%get3A_1953, %get3A_1954, %get3A_1955] {strides = array<i32>} : memref<2x64x128xf32, #tpu.memory_space<vmem>>, vector<16xf32>,
        %get3A_1957 = arith.index_cast %rem3A_134 : i32 to index
        %get3A_1958 = arith.index_cast %add3A_1933 : i32 to index
        %get3A_1959 = arith.constant 32 : index
        %get3A_1960 = tpu.vector_load %arg12[%get3A_1957, %get3A_1958, %get3A_1959] {strides = array<i32>} : memref<2x64x128xf32, #tpu.memory_space<vmem>>, vector<16xf32>,
        %mul3A_1961 = arith.mulf %get3A_1956, %get3A_1960 : vector<16xf32>
        %add3A_1962 = arith.addf %add3A_1952, %mul3A_1961 : vector<16xf32>
        %get3A_1963 = arith.index_cast %rem3A_134 : i32 to index
        %get3A_1964 = arith.index_cast %add3A_1933 : i32 to index
        %get3A_1965 = arith.constant 48 : index
        %get3A_1966 = tpu.vector_load %arg11[%get3A_1963, %get3A_1964, %get3A_1965] {strides = array<i32>} : memref<2x64x128xf32, #tpu.memory_space<vmem>>, vector<16xf32>,
        %get3A_1967 = arith.index_cast %rem3A_134 : i32 to index
        %get3A_1968 = arith.index_cast %add3A_1933 : i32 to index
        %get3A_1969 = arith.constant 48 : index
        %get3A_1970 = tpu.vector_load %arg12[%get3A_1967, %get3A_1968, %get3A_1969] {strides = array<i32>} : memref<2x64x128xf32, #tpu.memory_space<vmem>>, vector<16xf32>,
        %mul3A_1971 = arith.mulf %get3A_1966, %get3A_1970 : vector<16xf32>
        %add3A_1972 = arith.addf %add3A_1962, %mul3A_1971 : vector<16xf32>
        %get3A_1973 = arith.index_cast %rem3A_134 : i32 to index
        %get3A_1974 = arith.index_cast %add3A_1933 : i32 to index
        %get3A_1975 = arith.constant 64 : index
        %get3A_1976 = tpu.vector_load %arg11[%get3A_1973, %get3A_1974, %get3A_1975] {strides = array<i32>} : memref<2x64x128xf32, #tpu.memory_space<vmem>>, vector<16xf32>,
        %get3A_1977 = arith.index_cast %rem3A_134 : i32 to index
        %get3A_1978 = arith.index_cast %add3A_1933 : i32 to index
        %get3A_1979 = arith.constant 64 : index
        %get3A_1980 = tpu.vector_load %arg12[%get3A_1977, %get3A_1978, %get3A_1979] {strides = array<i32>} : memref<2x64x128xf32, #tpu.memory_space<vmem>>, vector<16xf32>,
        %mul3A_1981 = arith.mulf %get3A_1976, %get3A_1980 : vector<16xf32>
        %add3A_1982 = arith.addf %add3A_1972, %mul3A_1981 : vector<16xf32>
        %get3A_1983 = arith.index_cast %rem3A_134 : i32 to index
        %get3A_1984 = arith.index_cast %add3A_1933 : i32 to index
        %get3A_1985 = arith.constant 80 : index
        %get3A_1986 = tpu.vector_load %arg11[%get3A_1983, %get3A_1984, %get3A_1985] {strides = array<i32>} : memref<2x64x128xf32, #tpu.memory_space<vmem>>, vector<16xf32>,
        %get3A_1987 = arith.index_cast %rem3A_134 : i32 to index
        %get3A_1988 = arith.index_cast %add3A_1933 : i32 to index
        %get3A_1989 = arith.constant 80 : index
        %get3A_1990 = tpu.vector_load %arg12[%get3A_1987, %get3A_1988, %get3A_1989] {strides = array<i32>} : memref<2x64x128xf32, #tpu.memory_space<vmem>>, vector<16xf32>,
        %mul3A_1991 = arith.mulf %get3A_1986, %get3A_1990 : vector<16xf32>
        %add3A_1992 = arith.addf %add3A_1982, %mul3A_1991 : vector<16xf32>
        %get3A_1993 = arith.index_cast %rem3A_134 : i32 to index
        %get3A_1994 = arith.index_cast %add3A_1933 : i32 to index
        %get3A_1995 = arith.constant 96 : index
        %get3A_1996 = tpu.vector_load %arg11[%get3A_1993, %get3A_1994, %get3A_1995] {strides = array<i32>} : memref<2x64x128xf32, #tpu.memory_space<vmem>>, vector<16xf32>,
        %get3A_1997 = arith.index_cast %rem3A_134 : i32 to index
        %get3A_1998 = arith.index_cast %add3A_1933 : i32 to index
        %get3A_1999 = arith.constant 96 : index
        %get3A_2000 = tpu.vector_load %arg12[%get3A_1997, %get3A_1998, %get3A_1999] {strides = array<i32>} : memref<2x64x128xf32, #tpu.memory_space<vmem>>, vector<16xf32>,
        %mul3A_2001 = arith.mulf %get3A_1996, %get3A_2000 : vector<16xf32>
        %add3A_2002 = arith.addf %add3A_1992, %mul3A_2001 : vector<16xf32>
        %get3A_2003 = arith.index_cast %rem3A_134 : i32 to index
        %get3A_2004 = arith.index_cast %add3A_1933 : i32 to index
        %get3A_2005 = arith.constant 112 : index
        %get3A_2006 = tpu.vector_load %arg11[%get3A_2003, %get3A_2004, %get3A_2005] {strides = array<i32>} : memref<2x64x128xf32, #tpu.memory_space<vmem>>, vector<16xf32>,
        %get3A_2007 = arith.index_cast %rem3A_134 : i32 to index
        %get3A_2008 = arith.index_cast %add3A_1933 : i32 to index
        %get3A_2009 = arith.constant 112 : index
        %get3A_2010 = tpu.vector_load %arg12[%get3A_2007, %get3A_2008, %get3A_2009] {strides = array<i32>} : memref<2x64x128xf32, #tpu.memory_space<vmem>>, vector<16xf32>,
        %mul3A_2011 = arith.mulf %get3A_2006, %get3A_2010 : vector<16xf32>
        %add3A_2012 = arith.addf %add3A_2002, %mul3A_2011 : vector<16xf32>
        %mul3A_2013 = arith.constant 16 : i32
        %mul3A_2014 = arith.muli %add3A_1905, %mul3A_2013 : i32
        %add3A_2015 = arith.constant 1 : i32
        %add3A_2016 = arith.addi %mul3A_2014, %add3A_2015 : i32
        %get3A_2017 = arith.index_cast %rem3A_134 : i32 to index
        %get3A_2018 = arith.index_cast %add3A_2016 : i32 to index
        %get3A_2019 = arith.constant 0 : index
        %get3A_2020 = tpu.vector_load %arg11[%get3A_2017, %get3A_2018, %get3A_2019] {strides = array<i32>} : memref<2x64x128xf32, #tpu.memory_space<vmem>>, vector<16xf32>,
        %get3A_2021 = arith.index_cast %rem3A_134 : i32 to index
        %get3A_2022 = arith.index_cast %add3A_2016 : i32 to index
        %get3A_2023 = arith.constant 0 : index
        %get3A_2024 = tpu.vector_load %arg12[%get3A_2021, %get3A_2022, %get3A_2023] {strides = array<i32>} : memref<2x64x128xf32, #tpu.memory_space<vmem>>, vector<16xf32>,
        %mul3A_2025 = arith.mulf %get3A_2020, %get3A_2024 : vector<16xf32>
        %get3A_2026 = arith.index_cast %rem3A_134 : i32 to index
        %get3A_2027 = arith.index_cast %add3A_2016 : i32 to index
        %get3A_2028 = arith.constant 16 : index
        %get3A_2029 = tpu.vector_load %arg11[%get3A_2026, %get3A_2027, %get3A_2028] {strides = array<i32>} : memref<2x64x128xf32, #tpu.memory_space<vmem>>, vector<16xf32>,
        %get3A_2030 = arith.index_cast %rem3A_134 : i32 to index
        %get3A_2031 = arith.index_cast %add3A_2016 : i32 to index
        %get3A_2032 = arith.constant 16 : index
        %get3A_2033 = tpu.vector_load %arg12[%get3A_2030, %get3A_2031, %get3A_2032] {strides = array<i32>} : memref<2x64x128xf32, #tpu.memory_space<vmem>>, vector<16xf32>,
        %mul3A_2034 = arith.mulf %get3A_2029, %get3A_2033 : vector<16xf32>
        %add3A_2035 = arith.addf %mul3A_2025, %mul3A_2034 : vector<16xf32>
        %get3A_2036 = arith.index_cast %rem3A_134 : i32 to index
        %get3A_2037 = arith.index_cast %add3A_2016 : i32 to index
        %get3A_2038 = arith.constant 32 : index
        %get3A_2039 = tpu.vector_load %arg11[%get3A_2036, %get3A_2037, %get3A_2038] {strides = array<i32>} : memref<2x64x128xf32, #tpu.memory_space<vmem>>, vector<16xf32>,
        %get3A_2040 = arith.index_cast %rem3A_134 : i32 to index
        %get3A_2041 = arith.index_cast %add3A_2016 : i32 to index
        %get3A_2042 = arith.constant 32 : index
        %get3A_2043 = tpu.vector_load %arg12[%get3A_2040, %get3A_2041, %get3A_2042] {strides = array<i32>} : memref<2x64x128xf32, #tpu.memory_space<vmem>>, vector<16xf32>,
        %mul3A_2044 = arith.mulf %get3A_2039, %get3A_2043 : vector<16xf32>
        %add3A_2045 = arith.addf %add3A_2035, %mul3A_2044 : vector<16xf32>
        %get3A_2046 = arith.index_cast %rem3A_134 : i32 to index
        %get3A_2047 = arith.index_cast %add3A_2016 : i32 to index
        %get3A_2048 = arith.constant 48 : index
        %get3A_2049 = tpu.vector_load %arg11[%get3A_2046, %get3A_2047, %get3A_2048] {strides = array<i32>} : memref<2x64x128xf32, #tpu.memory_space<vmem>>, vector<16xf32>,
        %get3A_2050 = arith.index_cast %rem3A_134 : i32 to index
        %get3A_2051 = arith.index_cast %add3A_2016 : i32 to index
        %get3A_2052 = arith.constant 48 : index
        %get3A_2053 = tpu.vector_load %arg12[%get3A_2050, %get3A_2051, %get3A_2052] {strides = array<i32>} : memref<2x64x128xf32, #tpu.memory_space<vmem>>, vector<16xf32>,
        %mul3A_2054 = arith.mulf %get3A_2049, %get3A_2053 : vector<16xf32>
        %add3A_2055 = arith.addf %add3A_2045, %mul3A_2054 : vector<16xf32>
        %get3A_2056 = arith.index_cast %rem3A_134 : i32 to index
        %get3A_2057 = arith.index_cast %add3A_2016 : i32 to index
        %get3A_2058 = arith.constant 64 : index
        %get3A_2059 = tpu.vector_load %arg11[%get3A_2056, %get3A_2057, %get3A_2058] {strides = array<i32>} : memref<2x64x128xf32, #tpu.memory_space<vmem>>, vector<16xf32>,
        %get3A_2060 = arith.index_cast %rem3A_134 : i32 to index
        %get3A_2061 = arith.index_cast %add3A_2016 : i32 to index
        %get3A_2062 = arith.constant 64 : index
        %get3A_2063 = tpu.vector_load %arg12[%get3A_2060, %get3A_2061, %get3A_2062] {strides = array<i32>} : memref<2x64x128xf32, #tpu.memory_space<vmem>>, vector<16xf32>,
        %mul3A_2064 = arith.mulf %get3A_2059, %get3A_2063 : vector<16xf32>
        %add3A_2065 = arith.addf %add3A_2055, %mul3A_2064 : vector<16xf32>
        %get3A_2066 = arith.index_cast %rem3A_134 : i32 to index
        %get3A_2067 = arith.index_cast %add3A_2016 : i32 to index
        %get3A_2068 = arith.constant 80 : index
        %get3A_2069 = tpu.vector_load %arg11[%get3A_2066, %get3A_2067, %get3A_2068] {strides = array<i32>} : memref<2x64x128xf32, #tpu.memory_space<vmem>>, vector<16xf32>,
        %get3A_2070 = arith.index_cast %rem3A_134 : i32 to index
        %get3A_2071 = arith.index_cast %add3A_2016 : i32 to index
        %get3A_2072 = arith.constant 80 : index
        %get3A_2073 = tpu.vector_load %arg12[%get3A_2070, %get3A_2071, %get3A_2072] {strides = array<i32>} : memref<2x64x128xf32, #tpu.memory_space<vmem>>, vector<16xf32>,
        %mul3A_2074 = arith.mulf %get3A_2069, %get3A_2073 : vector<16xf32>
        %add3A_2075 = arith.addf %add3A_2065, %mul3A_2074 : vector<16xf32>
        %get3A_2076 = arith.index_cast %rem3A_134 : i32 to index
        %get3A_2077 = arith.index_cast %add3A_2016 : i32 to index
        %get3A_2078 = arith.constant 96 : index
        %get3A_2079 = tpu.vector_load %arg11[%get3A_2076, %get3A_2077, %get3A_2078] {strides = array<i32>} : memref<2x64x128xf32, #tpu.memory_space<vmem>>, vector<16xf32>,
        %get3A_2080 = arith.index_cast %rem3A_134 : i32 to index
        %get3A_2081 = arith.index_cast %add3A_2016 : i32 to index
        %get3A_2082 = arith.constant 96 : index
        %get3A_2083 = tpu.vector_load %arg12[%get3A_2080, %get3A_2081, %get3A_2082] {strides = array<i32>} : memref<2x64x128xf32, #tpu.memory_space<vmem>>, vector<16xf32>,
        %mul3A_2084 = arith.mulf %get3A_2079, %get3A_2083 : vector<16xf32>
        %add3A_2085 = arith.addf %add3A_2075, %mul3A_2084 : vector<16xf32>
        %get3A_2086 = arith.index_cast %rem3A_134 : i32 to index
        %get3A_2087 = arith.index_cast %add3A_2016 : i32 to index
        %get3A_2088 = arith.constant 112 : index
        %get3A_2089 = tpu.vector_load %arg11[%get3A_2086, %get3A_2087, %get3A_2088] {strides = array<i32>} : memref<2x64x128xf32, #tpu.memory_space<vmem>>, vector<16xf32>,
        %get3A_2090 = arith.index_cast %rem3A_134 : i32 to index
        %get3A_2091 = arith.index_cast %add3A_2016 : i32 to index
        %get3A_2092 = arith.constant 112 : index
        %get3A_2093 = tpu.vector_load %arg12[%get3A_2090, %get3A_2091, %get3A_2092] {strides = array<i32>} : memref<2x64x128xf32, #tpu.memory_space<vmem>>, vector<16xf32>,
        %mul3A_2094 = arith.mulf %get3A_2089, %get3A_2093 : vector<16xf32>
        %add3A_2095 = arith.addf %add3A_2085, %mul3A_2094 : vector<16xf32>
        %lt3A_2096 = arith.constant 0 : i32
        %lt3A_2097 = vector.broadcast %lt3A_2096 : i32 to vector<16xi32>
        %lt3A_2098 = arith.cmpi slt, %xor3A_22, %lt3A_2097 : vector<16xi32>
        %add3A_2099 = arith.constant 16 : i32
        %add3A_2100 = vector.broadcast %add3A_2099 : i32 to vector<16xi32>
        %add3A_2101 = arith.addi %xor3A_22, %add3A_2100 : vector<16xi32>
        %select_n3A_2102 = arith.select %lt3A_2098, %add3A_2101, %xor3A_22 : vector<16xi1>, vector<16xi32>
        %broadcast_in_dim3A_2103 = vector.shape_cast %select_n3A_2102 : vector<16xi32> to vector<16x1xi32>
        %gather3A_2104 = vector.shape_cast %broadcast_in_dim3A_2103 : vector<16x1xi32> to vector<16xi32>
        %gather3A_2105 = tpu.dynamic_gather %add3A_2012[%gather3A_2104] in [0] : vector<16xf32>, vector<16xi32> -> vector<16xf32>
        %add3A_2106 = arith.addf %add3A_2012, %gather3A_2105 : vector<16xf32>
        %lt3A_2107 = arith.constant 0 : i32
        %lt3A_2108 = vector.broadcast %lt3A_2107 : i32 to vector<16xi32>
        %lt3A_2109 = arith.cmpi slt, %xor3A_22, %lt3A_2108 : vector<16xi32>
        %add3A_2110 = arith.constant 16 : i32
        %add3A_2111 = vector.broadcast %add3A_2110 : i32 to vector<16xi32>
        %add3A_2112 = arith.addi %xor3A_22, %add3A_2111 : vector<16xi32>
        %select_n3A_2113 = arith.select %lt3A_2109, %add3A_2112, %xor3A_22 : vector<16xi1>, vector<16xi32>
        %broadcast_in_dim3A_2114 = vector.shape_cast %select_n3A_2113 : vector<16xi32> to vector<16x1xi32>
        %gather3A_2115 = vector.shape_cast %broadcast_in_dim3A_2114 : vector<16x1xi32> to vector<16xi32>
        %gather3A_2116 = tpu.dynamic_gather %add3A_2095[%gather3A_2115] in [0] : vector<16xf32>, vector<16xi32> -> vector<16xf32>
        %add3A_2117 = arith.addf %add3A_2095, %gather3A_2116 : vector<16xf32>
        %select_n3A_2118 = arith.select %eq3A_1911, %add3A_2106, %add3A_2117 : vector<16xi1>, vector<16xf32>
        %mul3A_2119 = arith.constant 16 : i32
        %mul3A_2120 = arith.muli %add3A_1905, %mul3A_2119 : i32
        %add3A_2121 = arith.constant 2 : i32
        %add3A_2122 = arith.addi %mul3A_2120, %add3A_2121 : i32
        %get3A_2123 = arith.index_cast %rem3A_134 : i32 to index
        %get3A_2124 = arith.index_cast %add3A_2122 : i32 to index
        %get3A_2125 = arith.constant 0 : index
        %get3A_2126 = tpu.vector_load %arg11[%get3A_2123, %get3A_2124, %get3A_2125] {strides = array<i32>} : memref<2x64x128xf32, #tpu.memory_space<vmem>>, vector<16xf32>,
        %get3A_2127 = arith.index_cast %rem3A_134 : i32 to index
        %get3A_2128 = arith.index_cast %add3A_2122 : i32 to index
        %get3A_2129 = arith.constant 0 : index
        %get3A_2130 = tpu.vector_load %arg12[%get3A_2127, %get3A_2128, %get3A_2129] {strides = array<i32>} : memref<2x64x128xf32, #tpu.memory_space<vmem>>, vector<16xf32>,
        %mul3A_2131 = arith.mulf %get3A_2126, %get3A_2130 : vector<16xf32>
        %get3A_2132 = arith.index_cast %rem3A_134 : i32 to index
        %get3A_2133 = arith.index_cast %add3A_2122 : i32 to index
        %get3A_2134 = arith.constant 16 : index
        %get3A_2135 = tpu.vector_load %arg11[%get3A_2132, %get3A_2133, %get3A_2134] {strides = array<i32>} : memref<2x64x128xf32, #tpu.memory_space<vmem>>, vector<16xf32>,
        %get3A_2136 = arith.index_cast %rem3A_134 : i32 to index
        %get3A_2137 = arith.index_cast %add3A_2122 : i32 to index
        %get3A_2138 = arith.constant 16 : index
        %get3A_2139 = tpu.vector_load %arg12[%get3A_2136, %get3A_2137, %get3A_2138] {strides = array<i32>} : memref<2x64x128xf32, #tpu.memory_space<vmem>>, vector<16xf32>,
        %mul3A_2140 = arith.mulf %get3A_2135, %get3A_2139 : vector<16xf32>
        %add3A_2141 = arith.addf %mul3A_2131, %mul3A_2140 : vector<16xf32>
        %get3A_2142 = arith.index_cast %rem3A_134 : i32 to index
        %get3A_2143 = arith.index_cast %add3A_2122 : i32 to index
        %get3A_2144 = arith.constant 32 : index
        %get3A_2145 = tpu.vector_load %arg11[%get3A_2142, %get3A_2143, %get3A_2144] {strides = array<i32>} : memref<2x64x128xf32, #tpu.memory_space<vmem>>, vector<16xf32>,
        %get3A_2146 = arith.index_cast %rem3A_134 : i32 to index
        %get3A_2147 = arith.index_cast %add3A_2122 : i32 to index
        %get3A_2148 = arith.constant 32 : index
        %get3A_2149 = tpu.vector_load %arg12[%get3A_2146, %get3A_2147, %get3A_2148] {strides = array<i32>} : memref<2x64x128xf32, #tpu.memory_space<vmem>>, vector<16xf32>,
        %mul3A_2150 = arith.mulf %get3A_2145, %get3A_2149 : vector<16xf32>
        %add3A_2151 = arith.addf %add3A_2141, %mul3A_2150 : vector<16xf32>
        %get3A_2152 = arith.index_cast %rem3A_134 : i32 to index
        %get3A_2153 = arith.index_cast %add3A_2122 : i32 to index
        %get3A_2154 = arith.constant 48 : index
        %get3A_2155 = tpu.vector_load %arg11[%get3A_2152, %get3A_2153, %get3A_2154] {strides = array<i32>} : memref<2x64x128xf32, #tpu.memory_space<vmem>>, vector<16xf32>,
        %get3A_2156 = arith.index_cast %rem3A_134 : i32 to index
        %get3A_2157 = arith.index_cast %add3A_2122 : i32 to index
        %get3A_2158 = arith.constant 48 : index
        %get3A_2159 = tpu.vector_load %arg12[%get3A_2156, %get3A_2157, %get3A_2158] {strides = array<i32>} : memref<2x64x128xf32, #tpu.memory_space<vmem>>, vector<16xf32>,
        %mul3A_2160 = arith.mulf %get3A_2155, %get3A_2159 : vector<16xf32>
        %add3A_2161 = arith.addf %add3A_2151, %mul3A_2160 : vector<16xf32>
        %get3A_2162 = arith.index_cast %rem3A_134 : i32 to index
        %get3A_2163 = arith.index_cast %add3A_2122 : i32 to index
        %get3A_2164 = arith.constant 64 : index
        %get3A_2165 = tpu.vector_load %arg11[%get3A_2162, %get3A_2163, %get3A_2164] {strides = array<i32>} : memref<2x64x128xf32, #tpu.memory_space<vmem>>, vector<16xf32>,
        %get3A_2166 = arith.index_cast %rem3A_134 : i32 to index
        %get3A_2167 = arith.index_cast %add3A_2122 : i32 to index
        %get3A_2168 = arith.constant 64 : index
        %get3A_2169 = tpu.vector_load %arg12[%get3A_2166, %get3A_2167, %get3A_2168] {strides = array<i32>} : memref<2x64x128xf32, #tpu.memory_space<vmem>>, vector<16xf32>,
        %mul3A_2170 = arith.mulf %get3A_2165, %get3A_2169 : vector<16xf32>
        %add3A_2171 = arith.addf %add3A_2161, %mul3A_2170 : vector<16xf32>
        %get3A_2172 = arith.index_cast %rem3A_134 : i32 to index
        %get3A_2173 = arith.index_cast %add3A_2122 : i32 to index
        %get3A_2174 = arith.constant 80 : index
        %get3A_2175 = tpu.vector_load %arg11[%get3A_2172, %get3A_2173, %get3A_2174] {strides = array<i32>} : memref<2x64x128xf32, #tpu.memory_space<vmem>>, vector<16xf32>,
        %get3A_2176 = arith.index_cast %rem3A_134 : i32 to index
        %get3A_2177 = arith.index_cast %add3A_2122 : i32 to index
        %get3A_2178 = arith.constant 80 : index
        %get3A_2179 = tpu.vector_load %arg12[%get3A_2176, %get3A_2177, %get3A_2178] {strides = array<i32>} : memref<2x64x128xf32, #tpu.memory_space<vmem>>, vector<16xf32>,
        %mul3A_2180 = arith.mulf %get3A_2175, %get3A_2179 : vector<16xf32>
        %add3A_2181 = arith.addf %add3A_2171, %mul3A_2180 : vector<16xf32>
        %get3A_2182 = arith.index_cast %rem3A_134 : i32 to index
        %get3A_2183 = arith.index_cast %add3A_2122 : i32 to index
        %get3A_2184 = arith.constant 96 : index
        %get3A_2185 = tpu.vector_load %arg11[%get3A_2182, %get3A_2183, %get3A_2184] {strides = array<i32>} : memref<2x64x128xf32, #tpu.memory_space<vmem>>, vector<16xf32>,
        %get3A_2186 = arith.index_cast %rem3A_134 : i32 to index
        %get3A_2187 = arith.index_cast %add3A_2122 : i32 to index
        %get3A_2188 = arith.constant 96 : index
        %get3A_2189 = tpu.vector_load %arg12[%get3A_2186, %get3A_2187, %get3A_2188] {strides = array<i32>} : memref<2x64x128xf32, #tpu.memory_space<vmem>>, vector<16xf32>,
        %mul3A_2190 = arith.mulf %get3A_2185, %get3A_2189 : vector<16xf32>
        %add3A_2191 = arith.addf %add3A_2181, %mul3A_2190 : vector<16xf32>
        %get3A_2192 = arith.index_cast %rem3A_134 : i32 to index
        %get3A_2193 = arith.index_cast %add3A_2122 : i32 to index
        %get3A_2194 = arith.constant 112 : index
        %get3A_2195 = tpu.vector_load %arg11[%get3A_2192, %get3A_2193, %get3A_2194] {strides = array<i32>} : memref<2x64x128xf32, #tpu.memory_space<vmem>>, vector<16xf32>,
        %get3A_2196 = arith.index_cast %rem3A_134 : i32 to index
        %get3A_2197 = arith.index_cast %add3A_2122 : i32 to index
        %get3A_2198 = arith.constant 112 : index
        %get3A_2199 = tpu.vector_load %arg12[%get3A_2196, %get3A_2197, %get3A_2198] {strides = array<i32>} : memref<2x64x128xf32, #tpu.memory_space<vmem>>, vector<16xf32>,
        %mul3A_2200 = arith.mulf %get3A_2195, %get3A_2199 : vector<16xf32>
        %add3A_2201 = arith.addf %add3A_2191, %mul3A_2200 : vector<16xf32>
        %mul3A_2202 = arith.constant 16 : i32
        %mul3A_2203 = arith.muli %add3A_1905, %mul3A_2202 : i32
        %add3A_2204 = arith.constant 3 : i32
        %add3A_2205 = arith.addi %mul3A_2203, %add3A_2204 : i32
        %get3A_2206 = arith.index_cast %rem3A_134 : i32 to index
        %get3A_2207 = arith.index_cast %add3A_2205 : i32 to index
        %get3A_2208 = arith.constant 0 : index
        %get3A_2209 = tpu.vector_load %arg11[%get3A_2206, %get3A_2207, %get3A_2208] {strides = array<i32>} : memref<2x64x128xf32, #tpu.memory_space<vmem>>, vector<16xf32>,
        %get3A_2210 = arith.index_cast %rem3A_134 : i32 to index
        %get3A_2211 = arith.index_cast %add3A_2205 : i32 to index
        %get3A_2212 = arith.constant 0 : index
        %get3A_2213 = tpu.vector_load %arg12[%get3A_2210, %get3A_2211, %get3A_2212] {strides = array<i32>} : memref<2x64x128xf32, #tpu.memory_space<vmem>>, vector<16xf32>,
        %mul3A_2214 = arith.mulf %get3A_2209, %get3A_2213 : vector<16xf32>
        %get3A_2215 = arith.index_cast %rem3A_134 : i32 to index
        %get3A_2216 = arith.index_cast %add3A_2205 : i32 to index
        %get3A_2217 = arith.constant 16 : index
        %get3A_2218 = tpu.vector_load %arg11[%get3A_2215, %get3A_2216, %get3A_2217] {strides = array<i32>} : memref<2x64x128xf32, #tpu.memory_space<vmem>>, vector<16xf32>,
        %get3A_2219 = arith.index_cast %rem3A_134 : i32 to index
        %get3A_2220 = arith.index_cast %add3A_2205 : i32 to index
        %get3A_2221 = arith.constant 16 : index
        %get3A_2222 = tpu.vector_load %arg12[%get3A_2219, %get3A_2220, %get3A_2221] {strides = array<i32>} : memref<2x64x128xf32, #tpu.memory_space<vmem>>, vector<16xf32>,
        %mul3A_2223 = arith.mulf %get3A_2218, %get3A_2222 : vector<16xf32>
        %add3A_2224 = arith.addf %mul3A_2214, %mul3A_2223 : vector<16xf32>
        %get3A_2225 = arith.index_cast %rem3A_134 : i32 to index
        %get3A_2226 = arith.index_cast %add3A_2205 : i32 to index
        %get3A_2227 = arith.constant 32 : index
        %get3A_2228 = tpu.vector_load %arg11[%get3A_2225, %get3A_2226, %get3A_2227] {strides = array<i32>} : memref<2x64x128xf32, #tpu.memory_space<vmem>>, vector<16xf32>,
        %get3A_2229 = arith.index_cast %rem3A_134 : i32 to index
        %get3A_2230 = arith.index_cast %add3A_2205 : i32 to index
        %get3A_2231 = arith.constant 32 : index
        %get3A_2232 = tpu.vector_load %arg12[%get3A_2229, %get3A_2230, %get3A_2231] {strides = array<i32>} : memref<2x64x128xf32, #tpu.memory_space<vmem>>, vector<16xf32>,
        %mul3A_2233 = arith.mulf %get3A_2228, %get3A_2232 : vector<16xf32>
        %add3A_2234 = arith.addf %add3A_2224, %mul3A_2233 : vector<16xf32>
        %get3A_2235 = arith.index_cast %rem3A_134 : i32 to index
        %get3A_2236 = arith.index_cast %add3A_2205 : i32 to index
        %get3A_2237 = arith.constant 48 : index
        %get3A_2238 = tpu.vector_load %arg11[%get3A_2235, %get3A_2236, %get3A_2237] {strides = array<i32>} : memref<2x64x128xf32, #tpu.memory_space<vmem>>, vector<16xf32>,
        %get3A_2239 = arith.index_cast %rem3A_134 : i32 to index
        %get3A_2240 = arith.index_cast %add3A_2205 : i32 to index
        %get3A_2241 = arith.constant 48 : index
        %get3A_2242 = tpu.vector_load %arg12[%get3A_2239, %get3A_2240, %get3A_2241] {strides = array<i32>} : memref<2x64x128xf32, #tpu.memory_space<vmem>>, vector<16xf32>,
        %mul3A_2243 = arith.mulf %get3A_2238, %get3A_2242 : vector<16xf32>
        %add3A_2244 = arith.addf %add3A_2234, %mul3A_2243 : vector<16xf32>
        %get3A_2245 = arith.index_cast %rem3A_134 : i32 to index
        %get3A_2246 = arith.index_cast %add3A_2205 : i32 to index
        %get3A_2247 = arith.constant 64 : index
        %get3A_2248 = tpu.vector_load %arg11[%get3A_2245, %get3A_2246, %get3A_2247] {strides = array<i32>} : memref<2x64x128xf32, #tpu.memory_space<vmem>>, vector<16xf32>,
        %get3A_2249 = arith.index_cast %rem3A_134 : i32 to index
        %get3A_2250 = arith.index_cast %add3A_2205 : i32 to index
        %get3A_2251 = arith.constant 64 : index
        %get3A_2252 = tpu.vector_load %arg12[%get3A_2249, %get3A_2250, %get3A_2251] {strides = array<i32>} : memref<2x64x128xf32, #tpu.memory_space<vmem>>, vector<16xf32>,
        %mul3A_2253 = arith.mulf %get3A_2248, %get3A_2252 : vector<16xf32>
        %add3A_2254 = arith.addf %add3A_2244, %mul3A_2253 : vector<16xf32>
        %get3A_2255 = arith.index_cast %rem3A_134 : i32 to index
        %get3A_2256 = arith.index_cast %add3A_2205 : i32 to index
        %get3A_2257 = arith.constant 80 : index
        %get3A_2258 = tpu.vector_load %arg11[%get3A_2255, %get3A_2256, %get3A_2257] {strides = array<i32>} : memref<2x64x128xf32, #tpu.memory_space<vmem>>, vector<16xf32>,
        %get3A_2259 = arith.index_cast %rem3A_134 : i32 to index
        %get3A_2260 = arith.index_cast %add3A_2205 : i32 to index
        %get3A_2261 = arith.constant 80 : index
        %get3A_2262 = tpu.vector_load %arg12[%get3A_2259, %get3A_2260, %get3A_2261] {strides = array<i32>} : memref<2x64x128xf32, #tpu.memory_space<vmem>>, vector<16xf32>,
        %mul3A_2263 = arith.mulf %get3A_2258, %get3A_2262 : vector<16xf32>
        %add3A_2264 = arith.addf %add3A_2254, %mul3A_2263 : vector<16xf32>
        %get3A_2265 = arith.index_cast %rem3A_134 : i32 to index
        %get3A_2266 = arith.index_cast %add3A_2205 : i32 to index
        %get3A_2267 = arith.constant 96 : index
        %get3A_2268 = tpu.vector_load %arg11[%get3A_2265, %get3A_2266, %get3A_2267] {strides = array<i32>} : memref<2x64x128xf32, #tpu.memory_space<vmem>>, vector<16xf32>,
        %get3A_2269 = arith.index_cast %rem3A_134 : i32 to index
        %get3A_2270 = arith.index_cast %add3A_2205 : i32 to index
        %get3A_2271 = arith.constant 96 : index
        %get3A_2272 = tpu.vector_load %arg12[%get3A_2269, %get3A_2270, %get3A_2271] {strides = array<i32>} : memref<2x64x128xf32, #tpu.memory_space<vmem>>, vector<16xf32>,
        %mul3A_2273 = arith.mulf %get3A_2268, %get3A_2272 : vector<16xf32>
        %add3A_2274 = arith.addf %add3A_2264, %mul3A_2273 : vector<16xf32>
        %get3A_2275 = arith.index_cast %rem3A_134 : i32 to index
        %get3A_2276 = arith.index_cast %add3A_2205 : i32 to index
        %get3A_2277 = arith.constant 112 : index
        %get3A_2278 = tpu.vector_load %arg11[%get3A_2275, %get3A_2276, %get3A_2277] {strides = array<i32>} : memref<2x64x128xf32, #tpu.memory_space<vmem>>, vector<16xf32>,
        %get3A_2279 = arith.index_cast %rem3A_134 : i32 to index
        %get3A_2280 = arith.index_cast %add3A_2205 : i32 to index
        %get3A_2281 = arith.constant 112 : index
        %get3A_2282 = tpu.vector_load %arg12[%get3A_2279, %get3A_2280, %get3A_2281] {strides = array<i32>} : memref<2x64x128xf32, #tpu.memory_space<vmem>>, vector<16xf32>,
        %mul3A_2283 = arith.mulf %get3A_2278, %get3A_2282 : vector<16xf32>
        %add3A_2284 = arith.addf %add3A_2274, %mul3A_2283 : vector<16xf32>
        %lt3A_2285 = arith.constant 0 : i32
        %lt3A_2286 = vector.broadcast %lt3A_2285 : i32 to vector<16xi32>
        %lt3A_2287 = arith.cmpi slt, %xor3A_22, %lt3A_2286 : vector<16xi32>
        %add3A_2288 = arith.constant 16 : i32
        %add3A_2289 = vector.broadcast %add3A_2288 : i32 to vector<16xi32>
        %add3A_2290 = arith.addi %xor3A_22, %add3A_2289 : vector<16xi32>
        %select_n3A_2291 = arith.select %lt3A_2287, %add3A_2290, %xor3A_22 : vector<16xi1>, vector<16xi32>
        %broadcast_in_dim3A_2292 = vector.shape_cast %select_n3A_2291 : vector<16xi32> to vector<16x1xi32>
        %gather3A_2293 = vector.shape_cast %broadcast_in_dim3A_2292 : vector<16x1xi32> to vector<16xi32>
        %gather3A_2294 = tpu.dynamic_gather %add3A_2201[%gather3A_2293] in [0] : vector<16xf32>, vector<16xi32> -> vector<16xf32>
        %add3A_2295 = arith.addf %add3A_2201, %gather3A_2294 : vector<16xf32>
        %lt3A_2296 = arith.constant 0 : i32
        %lt3A_2297 = vector.broadcast %lt3A_2296 : i32 to vector<16xi32>
        %lt3A_2298 = arith.cmpi slt, %xor3A_22, %lt3A_2297 : vector<16xi32>
        %add3A_2299 = arith.constant 16 : i32
        %add3A_2300 = vector.broadcast %add3A_2299 : i32 to vector<16xi32>
        %add3A_2301 = arith.addi %xor3A_22, %add3A_2300 : vector<16xi32>
        %select_n3A_2302 = arith.select %lt3A_2298, %add3A_2301, %xor3A_22 : vector<16xi1>, vector<16xi32>
        %broadcast_in_dim3A_2303 = vector.shape_cast %select_n3A_2302 : vector<16xi32> to vector<16x1xi32>
        %gather3A_2304 = vector.shape_cast %broadcast_in_dim3A_2303 : vector<16x1xi32> to vector<16xi32>
        %gather3A_2305 = tpu.dynamic_gather %add3A_2284[%gather3A_2304] in [0] : vector<16xf32>, vector<16xi32> -> vector<16xf32>
        %add3A_2306 = arith.addf %add3A_2284, %gather3A_2305 : vector<16xf32>
        %select_n3A_2307 = arith.select %eq3A_1911, %add3A_2295, %add3A_2306 : vector<16xi1>, vector<16xf32>
        %lt3A_2308 = arith.constant 0 : i32
        %lt3A_2309 = vector.broadcast %lt3A_2308 : i32 to vector<16xi32>
        %lt3A_2310 = arith.cmpi slt, %xor3A_25, %lt3A_2309 : vector<16xi32>
        %add3A_2311 = arith.constant 16 : i32
        %add3A_2312 = vector.broadcast %add3A_2311 : i32 to vector<16xi32>
        %add3A_2313 = arith.addi %xor3A_25, %add3A_2312 : vector<16xi32>
        %select_n3A_2314 = arith.select %lt3A_2310, %add3A_2313, %xor3A_25 : vector<16xi1>, vector<16xi32>
        %broadcast_in_dim3A_2315 = vector.shape_cast %select_n3A_2314 : vector<16xi32> to vector<16x1xi32>
        %gather3A_2316 = vector.shape_cast %broadcast_in_dim3A_2315 : vector<16x1xi32> to vector<16xi32>
        %gather3A_2317 = tpu.dynamic_gather %select_n3A_2118[%gather3A_2316] in [0] : vector<16xf32>, vector<16xi32> -> vector<16xf32>
        %add3A_2318 = arith.addf %select_n3A_2118, %gather3A_2317 : vector<16xf32>
        %lt3A_2319 = arith.constant 0 : i32
        %lt3A_2320 = vector.broadcast %lt3A_2319 : i32 to vector<16xi32>
        %lt3A_2321 = arith.cmpi slt, %xor3A_25, %lt3A_2320 : vector<16xi32>
        %add3A_2322 = arith.constant 16 : i32
        %add3A_2323 = vector.broadcast %add3A_2322 : i32 to vector<16xi32>
        %add3A_2324 = arith.addi %xor3A_25, %add3A_2323 : vector<16xi32>
        %select_n3A_2325 = arith.select %lt3A_2321, %add3A_2324, %xor3A_25 : vector<16xi1>, vector<16xi32>
        %broadcast_in_dim3A_2326 = vector.shape_cast %select_n3A_2325 : vector<16xi32> to vector<16x1xi32>
        %gather3A_2327 = vector.shape_cast %broadcast_in_dim3A_2326 : vector<16x1xi32> to vector<16xi32>
        %gather3A_2328 = tpu.dynamic_gather %select_n3A_2307[%gather3A_2327] in [0] : vector<16xf32>, vector<16xi32> -> vector<16xf32>
        %add3A_2329 = arith.addf %select_n3A_2307, %gather3A_2328 : vector<16xf32>
        %select_n3A_2330 = arith.select %eq3A_1917, %add3A_2318, %add3A_2329 : vector<16xi1>, vector<16xf32>
        %mul3A_2331 = arith.constant 16 : i32
        %mul3A_2332 = arith.muli %add3A_1905, %mul3A_2331 : i32
        %add3A_2333 = arith.constant 4 : i32
        %add3A_2334 = arith.addi %mul3A_2332, %add3A_2333 : i32
        %get3A_2335 = arith.index_cast %rem3A_134 : i32 to index
        %get3A_2336 = arith.index_cast %add3A_2334 : i32 to index
        %get3A_2337 = arith.constant 0 : index
        %get3A_2338 = tpu.vector_load %arg11[%get3A_2335, %get3A_2336, %get3A_2337] {strides = array<i32>} : memref<2x64x128xf32, #tpu.memory_space<vmem>>, vector<16xf32>,
        %get3A_2339 = arith.index_cast %rem3A_134 : i32 to index
        %get3A_2340 = arith.index_cast %add3A_2334 : i32 to index
        %get3A_2341 = arith.constant 0 : index
        %get3A_2342 = tpu.vector_load %arg12[%get3A_2339, %get3A_2340, %get3A_2341] {strides = array<i32>} : memref<2x64x128xf32, #tpu.memory_space<vmem>>, vector<16xf32>,
        %mul3A_2343 = arith.mulf %get3A_2338, %get3A_2342 : vector<16xf32>
        %get3A_2344 = arith.index_cast %rem3A_134 : i32 to index
        %get3A_2345 = arith.index_cast %add3A_2334 : i32 to index
        %get3A_2346 = arith.constant 16 : index
        %get3A_2347 = tpu.vector_load %arg11[%get3A_2344, %get3A_2345, %get3A_2346] {strides = array<i32>} : memref<2x64x128xf32, #tpu.memory_space<vmem>>, vector<16xf32>,
        %get3A_2348 = arith.index_cast %rem3A_134 : i32 to index
        %get3A_2349 = arith.index_cast %add3A_2334 : i32 to index
        %get3A_2350 = arith.constant 16 : index
        %get3A_2351 = tpu.vector_load %arg12[%get3A_2348, %get3A_2349, %get3A_2350] {strides = array<i32>} : memref<2x64x128xf32, #tpu.memory_space<vmem>>, vector<16xf32>,
        %mul3A_2352 = arith.mulf %get3A_2347, %get3A_2351 : vector<16xf32>
        %add3A_2353 = arith.addf %mul3A_2343, %mul3A_2352 : vector<16xf32>
        %get3A_2354 = arith.index_cast %rem3A_134 : i32 to index
        %get3A_2355 = arith.index_cast %add3A_2334 : i32 to index
        %get3A_2356 = arith.constant 32 : index
        %get3A_2357 = tpu.vector_load %arg11[%get3A_2354, %get3A_2355, %get3A_2356] {strides = array<i32>} : memref<2x64x128xf32, #tpu.memory_space<vmem>>, vector<16xf32>,
        %get3A_2358 = arith.index_cast %rem3A_134 : i32 to index
        %get3A_2359 = arith.index_cast %add3A_2334 : i32 to index
        %get3A_2360 = arith.constant 32 : index
        %get3A_2361 = tpu.vector_load %arg12[%get3A_2358, %get3A_2359, %get3A_2360] {strides = array<i32>} : memref<2x64x128xf32, #tpu.memory_space<vmem>>, vector<16xf32>,
        %mul3A_2362 = arith.mulf %get3A_2357, %get3A_2361 : vector<16xf32>
        %add3A_2363 = arith.addf %add3A_2353, %mul3A_2362 : vector<16xf32>
        %get3A_2364 = arith.index_cast %rem3A_134 : i32 to index
        %get3A_2365 = arith.index_cast %add3A_2334 : i32 to index
        %get3A_2366 = arith.constant 48 : index
        %get3A_2367 = tpu.vector_load %arg11[%get3A_2364, %get3A_2365, %get3A_2366] {strides = array<i32>} : memref<2x64x128xf32, #tpu.memory_space<vmem>>, vector<16xf32>,
        %get3A_2368 = arith.index_cast %rem3A_134 : i32 to index
        %get3A_2369 = arith.index_cast %add3A_2334 : i32 to index
        %get3A_2370 = arith.constant 48 : index
        %get3A_2371 = tpu.vector_load %arg12[%get3A_2368, %get3A_2369, %get3A_2370] {strides = array<i32>} : memref<2x64x128xf32, #tpu.memory_space<vmem>>, vector<16xf32>,
        %mul3A_2372 = arith.mulf %get3A_2367, %get3A_2371 : vector<16xf32>
        %add3A_2373 = arith.addf %add3A_2363, %mul3A_2372 : vector<16xf32>
        %get3A_2374 = arith.index_cast %rem3A_134 : i32 to index
        %get3A_2375 = arith.index_cast %add3A_2334 : i32 to index
        %get3A_2376 = arith.constant 64 : index
        %get3A_2377 = tpu.vector_load %arg11[%get3A_2374, %get3A_2375, %get3A_2376] {strides = array<i32>} : memref<2x64x128xf32, #tpu.memory_space<vmem>>, vector<16xf32>,
        %get3A_2378 = arith.index_cast %rem3A_134 : i32 to index
        %get3A_2379 = arith.index_cast %add3A_2334 : i32 to index
        %get3A_2380 = arith.constant 64 : index
        %get3A_2381 = tpu.vector_load %arg12[%get3A_2378, %get3A_2379, %get3A_2380] {strides = array<i32>} : memref<2x64x128xf32, #tpu.memory_space<vmem>>, vector<16xf32>,
        %mul3A_2382 = arith.mulf %get3A_2377, %get3A_2381 : vector<16xf32>
        %add3A_2383 = arith.addf %add3A_2373, %mul3A_2382 : vector<16xf32>
        %get3A_2384 = arith.index_cast %rem3A_134 : i32 to index
        %get3A_2385 = arith.index_cast %add3A_2334 : i32 to index
        %get3A_2386 = arith.constant 80 : index
        %get3A_2387 = tpu.vector_load %arg11[%get3A_2384, %get3A_2385, %get3A_2386] {strides = array<i32>} : memref<2x64x128xf32, #tpu.memory_space<vmem>>, vector<16xf32>,
        %get3A_2388 = arith.index_cast %rem3A_134 : i32 to index
        %get3A_2389 = arith.index_cast %add3A_2334 : i32 to index
        %get3A_2390 = arith.constant 80 : index
        %get3A_2391 = tpu.vector_load %arg12[%get3A_2388, %get3A_2389, %get3A_2390] {strides = array<i32>} : memref<2x64x128xf32, #tpu.memory_space<vmem>>, vector<16xf32>,
        %mul3A_2392 = arith.mulf %get3A_2387, %get3A_2391 : vector<16xf32>
        %add3A_2393 = arith.addf %add3A_2383, %mul3A_2392 : vector<16xf32>
        %get3A_2394 = arith.index_cast %rem3A_134 : i32 to index
        %get3A_2395 = arith.index_cast %add3A_2334 : i32 to index
        %get3A_2396 = arith.constant 96 : index
        %get3A_2397 = tpu.vector_load %arg11[%get3A_2394, %get3A_2395, %get3A_2396] {strides = array<i32>} : memref<2x64x128xf32, #tpu.memory_space<vmem>>, vector<16xf32>,
        %get3A_2398 = arith.index_cast %rem3A_134 : i32 to index
        %get3A_2399 = arith.index_cast %add3A_2334 : i32 to index
        %get3A_2400 = arith.constant 96 : index
        %get3A_2401 = tpu.vector_load %arg12[%get3A_2398, %get3A_2399, %get3A_2400] {strides = array<i32>} : memref<2x64x128xf32, #tpu.memory_space<vmem>>, vector<16xf32>,
        %mul3A_2402 = arith.mulf %get3A_2397, %get3A_2401 : vector<16xf32>
        %add3A_2403 = arith.addf %add3A_2393, %mul3A_2402 : vector<16xf32>
        %get3A_2404 = arith.index_cast %rem3A_134 : i32 to index
        %get3A_2405 = arith.index_cast %add3A_2334 : i32 to index
        %get3A_2406 = arith.constant 112 : index
        %get3A_2407 = tpu.vector_load %arg11[%get3A_2404, %get3A_2405, %get3A_2406] {strides = array<i32>} : memref<2x64x128xf32, #tpu.memory_space<vmem>>, vector<16xf32>,
        %get3A_2408 = arith.index_cast %rem3A_134 : i32 to index
        %get3A_2409 = arith.index_cast %add3A_2334 : i32 to index
        %get3A_2410 = arith.constant 112 : index
        %get3A_2411 = tpu.vector_load %arg12[%get3A_2408, %get3A_2409, %get3A_2410] {strides = array<i32>} : memref<2x64x128xf32, #tpu.memory_space<vmem>>, vector<16xf32>,
        %mul3A_2412 = arith.mulf %get3A_2407, %get3A_2411 : vector<16xf32>
        %add3A_2413 = arith.addf %add3A_2403, %mul3A_2412 : vector<16xf32>
        %mul3A_2414 = arith.constant 16 : i32
        %mul3A_2415 = arith.muli %add3A_1905, %mul3A_2414 : i32
        %add3A_2416 = arith.constant 5 : i32
        %add3A_2417 = arith.addi %mul3A_2415, %add3A_2416 : i32
        %get3A_2418 = arith.index_cast %rem3A_134 : i32 to index
        %get3A_2419 = arith.index_cast %add3A_2417 : i32 to index
        %get3A_2420 = arith.constant 0 : index
        %get3A_2421 = tpu.vector_load %arg11[%get3A_2418, %get3A_2419, %get3A_2420] {strides = array<i32>} : memref<2x64x128xf32, #tpu.memory_space<vmem>>, vector<16xf32>,
        %get3A_2422 = arith.index_cast %rem3A_134 : i32 to index
        %get3A_2423 = arith.index_cast %add3A_2417 : i32 to index
        %get3A_2424 = arith.constant 0 : index
        %get3A_2425 = tpu.vector_load %arg12[%get3A_2422, %get3A_2423, %get3A_2424] {strides = array<i32>} : memref<2x64x128xf32, #tpu.memory_space<vmem>>, vector<16xf32>,
        %mul3A_2426 = arith.mulf %get3A_2421, %get3A_2425 : vector<16xf32>
        %get3A_2427 = arith.index_cast %rem3A_134 : i32 to index
        %get3A_2428 = arith.index_cast %add3A_2417 : i32 to index
        %get3A_2429 = arith.constant 16 : index
        %get3A_2430 = tpu.vector_load %arg11[%get3A_2427, %get3A_2428, %get3A_2429] {strides = array<i32>} : memref<2x64x128xf32, #tpu.memory_space<vmem>>, vector<16xf32>,
        %get3A_2431 = arith.index_cast %rem3A_134 : i32 to index
        %get3A_2432 = arith.index_cast %add3A_2417 : i32 to index
        %get3A_2433 = arith.constant 16 : index
        %get3A_2434 = tpu.vector_load %arg12[%get3A_2431, %get3A_2432, %get3A_2433] {strides = array<i32>} : memref<2x64x128xf32, #tpu.memory_space<vmem>>, vector<16xf32>,
        %mul3A_2435 = arith.mulf %get3A_2430, %get3A_2434 : vector<16xf32>
        %add3A_2436 = arith.addf %mul3A_2426, %mul3A_2435 : vector<16xf32>
        %get3A_2437 = arith.index_cast %rem3A_134 : i32 to index
        %get3A_2438 = arith.index_cast %add3A_2417 : i32 to index
        %get3A_2439 = arith.constant 32 : index
        %get3A_2440 = tpu.vector_load %arg11[%get3A_2437, %get3A_2438, %get3A_2439] {strides = array<i32>} : memref<2x64x128xf32, #tpu.memory_space<vmem>>, vector<16xf32>,
        %get3A_2441 = arith.index_cast %rem3A_134 : i32 to index
        %get3A_2442 = arith.index_cast %add3A_2417 : i32 to index
        %get3A_2443 = arith.constant 32 : index
        %get3A_2444 = tpu.vector_load %arg12[%get3A_2441, %get3A_2442, %get3A_2443] {strides = array<i32>} : memref<2x64x128xf32, #tpu.memory_space<vmem>>, vector<16xf32>,
        %mul3A_2445 = arith.mulf %get3A_2440, %get3A_2444 : vector<16xf32>
        %add3A_2446 = arith.addf %add3A_2436, %mul3A_2445 : vector<16xf32>
        %get3A_2447 = arith.index_cast %rem3A_134 : i32 to index
        %get3A_2448 = arith.index_cast %add3A_2417 : i32 to index
        %get3A_2449 = arith.constant 48 : index
        %get3A_2450 = tpu.vector_load %arg11[%get3A_2447, %get3A_2448, %get3A_2449] {strides = array<i32>} : memref<2x64x128xf32, #tpu.memory_space<vmem>>, vector<16xf32>,
        %get3A_2451 = arith.index_cast %rem3A_134 : i32 to index
        %get3A_2452 = arith.index_cast %add3A_2417 : i32 to index
        %get3A_2453 = arith.constant 48 : index
        %get3A_2454 = tpu.vector_load %arg12[%get3A_2451, %get3A_2452, %get3A_2453] {strides = array<i32>} : memref<2x64x128xf32, #tpu.memory_space<vmem>>, vector<16xf32>,
        %mul3A_2455 = arith.mulf %get3A_2450, %get3A_2454 : vector<16xf32>
        %add3A_2456 = arith.addf %add3A_2446, %mul3A_2455 : vector<16xf32>
        %get3A_2457 = arith.index_cast %rem3A_134 : i32 to index
        %get3A_2458 = arith.index_cast %add3A_2417 : i32 to index
        %get3A_2459 = arith.constant 64 : index
        %get3A_2460 = tpu.vector_load %arg11[%get3A_2457, %get3A_2458, %get3A_2459] {strides = array<i32>} : memref<2x64x128xf32, #tpu.memory_space<vmem>>, vector<16xf32>,
        %get3A_2461 = arith.index_cast %rem3A_134 : i32 to index
        %get3A_2462 = arith.index_cast %add3A_2417 : i32 to index
        %get3A_2463 = arith.constant 64 : index
        %get3A_2464 = tpu.vector_load %arg12[%get3A_2461, %get3A_2462, %get3A_2463] {strides = array<i32>} : memref<2x64x128xf32, #tpu.memory_space<vmem>>, vector<16xf32>,
        %mul3A_2465 = arith.mulf %get3A_2460, %get3A_2464 : vector<16xf32>
        %add3A_2466 = arith.addf %add3A_2456, %mul3A_2465 : vector<16xf32>
        %get3A_2467 = arith.index_cast %rem3A_134 : i32 to index
        %get3A_2468 = arith.index_cast %add3A_2417 : i32 to index
        %get3A_2469 = arith.constant 80 : index
        %get3A_2470 = tpu.vector_load %arg11[%get3A_2467, %get3A_2468, %get3A_2469] {strides = array<i32>} : memref<2x64x128xf32, #tpu.memory_space<vmem>>, vector<16xf32>,
        %get3A_2471 = arith.index_cast %rem3A_134 : i32 to index
        %get3A_2472 = arith.index_cast %add3A_2417 : i32 to index
        %get3A_2473 = arith.constant 80 : index
        %get3A_2474 = tpu.vector_load %arg12[%get3A_2471, %get3A_2472, %get3A_2473] {strides = array<i32>} : memref<2x64x128xf32, #tpu.memory_space<vmem>>, vector<16xf32>,
        %mul3A_2475 = arith.mulf %get3A_2470, %get3A_2474 : vector<16xf32>
        %add3A_2476 = arith.addf %add3A_2466, %mul3A_2475 : vector<16xf32>
        %get3A_2477 = arith.index_cast %rem3A_134 : i32 to index
        %get3A_2478 = arith.index_cast %add3A_2417 : i32 to index
        %get3A_2479 = arith.constant 96 : index
        %get3A_2480 = tpu.vector_load %arg11[%get3A_2477, %get3A_2478, %get3A_2479] {strides = array<i32>} : memref<2x64x128xf32, #tpu.memory_space<vmem>>, vector<16xf32>,
        %get3A_2481 = arith.index_cast %rem3A_134 : i32 to index
        %get3A_2482 = arith.index_cast %add3A_2417 : i32 to index
        %get3A_2483 = arith.constant 96 : index
        %get3A_2484 = tpu.vector_load %arg12[%get3A_2481, %get3A_2482, %get3A_2483] {strides = array<i32>} : memref<2x64x128xf32, #tpu.memory_space<vmem>>, vector<16xf32>,
        %mul3A_2485 = arith.mulf %get3A_2480, %get3A_2484 : vector<16xf32>
        %add3A_2486 = arith.addf %add3A_2476, %mul3A_2485 : vector<16xf32>
        %get3A_2487 = arith.index_cast %rem3A_134 : i32 to index
        %get3A_2488 = arith.index_cast %add3A_2417 : i32 to index
        %get3A_2489 = arith.constant 112 : index
        %get3A_2490 = tpu.vector_load %arg11[%get3A_2487, %get3A_2488, %get3A_2489] {strides = array<i32>} : memref<2x64x128xf32, #tpu.memory_space<vmem>>, vector<16xf32>,
        %get3A_2491 = arith.index_cast %rem3A_134 : i32 to index
        %get3A_2492 = arith.index_cast %add3A_2417 : i32 to index
        %get3A_2493 = arith.constant 112 : index
        %get3A_2494 = tpu.vector_load %arg12[%get3A_2491, %get3A_2492, %get3A_2493] {strides = array<i32>} : memref<2x64x128xf32, #tpu.memory_space<vmem>>, vector<16xf32>,
        %mul3A_2495 = arith.mulf %get3A_2490, %get3A_2494 : vector<16xf32>
        %add3A_2496 = arith.addf %add3A_2486, %mul3A_2495 : vector<16xf32>
        %lt3A_2497 = arith.constant 0 : i32
        %lt3A_2498 = vector.broadcast %lt3A_2497 : i32 to vector<16xi32>
        %lt3A_2499 = arith.cmpi slt, %xor3A_22, %lt3A_2498 : vector<16xi32>
        %add3A_2500 = arith.constant 16 : i32
        %add3A_2501 = vector.broadcast %add3A_2500 : i32 to vector<16xi32>
        %add3A_2502 = arith.addi %xor3A_22, %add3A_2501 : vector<16xi32>
        %select_n3A_2503 = arith.select %lt3A_2499, %add3A_2502, %xor3A_22 : vector<16xi1>, vector<16xi32>
        %broadcast_in_dim3A_2504 = vector.shape_cast %select_n3A_2503 : vector<16xi32> to vector<16x1xi32>
        %gather3A_2505 = vector.shape_cast %broadcast_in_dim3A_2504 : vector<16x1xi32> to vector<16xi32>
        %gather3A_2506 = tpu.dynamic_gather %add3A_2413[%gather3A_2505] in [0] : vector<16xf32>, vector<16xi32> -> vector<16xf32>
        %add3A_2507 = arith.addf %add3A_2413, %gather3A_2506 : vector<16xf32>
        %lt3A_2508 = arith.constant 0 : i32
        %lt3A_2509 = vector.broadcast %lt3A_2508 : i32 to vector<16xi32>
        %lt3A_2510 = arith.cmpi slt, %xor3A_22, %lt3A_2509 : vector<16xi32>
        %add3A_2511 = arith.constant 16 : i32
        %add3A_2512 = vector.broadcast %add3A_2511 : i32 to vector<16xi32>
        %add3A_2513 = arith.addi %xor3A_22, %add3A_2512 : vector<16xi32>
        %select_n3A_2514 = arith.select %lt3A_2510, %add3A_2513, %xor3A_22 : vector<16xi1>, vector<16xi32>
        %broadcast_in_dim3A_2515 = vector.shape_cast %select_n3A_2514 : vector<16xi32> to vector<16x1xi32>
        %gather3A_2516 = vector.shape_cast %broadcast_in_dim3A_2515 : vector<16x1xi32> to vector<16xi32>
        %gather3A_2517 = tpu.dynamic_gather %add3A_2496[%gather3A_2516] in [0] : vector<16xf32>, vector<16xi32> -> vector<16xf32>
        %add3A_2518 = arith.addf %add3A_2496, %gather3A_2517 : vector<16xf32>
        %select_n3A_2519 = arith.select %eq3A_1911, %add3A_2507, %add3A_2518 : vector<16xi1>, vector<16xf32>
        %mul3A_2520 = arith.constant 16 : i32
        %mul3A_2521 = arith.muli %add3A_1905, %mul3A_2520 : i32
        %add3A_2522 = arith.constant 6 : i32
        %add3A_2523 = arith.addi %mul3A_2521, %add3A_2522 : i32
        %get3A_2524 = arith.index_cast %rem3A_134 : i32 to index
        %get3A_2525 = arith.index_cast %add3A_2523 : i32 to index
        %get3A_2526 = arith.constant 0 : index
        %get3A_2527 = tpu.vector_load %arg11[%get3A_2524, %get3A_2525, %get3A_2526] {strides = array<i32>} : memref<2x64x128xf32, #tpu.memory_space<vmem>>, vector<16xf32>,
        %get3A_2528 = arith.index_cast %rem3A_134 : i32 to index
        %get3A_2529 = arith.index_cast %add3A_2523 : i32 to index
        %get3A_2530 = arith.constant 0 : index
        %get3A_2531 = tpu.vector_load %arg12[%get3A_2528, %get3A_2529, %get3A_2530] {strides = array<i32>} : memref<2x64x128xf32, #tpu.memory_space<vmem>>, vector<16xf32>,
        %mul3A_2532 = arith.mulf %get3A_2527, %get3A_2531 : vector<16xf32>
        %get3A_2533 = arith.index_cast %rem3A_134 : i32 to index
        %get3A_2534 = arith.index_cast %add3A_2523 : i32 to index
        %get3A_2535 = arith.constant 16 : index
        %get3A_2536 = tpu.vector_load %arg11[%get3A_2533, %get3A_2534, %get3A_2535] {strides = array<i32>} : memref<2x64x128xf32, #tpu.memory_space<vmem>>, vector<16xf32>,
        %get3A_2537 = arith.index_cast %rem3A_134 : i32 to index
        %get3A_2538 = arith.index_cast %add3A_2523 : i32 to index
        %get3A_2539 = arith.constant 16 : index
        %get3A_2540 = tpu.vector_load %arg12[%get3A_2537, %get3A_2538, %get3A_2539] {strides = array<i32>} : memref<2x64x128xf32, #tpu.memory_space<vmem>>, vector<16xf32>,
        %mul3A_2541 = arith.mulf %get3A_2536, %get3A_2540 : vector<16xf32>
        %add3A_2542 = arith.addf %mul3A_2532, %mul3A_2541 : vector<16xf32>
        %get3A_2543 = arith.index_cast %rem3A_134 : i32 to index
        %get3A_2544 = arith.index_cast %add3A_2523 : i32 to index
        %get3A_2545 = arith.constant 32 : index
        %get3A_2546 = tpu.vector_load %arg11[%get3A_2543, %get3A_2544, %get3A_2545] {strides = array<i32>} : memref<2x64x128xf32, #tpu.memory_space<vmem>>, vector<16xf32>,
        %get3A_2547 = arith.index_cast %rem3A_134 : i32 to index
        %get3A_2548 = arith.index_cast %add3A_2523 : i32 to index
        %get3A_2549 = arith.constant 32 : index
        %get3A_2550 = tpu.vector_load %arg12[%get3A_2547, %get3A_2548, %get3A_2549] {strides = array<i32>} : memref<2x64x128xf32, #tpu.memory_space<vmem>>, vector<16xf32>,
        %mul3A_2551 = arith.mulf %get3A_2546, %get3A_2550 : vector<16xf32>
        %add3A_2552 = arith.addf %add3A_2542, %mul3A_2551 : vector<16xf32>
        %get3A_2553 = arith.index_cast %rem3A_134 : i32 to index
        %get3A_2554 = arith.index_cast %add3A_2523 : i32 to index
        %get3A_2555 = arith.constant 48 : index
        %get3A_2556 = tpu.vector_load %arg11[%get3A_2553, %get3A_2554, %get3A_2555] {strides = array<i32>} : memref<2x64x128xf32, #tpu.memory_space<vmem>>, vector<16xf32>,
        %get3A_2557 = arith.index_cast %rem3A_134 : i32 to index
        %get3A_2558 = arith.index_cast %add3A_2523 : i32 to index
        %get3A_2559 = arith.constant 48 : index
        %get3A_2560 = tpu.vector_load %arg12[%get3A_2557, %get3A_2558, %get3A_2559] {strides = array<i32>} : memref<2x64x128xf32, #tpu.memory_space<vmem>>, vector<16xf32>,
        %mul3A_2561 = arith.mulf %get3A_2556, %get3A_2560 : vector<16xf32>
        %add3A_2562 = arith.addf %add3A_2552, %mul3A_2561 : vector<16xf32>
        %get3A_2563 = arith.index_cast %rem3A_134 : i32 to index
        %get3A_2564 = arith.index_cast %add3A_2523 : i32 to index
        %get3A_2565 = arith.constant 64 : index
        %get3A_2566 = tpu.vector_load %arg11[%get3A_2563, %get3A_2564, %get3A_2565] {strides = array<i32>} : memref<2x64x128xf32, #tpu.memory_space<vmem>>, vector<16xf32>,
        %get3A_2567 = arith.index_cast %rem3A_134 : i32 to index
        %get3A_2568 = arith.index_cast %add3A_2523 : i32 to index
        %get3A_2569 = arith.constant 64 : index
        %get3A_2570 = tpu.vector_load %arg12[%get3A_2567, %get3A_2568, %get3A_2569] {strides = array<i32>} : memref<2x64x128xf32, #tpu.memory_space<vmem>>, vector<16xf32>,
        %mul3A_2571 = arith.mulf %get3A_2566, %get3A_2570 : vector<16xf32>
        %add3A_2572 = arith.addf %add3A_2562, %mul3A_2571 : vector<16xf32>
        %get3A_2573 = arith.index_cast %rem3A_134 : i32 to index
        %get3A_2574 = arith.index_cast %add3A_2523 : i32 to index
        %get3A_2575 = arith.constant 80 : index
        %get3A_2576 = tpu.vector_load %arg11[%get3A_2573, %get3A_2574, %get3A_2575] {strides = array<i32>} : memref<2x64x128xf32, #tpu.memory_space<vmem>>, vector<16xf32>,
        %get3A_2577 = arith.index_cast %rem3A_134 : i32 to index
        %get3A_2578 = arith.index_cast %add3A_2523 : i32 to index
        %get3A_2579 = arith.constant 80 : index
        %get3A_2580 = tpu.vector_load %arg12[%get3A_2577, %get3A_2578, %get3A_2579] {strides = array<i32>} : memref<2x64x128xf32, #tpu.memory_space<vmem>>, vector<16xf32>,
        %mul3A_2581 = arith.mulf %get3A_2576, %get3A_2580 : vector<16xf32>
        %add3A_2582 = arith.addf %add3A_2572, %mul3A_2581 : vector<16xf32>
        %get3A_2583 = arith.index_cast %rem3A_134 : i32 to index
        %get3A_2584 = arith.index_cast %add3A_2523 : i32 to index
        %get3A_2585 = arith.constant 96 : index
        %get3A_2586 = tpu.vector_load %arg11[%get3A_2583, %get3A_2584, %get3A_2585] {strides = array<i32>} : memref<2x64x128xf32, #tpu.memory_space<vmem>>, vector<16xf32>,
        %get3A_2587 = arith.index_cast %rem3A_134 : i32 to index
        %get3A_2588 = arith.index_cast %add3A_2523 : i32 to index
        %get3A_2589 = arith.constant 96 : index
        %get3A_2590 = tpu.vector_load %arg12[%get3A_2587, %get3A_2588, %get3A_2589] {strides = array<i32>} : memref<2x64x128xf32, #tpu.memory_space<vmem>>, vector<16xf32>,
        %mul3A_2591 = arith.mulf %get3A_2586, %get3A_2590 : vector<16xf32>
        %add3A_2592 = arith.addf %add3A_2582, %mul3A_2591 : vector<16xf32>
        %get3A_2593 = arith.index_cast %rem3A_134 : i32 to index
        %get3A_2594 = arith.index_cast %add3A_2523 : i32 to index
        %get3A_2595 = arith.constant 112 : index
        %get3A_2596 = tpu.vector_load %arg11[%get3A_2593, %get3A_2594, %get3A_2595] {strides = array<i32>} : memref<2x64x128xf32, #tpu.memory_space<vmem>>, vector<16xf32>,
        %get3A_2597 = arith.index_cast %rem3A_134 : i32 to index
        %get3A_2598 = arith.index_cast %add3A_2523 : i32 to index
        %get3A_2599 = arith.constant 112 : index
        %get3A_2600 = tpu.vector_load %arg12[%get3A_2597, %get3A_2598, %get3A_2599] {strides = array<i32>} : memref<2x64x128xf32, #tpu.memory_space<vmem>>, vector<16xf32>,
        %mul3A_2601 = arith.mulf %get3A_2596, %get3A_2600 : vector<16xf32>
        %add3A_2602 = arith.addf %add3A_2592, %mul3A_2601 : vector<16xf32>
        %mul3A_2603 = arith.constant 16 : i32
        %mul3A_2604 = arith.muli %add3A_1905, %mul3A_2603 : i32
        %add3A_2605 = arith.constant 7 : i32
        %add3A_2606 = arith.addi %mul3A_2604, %add3A_2605 : i32
        %get3A_2607 = arith.index_cast %rem3A_134 : i32 to index
        %get3A_2608 = arith.index_cast %add3A_2606 : i32 to index
        %get3A_2609 = arith.constant 0 : index
        %get3A_2610 = tpu.vector_load %arg11[%get3A_2607, %get3A_2608, %get3A_2609] {strides = array<i32>} : memref<2x64x128xf32, #tpu.memory_space<vmem>>, vector<16xf32>,
        %get3A_2611 = arith.index_cast %rem3A_134 : i32 to index
        %get3A_2612 = arith.index_cast %add3A_2606 : i32 to index
        %get3A_2613 = arith.constant 0 : index
        %get3A_2614 = tpu.vector_load %arg12[%get3A_2611, %get3A_2612, %get3A_2613] {strides = array<i32>} : memref<2x64x128xf32, #tpu.memory_space<vmem>>, vector<16xf32>,
        %mul3A_2615 = arith.mulf %get3A_2610, %get3A_2614 : vector<16xf32>
        %get3A_2616 = arith.index_cast %rem3A_134 : i32 to index
        %get3A_2617 = arith.index_cast %add3A_2606 : i32 to index
        %get3A_2618 = arith.constant 16 : index
        %get3A_2619 = tpu.vector_load %arg11[%get3A_2616, %get3A_2617, %get3A_2618] {strides = array<i32>} : memref<2x64x128xf32, #tpu.memory_space<vmem>>, vector<16xf32>,
        %get3A_2620 = arith.index_cast %rem3A_134 : i32 to index
        %get3A_2621 = arith.index_cast %add3A_2606 : i32 to index
        %get3A_2622 = arith.constant 16 : index
        %get3A_2623 = tpu.vector_load %arg12[%get3A_2620, %get3A_2621, %get3A_2622] {strides = array<i32>} : memref<2x64x128xf32, #tpu.memory_space<vmem>>, vector<16xf32>,
        %mul3A_2624 = arith.mulf %get3A_2619, %get3A_2623 : vector<16xf32>
        %add3A_2625 = arith.addf %mul3A_2615, %mul3A_2624 : vector<16xf32>
        %get3A_2626 = arith.index_cast %rem3A_134 : i32 to index
        %get3A_2627 = arith.index_cast %add3A_2606 : i32 to index
        %get3A_2628 = arith.constant 32 : index
        %get3A_2629 = tpu.vector_load %arg11[%get3A_2626, %get3A_2627, %get3A_2628] {strides = array<i32>} : memref<2x64x128xf32, #tpu.memory_space<vmem>>, vector<16xf32>,
        %get3A_2630 = arith.index_cast %rem3A_134 : i32 to index
        %get3A_2631 = arith.index_cast %add3A_2606 : i32 to index
        %get3A_2632 = arith.constant 32 : index
        %get3A_2633 = tpu.vector_load %arg12[%get3A_2630, %get3A_2631, %get3A_2632] {strides = array<i32>} : memref<2x64x128xf32, #tpu.memory_space<vmem>>, vector<16xf32>,
        %mul3A_2634 = arith.mulf %get3A_2629, %get3A_2633 : vector<16xf32>
        %add3A_2635 = arith.addf %add3A_2625, %mul3A_2634 : vector<16xf32>
        %get3A_2636 = arith.index_cast %rem3A_134 : i32 to index
        %get3A_2637 = arith.index_cast %add3A_2606 : i32 to index
        %get3A_2638 = arith.constant 48 : index
        %get3A_2639 = tpu.vector_load %arg11[%get3A_2636, %get3A_2637, %get3A_2638] {strides = array<i32>} : memref<2x64x128xf32, #tpu.memory_space<vmem>>, vector<16xf32>,
        %get3A_2640 = arith.index_cast %rem3A_134 : i32 to index
        %get3A_2641 = arith.index_cast %add3A_2606 : i32 to index
        %get3A_2642 = arith.constant 48 : index
        %get3A_2643 = tpu.vector_load %arg12[%get3A_2640, %get3A_2641, %get3A_2642] {strides = array<i32>} : memref<2x64x128xf32, #tpu.memory_space<vmem>>, vector<16xf32>,
        %mul3A_2644 = arith.mulf %get3A_2639, %get3A_2643 : vector<16xf32>
        %add3A_2645 = arith.addf %add3A_2635, %mul3A_2644 : vector<16xf32>
        %get3A_2646 = arith.index_cast %rem3A_134 : i32 to index
        %get3A_2647 = arith.index_cast %add3A_2606 : i32 to index
        %get3A_2648 = arith.constant 64 : index
        %get3A_2649 = tpu.vector_load %arg11[%get3A_2646, %get3A_2647, %get3A_2648] {strides = array<i32>} : memref<2x64x128xf32, #tpu.memory_space<vmem>>, vector<16xf32>,
        %get3A_2650 = arith.index_cast %rem3A_134 : i32 to index
        %get3A_2651 = arith.index_cast %add3A_2606 : i32 to index
        %get3A_2652 = arith.constant 64 : index
        %get3A_2653 = tpu.vector_load %arg12[%get3A_2650, %get3A_2651, %get3A_2652] {strides = array<i32>} : memref<2x64x128xf32, #tpu.memory_space<vmem>>, vector<16xf32>,
        %mul3A_2654 = arith.mulf %get3A_2649, %get3A_2653 : vector<16xf32>
        %add3A_2655 = arith.addf %add3A_2645, %mul3A_2654 : vector<16xf32>
        %get3A_2656 = arith.index_cast %rem3A_134 : i32 to index
        %get3A_2657 = arith.index_cast %add3A_2606 : i32 to index
        %get3A_2658 = arith.constant 80 : index
        %get3A_2659 = tpu.vector_load %arg11[%get3A_2656, %get3A_2657, %get3A_2658] {strides = array<i32>} : memref<2x64x128xf32, #tpu.memory_space<vmem>>, vector<16xf32>,
        %get3A_2660 = arith.index_cast %rem3A_134 : i32 to index
        %get3A_2661 = arith.index_cast %add3A_2606 : i32 to index
        %get3A_2662 = arith.constant 80 : index
        %get3A_2663 = tpu.vector_load %arg12[%get3A_2660, %get3A_2661, %get3A_2662] {strides = array<i32>} : memref<2x64x128xf32, #tpu.memory_space<vmem>>, vector<16xf32>,
        %mul3A_2664 = arith.mulf %get3A_2659, %get3A_2663 : vector<16xf32>
        %add3A_2665 = arith.addf %add3A_2655, %mul3A_2664 : vector<16xf32>
        %get3A_2666 = arith.index_cast %rem3A_134 : i32 to index
        %get3A_2667 = arith.index_cast %add3A_2606 : i32 to index
        %get3A_2668 = arith.constant 96 : index
        %get3A_2669 = tpu.vector_load %arg11[%get3A_2666, %get3A_2667, %get3A_2668] {strides = array<i32>} : memref<2x64x128xf32, #tpu.memory_space<vmem>>, vector<16xf32>,
        %get3A_2670 = arith.index_cast %rem3A_134 : i32 to index
        %get3A_2671 = arith.index_cast %add3A_2606 : i32 to index
        %get3A_2672 = arith.constant 96 : index
        %get3A_2673 = tpu.vector_load %arg12[%get3A_2670, %get3A_2671, %get3A_2672] {strides = array<i32>} : memref<2x64x128xf32, #tpu.memory_space<vmem>>, vector<16xf32>,
        %mul3A_2674 = arith.mulf %get3A_2669, %get3A_2673 : vector<16xf32>
        %add3A_2675 = arith.addf %add3A_2665, %mul3A_2674 : vector<16xf32>
        %get3A_2676 = arith.index_cast %rem3A_134 : i32 to index
        %get3A_2677 = arith.index_cast %add3A_2606 : i32 to index
        %get3A_2678 = arith.constant 112 : index
        %get3A_2679 = tpu.vector_load %arg11[%get3A_2676, %get3A_2677, %get3A_2678] {strides = array<i32>} : memref<2x64x128xf32, #tpu.memory_space<vmem>>, vector<16xf32>,
        %get3A_2680 = arith.index_cast %rem3A_134 : i32 to index
        %get3A_2681 = arith.index_cast %add3A_2606 : i32 to index
        %get3A_2682 = arith.constant 112 : index
        %get3A_2683 = tpu.vector_load %arg12[%get3A_2680, %get3A_2681, %get3A_2682] {strides = array<i32>} : memref<2x64x128xf32, #tpu.memory_space<vmem>>, vector<16xf32>,
        %mul3A_2684 = arith.mulf %get3A_2679, %get3A_2683 : vector<16xf32>
        %add3A_2685 = arith.addf %add3A_2675, %mul3A_2684 : vector<16xf32>
        %lt3A_2686 = arith.constant 0 : i32
        %lt3A_2687 = vector.broadcast %lt3A_2686 : i32 to vector<16xi32>
        %lt3A_2688 = arith.cmpi slt, %xor3A_22, %lt3A_2687 : vector<16xi32>
        %add3A_2689 = arith.constant 16 : i32
        %add3A_2690 = vector.broadcast %add3A_2689 : i32 to vector<16xi32>
        %add3A_2691 = arith.addi %xor3A_22, %add3A_2690 : vector<16xi32>
        %select_n3A_2692 = arith.select %lt3A_2688, %add3A_2691, %xor3A_22 : vector<16xi1>, vector<16xi32>
        %broadcast_in_dim3A_2693 = vector.shape_cast %select_n3A_2692 : vector<16xi32> to vector<16x1xi32>
        %gather3A_2694 = vector.shape_cast %broadcast_in_dim3A_2693 : vector<16x1xi32> to vector<16xi32>
        %gather3A_2695 = tpu.dynamic_gather %add3A_2602[%gather3A_2694] in [0] : vector<16xf32>, vector<16xi32> -> vector<16xf32>
        %add3A_2696 = arith.addf %add3A_2602, %gather3A_2695 : vector<16xf32>
        %lt3A_2697 = arith.constant 0 : i32
        %lt3A_2698 = vector.broadcast %lt3A_2697 : i32 to vector<16xi32>
        %lt3A_2699 = arith.cmpi slt, %xor3A_22, %lt3A_2698 : vector<16xi32>
        %add3A_2700 = arith.constant 16 : i32
        %add3A_2701 = vector.broadcast %add3A_2700 : i32 to vector<16xi32>
        %add3A_2702 = arith.addi %xor3A_22, %add3A_2701 : vector<16xi32>
        %select_n3A_2703 = arith.select %lt3A_2699, %add3A_2702, %xor3A_22 : vector<16xi1>, vector<16xi32>
        %broadcast_in_dim3A_2704 = vector.shape_cast %select_n3A_2703 : vector<16xi32> to vector<16x1xi32>
        %gather3A_2705 = vector.shape_cast %broadcast_in_dim3A_2704 : vector<16x1xi32> to vector<16xi32>
        %gather3A_2706 = tpu.dynamic_gather %add3A_2685[%gather3A_2705] in [0] : vector<16xf32>, vector<16xi32> -> vector<16xf32>
        %add3A_2707 = arith.addf %add3A_2685, %gather3A_2706 : vector<16xf32>
        %select_n3A_2708 = arith.select %eq3A_1911, %add3A_2696, %add3A_2707 : vector<16xi1>, vector<16xf32>
        %lt3A_2709 = arith.constant 0 : i32
        %lt3A_2710 = vector.broadcast %lt3A_2709 : i32 to vector<16xi32>
        %lt3A_2711 = arith.cmpi slt, %xor3A_25, %lt3A_2710 : vector<16xi32>
        %add3A_2712 = arith.constant 16 : i32
        %add3A_2713 = vector.broadcast %add3A_2712 : i32 to vector<16xi32>
        %add3A_2714 = arith.addi %xor3A_25, %add3A_2713 : vector<16xi32>
        %select_n3A_2715 = arith.select %lt3A_2711, %add3A_2714, %xor3A_25 : vector<16xi1>, vector<16xi32>
        %broadcast_in_dim3A_2716 = vector.shape_cast %select_n3A_2715 : vector<16xi32> to vector<16x1xi32>
        %gather3A_2717 = vector.shape_cast %broadcast_in_dim3A_2716 : vector<16x1xi32> to vector<16xi32>
        %gather3A_2718 = tpu.dynamic_gather %select_n3A_2519[%gather3A_2717] in [0] : vector<16xf32>, vector<16xi32> -> vector<16xf32>
        %add3A_2719 = arith.addf %select_n3A_2519, %gather3A_2718 : vector<16xf32>
        %lt3A_2720 = arith.constant 0 : i32
        %lt3A_2721 = vector.broadcast %lt3A_2720 : i32 to vector<16xi32>
        %lt3A_2722 = arith.cmpi slt, %xor3A_25, %lt3A_2721 : vector<16xi32>
        %add3A_2723 = arith.constant 16 : i32
        %add3A_2724 = vector.broadcast %add3A_2723 : i32 to vector<16xi32>
        %add3A_2725 = arith.addi %xor3A_25, %add3A_2724 : vector<16xi32>
        %select_n3A_2726 = arith.select %lt3A_2722, %add3A_2725, %xor3A_25 : vector<16xi1>, vector<16xi32>
        %broadcast_in_dim3A_2727 = vector.shape_cast %select_n3A_2726 : vector<16xi32> to vector<16x1xi32>
        %gather3A_2728 = vector.shape_cast %broadcast_in_dim3A_2727 : vector<16x1xi32> to vector<16xi32>
        %gather3A_2729 = tpu.dynamic_gather %select_n3A_2708[%gather3A_2728] in [0] : vector<16xf32>, vector<16xi32> -> vector<16xf32>
        %add3A_2730 = arith.addf %select_n3A_2708, %gather3A_2729 : vector<16xf32>
        %select_n3A_2731 = arith.select %eq3A_1917, %add3A_2719, %add3A_2730 : vector<16xi1>, vector<16xf32>
        %lt3A_2732 = arith.constant 0 : i32
        %lt3A_2733 = vector.broadcast %lt3A_2732 : i32 to vector<16xi32>
        %lt3A_2734 = arith.cmpi slt, %xor3A_28, %lt3A_2733 : vector<16xi32>
        %add3A_2735 = arith.constant 16 : i32
        %add3A_2736 = vector.broadcast %add3A_2735 : i32 to vector<16xi32>
        %add3A_2737 = arith.addi %xor3A_28, %add3A_2736 : vector<16xi32>
        %select_n3A_2738 = arith.select %lt3A_2734, %add3A_2737, %xor3A_28 : vector<16xi1>, vector<16xi32>
        %broadcast_in_dim3A_2739 = vector.shape_cast %select_n3A_2738 : vector<16xi32> to vector<16x1xi32>
        %gather3A_2740 = vector.shape_cast %broadcast_in_dim3A_2739 : vector<16x1xi32> to vector<16xi32>
        %gather3A_2741 = tpu.dynamic_gather %select_n3A_2330[%gather3A_2740] in [0] : vector<16xf32>, vector<16xi32> -> vector<16xf32>
        %add3A_2742 = arith.addf %select_n3A_2330, %gather3A_2741 : vector<16xf32>
        %lt3A_2743 = arith.constant 0 : i32
        %lt3A_2744 = vector.broadcast %lt3A_2743 : i32 to vector<16xi32>
        %lt3A_2745 = arith.cmpi slt, %xor3A_28, %lt3A_2744 : vector<16xi32>
        %add3A_2746 = arith.constant 16 : i32
        %add3A_2747 = vector.broadcast %add3A_2746 : i32 to vector<16xi32>
        %add3A_2748 = arith.addi %xor3A_28, %add3A_2747 : vector<16xi32>
        %select_n3A_2749 = arith.select %lt3A_2745, %add3A_2748, %xor3A_28 : vector<16xi1>, vector<16xi32>
        %broadcast_in_dim3A_2750 = vector.shape_cast %select_n3A_2749 : vector<16xi32> to vector<16x1xi32>
        %gather3A_2751 = vector.shape_cast %broadcast_in_dim3A_2750 : vector<16x1xi32> to vector<16xi32>
        %gather3A_2752 = tpu.dynamic_gather %select_n3A_2731[%gather3A_2751] in [0] : vector<16xf32>, vector<16xi32> -> vector<16xf32>
        %add3A_2753 = arith.addf %select_n3A_2731, %gather3A_2752 : vector<16xf32>
        %select_n3A_2754 = arith.select %eq3A_1923, %add3A_2742, %add3A_2753 : vector<16xi1>, vector<16xf32>
        %mul3A_2755 = arith.constant 16 : i32
        %mul3A_2756 = arith.muli %add3A_1905, %mul3A_2755 : i32
        %add3A_2757 = arith.constant 8 : i32
        %add3A_2758 = arith.addi %mul3A_2756, %add3A_2757 : i32
        %get3A_2759 = arith.index_cast %rem3A_134 : i32 to index
        %get3A_2760 = arith.index_cast %add3A_2758 : i32 to index
        %get3A_2761 = arith.constant 0 : index
        %get3A_2762 = tpu.vector_load %arg11[%get3A_2759, %get3A_2760, %get3A_2761] {strides = array<i32>} : memref<2x64x128xf32, #tpu.memory_space<vmem>>, vector<16xf32>,
        %get3A_2763 = arith.index_cast %rem3A_134 : i32 to index
        %get3A_2764 = arith.index_cast %add3A_2758 : i32 to index
        %get3A_2765 = arith.constant 0 : index
        %get3A_2766 = tpu.vector_load %arg12[%get3A_2763, %get3A_2764, %get3A_2765] {strides = array<i32>} : memref<2x64x128xf32, #tpu.memory_space<vmem>>, vector<16xf32>,
        %mul3A_2767 = arith.mulf %get3A_2762, %get3A_2766 : vector<16xf32>
        %get3A_2768 = arith.index_cast %rem3A_134 : i32 to index
        %get3A_2769 = arith.index_cast %add3A_2758 : i32 to index
        %get3A_2770 = arith.constant 16 : index
        %get3A_2771 = tpu.vector_load %arg11[%get3A_2768, %get3A_2769, %get3A_2770] {strides = array<i32>} : memref<2x64x128xf32, #tpu.memory_space<vmem>>, vector<16xf32>,
        %get3A_2772 = arith.index_cast %rem3A_134 : i32 to index
        %get3A_2773 = arith.index_cast %add3A_2758 : i32 to index
        %get3A_2774 = arith.constant 16 : index
        %get3A_2775 = tpu.vector_load %arg12[%get3A_2772, %get3A_2773, %get3A_2774] {strides = array<i32>} : memref<2x64x128xf32, #tpu.memory_space<vmem>>, vector<16xf32>,
        %mul3A_2776 = arith.mulf %get3A_2771, %get3A_2775 : vector<16xf32>
        %add3A_2777 = arith.addf %mul3A_2767, %mul3A_2776 : vector<16xf32>
        %get3A_2778 = arith.index_cast %rem3A_134 : i32 to index
        %get3A_2779 = arith.index_cast %add3A_2758 : i32 to index
        %get3A_2780 = arith.constant 32 : index
        %get3A_2781 = tpu.vector_load %arg11[%get3A_2778, %get3A_2779, %get3A_2780] {strides = array<i32>} : memref<2x64x128xf32, #tpu.memory_space<vmem>>, vector<16xf32>,
        %get3A_2782 = arith.index_cast %rem3A_134 : i32 to index
        %get3A_2783 = arith.index_cast %add3A_2758 : i32 to index
        %get3A_2784 = arith.constant 32 : index
        %get3A_2785 = tpu.vector_load %arg12[%get3A_2782, %get3A_2783, %get3A_2784] {strides = array<i32>} : memref<2x64x128xf32, #tpu.memory_space<vmem>>, vector<16xf32>,
        %mul3A_2786 = arith.mulf %get3A_2781, %get3A_2785 : vector<16xf32>
        %add3A_2787 = arith.addf %add3A_2777, %mul3A_2786 : vector<16xf32>
        %get3A_2788 = arith.index_cast %rem3A_134 : i32 to index
        %get3A_2789 = arith.index_cast %add3A_2758 : i32 to index
        %get3A_2790 = arith.constant 48 : index
        %get3A_2791 = tpu.vector_load %arg11[%get3A_2788, %get3A_2789, %get3A_2790] {strides = array<i32>} : memref<2x64x128xf32, #tpu.memory_space<vmem>>, vector<16xf32>,
        %get3A_2792 = arith.index_cast %rem3A_134 : i32 to index
        %get3A_2793 = arith.index_cast %add3A_2758 : i32 to index
        %get3A_2794 = arith.constant 48 : index
        %get3A_2795 = tpu.vector_load %arg12[%get3A_2792, %get3A_2793, %get3A_2794] {strides = array<i32>} : memref<2x64x128xf32, #tpu.memory_space<vmem>>, vector<16xf32>,
        %mul3A_2796 = arith.mulf %get3A_2791, %get3A_2795 : vector<16xf32>
        %add3A_2797 = arith.addf %add3A_2787, %mul3A_2796 : vector<16xf32>
        %get3A_2798 = arith.index_cast %rem3A_134 : i32 to index
        %get3A_2799 = arith.index_cast %add3A_2758 : i32 to index
        %get3A_2800 = arith.constant 64 : index
        %get3A_2801 = tpu.vector_load %arg11[%get3A_2798, %get3A_2799, %get3A_2800] {strides = array<i32>} : memref<2x64x128xf32, #tpu.memory_space<vmem>>, vector<16xf32>,
        %get3A_2802 = arith.index_cast %rem3A_134 : i32 to index
        %get3A_2803 = arith.index_cast %add3A_2758 : i32 to index
        %get3A_2804 = arith.constant 64 : index
        %get3A_2805 = tpu.vector_load %arg12[%get3A_2802, %get3A_2803, %get3A_2804] {strides = array<i32>} : memref<2x64x128xf32, #tpu.memory_space<vmem>>, vector<16xf32>,
        %mul3A_2806 = arith.mulf %get3A_2801, %get3A_2805 : vector<16xf32>
        %add3A_2807 = arith.addf %add3A_2797, %mul3A_2806 : vector<16xf32>
        %get3A_2808 = arith.index_cast %rem3A_134 : i32 to index
        %get3A_2809 = arith.index_cast %add3A_2758 : i32 to index
        %get3A_2810 = arith.constant 80 : index
        %get3A_2811 = tpu.vector_load %arg11[%get3A_2808, %get3A_2809, %get3A_2810] {strides = array<i32>} : memref<2x64x128xf32, #tpu.memory_space<vmem>>, vector<16xf32>,
        %get3A_2812 = arith.index_cast %rem3A_134 : i32 to index
        %get3A_2813 = arith.index_cast %add3A_2758 : i32 to index
        %get3A_2814 = arith.constant 80 : index
        %get3A_2815 = tpu.vector_load %arg12[%get3A_2812, %get3A_2813, %get3A_2814] {strides = array<i32>} : memref<2x64x128xf32, #tpu.memory_space<vmem>>, vector<16xf32>,
        %mul3A_2816 = arith.mulf %get3A_2811, %get3A_2815 : vector<16xf32>
        %add3A_2817 = arith.addf %add3A_2807, %mul3A_2816 : vector<16xf32>
        %get3A_2818 = arith.index_cast %rem3A_134 : i32 to index
        %get3A_2819 = arith.index_cast %add3A_2758 : i32 to index
        %get3A_2820 = arith.constant 96 : index
        %get3A_2821 = tpu.vector_load %arg11[%get3A_2818, %get3A_2819, %get3A_2820] {strides = array<i32>} : memref<2x64x128xf32, #tpu.memory_space<vmem>>, vector<16xf32>,
        %get3A_2822 = arith.index_cast %rem3A_134 : i32 to index
        %get3A_2823 = arith.index_cast %add3A_2758 : i32 to index
        %get3A_2824 = arith.constant 96 : index
        %get3A_2825 = tpu.vector_load %arg12[%get3A_2822, %get3A_2823, %get3A_2824] {strides = array<i32>} : memref<2x64x128xf32, #tpu.memory_space<vmem>>, vector<16xf32>,
        %mul3A_2826 = arith.mulf %get3A_2821, %get3A_2825 : vector<16xf32>
        %add3A_2827 = arith.addf %add3A_2817, %mul3A_2826 : vector<16xf32>
        %get3A_2828 = arith.index_cast %rem3A_134 : i32 to index
        %get3A_2829 = arith.index_cast %add3A_2758 : i32 to index
        %get3A_2830 = arith.constant 112 : index
        %get3A_2831 = tpu.vector_load %arg11[%get3A_2828, %get3A_2829, %get3A_2830] {strides = array<i32>} : memref<2x64x128xf32, #tpu.memory_space<vmem>>, vector<16xf32>,
        %get3A_2832 = arith.index_cast %rem3A_134 : i32 to index
        %get3A_2833 = arith.index_cast %add3A_2758 : i32 to index
        %get3A_2834 = arith.constant 112 : index
        %get3A_2835 = tpu.vector_load %arg12[%get3A_2832, %get3A_2833, %get3A_2834] {strides = array<i32>} : memref<2x64x128xf32, #tpu.memory_space<vmem>>, vector<16xf32>,
        %mul3A_2836 = arith.mulf %get3A_2831, %get3A_2835 : vector<16xf32>
        %add3A_2837 = arith.addf %add3A_2827, %mul3A_2836 : vector<16xf32>
        %mul3A_2838 = arith.constant 16 : i32
        %mul3A_2839 = arith.muli %add3A_1905, %mul3A_2838 : i32
        %add3A_2840 = arith.constant 9 : i32
        %add3A_2841 = arith.addi %mul3A_2839, %add3A_2840 : i32
        %get3A_2842 = arith.index_cast %rem3A_134 : i32 to index
        %get3A_2843 = arith.index_cast %add3A_2841 : i32 to index
        %get3A_2844 = arith.constant 0 : index
        %get3A_2845 = tpu.vector_load %arg11[%get3A_2842, %get3A_2843, %get3A_2844] {strides = array<i32>} : memref<2x64x128xf32, #tpu.memory_space<vmem>>, vector<16xf32>,
        %get3A_2846 = arith.index_cast %rem3A_134 : i32 to index
        %get3A_2847 = arith.index_cast %add3A_2841 : i32 to index
        %get3A_2848 = arith.constant 0 : index
        %get3A_2849 = tpu.vector_load %arg12[%get3A_2846, %get3A_2847, %get3A_2848] {strides = array<i32>} : memref<2x64x128xf32, #tpu.memory_space<vmem>>, vector<16xf32>,
        %mul3A_2850 = arith.mulf %get3A_2845, %get3A_2849 : vector<16xf32>
        %get3A_2851 = arith.index_cast %rem3A_134 : i32 to index
        %get3A_2852 = arith.index_cast %add3A_2841 : i32 to index
        %get3A_2853 = arith.constant 16 : index
        %get3A_2854 = tpu.vector_load %arg11[%get3A_2851, %get3A_2852, %get3A_2853] {strides = array<i32>} : memref<2x64x128xf32, #tpu.memory_space<vmem>>, vector<16xf32>,
        %get3A_2855 = arith.index_cast %rem3A_134 : i32 to index
        %get3A_2856 = arith.index_cast %add3A_2841 : i32 to index
        %get3A_2857 = arith.constant 16 : index
        %get3A_2858 = tpu.vector_load %arg12[%get3A_2855, %get3A_2856, %get3A_2857] {strides = array<i32>} : memref<2x64x128xf32, #tpu.memory_space<vmem>>, vector<16xf32>,
        %mul3A_2859 = arith.mulf %get3A_2854, %get3A_2858 : vector<16xf32>
        %add3A_2860 = arith.addf %mul3A_2850, %mul3A_2859 : vector<16xf32>
        %get3A_2861 = arith.index_cast %rem3A_134 : i32 to index
        %get3A_2862 = arith.index_cast %add3A_2841 : i32 to index
        %get3A_2863 = arith.constant 32 : index
        %get3A_2864 = tpu.vector_load %arg11[%get3A_2861, %get3A_2862, %get3A_2863] {strides = array<i32>} : memref<2x64x128xf32, #tpu.memory_space<vmem>>, vector<16xf32>,
        %get3A_2865 = arith.index_cast %rem3A_134 : i32 to index
        %get3A_2866 = arith.index_cast %add3A_2841 : i32 to index
        %get3A_2867 = arith.constant 32 : index
        %get3A_2868 = tpu.vector_load %arg12[%get3A_2865, %get3A_2866, %get3A_2867] {strides = array<i32>} : memref<2x64x128xf32, #tpu.memory_space<vmem>>, vector<16xf32>,
        %mul3A_2869 = arith.mulf %get3A_2864, %get3A_2868 : vector<16xf32>
        %add3A_2870 = arith.addf %add3A_2860, %mul3A_2869 : vector<16xf32>
        %get3A_2871 = arith.index_cast %rem3A_134 : i32 to index
        %get3A_2872 = arith.index_cast %add3A_2841 : i32 to index
        %get3A_2873 = arith.constant 48 : index
        %get3A_2874 = tpu.vector_load %arg11[%get3A_2871, %get3A_2872, %get3A_2873] {strides = array<i32>} : memref<2x64x128xf32, #tpu.memory_space<vmem>>, vector<16xf32>,
        %get3A_2875 = arith.index_cast %rem3A_134 : i32 to index
        %get3A_2876 = arith.index_cast %add3A_2841 : i32 to index
        %get3A_2877 = arith.constant 48 : index
        %get3A_2878 = tpu.vector_load %arg12[%get3A_2875, %get3A_2876, %get3A_2877] {strides = array<i32>} : memref<2x64x128xf32, #tpu.memory_space<vmem>>, vector<16xf32>,
        %mul3A_2879 = arith.mulf %get3A_2874, %get3A_2878 : vector<16xf32>
        %add3A_2880 = arith.addf %add3A_2870, %mul3A_2879 : vector<16xf32>
        %get3A_2881 = arith.index_cast %rem3A_134 : i32 to index
        %get3A_2882 = arith.index_cast %add3A_2841 : i32 to index
        %get3A_2883 = arith.constant 64 : index
        %get3A_2884 = tpu.vector_load %arg11[%get3A_2881, %get3A_2882, %get3A_2883] {strides = array<i32>} : memref<2x64x128xf32, #tpu.memory_space<vmem>>, vector<16xf32>,
        %get3A_2885 = arith.index_cast %rem3A_134 : i32 to index
        %get3A_2886 = arith.index_cast %add3A_2841 : i32 to index
        %get3A_2887 = arith.constant 64 : index
        %get3A_2888 = tpu.vector_load %arg12[%get3A_2885, %get3A_2886, %get3A_2887] {strides = array<i32>} : memref<2x64x128xf32, #tpu.memory_space<vmem>>, vector<16xf32>,
        %mul3A_2889 = arith.mulf %get3A_2884, %get3A_2888 : vector<16xf32>
        %add3A_2890 = arith.addf %add3A_2880, %mul3A_2889 : vector<16xf32>
        %get3A_2891 = arith.index_cast %rem3A_134 : i32 to index
        %get3A_2892 = arith.index_cast %add3A_2841 : i32 to index
        %get3A_2893 = arith.constant 80 : index
        %get3A_2894 = tpu.vector_load %arg11[%get3A_2891, %get3A_2892, %get3A_2893] {strides = array<i32>} : memref<2x64x128xf32, #tpu.memory_space<vmem>>, vector<16xf32>,
        %get3A_2895 = arith.index_cast %rem3A_134 : i32 to index
        %get3A_2896 = arith.index_cast %add3A_2841 : i32 to index
        %get3A_2897 = arith.constant 80 : index
        %get3A_2898 = tpu.vector_load %arg12[%get3A_2895, %get3A_2896, %get3A_2897] {strides = array<i32>} : memref<2x64x128xf32, #tpu.memory_space<vmem>>, vector<16xf32>,
        %mul3A_2899 = arith.mulf %get3A_2894, %get3A_2898 : vector<16xf32>
        %add3A_2900 = arith.addf %add3A_2890, %mul3A_2899 : vector<16xf32>
        %get3A_2901 = arith.index_cast %rem3A_134 : i32 to index
        %get3A_2902 = arith.index_cast %add3A_2841 : i32 to index
        %get3A_2903 = arith.constant 96 : index
        %get3A_2904 = tpu.vector_load %arg11[%get3A_2901, %get3A_2902, %get3A_2903] {strides = array<i32>} : memref<2x64x128xf32, #tpu.memory_space<vmem>>, vector<16xf32>,
        %get3A_2905 = arith.index_cast %rem3A_134 : i32 to index
        %get3A_2906 = arith.index_cast %add3A_2841 : i32 to index
        %get3A_2907 = arith.constant 96 : index
        %get3A_2908 = tpu.vector_load %arg12[%get3A_2905, %get3A_2906, %get3A_2907] {strides = array<i32>} : memref<2x64x128xf32, #tpu.memory_space<vmem>>, vector<16xf32>,
        %mul3A_2909 = arith.mulf %get3A_2904, %get3A_2908 : vector<16xf32>
        %add3A_2910 = arith.addf %add3A_2900, %mul3A_2909 : vector<16xf32>
        %get3A_2911 = arith.index_cast %rem3A_134 : i32 to index
        %get3A_2912 = arith.index_cast %add3A_2841 : i32 to index
        %get3A_2913 = arith.constant 112 : index
        %get3A_2914 = tpu.vector_load %arg11[%get3A_2911, %get3A_2912, %get3A_2913] {strides = array<i32>} : memref<2x64x128xf32, #tpu.memory_space<vmem>>, vector<16xf32>,
        %get3A_2915 = arith.index_cast %rem3A_134 : i32 to index
        %get3A_2916 = arith.index_cast %add3A_2841 : i32 to index
        %get3A_2917 = arith.constant 112 : index
        %get3A_2918 = tpu.vector_load %arg12[%get3A_2915, %get3A_2916, %get3A_2917] {strides = array<i32>} : memref<2x64x128xf32, #tpu.memory_space<vmem>>, vector<16xf32>,
        %mul3A_2919 = arith.mulf %get3A_2914, %get3A_2918 : vector<16xf32>
        %add3A_2920 = arith.addf %add3A_2910, %mul3A_2919 : vector<16xf32>
        %lt3A_2921 = arith.constant 0 : i32
        %lt3A_2922 = vector.broadcast %lt3A_2921 : i32 to vector<16xi32>
        %lt3A_2923 = arith.cmpi slt, %xor3A_22, %lt3A_2922 : vector<16xi32>
        %add3A_2924 = arith.constant 16 : i32
        %add3A_2925 = vector.broadcast %add3A_2924 : i32 to vector<16xi32>
        %add3A_2926 = arith.addi %xor3A_22, %add3A_2925 : vector<16xi32>
        %select_n3A_2927 = arith.select %lt3A_2923, %add3A_2926, %xor3A_22 : vector<16xi1>, vector<16xi32>
        %broadcast_in_dim3A_2928 = vector.shape_cast %select_n3A_2927 : vector<16xi32> to vector<16x1xi32>
        %gather3A_2929 = vector.shape_cast %broadcast_in_dim3A_2928 : vector<16x1xi32> to vector<16xi32>
        %gather3A_2930 = tpu.dynamic_gather %add3A_2837[%gather3A_2929] in [0] : vector<16xf32>, vector<16xi32> -> vector<16xf32>
        %add3A_2931 = arith.addf %add3A_2837, %gather3A_2930 : vector<16xf32>
        %lt3A_2932 = arith.constant 0 : i32
        %lt3A_2933 = vector.broadcast %lt3A_2932 : i32 to vector<16xi32>
        %lt3A_2934 = arith.cmpi slt, %xor3A_22, %lt3A_2933 : vector<16xi32>
        %add3A_2935 = arith.constant 16 : i32
        %add3A_2936 = vector.broadcast %add3A_2935 : i32 to vector<16xi32>
        %add3A_2937 = arith.addi %xor3A_22, %add3A_2936 : vector<16xi32>
        %select_n3A_2938 = arith.select %lt3A_2934, %add3A_2937, %xor3A_22 : vector<16xi1>, vector<16xi32>
        %broadcast_in_dim3A_2939 = vector.shape_cast %select_n3A_2938 : vector<16xi32> to vector<16x1xi32>
        %gather3A_2940 = vector.shape_cast %broadcast_in_dim3A_2939 : vector<16x1xi32> to vector<16xi32>
        %gather3A_2941 = tpu.dynamic_gather %add3A_2920[%gather3A_2940] in [0] : vector<16xf32>, vector<16xi32> -> vector<16xf32>
        %add3A_2942 = arith.addf %add3A_2920, %gather3A_2941 : vector<16xf32>
        %select_n3A_2943 = arith.select %eq3A_1911, %add3A_2931, %add3A_2942 : vector<16xi1>, vector<16xf32>
        %mul3A_2944 = arith.constant 16 : i32
        %mul3A_2945 = arith.muli %add3A_1905, %mul3A_2944 : i32
        %add3A_2946 = arith.constant 10 : i32
        %add3A_2947 = arith.addi %mul3A_2945, %add3A_2946 : i32
        %get3A_2948 = arith.index_cast %rem3A_134 : i32 to index
        %get3A_2949 = arith.index_cast %add3A_2947 : i32 to index
        %get3A_2950 = arith.constant 0 : index
        %get3A_2951 = tpu.vector_load %arg11[%get3A_2948, %get3A_2949, %get3A_2950] {strides = array<i32>} : memref<2x64x128xf32, #tpu.memory_space<vmem>>, vector<16xf32>,
        %get3A_2952 = arith.index_cast %rem3A_134 : i32 to index
        %get3A_2953 = arith.index_cast %add3A_2947 : i32 to index
        %get3A_2954 = arith.constant 0 : index
        %get3A_2955 = tpu.vector_load %arg12[%get3A_2952, %get3A_2953, %get3A_2954] {strides = array<i32>} : memref<2x64x128xf32, #tpu.memory_space<vmem>>, vector<16xf32>,
        %mul3A_2956 = arith.mulf %get3A_2951, %get3A_2955 : vector<16xf32>
        %get3A_2957 = arith.index_cast %rem3A_134 : i32 to index
        %get3A_2958 = arith.index_cast %add3A_2947 : i32 to index
        %get3A_2959 = arith.constant 16 : index
        %get3A_2960 = tpu.vector_load %arg11[%get3A_2957, %get3A_2958, %get3A_2959] {strides = array<i32>} : memref<2x64x128xf32, #tpu.memory_space<vmem>>, vector<16xf32>,
        %get3A_2961 = arith.index_cast %rem3A_134 : i32 to index
        %get3A_2962 = arith.index_cast %add3A_2947 : i32 to index
        %get3A_2963 = arith.constant 16 : index
        %get3A_2964 = tpu.vector_load %arg12[%get3A_2961, %get3A_2962, %get3A_2963] {strides = array<i32>} : memref<2x64x128xf32, #tpu.memory_space<vmem>>, vector<16xf32>,
        %mul3A_2965 = arith.mulf %get3A_2960, %get3A_2964 : vector<16xf32>
        %add3A_2966 = arith.addf %mul3A_2956, %mul3A_2965 : vector<16xf32>
        %get3A_2967 = arith.index_cast %rem3A_134 : i32 to index
        %get3A_2968 = arith.index_cast %add3A_2947 : i32 to index
        %get3A_2969 = arith.constant 32 : index
        %get3A_2970 = tpu.vector_load %arg11[%get3A_2967, %get3A_2968, %get3A_2969] {strides = array<i32>} : memref<2x64x128xf32, #tpu.memory_space<vmem>>, vector<16xf32>,
        %get3A_2971 = arith.index_cast %rem3A_134 : i32 to index
        %get3A_2972 = arith.index_cast %add3A_2947 : i32 to index
        %get3A_2973 = arith.constant 32 : index
        %get3A_2974 = tpu.vector_load %arg12[%get3A_2971, %get3A_2972, %get3A_2973] {strides = array<i32>} : memref<2x64x128xf32, #tpu.memory_space<vmem>>, vector<16xf32>,
        %mul3A_2975 = arith.mulf %get3A_2970, %get3A_2974 : vector<16xf32>
        %add3A_2976 = arith.addf %add3A_2966, %mul3A_2975 : vector<16xf32>
        %get3A_2977 = arith.index_cast %rem3A_134 : i32 to index
        %get3A_2978 = arith.index_cast %add3A_2947 : i32 to index
        %get3A_2979 = arith.constant 48 : index
        %get3A_2980 = tpu.vector_load %arg11[%get3A_2977, %get3A_2978, %get3A_2979] {strides = array<i32>} : memref<2x64x128xf32, #tpu.memory_space<vmem>>, vector<16xf32>,
        %get3A_2981 = arith.index_cast %rem3A_134 : i32 to index
        %get3A_2982 = arith.index_cast %add3A_2947 : i32 to index
        %get3A_2983 = arith.constant 48 : index
        %get3A_2984 = tpu.vector_load %arg12[%get3A_2981, %get3A_2982, %get3A_2983] {strides = array<i32>} : memref<2x64x128xf32, #tpu.memory_space<vmem>>, vector<16xf32>,
        %mul3A_2985 = arith.mulf %get3A_2980, %get3A_2984 : vector<16xf32>
        %add3A_2986 = arith.addf %add3A_2976, %mul3A_2985 : vector<16xf32>
        %get3A_2987 = arith.index_cast %rem3A_134 : i32 to index
        %get3A_2988 = arith.index_cast %add3A_2947 : i32 to index
        %get3A_2989 = arith.constant 64 : index
        %get3A_2990 = tpu.vector_load %arg11[%get3A_2987, %get3A_2988, %get3A_2989] {strides = array<i32>} : memref<2x64x128xf32, #tpu.memory_space<vmem>>, vector<16xf32>,
        %get3A_2991 = arith.index_cast %rem3A_134 : i32 to index
        %get3A_2992 = arith.index_cast %add3A_2947 : i32 to index
        %get3A_2993 = arith.constant 64 : index
        %get3A_2994 = tpu.vector_load %arg12[%get3A_2991, %get3A_2992, %get3A_2993] {strides = array<i32>} : memref<2x64x128xf32, #tpu.memory_space<vmem>>, vector<16xf32>,
        %mul3A_2995 = arith.mulf %get3A_2990, %get3A_2994 : vector<16xf32>
        %add3A_2996 = arith.addf %add3A_2986, %mul3A_2995 : vector<16xf32>
        %get3A_2997 = arith.index_cast %rem3A_134 : i32 to index
        %get3A_2998 = arith.index_cast %add3A_2947 : i32 to index
        %get3A_2999 = arith.constant 80 : index
        %get3A_3000 = tpu.vector_load %arg11[%get3A_2997, %get3A_2998, %get3A_2999] {strides = array<i32>} : memref<2x64x128xf32, #tpu.memory_space<vmem>>, vector<16xf32>,
        %get3A_3001 = arith.index_cast %rem3A_134 : i32 to index
        %get3A_3002 = arith.index_cast %add3A_2947 : i32 to index
        %get3A_3003 = arith.constant 80 : index
        %get3A_3004 = tpu.vector_load %arg12[%get3A_3001, %get3A_3002, %get3A_3003] {strides = array<i32>} : memref<2x64x128xf32, #tpu.memory_space<vmem>>, vector<16xf32>,
        %mul3A_3005 = arith.mulf %get3A_3000, %get3A_3004 : vector<16xf32>
        %add3A_3006 = arith.addf %add3A_2996, %mul3A_3005 : vector<16xf32>
        %get3A_3007 = arith.index_cast %rem3A_134 : i32 to index
        %get3A_3008 = arith.index_cast %add3A_2947 : i32 to index
        %get3A_3009 = arith.constant 96 : index
        %get3A_3010 = tpu.vector_load %arg11[%get3A_3007, %get3A_3008, %get3A_3009] {strides = array<i32>} : memref<2x64x128xf32, #tpu.memory_space<vmem>>, vector<16xf32>,
        %get3A_3011 = arith.index_cast %rem3A_134 : i32 to index
        %get3A_3012 = arith.index_cast %add3A_2947 : i32 to index
        %get3A_3013 = arith.constant 96 : index
        %get3A_3014 = tpu.vector_load %arg12[%get3A_3011, %get3A_3012, %get3A_3013] {strides = array<i32>} : memref<2x64x128xf32, #tpu.memory_space<vmem>>, vector<16xf32>,
        %mul3A_3015 = arith.mulf %get3A_3010, %get3A_3014 : vector<16xf32>
        %add3A_3016 = arith.addf %add3A_3006, %mul3A_3015 : vector<16xf32>
        %get3A_3017 = arith.index_cast %rem3A_134 : i32 to index
        %get3A_3018 = arith.index_cast %add3A_2947 : i32 to index
        %get3A_3019 = arith.constant 112 : index
        %get3A_3020 = tpu.vector_load %arg11[%get3A_3017, %get3A_3018, %get3A_3019] {strides = array<i32>} : memref<2x64x128xf32, #tpu.memory_space<vmem>>, vector<16xf32>,
        %get3A_3021 = arith.index_cast %rem3A_134 : i32 to index
        %get3A_3022 = arith.index_cast %add3A_2947 : i32 to index
        %get3A_3023 = arith.constant 112 : index
        %get3A_3024 = tpu.vector_load %arg12[%get3A_3021, %get3A_3022, %get3A_3023] {strides = array<i32>} : memref<2x64x128xf32, #tpu.memory_space<vmem>>, vector<16xf32>,
        %mul3A_3025 = arith.mulf %get3A_3020, %get3A_3024 : vector<16xf32>
        %add3A_3026 = arith.addf %add3A_3016, %mul3A_3025 : vector<16xf32>
        %mul3A_3027 = arith.constant 16 : i32
        %mul3A_3028 = arith.muli %add3A_1905, %mul3A_3027 : i32
        %add3A_3029 = arith.constant 11 : i32
        %add3A_3030 = arith.addi %mul3A_3028, %add3A_3029 : i32
        %get3A_3031 = arith.index_cast %rem3A_134 : i32 to index
        %get3A_3032 = arith.index_cast %add3A_3030 : i32 to index
        %get3A_3033 = arith.constant 0 : index
        %get3A_3034 = tpu.vector_load %arg11[%get3A_3031, %get3A_3032, %get3A_3033] {strides = array<i32>} : memref<2x64x128xf32, #tpu.memory_space<vmem>>, vector<16xf32>,
        %get3A_3035 = arith.index_cast %rem3A_134 : i32 to index
        %get3A_3036 = arith.index_cast %add3A_3030 : i32 to index
        %get3A_3037 = arith.constant 0 : index
        %get3A_3038 = tpu.vector_load %arg12[%get3A_3035, %get3A_3036, %get3A_3037] {strides = array<i32>} : memref<2x64x128xf32, #tpu.memory_space<vmem>>, vector<16xf32>,
        %mul3A_3039 = arith.mulf %get3A_3034, %get3A_3038 : vector<16xf32>
        %get3A_3040 = arith.index_cast %rem3A_134 : i32 to index
        %get3A_3041 = arith.index_cast %add3A_3030 : i32 to index
        %get3A_3042 = arith.constant 16 : index
        %get3A_3043 = tpu.vector_load %arg11[%get3A_3040, %get3A_3041, %get3A_3042] {strides = array<i32>} : memref<2x64x128xf32, #tpu.memory_space<vmem>>, vector<16xf32>,
        %get3A_3044 = arith.index_cast %rem3A_134 : i32 to index
        %get3A_3045 = arith.index_cast %add3A_3030 : i32 to index
        %get3A_3046 = arith.constant 16 : index
        %get3A_3047 = tpu.vector_load %arg12[%get3A_3044, %get3A_3045, %get3A_3046] {strides = array<i32>} : memref<2x64x128xf32, #tpu.memory_space<vmem>>, vector<16xf32>,
        %mul3A_3048 = arith.mulf %get3A_3043, %get3A_3047 : vector<16xf32>
        %add3A_3049 = arith.addf %mul3A_3039, %mul3A_3048 : vector<16xf32>
        %get3A_3050 = arith.index_cast %rem3A_134 : i32 to index
        %get3A_3051 = arith.index_cast %add3A_3030 : i32 to index
        %get3A_3052 = arith.constant 32 : index
        %get3A_3053 = tpu.vector_load %arg11[%get3A_3050, %get3A_3051, %get3A_3052] {strides = array<i32>} : memref<2x64x128xf32, #tpu.memory_space<vmem>>, vector<16xf32>,
        %get3A_3054 = arith.index_cast %rem3A_134 : i32 to index
        %get3A_3055 = arith.index_cast %add3A_3030 : i32 to index
        %get3A_3056 = arith.constant 32 : index
        %get3A_3057 = tpu.vector_load %arg12[%get3A_3054, %get3A_3055, %get3A_3056] {strides = array<i32>} : memref<2x64x128xf32, #tpu.memory_space<vmem>>, vector<16xf32>,
        %mul3A_3058 = arith.mulf %get3A_3053, %get3A_3057 : vector<16xf32>
        %add3A_3059 = arith.addf %add3A_3049, %mul3A_3058 : vector<16xf32>
        %get3A_3060 = arith.index_cast %rem3A_134 : i32 to index
        %get3A_3061 = arith.index_cast %add3A_3030 : i32 to index
        %get3A_3062 = arith.constant 48 : index
        %get3A_3063 = tpu.vector_load %arg11[%get3A_3060, %get3A_3061, %get3A_3062] {strides = array<i32>} : memref<2x64x128xf32, #tpu.memory_space<vmem>>, vector<16xf32>,
        %get3A_3064 = arith.index_cast %rem3A_134 : i32 to index
        %get3A_3065 = arith.index_cast %add3A_3030 : i32 to index
        %get3A_3066 = arith.constant 48 : index
        %get3A_3067 = tpu.vector_load %arg12[%get3A_3064, %get3A_3065, %get3A_3066] {strides = array<i32>} : memref<2x64x128xf32, #tpu.memory_space<vmem>>, vector<16xf32>,
        %mul3A_3068 = arith.mulf %get3A_3063, %get3A_3067 : vector<16xf32>
        %add3A_3069 = arith.addf %add3A_3059, %mul3A_3068 : vector<16xf32>
        %get3A_3070 = arith.index_cast %rem3A_134 : i32 to index
        %get3A_3071 = arith.index_cast %add3A_3030 : i32 to index
        %get3A_3072 = arith.constant 64 : index
        %get3A_3073 = tpu.vector_load %arg11[%get3A_3070, %get3A_3071, %get3A_3072] {strides = array<i32>} : memref<2x64x128xf32, #tpu.memory_space<vmem>>, vector<16xf32>,
        %get3A_3074 = arith.index_cast %rem3A_134 : i32 to index
        %get3A_3075 = arith.index_cast %add3A_3030 : i32 to index
        %get3A_3076 = arith.constant 64 : index
        %get3A_3077 = tpu.vector_load %arg12[%get3A_3074, %get3A_3075, %get3A_3076] {strides = array<i32>} : memref<2x64x128xf32, #tpu.memory_space<vmem>>, vector<16xf32>,
        %mul3A_3078 = arith.mulf %get3A_3073, %get3A_3077 : vector<16xf32>
        %add3A_3079 = arith.addf %add3A_3069, %mul3A_3078 : vector<16xf32>
        %get3A_3080 = arith.index_cast %rem3A_134 : i32 to index
        %get3A_3081 = arith.index_cast %add3A_3030 : i32 to index
        %get3A_3082 = arith.constant 80 : index
        %get3A_3083 = tpu.vector_load %arg11[%get3A_3080, %get3A_3081, %get3A_3082] {strides = array<i32>} : memref<2x64x128xf32, #tpu.memory_space<vmem>>, vector<16xf32>,
        %get3A_3084 = arith.index_cast %rem3A_134 : i32 to index
        %get3A_3085 = arith.index_cast %add3A_3030 : i32 to index
        %get3A_3086 = arith.constant 80 : index
        %get3A_3087 = tpu.vector_load %arg12[%get3A_3084, %get3A_3085, %get3A_3086] {strides = array<i32>} : memref<2x64x128xf32, #tpu.memory_space<vmem>>, vector<16xf32>,
        %mul3A_3088 = arith.mulf %get3A_3083, %get3A_3087 : vector<16xf32>
        %add3A_3089 = arith.addf %add3A_3079, %mul3A_3088 : vector<16xf32>
        %get3A_3090 = arith.index_cast %rem3A_134 : i32 to index
        %get3A_3091 = arith.index_cast %add3A_3030 : i32 to index
        %get3A_3092 = arith.constant 96 : index
        %get3A_3093 = tpu.vector_load %arg11[%get3A_3090, %get3A_3091, %get3A_3092] {strides = array<i32>} : memref<2x64x128xf32, #tpu.memory_space<vmem>>, vector<16xf32>,
        %get3A_3094 = arith.index_cast %rem3A_134 : i32 to index
        %get3A_3095 = arith.index_cast %add3A_3030 : i32 to index
        %get3A_3096 = arith.constant 96 : index
        %get3A_3097 = tpu.vector_load %arg12[%get3A_3094, %get3A_3095, %get3A_3096] {strides = array<i32>} : memref<2x64x128xf32, #tpu.memory_space<vmem>>, vector<16xf32>,
        %mul3A_3098 = arith.mulf %get3A_3093, %get3A_3097 : vector<16xf32>
        %add3A_3099 = arith.addf %add3A_3089, %mul3A_3098 : vector<16xf32>
        %get3A_3100 = arith.index_cast %rem3A_134 : i32 to index
        %get3A_3101 = arith.index_cast %add3A_3030 : i32 to index
        %get3A_3102 = arith.constant 112 : index
        %get3A_3103 = tpu.vector_load %arg11[%get3A_3100, %get3A_3101, %get3A_3102] {strides = array<i32>} : memref<2x64x128xf32, #tpu.memory_space<vmem>>, vector<16xf32>,
        %get3A_3104 = arith.index_cast %rem3A_134 : i32 to index
        %get3A_3105 = arith.index_cast %add3A_3030 : i32 to index
        %get3A_3106 = arith.constant 112 : index
        %get3A_3107 = tpu.vector_load %arg12[%get3A_3104, %get3A_3105, %get3A_3106] {strides = array<i32>} : memref<2x64x128xf32, #tpu.memory_space<vmem>>, vector<16xf32>,
        %mul3A_3108 = arith.mulf %get3A_3103, %get3A_3107 : vector<16xf32>
        %add3A_3109 = arith.addf %add3A_3099, %mul3A_3108 : vector<16xf32>
        %lt3A_3110 = arith.constant 0 : i32
        %lt3A_3111 = vector.broadcast %lt3A_3110 : i32 to vector<16xi32>
        %lt3A_3112 = arith.cmpi slt, %xor3A_22, %lt3A_3111 : vector<16xi32>
        %add3A_3113 = arith.constant 16 : i32
        %add3A_3114 = vector.broadcast %add3A_3113 : i32 to vector<16xi32>
        %add3A_3115 = arith.addi %xor3A_22, %add3A_3114 : vector<16xi32>
        %select_n3A_3116 = arith.select %lt3A_3112, %add3A_3115, %xor3A_22 : vector<16xi1>, vector<16xi32>
        %broadcast_in_dim3A_3117 = vector.shape_cast %select_n3A_3116 : vector<16xi32> to vector<16x1xi32>
        %gather3A_3118 = vector.shape_cast %broadcast_in_dim3A_3117 : vector<16x1xi32> to vector<16xi32>
        %gather3A_3119 = tpu.dynamic_gather %add3A_3026[%gather3A_3118] in [0] : vector<16xf32>, vector<16xi32> -> vector<16xf32>
        %add3A_3120 = arith.addf %add3A_3026, %gather3A_3119 : vector<16xf32>
        %lt3A_3121 = arith.constant 0 : i32
        %lt3A_3122 = vector.broadcast %lt3A_3121 : i32 to vector<16xi32>
        %lt3A_3123 = arith.cmpi slt, %xor3A_22, %lt3A_3122 : vector<16xi32>
        %add3A_3124 = arith.constant 16 : i32
        %add3A_3125 = vector.broadcast %add3A_3124 : i32 to vector<16xi32>
        %add3A_3126 = arith.addi %xor3A_22, %add3A_3125 : vector<16xi32>
        %select_n3A_3127 = arith.select %lt3A_3123, %add3A_3126, %xor3A_22 : vector<16xi1>, vector<16xi32>
        %broadcast_in_dim3A_3128 = vector.shape_cast %select_n3A_3127 : vector<16xi32> to vector<16x1xi32>
        %gather3A_3129 = vector.shape_cast %broadcast_in_dim3A_3128 : vector<16x1xi32> to vector<16xi32>
        %gather3A_3130 = tpu.dynamic_gather %add3A_3109[%gather3A_3129] in [0] : vector<16xf32>, vector<16xi32> -> vector<16xf32>
        %add3A_3131 = arith.addf %add3A_3109, %gather3A_3130 : vector<16xf32>
        %select_n3A_3132 = arith.select %eq3A_1911, %add3A_3120, %add3A_3131 : vector<16xi1>, vector<16xf32>
        %lt3A_3133 = arith.constant 0 : i32
        %lt3A_3134 = vector.broadcast %lt3A_3133 : i32 to vector<16xi32>
        %lt3A_3135 = arith.cmpi slt, %xor3A_25, %lt3A_3134 : vector<16xi32>
        %add3A_3136 = arith.constant 16 : i32
        %add3A_3137 = vector.broadcast %add3A_3136 : i32 to vector<16xi32>
        %add3A_3138 = arith.addi %xor3A_25, %add3A_3137 : vector<16xi32>
        %select_n3A_3139 = arith.select %lt3A_3135, %add3A_3138, %xor3A_25 : vector<16xi1>, vector<16xi32>
        %broadcast_in_dim3A_3140 = vector.shape_cast %select_n3A_3139 : vector<16xi32> to vector<16x1xi32>
        %gather3A_3141 = vector.shape_cast %broadcast_in_dim3A_3140 : vector<16x1xi32> to vector<16xi32>
        %gather3A_3142 = tpu.dynamic_gather %select_n3A_2943[%gather3A_3141] in [0] : vector<16xf32>, vector<16xi32> -> vector<16xf32>
        %add3A_3143 = arith.addf %select_n3A_2943, %gather3A_3142 : vector<16xf32>
        %lt3A_3144 = arith.constant 0 : i32
        %lt3A_3145 = vector.broadcast %lt3A_3144 : i32 to vector<16xi32>
        %lt3A_3146 = arith.cmpi slt, %xor3A_25, %lt3A_3145 : vector<16xi32>
        %add3A_3147 = arith.constant 16 : i32
        %add3A_3148 = vector.broadcast %add3A_3147 : i32 to vector<16xi32>
        %add3A_3149 = arith.addi %xor3A_25, %add3A_3148 : vector<16xi32>
        %select_n3A_3150 = arith.select %lt3A_3146, %add3A_3149, %xor3A_25 : vector<16xi1>, vector<16xi32>
        %broadcast_in_dim3A_3151 = vector.shape_cast %select_n3A_3150 : vector<16xi32> to vector<16x1xi32>
        %gather3A_3152 = vector.shape_cast %broadcast_in_dim3A_3151 : vector<16x1xi32> to vector<16xi32>
        %gather3A_3153 = tpu.dynamic_gather %select_n3A_3132[%gather3A_3152] in [0] : vector<16xf32>, vector<16xi32> -> vector<16xf32>
        %add3A_3154 = arith.addf %select_n3A_3132, %gather3A_3153 : vector<16xf32>
        %select_n3A_3155 = arith.select %eq3A_1917, %add3A_3143, %add3A_3154 : vector<16xi1>, vector<16xf32>
        %mul3A_3156 = arith.constant 16 : i32
        %mul3A_3157 = arith.muli %add3A_1905, %mul3A_3156 : i32
        %add3A_3158 = arith.constant 12 : i32
        %add3A_3159 = arith.addi %mul3A_3157, %add3A_3158 : i32
        %get3A_3160 = arith.index_cast %rem3A_134 : i32 to index
        %get3A_3161 = arith.index_cast %add3A_3159 : i32 to index
        %get3A_3162 = arith.constant 0 : index
        %get3A_3163 = tpu.vector_load %arg11[%get3A_3160, %get3A_3161, %get3A_3162] {strides = array<i32>} : memref<2x64x128xf32, #tpu.memory_space<vmem>>, vector<16xf32>,
        %get3A_3164 = arith.index_cast %rem3A_134 : i32 to index
        %get3A_3165 = arith.index_cast %add3A_3159 : i32 to index
        %get3A_3166 = arith.constant 0 : index
        %get3A_3167 = tpu.vector_load %arg12[%get3A_3164, %get3A_3165, %get3A_3166] {strides = array<i32>} : memref<2x64x128xf32, #tpu.memory_space<vmem>>, vector<16xf32>,
        %mul3A_3168 = arith.mulf %get3A_3163, %get3A_3167 : vector<16xf32>
        %get3A_3169 = arith.index_cast %rem3A_134 : i32 to index
        %get3A_3170 = arith.index_cast %add3A_3159 : i32 to index
        %get3A_3171 = arith.constant 16 : index
        %get3A_3172 = tpu.vector_load %arg11[%get3A_3169, %get3A_3170, %get3A_3171] {strides = array<i32>} : memref<2x64x128xf32, #tpu.memory_space<vmem>>, vector<16xf32>,
        %get3A_3173 = arith.index_cast %rem3A_134 : i32 to index
        %get3A_3174 = arith.index_cast %add3A_3159 : i32 to index
        %get3A_3175 = arith.constant 16 : index
        %get3A_3176 = tpu.vector_load %arg12[%get3A_3173, %get3A_3174, %get3A_3175] {strides = array<i32>} : memref<2x64x128xf32, #tpu.memory_space<vmem>>, vector<16xf32>,
        %mul3A_3177 = arith.mulf %get3A_3172, %get3A_3176 : vector<16xf32>
        %add3A_3178 = arith.addf %mul3A_3168, %mul3A_3177 : vector<16xf32>
        %get3A_3179 = arith.index_cast %rem3A_134 : i32 to index
        %get3A_3180 = arith.index_cast %add3A_3159 : i32 to index
        %get3A_3181 = arith.constant 32 : index
        %get3A_3182 = tpu.vector_load %arg11[%get3A_3179, %get3A_3180, %get3A_3181] {strides = array<i32>} : memref<2x64x128xf32, #tpu.memory_space<vmem>>, vector<16xf32>,
        %get3A_3183 = arith.index_cast %rem3A_134 : i32 to index
        %get3A_3184 = arith.index_cast %add3A_3159 : i32 to index
        %get3A_3185 = arith.constant 32 : index
        %get3A_3186 = tpu.vector_load %arg12[%get3A_3183, %get3A_3184, %get3A_3185] {strides = array<i32>} : memref<2x64x128xf32, #tpu.memory_space<vmem>>, vector<16xf32>,
        %mul3A_3187 = arith.mulf %get3A_3182, %get3A_3186 : vector<16xf32>
        %add3A_3188 = arith.addf %add3A_3178, %mul3A_3187 : vector<16xf32>
        %get3A_3189 = arith.index_cast %rem3A_134 : i32 to index
        %get3A_3190 = arith.index_cast %add3A_3159 : i32 to index
        %get3A_3191 = arith.constant 48 : index
        %get3A_3192 = tpu.vector_load %arg11[%get3A_3189, %get3A_3190, %get3A_3191] {strides = array<i32>} : memref<2x64x128xf32, #tpu.memory_space<vmem>>, vector<16xf32>,
        %get3A_3193 = arith.index_cast %rem3A_134 : i32 to index
        %get3A_3194 = arith.index_cast %add3A_3159 : i32 to index
        %get3A_3195 = arith.constant 48 : index
        %get3A_3196 = tpu.vector_load %arg12[%get3A_3193, %get3A_3194, %get3A_3195] {strides = array<i32>} : memref<2x64x128xf32, #tpu.memory_space<vmem>>, vector<16xf32>,
        %mul3A_3197 = arith.mulf %get3A_3192, %get3A_3196 : vector<16xf32>
        %add3A_3198 = arith.addf %add3A_3188, %mul3A_3197 : vector<16xf32>
        %get3A_3199 = arith.index_cast %rem3A_134 : i32 to index
        %get3A_3200 = arith.index_cast %add3A_3159 : i32 to index
        %get3A_3201 = arith.constant 64 : index
        %get3A_3202 = tpu.vector_load %arg11[%get3A_3199, %get3A_3200, %get3A_3201] {strides = array<i32>} : memref<2x64x128xf32, #tpu.memory_space<vmem>>, vector<16xf32>,
        %get3A_3203 = arith.index_cast %rem3A_134 : i32 to index
        %get3A_3204 = arith.index_cast %add3A_3159 : i32 to index
        %get3A_3205 = arith.constant 64 : index
        %get3A_3206 = tpu.vector_load %arg12[%get3A_3203, %get3A_3204, %get3A_3205] {strides = array<i32>} : memref<2x64x128xf32, #tpu.memory_space<vmem>>, vector<16xf32>,
        %mul3A_3207 = arith.mulf %get3A_3202, %get3A_3206 : vector<16xf32>
        %add3A_3208 = arith.addf %add3A_3198, %mul3A_3207 : vector<16xf32>
        %get3A_3209 = arith.index_cast %rem3A_134 : i32 to index
        %get3A_3210 = arith.index_cast %add3A_3159 : i32 to index
        %get3A_3211 = arith.constant 80 : index
        %get3A_3212 = tpu.vector_load %arg11[%get3A_3209, %get3A_3210, %get3A_3211] {strides = array<i32>} : memref<2x64x128xf32, #tpu.memory_space<vmem>>, vector<16xf32>,
        %get3A_3213 = arith.index_cast %rem3A_134 : i32 to index
        %get3A_3214 = arith.index_cast %add3A_3159 : i32 to index
        %get3A_3215 = arith.constant 80 : index
        %get3A_3216 = tpu.vector_load %arg12[%get3A_3213, %get3A_3214, %get3A_3215] {strides = array<i32>} : memref<2x64x128xf32, #tpu.memory_space<vmem>>, vector<16xf32>,
        %mul3A_3217 = arith.mulf %get3A_3212, %get3A_3216 : vector<16xf32>
        %add3A_3218 = arith.addf %add3A_3208, %mul3A_3217 : vector<16xf32>
        %get3A_3219 = arith.index_cast %rem3A_134 : i32 to index
        %get3A_3220 = arith.index_cast %add3A_3159 : i32 to index
        %get3A_3221 = arith.constant 96 : index
        %get3A_3222 = tpu.vector_load %arg11[%get3A_3219, %get3A_3220, %get3A_3221] {strides = array<i32>} : memref<2x64x128xf32, #tpu.memory_space<vmem>>, vector<16xf32>,
        %get3A_3223 = arith.index_cast %rem3A_134 : i32 to index
        %get3A_3224 = arith.index_cast %add3A_3159 : i32 to index
        %get3A_3225 = arith.constant 96 : index
        %get3A_3226 = tpu.vector_load %arg12[%get3A_3223, %get3A_3224, %get3A_3225] {strides = array<i32>} : memref<2x64x128xf32, #tpu.memory_space<vmem>>, vector<16xf32>,
        %mul3A_3227 = arith.mulf %get3A_3222, %get3A_3226 : vector<16xf32>
        %add3A_3228 = arith.addf %add3A_3218, %mul3A_3227 : vector<16xf32>
        %get3A_3229 = arith.index_cast %rem3A_134 : i32 to index
        %get3A_3230 = arith.index_cast %add3A_3159 : i32 to index
        %get3A_3231 = arith.constant 112 : index
        %get3A_3232 = tpu.vector_load %arg11[%get3A_3229, %get3A_3230, %get3A_3231] {strides = array<i32>} : memref<2x64x128xf32, #tpu.memory_space<vmem>>, vector<16xf32>,
        %get3A_3233 = arith.index_cast %rem3A_134 : i32 to index
        %get3A_3234 = arith.index_cast %add3A_3159 : i32 to index
        %get3A_3235 = arith.constant 112 : index
        %get3A_3236 = tpu.vector_load %arg12[%get3A_3233, %get3A_3234, %get3A_3235] {strides = array<i32>} : memref<2x64x128xf32, #tpu.memory_space<vmem>>, vector<16xf32>,
        %mul3A_3237 = arith.mulf %get3A_3232, %get3A_3236 : vector<16xf32>
        %add3A_3238 = arith.addf %add3A_3228, %mul3A_3237 : vector<16xf32>
        %mul3A_3239 = arith.constant 16 : i32
        %mul3A_3240 = arith.muli %add3A_1905, %mul3A_3239 : i32
        %add3A_3241 = arith.constant 13 : i32
        %add3A_3242 = arith.addi %mul3A_3240, %add3A_3241 : i32
        %get3A_3243 = arith.index_cast %rem3A_134 : i32 to index
        %get3A_3244 = arith.index_cast %add3A_3242 : i32 to index
        %get3A_3245 = arith.constant 0 : index
        %get3A_3246 = tpu.vector_load %arg11[%get3A_3243, %get3A_3244, %get3A_3245] {strides = array<i32>} : memref<2x64x128xf32, #tpu.memory_space<vmem>>, vector<16xf32>,
        %get3A_3247 = arith.index_cast %rem3A_134 : i32 to index
        %get3A_3248 = arith.index_cast %add3A_3242 : i32 to index
        %get3A_3249 = arith.constant 0 : index
        %get3A_3250 = tpu.vector_load %arg12[%get3A_3247, %get3A_3248, %get3A_3249] {strides = array<i32>} : memref<2x64x128xf32, #tpu.memory_space<vmem>>, vector<16xf32>,
        %mul3A_3251 = arith.mulf %get3A_3246, %get3A_3250 : vector<16xf32>
        %get3A_3252 = arith.index_cast %rem3A_134 : i32 to index
        %get3A_3253 = arith.index_cast %add3A_3242 : i32 to index
        %get3A_3254 = arith.constant 16 : index
        %get3A_3255 = tpu.vector_load %arg11[%get3A_3252, %get3A_3253, %get3A_3254] {strides = array<i32>} : memref<2x64x128xf32, #tpu.memory_space<vmem>>, vector<16xf32>,
        %get3A_3256 = arith.index_cast %rem3A_134 : i32 to index
        %get3A_3257 = arith.index_cast %add3A_3242 : i32 to index
        %get3A_3258 = arith.constant 16 : index
        %get3A_3259 = tpu.vector_load %arg12[%get3A_3256, %get3A_3257, %get3A_3258] {strides = array<i32>} : memref<2x64x128xf32, #tpu.memory_space<vmem>>, vector<16xf32>,
        %mul3A_3260 = arith.mulf %get3A_3255, %get3A_3259 : vector<16xf32>
        %add3A_3261 = arith.addf %mul3A_3251, %mul3A_3260 : vector<16xf32>
        %get3A_3262 = arith.index_cast %rem3A_134 : i32 to index
        %get3A_3263 = arith.index_cast %add3A_3242 : i32 to index
        %get3A_3264 = arith.constant 32 : index
        %get3A_3265 = tpu.vector_load %arg11[%get3A_3262, %get3A_3263, %get3A_3264] {strides = array<i32>} : memref<2x64x128xf32, #tpu.memory_space<vmem>>, vector<16xf32>,
        %get3A_3266 = arith.index_cast %rem3A_134 : i32 to index
        %get3A_3267 = arith.index_cast %add3A_3242 : i32 to index
        %get3A_3268 = arith.constant 32 : index
        %get3A_3269 = tpu.vector_load %arg12[%get3A_3266, %get3A_3267, %get3A_3268] {strides = array<i32>} : memref<2x64x128xf32, #tpu.memory_space<vmem>>, vector<16xf32>,
        %mul3A_3270 = arith.mulf %get3A_3265, %get3A_3269 : vector<16xf32>
        %add3A_3271 = arith.addf %add3A_3261, %mul3A_3270 : vector<16xf32>
        %get3A_3272 = arith.index_cast %rem3A_134 : i32 to index
        %get3A_3273 = arith.index_cast %add3A_3242 : i32 to index
        %get3A_3274 = arith.constant 48 : index
        %get3A_3275 = tpu.vector_load %arg11[%get3A_3272, %get3A_3273, %get3A_3274] {strides = array<i32>} : memref<2x64x128xf32, #tpu.memory_space<vmem>>, vector<16xf32>,
        %get3A_3276 = arith.index_cast %rem3A_134 : i32 to index
        %get3A_3277 = arith.index_cast %add3A_3242 : i32 to index
        %get3A_3278 = arith.constant 48 : index
        %get3A_3279 = tpu.vector_load %arg12[%get3A_3276, %get3A_3277, %get3A_3278] {strides = array<i32>} : memref<2x64x128xf32, #tpu.memory_space<vmem>>, vector<16xf32>,
        %mul3A_3280 = arith.mulf %get3A_3275, %get3A_3279 : vector<16xf32>
        %add3A_3281 = arith.addf %add3A_3271, %mul3A_3280 : vector<16xf32>
        %get3A_3282 = arith.index_cast %rem3A_134 : i32 to index
        %get3A_3283 = arith.index_cast %add3A_3242 : i32 to index
        %get3A_3284 = arith.constant 64 : index
        %get3A_3285 = tpu.vector_load %arg11[%get3A_3282, %get3A_3283, %get3A_3284] {strides = array<i32>} : memref<2x64x128xf32, #tpu.memory_space<vmem>>, vector<16xf32>,
        %get3A_3286 = arith.index_cast %rem3A_134 : i32 to index
        %get3A_3287 = arith.index_cast %add3A_3242 : i32 to index
        %get3A_3288 = arith.constant 64 : index
        %get3A_3289 = tpu.vector_load %arg12[%get3A_3286, %get3A_3287, %get3A_3288] {strides = array<i32>} : memref<2x64x128xf32, #tpu.memory_space<vmem>>, vector<16xf32>,
        %mul3A_3290 = arith.mulf %get3A_3285, %get3A_3289 : vector<16xf32>
        %add3A_3291 = arith.addf %add3A_3281, %mul3A_3290 : vector<16xf32>
        %get3A_3292 = arith.index_cast %rem3A_134 : i32 to index
        %get3A_3293 = arith.index_cast %add3A_3242 : i32 to index
        %get3A_3294 = arith.constant 80 : index
        %get3A_3295 = tpu.vector_load %arg11[%get3A_3292, %get3A_3293, %get3A_3294] {strides = array<i32>} : memref<2x64x128xf32, #tpu.memory_space<vmem>>, vector<16xf32>,
        %get3A_3296 = arith.index_cast %rem3A_134 : i32 to index
        %get3A_3297 = arith.index_cast %add3A_3242 : i32 to index
        %get3A_3298 = arith.constant 80 : index
        %get3A_3299 = tpu.vector_load %arg12[%get3A_3296, %get3A_3297, %get3A_3298] {strides = array<i32>} : memref<2x64x128xf32, #tpu.memory_space<vmem>>, vector<16xf32>,
        %mul3A_3300 = arith.mulf %get3A_3295, %get3A_3299 : vector<16xf32>
        %add3A_3301 = arith.addf %add3A_3291, %mul3A_3300 : vector<16xf32>
        %get3A_3302 = arith.index_cast %rem3A_134 : i32 to index
        %get3A_3303 = arith.index_cast %add3A_3242 : i32 to index
        %get3A_3304 = arith.constant 96 : index
        %get3A_3305 = tpu.vector_load %arg11[%get3A_3302, %get3A_3303, %get3A_3304] {strides = array<i32>} : memref<2x64x128xf32, #tpu.memory_space<vmem>>, vector<16xf32>,
        %get3A_3306 = arith.index_cast %rem3A_134 : i32 to index
        %get3A_3307 = arith.index_cast %add3A_3242 : i32 to index
        %get3A_3308 = arith.constant 96 : index
        %get3A_3309 = tpu.vector_load %arg12[%get3A_3306, %get3A_3307, %get3A_3308] {strides = array<i32>} : memref<2x64x128xf32, #tpu.memory_space<vmem>>, vector<16xf32>,
        %mul3A_3310 = arith.mulf %get3A_3305, %get3A_3309 : vector<16xf32>
        %add3A_3311 = arith.addf %add3A_3301, %mul3A_3310 : vector<16xf32>
        %get3A_3312 = arith.index_cast %rem3A_134 : i32 to index
        %get3A_3313 = arith.index_cast %add3A_3242 : i32 to index
        %get3A_3314 = arith.constant 112 : index
        %get3A_3315 = tpu.vector_load %arg11[%get3A_3312, %get3A_3313, %get3A_3314] {strides = array<i32>} : memref<2x64x128xf32, #tpu.memory_space<vmem>>, vector<16xf32>,
        %get3A_3316 = arith.index_cast %rem3A_134 : i32 to index
        %get3A_3317 = arith.index_cast %add3A_3242 : i32 to index
        %get3A_3318 = arith.constant 112 : index
        %get3A_3319 = tpu.vector_load %arg12[%get3A_3316, %get3A_3317, %get3A_3318] {strides = array<i32>} : memref<2x64x128xf32, #tpu.memory_space<vmem>>, vector<16xf32>,
        %mul3A_3320 = arith.mulf %get3A_3315, %get3A_3319 : vector<16xf32>
        %add3A_3321 = arith.addf %add3A_3311, %mul3A_3320 : vector<16xf32>
        %lt3A_3322 = arith.constant 0 : i32
        %lt3A_3323 = vector.broadcast %lt3A_3322 : i32 to vector<16xi32>
        %lt3A_3324 = arith.cmpi slt, %xor3A_22, %lt3A_3323 : vector<16xi32>
        %add3A_3325 = arith.constant 16 : i32
        %add3A_3326 = vector.broadcast %add3A_3325 : i32 to vector<16xi32>
        %add3A_3327 = arith.addi %xor3A_22, %add3A_3326 : vector<16xi32>
        %select_n3A_3328 = arith.select %lt3A_3324, %add3A_3327, %xor3A_22 : vector<16xi1>, vector<16xi32>
        %broadcast_in_dim3A_3329 = vector.shape_cast %select_n3A_3328 : vector<16xi32> to vector<16x1xi32>
        %gather3A_3330 = vector.shape_cast %broadcast_in_dim3A_3329 : vector<16x1xi32> to vector<16xi32>
        %gather3A_3331 = tpu.dynamic_gather %add3A_3238[%gather3A_3330] in [0] : vector<16xf32>, vector<16xi32> -> vector<16xf32>
        %add3A_3332 = arith.addf %add3A_3238, %gather3A_3331 : vector<16xf32>
        %lt3A_3333 = arith.constant 0 : i32
        %lt3A_3334 = vector.broadcast %lt3A_3333 : i32 to vector<16xi32>
        %lt3A_3335 = arith.cmpi slt, %xor3A_22, %lt3A_3334 : vector<16xi32>
        %add3A_3336 = arith.constant 16 : i32
        %add3A_3337 = vector.broadcast %add3A_3336 : i32 to vector<16xi32>
        %add3A_3338 = arith.addi %xor3A_22, %add3A_3337 : vector<16xi32>
        %select_n3A_3339 = arith.select %lt3A_3335, %add3A_3338, %xor3A_22 : vector<16xi1>, vector<16xi32>
        %broadcast_in_dim3A_3340 = vector.shape_cast %select_n3A_3339 : vector<16xi32> to vector<16x1xi32>
        %gather3A_3341 = vector.shape_cast %broadcast_in_dim3A_3340 : vector<16x1xi32> to vector<16xi32>
        %gather3A_3342 = tpu.dynamic_gather %add3A_3321[%gather3A_3341] in [0] : vector<16xf32>, vector<16xi32> -> vector<16xf32>
        %add3A_3343 = arith.addf %add3A_3321, %gather3A_3342 : vector<16xf32>
        %select_n3A_3344 = arith.select %eq3A_1911, %add3A_3332, %add3A_3343 : vector<16xi1>, vector<16xf32>
        %mul3A_3345 = arith.constant 16 : i32
        %mul3A_3346 = arith.muli %add3A_1905, %mul3A_3345 : i32
        %add3A_3347 = arith.constant 14 : i32
        %add3A_3348 = arith.addi %mul3A_3346, %add3A_3347 : i32
        %get3A_3349 = arith.index_cast %rem3A_134 : i32 to index
        %get3A_3350 = arith.index_cast %add3A_3348 : i32 to index
        %get3A_3351 = arith.constant 0 : index
        %get3A_3352 = tpu.vector_load %arg11[%get3A_3349, %get3A_3350, %get3A_3351] {strides = array<i32>} : memref<2x64x128xf32, #tpu.memory_space<vmem>>, vector<16xf32>,
        %get3A_3353 = arith.index_cast %rem3A_134 : i32 to index
        %get3A_3354 = arith.index_cast %add3A_3348 : i32 to index
        %get3A_3355 = arith.constant 0 : index
        %get3A_3356 = tpu.vector_load %arg12[%get3A_3353, %get3A_3354, %get3A_3355] {strides = array<i32>} : memref<2x64x128xf32, #tpu.memory_space<vmem>>, vector<16xf32>,
        %mul3A_3357 = arith.mulf %get3A_3352, %get3A_3356 : vector<16xf32>
        %get3A_3358 = arith.index_cast %rem3A_134 : i32 to index
        %get3A_3359 = arith.index_cast %add3A_3348 : i32 to index
        %get3A_3360 = arith.constant 16 : index
        %get3A_3361 = tpu.vector_load %arg11[%get3A_3358, %get3A_3359, %get3A_3360] {strides = array<i32>} : memref<2x64x128xf32, #tpu.memory_space<vmem>>, vector<16xf32>,
        %get3A_3362 = arith.index_cast %rem3A_134 : i32 to index
        %get3A_3363 = arith.index_cast %add3A_3348 : i32 to index
        %get3A_3364 = arith.constant 16 : index
        %get3A_3365 = tpu.vector_load %arg12[%get3A_3362, %get3A_3363, %get3A_3364] {strides = array<i32>} : memref<2x64x128xf32, #tpu.memory_space<vmem>>, vector<16xf32>,
        %mul3A_3366 = arith.mulf %get3A_3361, %get3A_3365 : vector<16xf32>
        %add3A_3367 = arith.addf %mul3A_3357, %mul3A_3366 : vector<16xf32>
        %get3A_3368 = arith.index_cast %rem3A_134 : i32 to index
        %get3A_3369 = arith.index_cast %add3A_3348 : i32 to index
        %get3A_3370 = arith.constant 32 : index
        %get3A_3371 = tpu.vector_load %arg11[%get3A_3368, %get3A_3369, %get3A_3370] {strides = array<i32>} : memref<2x64x128xf32, #tpu.memory_space<vmem>>, vector<16xf32>,
        %get3A_3372 = arith.index_cast %rem3A_134 : i32 to index
        %get3A_3373 = arith.index_cast %add3A_3348 : i32 to index
        %get3A_3374 = arith.constant 32 : index
        %get3A_3375 = tpu.vector_load %arg12[%get3A_3372, %get3A_3373, %get3A_3374] {strides = array<i32>} : memref<2x64x128xf32, #tpu.memory_space<vmem>>, vector<16xf32>,
        %mul3A_3376 = arith.mulf %get3A_3371, %get3A_3375 : vector<16xf32>
        %add3A_3377 = arith.addf %add3A_3367, %mul3A_3376 : vector<16xf32>
        %get3A_3378 = arith.index_cast %rem3A_134 : i32 to index
        %get3A_3379 = arith.index_cast %add3A_3348 : i32 to index
        %get3A_3380 = arith.constant 48 : index
        %get3A_3381 = tpu.vector_load %arg11[%get3A_3378, %get3A_3379, %get3A_3380] {strides = array<i32>} : memref<2x64x128xf32, #tpu.memory_space<vmem>>, vector<16xf32>,
        %get3A_3382 = arith.index_cast %rem3A_134 : i32 to index
        %get3A_3383 = arith.index_cast %add3A_3348 : i32 to index
        %get3A_3384 = arith.constant 48 : index
        %get3A_3385 = tpu.vector_load %arg12[%get3A_3382, %get3A_3383, %get3A_3384] {strides = array<i32>} : memref<2x64x128xf32, #tpu.memory_space<vmem>>, vector<16xf32>,
        %mul3A_3386 = arith.mulf %get3A_3381, %get3A_3385 : vector<16xf32>
        %add3A_3387 = arith.addf %add3A_3377, %mul3A_3386 : vector<16xf32>
        %get3A_3388 = arith.index_cast %rem3A_134 : i32 to index
        %get3A_3389 = arith.index_cast %add3A_3348 : i32 to index
        %get3A_3390 = arith.constant 64 : index
        %get3A_3391 = tpu.vector_load %arg11[%get3A_3388, %get3A_3389, %get3A_3390] {strides = array<i32>} : memref<2x64x128xf32, #tpu.memory_space<vmem>>, vector<16xf32>,
        %get3A_3392 = arith.index_cast %rem3A_134 : i32 to index
        %get3A_3393 = arith.index_cast %add3A_3348 : i32 to index
        %get3A_3394 = arith.constant 64 : index
        %get3A_3395 = tpu.vector_load %arg12[%get3A_3392, %get3A_3393, %get3A_3394] {strides = array<i32>} : memref<2x64x128xf32, #tpu.memory_space<vmem>>, vector<16xf32>,
        %mul3A_3396 = arith.mulf %get3A_3391, %get3A_3395 : vector<16xf32>
        %add3A_3397 = arith.addf %add3A_3387, %mul3A_3396 : vector<16xf32>
        %get3A_3398 = arith.index_cast %rem3A_134 : i32 to index
        %get3A_3399 = arith.index_cast %add3A_3348 : i32 to index
        %get3A_3400 = arith.constant 80 : index
        %get3A_3401 = tpu.vector_load %arg11[%get3A_3398, %get3A_3399, %get3A_3400] {strides = array<i32>} : memref<2x64x128xf32, #tpu.memory_space<vmem>>, vector<16xf32>,
        %get3A_3402 = arith.index_cast %rem3A_134 : i32 to index
        %get3A_3403 = arith.index_cast %add3A_3348 : i32 to index
        %get3A_3404 = arith.constant 80 : index
        %get3A_3405 = tpu.vector_load %arg12[%get3A_3402, %get3A_3403, %get3A_3404] {strides = array<i32>} : memref<2x64x128xf32, #tpu.memory_space<vmem>>, vector<16xf32>,
        %mul3A_3406 = arith.mulf %get3A_3401, %get3A_3405 : vector<16xf32>
        %add3A_3407 = arith.addf %add3A_3397, %mul3A_3406 : vector<16xf32>
        %get3A_3408 = arith.index_cast %rem3A_134 : i32 to index
        %get3A_3409 = arith.index_cast %add3A_3348 : i32 to index
        %get3A_3410 = arith.constant 96 : index
        %get3A_3411 = tpu.vector_load %arg11[%get3A_3408, %get3A_3409, %get3A_3410] {strides = array<i32>} : memref<2x64x128xf32, #tpu.memory_space<vmem>>, vector<16xf32>,
        %get3A_3412 = arith.index_cast %rem3A_134 : i32 to index
        %get3A_3413 = arith.index_cast %add3A_3348 : i32 to index
        %get3A_3414 = arith.constant 96 : index
        %get3A_3415 = tpu.vector_load %arg12[%get3A_3412, %get3A_3413, %get3A_3414] {strides = array<i32>} : memref<2x64x128xf32, #tpu.memory_space<vmem>>, vector<16xf32>,
        %mul3A_3416 = arith.mulf %get3A_3411, %get3A_3415 : vector<16xf32>
        %add3A_3417 = arith.addf %add3A_3407, %mul3A_3416 : vector<16xf32>
        %get3A_3418 = arith.index_cast %rem3A_134 : i32 to index
        %get3A_3419 = arith.index_cast %add3A_3348 : i32 to index
        %get3A_3420 = arith.constant 112 : index
        %get3A_3421 = tpu.vector_load %arg11[%get3A_3418, %get3A_3419, %get3A_3420] {strides = array<i32>} : memref<2x64x128xf32, #tpu.memory_space<vmem>>, vector<16xf32>,
        %get3A_3422 = arith.index_cast %rem3A_134 : i32 to index
        %get3A_3423 = arith.index_cast %add3A_3348 : i32 to index
        %get3A_3424 = arith.constant 112 : index
        %get3A_3425 = tpu.vector_load %arg12[%get3A_3422, %get3A_3423, %get3A_3424] {strides = array<i32>} : memref<2x64x128xf32, #tpu.memory_space<vmem>>, vector<16xf32>,
        %mul3A_3426 = arith.mulf %get3A_3421, %get3A_3425 : vector<16xf32>
        %add3A_3427 = arith.addf %add3A_3417, %mul3A_3426 : vector<16xf32>
        %mul3A_3428 = arith.constant 16 : i32
        %mul3A_3429 = arith.muli %add3A_1905, %mul3A_3428 : i32
        %add3A_3430 = arith.constant 15 : i32
        %add3A_3431 = arith.addi %mul3A_3429, %add3A_3430 : i32
        %get3A_3432 = arith.index_cast %rem3A_134 : i32 to index
        %get3A_3433 = arith.index_cast %add3A_3431 : i32 to index
        %get3A_3434 = arith.constant 0 : index
        %get3A_3435 = tpu.vector_load %arg11[%get3A_3432, %get3A_3433, %get3A_3434] {strides = array<i32>} : memref<2x64x128xf32, #tpu.memory_space<vmem>>, vector<16xf32>,
        %get3A_3436 = arith.index_cast %rem3A_134 : i32 to index
        %get3A_3437 = arith.index_cast %add3A_3431 : i32 to index
        %get3A_3438 = arith.constant 0 : index
        %get3A_3439 = tpu.vector_load %arg12[%get3A_3436, %get3A_3437, %get3A_3438] {strides = array<i32>} : memref<2x64x128xf32, #tpu.memory_space<vmem>>, vector<16xf32>,
        %mul3A_3440 = arith.mulf %get3A_3435, %get3A_3439 : vector<16xf32>
        %get3A_3441 = arith.index_cast %rem3A_134 : i32 to index
        %get3A_3442 = arith.index_cast %add3A_3431 : i32 to index
        %get3A_3443 = arith.constant 16 : index
        %get3A_3444 = tpu.vector_load %arg11[%get3A_3441, %get3A_3442, %get3A_3443] {strides = array<i32>} : memref<2x64x128xf32, #tpu.memory_space<vmem>>, vector<16xf32>,
        %get3A_3445 = arith.index_cast %rem3A_134 : i32 to index
        %get3A_3446 = arith.index_cast %add3A_3431 : i32 to index
        %get3A_3447 = arith.constant 16 : index
        %get3A_3448 = tpu.vector_load %arg12[%get3A_3445, %get3A_3446, %get3A_3447] {strides = array<i32>} : memref<2x64x128xf32, #tpu.memory_space<vmem>>, vector<16xf32>,
        %mul3A_3449 = arith.mulf %get3A_3444, %get3A_3448 : vector<16xf32>
        %add3A_3450 = arith.addf %mul3A_3440, %mul3A_3449 : vector<16xf32>
        %get3A_3451 = arith.index_cast %rem3A_134 : i32 to index
        %get3A_3452 = arith.index_cast %add3A_3431 : i32 to index
        %get3A_3453 = arith.constant 32 : index
        %get3A_3454 = tpu.vector_load %arg11[%get3A_3451, %get3A_3452, %get3A_3453] {strides = array<i32>} : memref<2x64x128xf32, #tpu.memory_space<vmem>>, vector<16xf32>,
        %get3A_3455 = arith.index_cast %rem3A_134 : i32 to index
        %get3A_3456 = arith.index_cast %add3A_3431 : i32 to index
        %get3A_3457 = arith.constant 32 : index
        %get3A_3458 = tpu.vector_load %arg12[%get3A_3455, %get3A_3456, %get3A_3457] {strides = array<i32>} : memref<2x64x128xf32, #tpu.memory_space<vmem>>, vector<16xf32>,
        %mul3A_3459 = arith.mulf %get3A_3454, %get3A_3458 : vector<16xf32>
        %add3A_3460 = arith.addf %add3A_3450, %mul3A_3459 : vector<16xf32>
        %get3A_3461 = arith.index_cast %rem3A_134 : i32 to index
        %get3A_3462 = arith.index_cast %add3A_3431 : i32 to index
        %get3A_3463 = arith.constant 48 : index
        %get3A_3464 = tpu.vector_load %arg11[%get3A_3461, %get3A_3462, %get3A_3463] {strides = array<i32>} : memref<2x64x128xf32, #tpu.memory_space<vmem>>, vector<16xf32>,
        %get3A_3465 = arith.index_cast %rem3A_134 : i32 to index
        %get3A_3466 = arith.index_cast %add3A_3431 : i32 to index
        %get3A_3467 = arith.constant 48 : index
        %get3A_3468 = tpu.vector_load %arg12[%get3A_3465, %get3A_3466, %get3A_3467] {strides = array<i32>} : memref<2x64x128xf32, #tpu.memory_space<vmem>>, vector<16xf32>,
        %mul3A_3469 = arith.mulf %get3A_3464, %get3A_3468 : vector<16xf32>
        %add3A_3470 = arith.addf %add3A_3460, %mul3A_3469 : vector<16xf32>
        %get3A_3471 = arith.index_cast %rem3A_134 : i32 to index
        %get3A_3472 = arith.index_cast %add3A_3431 : i32 to index
        %get3A_3473 = arith.constant 64 : index
        %get3A_3474 = tpu.vector_load %arg11[%get3A_3471, %get3A_3472, %get3A_3473] {strides = array<i32>} : memref<2x64x128xf32, #tpu.memory_space<vmem>>, vector<16xf32>,
        %get3A_3475 = arith.index_cast %rem3A_134 : i32 to index
        %get3A_3476 = arith.index_cast %add3A_3431 : i32 to index
        %get3A_3477 = arith.constant 64 : index
        %get3A_3478 = tpu.vector_load %arg12[%get3A_3475, %get3A_3476, %get3A_3477] {strides = array<i32>} : memref<2x64x128xf32, #tpu.memory_space<vmem>>, vector<16xf32>,
        %mul3A_3479 = arith.mulf %get3A_3474, %get3A_3478 : vector<16xf32>
        %add3A_3480 = arith.addf %add3A_3470, %mul3A_3479 : vector<16xf32>
        %get3A_3481 = arith.index_cast %rem3A_134 : i32 to index
        %get3A_3482 = arith.index_cast %add3A_3431 : i32 to index
        %get3A_3483 = arith.constant 80 : index
        %get3A_3484 = tpu.vector_load %arg11[%get3A_3481, %get3A_3482, %get3A_3483] {strides = array<i32>} : memref<2x64x128xf32, #tpu.memory_space<vmem>>, vector<16xf32>,
        %get3A_3485 = arith.index_cast %rem3A_134 : i32 to index
        %get3A_3486 = arith.index_cast %add3A_3431 : i32 to index
        %get3A_3487 = arith.constant 80 : index
        %get3A_3488 = tpu.vector_load %arg12[%get3A_3485, %get3A_3486, %get3A_3487] {strides = array<i32>} : memref<2x64x128xf32, #tpu.memory_space<vmem>>, vector<16xf32>,
        %mul3A_3489 = arith.mulf %get3A_3484, %get3A_3488 : vector<16xf32>
        %add3A_3490 = arith.addf %add3A_3480, %mul3A_3489 : vector<16xf32>
        %get3A_3491 = arith.index_cast %rem3A_134 : i32 to index
        %get3A_3492 = arith.index_cast %add3A_3431 : i32 to index
        %get3A_3493 = arith.constant 96 : index
        %get3A_3494 = tpu.vector_load %arg11[%get3A_3491, %get3A_3492, %get3A_3493] {strides = array<i32>} : memref<2x64x128xf32, #tpu.memory_space<vmem>>, vector<16xf32>,
        %get3A_3495 = arith.index_cast %rem3A_134 : i32 to index
        %get3A_3496 = arith.index_cast %add3A_3431 : i32 to index
        %get3A_3497 = arith.constant 96 : index
        %get3A_3498 = tpu.vector_load %arg12[%get3A_3495, %get3A_3496, %get3A_3497] {strides = array<i32>} : memref<2x64x128xf32, #tpu.memory_space<vmem>>, vector<16xf32>,
        %mul3A_3499 = arith.mulf %get3A_3494, %get3A_3498 : vector<16xf32>
        %add3A_3500 = arith.addf %add3A_3490, %mul3A_3499 : vector<16xf32>
        %get3A_3501 = arith.index_cast %rem3A_134 : i32 to index
        %get3A_3502 = arith.index_cast %add3A_3431 : i32 to index
        %get3A_3503 = arith.constant 112 : index
        %get3A_3504 = tpu.vector_load %arg11[%get3A_3501, %get3A_3502, %get3A_3503] {strides = array<i32>} : memref<2x64x128xf32, #tpu.memory_space<vmem>>, vector<16xf32>,
        %get3A_3505 = arith.index_cast %rem3A_134 : i32 to index
        %get3A_3506 = arith.index_cast %add3A_3431 : i32 to index
        %get3A_3507 = arith.constant 112 : index
        %get3A_3508 = tpu.vector_load %arg12[%get3A_3505, %get3A_3506, %get3A_3507] {strides = array<i32>} : memref<2x64x128xf32, #tpu.memory_space<vmem>>, vector<16xf32>,
        %mul3A_3509 = arith.mulf %get3A_3504, %get3A_3508 : vector<16xf32>
        %add3A_3510 = arith.addf %add3A_3500, %mul3A_3509 : vector<16xf32>
        %lt3A_3511 = arith.constant 0 : i32
        %lt3A_3512 = vector.broadcast %lt3A_3511 : i32 to vector<16xi32>
        %lt3A_3513 = arith.cmpi slt, %xor3A_22, %lt3A_3512 : vector<16xi32>
        %add3A_3514 = arith.constant 16 : i32
        %add3A_3515 = vector.broadcast %add3A_3514 : i32 to vector<16xi32>
        %add3A_3516 = arith.addi %xor3A_22, %add3A_3515 : vector<16xi32>
        %select_n3A_3517 = arith.select %lt3A_3513, %add3A_3516, %xor3A_22 : vector<16xi1>, vector<16xi32>
        %broadcast_in_dim3A_3518 = vector.shape_cast %select_n3A_3517 : vector<16xi32> to vector<16x1xi32>
        %gather3A_3519 = vector.shape_cast %broadcast_in_dim3A_3518 : vector<16x1xi32> to vector<16xi32>
        %gather3A_3520 = tpu.dynamic_gather %add3A_3427[%gather3A_3519] in [0] : vector<16xf32>, vector<16xi32> -> vector<16xf32>
        %add3A_3521 = arith.addf %add3A_3427, %gather3A_3520 : vector<16xf32>
        %lt3A_3522 = arith.constant 0 : i32
        %lt3A_3523 = vector.broadcast %lt3A_3522 : i32 to vector<16xi32>
        %lt3A_3524 = arith.cmpi slt, %xor3A_22, %lt3A_3523 : vector<16xi32>
        %add3A_3525 = arith.constant 16 : i32
        %add3A_3526 = vector.broadcast %add3A_3525 : i32 to vector<16xi32>
        %add3A_3527 = arith.addi %xor3A_22, %add3A_3526 : vector<16xi32>
        %select_n3A_3528 = arith.select %lt3A_3524, %add3A_3527, %xor3A_22 : vector<16xi1>, vector<16xi32>
        %broadcast_in_dim3A_3529 = vector.shape_cast %select_n3A_3528 : vector<16xi32> to vector<16x1xi32>
        %gather3A_3530 = vector.shape_cast %broadcast_in_dim3A_3529 : vector<16x1xi32> to vector<16xi32>
        %gather3A_3531 = tpu.dynamic_gather %add3A_3510[%gather3A_3530] in [0] : vector<16xf32>, vector<16xi32> -> vector<16xf32>
        %add3A_3532 = arith.addf %add3A_3510, %gather3A_3531 : vector<16xf32>
        %select_n3A_3533 = arith.select %eq3A_1911, %add3A_3521, %add3A_3532 : vector<16xi1>, vector<16xf32>
        %lt3A_3534 = arith.constant 0 : i32
        %lt3A_3535 = vector.broadcast %lt3A_3534 : i32 to vector<16xi32>
        %lt3A_3536 = arith.cmpi slt, %xor3A_25, %lt3A_3535 : vector<16xi32>
        %add3A_3537 = arith.constant 16 : i32
        %add3A_3538 = vector.broadcast %add3A_3537 : i32 to vector<16xi32>
        %add3A_3539 = arith.addi %xor3A_25, %add3A_3538 : vector<16xi32>
        %select_n3A_3540 = arith.select %lt3A_3536, %add3A_3539, %xor3A_25 : vector<16xi1>, vector<16xi32>
        %broadcast_in_dim3A_3541 = vector.shape_cast %select_n3A_3540 : vector<16xi32> to vector<16x1xi32>
        %gather3A_3542 = vector.shape_cast %broadcast_in_dim3A_3541 : vector<16x1xi32> to vector<16xi32>
        %gather3A_3543 = tpu.dynamic_gather %select_n3A_3344[%gather3A_3542] in [0] : vector<16xf32>, vector<16xi32> -> vector<16xf32>
        %add3A_3544 = arith.addf %select_n3A_3344, %gather3A_3543 : vector<16xf32>
        %lt3A_3545 = arith.constant 0 : i32
        %lt3A_3546 = vector.broadcast %lt3A_3545 : i32 to vector<16xi32>
        %lt3A_3547 = arith.cmpi slt, %xor3A_25, %lt3A_3546 : vector<16xi32>
        %add3A_3548 = arith.constant 16 : i32
        %add3A_3549 = vector.broadcast %add3A_3548 : i32 to vector<16xi32>
        %add3A_3550 = arith.addi %xor3A_25, %add3A_3549 : vector<16xi32>
        %select_n3A_3551 = arith.select %lt3A_3547, %add3A_3550, %xor3A_25 : vector<16xi1>, vector<16xi32>
        %broadcast_in_dim3A_3552 = vector.shape_cast %select_n3A_3551 : vector<16xi32> to vector<16x1xi32>
        %gather3A_3553 = vector.shape_cast %broadcast_in_dim3A_3552 : vector<16x1xi32> to vector<16xi32>
        %gather3A_3554 = tpu.dynamic_gather %select_n3A_3533[%gather3A_3553] in [0] : vector<16xf32>, vector<16xi32> -> vector<16xf32>
        %add3A_3555 = arith.addf %select_n3A_3533, %gather3A_3554 : vector<16xf32>
        %select_n3A_3556 = arith.select %eq3A_1917, %add3A_3544, %add3A_3555 : vector<16xi1>, vector<16xf32>
        %lt3A_3557 = arith.constant 0 : i32
        %lt3A_3558 = vector.broadcast %lt3A_3557 : i32 to vector<16xi32>
        %lt3A_3559 = arith.cmpi slt, %xor3A_28, %lt3A_3558 : vector<16xi32>
        %add3A_3560 = arith.constant 16 : i32
        %add3A_3561 = vector.broadcast %add3A_3560 : i32 to vector<16xi32>
        %add3A_3562 = arith.addi %xor3A_28, %add3A_3561 : vector<16xi32>
        %select_n3A_3563 = arith.select %lt3A_3559, %add3A_3562, %xor3A_28 : vector<16xi1>, vector<16xi32>
        %broadcast_in_dim3A_3564 = vector.shape_cast %select_n3A_3563 : vector<16xi32> to vector<16x1xi32>
        %gather3A_3565 = vector.shape_cast %broadcast_in_dim3A_3564 : vector<16x1xi32> to vector<16xi32>
        %gather3A_3566 = tpu.dynamic_gather %select_n3A_3155[%gather3A_3565] in [0] : vector<16xf32>, vector<16xi32> -> vector<16xf32>
        %add3A_3567 = arith.addf %select_n3A_3155, %gather3A_3566 : vector<16xf32>
        %lt3A_3568 = arith.constant 0 : i32
        %lt3A_3569 = vector.broadcast %lt3A_3568 : i32 to vector<16xi32>
        %lt3A_3570 = arith.cmpi slt, %xor3A_28, %lt3A_3569 : vector<16xi32>
        %add3A_3571 = arith.constant 16 : i32
        %add3A_3572 = vector.broadcast %add3A_3571 : i32 to vector<16xi32>
        %add3A_3573 = arith.addi %xor3A_28, %add3A_3572 : vector<16xi32>
        %select_n3A_3574 = arith.select %lt3A_3570, %add3A_3573, %xor3A_28 : vector<16xi1>, vector<16xi32>
        %broadcast_in_dim3A_3575 = vector.shape_cast %select_n3A_3574 : vector<16xi32> to vector<16x1xi32>
        %gather3A_3576 = vector.shape_cast %broadcast_in_dim3A_3575 : vector<16x1xi32> to vector<16xi32>
        %gather3A_3577 = tpu.dynamic_gather %select_n3A_3556[%gather3A_3576] in [0] : vector<16xf32>, vector<16xi32> -> vector<16xf32>
        %add3A_3578 = arith.addf %select_n3A_3556, %gather3A_3577 : vector<16xf32>
        %select_n3A_3579 = arith.select %eq3A_1923, %add3A_3567, %add3A_3578 : vector<16xi1>, vector<16xf32>
        %lt3A_3580 = arith.constant 0 : i32
        %lt3A_3581 = vector.broadcast %lt3A_3580 : i32 to vector<16xi32>
        %lt3A_3582 = arith.cmpi slt, %xor3A_31, %lt3A_3581 : vector<16xi32>
        %add3A_3583 = arith.constant 16 : i32
        %add3A_3584 = vector.broadcast %add3A_3583 : i32 to vector<16xi32>
        %add3A_3585 = arith.addi %xor3A_31, %add3A_3584 : vector<16xi32>
        %select_n3A_3586 = arith.select %lt3A_3582, %add3A_3585, %xor3A_31 : vector<16xi1>, vector<16xi32>
        %broadcast_in_dim3A_3587 = vector.shape_cast %select_n3A_3586 : vector<16xi32> to vector<16x1xi32>
        %gather3A_3588 = vector.shape_cast %broadcast_in_dim3A_3587 : vector<16x1xi32> to vector<16xi32>
        %gather3A_3589 = tpu.dynamic_gather %select_n3A_2754[%gather3A_3588] in [0] : vector<16xf32>, vector<16xi32> -> vector<16xf32>
        %add3A_3590 = arith.addf %select_n3A_2754, %gather3A_3589 : vector<16xf32>
        %lt3A_3591 = arith.constant 0 : i32
        %lt3A_3592 = vector.broadcast %lt3A_3591 : i32 to vector<16xi32>
        %lt3A_3593 = arith.cmpi slt, %xor3A_31, %lt3A_3592 : vector<16xi32>
        %add3A_3594 = arith.constant 16 : i32
        %add3A_3595 = vector.broadcast %add3A_3594 : i32 to vector<16xi32>
        %add3A_3596 = arith.addi %xor3A_31, %add3A_3595 : vector<16xi32>
        %select_n3A_3597 = arith.select %lt3A_3593, %add3A_3596, %xor3A_31 : vector<16xi1>, vector<16xi32>
        %broadcast_in_dim3A_3598 = vector.shape_cast %select_n3A_3597 : vector<16xi32> to vector<16x1xi32>
        %gather3A_3599 = vector.shape_cast %broadcast_in_dim3A_3598 : vector<16x1xi32> to vector<16xi32>
        %gather3A_3600 = tpu.dynamic_gather %select_n3A_3579[%gather3A_3599] in [0] : vector<16xf32>, vector<16xi32> -> vector<16xf32>
        %add3A_3601 = arith.addf %select_n3A_3579, %gather3A_3600 : vector<16xf32>
        %select_n3A_3602 = arith.select %eq3A_1929, %add3A_3590, %add3A_3601 : vector<16xi1>, vector<16xf32>
        %mul3A_3603 = arith.constant 16 : i32
        %mul3A_3604 = arith.muli %add3A_1905, %mul3A_3603 : i32
        %get3A_3605 = arith.index_cast %rem3A_134 : i32 to index
        %get3A_3606 = arith.index_cast %mul3A_3604 : i32 to index
        %get3A_3607 = tpu.vector_load %arg13[%get3A_3605, %get3A_3606] {strides = array<i32>} : memref<2x64xf32, #tpu.memory_space<vmem>>, vector<16xf32>,
        %mul3A_3608 = arith.constant 16 : i32
        %mul3A_3609 = arith.muli %add3A_1905, %mul3A_3608 : i32
        %get3A_3610 = arith.index_cast %rem3A_134 : i32 to index
        %get3A_3611 = arith.index_cast %mul3A_3609 : i32 to index
        %get3A_3612 = tpu.vector_load %arg14[%get3A_3610, %get3A_3611] {strides = array<i32>} : memref<2x64xf32, #tpu.memory_space<vmem>>, vector<16xf32>,
        %add3A_3613 = arith.addf %select_n3A_3602, %get3A_3607 : vector<16xf32>
        %add3A_3614 = arith.addf %add3A_3613, %get3A_3612 : vector<16xf32>
        %add3A_3615 = arith.constant 3.500000e+00 : f32
        %add3A_3616 = vector.broadcast %add3A_3615 : f32 to vector<16xf32>
        %add3A_3617 = arith.addf %add3A_3614, %add3A_3616 : vector<16xf32>
        %mul3A_3618 = arith.constant 64 : i32
        %mul3A_3619 = arith.muli %scan3A_133, %mul3A_3618 : i32
        %mul3A_3620 = arith.constant 16 : i32
        %mul3A_3621 = arith.muli %add3A_1905, %mul3A_3620 : i32
        %add3A_3622 = arith.addi %mul3A_3619, %mul3A_3621 : i32
        %swap3A_3623 = arith.index_cast %add3A_3622 : i32 to index
        %swap3A_3624 = tpu.vector_load %arg15[%swap3A_3623] {strides = array<i32>} : memref<512xf32, #tpu.memory_space<vmem>>, vector<16xf32>,
        tpu.vector_store %arg15[%swap3A_3623], %add3A_3617 {strides = array<i32>} : memref<512xf32, #tpu.memory_space<vmem>>, vector<16xf32>,
      }
      %scan3A_180 = arith.constant 2 : i32
      %add3A_181 = arith.constant 2 : i32
      %add3A_182 = arith.addi %scan3A_133, %add3A_181 : i32
      %lt3A = arith.constant 8 : i32
      %lt3A_183 = arith.cmpi slt, %add3A_182, %lt3A : i32
      %convert_element_type3A = arith.extui %lt3A_183 : i1 to i32
      %cond3A = arith.constant 0 : i32
      %cond3A_184 = arith.cmpi ne, %convert_element_type3A, %cond3A : i32
      scf.if %cond3A_184 {
        %add3A_185 = arith.constant 2 : i32
        %add3A_186 = arith.addi %scan3A_133, %add3A_185 : i32
        %mul3A_187 = arith.constant 64 : i32
        %mul3A_188 = arith.muli %add3A_186, %mul3A_187 : i32
        %mul3A_189 = arith.constant 64 : i32
        %mul3A_190 = arith.muli %add3A_186, %mul3A_189 : i32
        %dma_start3A_191 = arith.constant 0 : i32
        %dma_start3A_192 = arith.constant 0 : i32
        %dma_start3A_193 = tpu.memref_slice %arg11[%rem3A_134, %dma_start3A_191, %dma_start3A_192] : memref<2x64x128xf32, #tpu.memory_space<vmem>> -> memref<1x64x128xf32, #tpu.memory_space<vmem>>
        %dma_start3A_194 = tpu.memref_squeeze %dma_start3A_193 : memref<1x64x128xf32, #tpu.memory_space<vmem>> -> memref<64x128xf32, #tpu.memory_space<vmem>>
        %dma_start3A_195 = tpu.memref_slice %arg9[%mul3A_188] : memref<512xi32, #tpu.memory_space<vmem>> -> memref<64xi32, #tpu.memory_space<vmem>>
        %dma_start3A_196 = arith.constant 0 : i32
        %dma_start3A_197 = arith.constant 0 : i32
        %dma_start3A_198 = tpu.memref_slice %arg4[%dma_start3A_196, %dma_start3A_197] : memref<100000x128xf32, #tpu.memory_space<hbm>> -> memref<100000x128xf32, #tpu.memory_space<hbm>>
        %dma_start3A_199 = tpu.memref_slice %arg16[%rem3A_134] : memref<2x!tpu.dma_semaphore, #tpu.memory_space<semaphore_mem>> -> memref<1x!tpu.dma_semaphore, #tpu.memory_space<semaphore_mem>>
        %dma_start3A_200 = tpu.memref_squeeze %dma_start3A_199 : memref<1x!tpu.dma_semaphore, #tpu.memory_space<semaphore_mem>> -> memref<!tpu.dma_semaphore, #tpu.memory_space<semaphore_mem>>
        tpu.enqueue_indirect_dma source(%dma_start3A_198 : memref<100000x128xf32, #tpu.memory_space<hbm>>) target(%dma_start3A_194 : memref<64x128xf32, #tpu.memory_space<vmem>>) offsets(%dma_start3A_195 : memref<64xi32, #tpu.memory_space<vmem>>) semaphore(%dma_start3A_200 : memref<!tpu.dma_semaphore, #tpu.memory_space<semaphore_mem>>)
        %dma_start3A_201 = arith.constant 0 : i32
        %dma_start3A_202 = arith.constant 0 : i32
        %dma_start3A_203 = tpu.memref_slice %arg12[%rem3A_134, %dma_start3A_201, %dma_start3A_202] : memref<2x64x128xf32, #tpu.memory_space<vmem>> -> memref<1x64x128xf32, #tpu.memory_space<vmem>>
        %dma_start3A_204 = tpu.memref_squeeze %dma_start3A_203 : memref<1x64x128xf32, #tpu.memory_space<vmem>> -> memref<64x128xf32, #tpu.memory_space<vmem>>
        %dma_start3A_205 = tpu.memref_slice %arg10[%mul3A_190] : memref<512xi32, #tpu.memory_space<vmem>> -> memref<64xi32, #tpu.memory_space<vmem>>
        %dma_start3A_206 = arith.constant 0 : i32
        %dma_start3A_207 = arith.constant 0 : i32
        %dma_start3A_208 = tpu.memref_slice %arg5[%dma_start3A_206, %dma_start3A_207] : memref<100000x128xf32, #tpu.memory_space<hbm>> -> memref<100000x128xf32, #tpu.memory_space<hbm>>
        %dma_start3A_209 = tpu.memref_slice %arg16[%rem3A_134] : memref<2x!tpu.dma_semaphore, #tpu.memory_space<semaphore_mem>> -> memref<1x!tpu.dma_semaphore, #tpu.memory_space<semaphore_mem>>
        %dma_start3A_210 = tpu.memref_squeeze %dma_start3A_209 : memref<1x!tpu.dma_semaphore, #tpu.memory_space<semaphore_mem>> -> memref<!tpu.dma_semaphore, #tpu.memory_space<semaphore_mem>>
        tpu.enqueue_indirect_dma source(%dma_start3A_208 : memref<100000x128xf32, #tpu.memory_space<hbm>>) target(%dma_start3A_204 : memref<64x128xf32, #tpu.memory_space<vmem>>) offsets(%dma_start3A_205 : memref<64xi32, #tpu.memory_space<vmem>>) semaphore(%dma_start3A_210 : memref<!tpu.dma_semaphore, #tpu.memory_space<semaphore_mem>>)
        %dma_start3A_211 = arith.constant 0 : i32
        %dma_start3A_212 = tpu.memref_slice %arg13[%rem3A_134, %dma_start3A_211] : memref<2x64xf32, #tpu.memory_space<vmem>> -> memref<1x64xf32, #tpu.memory_space<vmem>>
        %dma_start3A_213 = tpu.memref_squeeze %dma_start3A_212 : memref<1x64xf32, #tpu.memory_space<vmem>> -> memref<64xf32, #tpu.memory_space<vmem>>
        %dma_start3A_214 = tpu.memref_slice %arg9[%mul3A_188] : memref<512xi32, #tpu.memory_space<vmem>> -> memref<64xi32, #tpu.memory_space<vmem>>
        %dma_start3A_215 = arith.constant 0 : i32
        %dma_start3A_216 = tpu.memref_slice %arg6[%dma_start3A_215] : memref<100000xf32, #tpu.memory_space<hbm>> -> memref<100000xf32, #tpu.memory_space<hbm>>
        %dma_start3A_217 = tpu.memref_slice %arg16[%rem3A_134] : memref<2x!tpu.dma_semaphore, #tpu.memory_space<semaphore_mem>> -> memref<1x!tpu.dma_semaphore, #tpu.memory_space<semaphore_mem>>
        %dma_start3A_218 = tpu.memref_squeeze %dma_start3A_217 : memref<1x!tpu.dma_semaphore, #tpu.memory_space<semaphore_mem>> -> memref<!tpu.dma_semaphore, #tpu.memory_space<semaphore_mem>>
        tpu.enqueue_indirect_dma source(%dma_start3A_216 : memref<100000xf32, #tpu.memory_space<hbm>>) target(%dma_start3A_213 : memref<64xf32, #tpu.memory_space<vmem>>) offsets(%dma_start3A_214 : memref<64xi32, #tpu.memory_space<vmem>>) semaphore(%dma_start3A_218 : memref<!tpu.dma_semaphore, #tpu.memory_space<semaphore_mem>>)
        %dma_start3A_219 = arith.constant 0 : i32
        %dma_start3A_220 = tpu.memref_slice %arg14[%rem3A_134, %dma_start3A_219] : memref<2x64xf32, #tpu.memory_space<vmem>> -> memref<1x64xf32, #tpu.memory_space<vmem>>
        %dma_start3A_221 = tpu.memref_squeeze %dma_start3A_220 : memref<1x64xf32, #tpu.memory_space<vmem>> -> memref<64xf32, #tpu.memory_space<vmem>>
        %dma_start3A_222 = tpu.memref_slice %arg10[%mul3A_190] : memref<512xi32, #tpu.memory_space<vmem>> -> memref<64xi32, #tpu.memory_space<vmem>>
        %dma_start3A_223 = arith.constant 0 : i32
        %dma_start3A_224 = tpu.memref_slice %arg7[%dma_start3A_223] : memref<100000xf32, #tpu.memory_space<hbm>> -> memref<100000xf32, #tpu.memory_space<hbm>>
        %dma_start3A_225 = tpu.memref_slice %arg16[%rem3A_134] : memref<2x!tpu.dma_semaphore, #tpu.memory_space<semaphore_mem>> -> memref<1x!tpu.dma_semaphore, #tpu.memory_space<semaphore_mem>>
        %dma_start3A_226 = tpu.memref_squeeze %dma_start3A_225 : memref<1x!tpu.dma_semaphore, #tpu.memory_space<semaphore_mem>> -> memref<!tpu.dma_semaphore, #tpu.memory_space<semaphore_mem>>
        tpu.enqueue_indirect_dma source(%dma_start3A_224 : memref<100000xf32, #tpu.memory_space<hbm>>) target(%dma_start3A_221 : memref<64xf32, #tpu.memory_space<vmem>>) offsets(%dma_start3A_222 : memref<64xi32, #tpu.memory_space<vmem>>) semaphore(%dma_start3A_226 : memref<!tpu.dma_semaphore, #tpu.memory_space<semaphore_mem>>)
      } else {
      }
    }
    %scan3A_132 = arith.constant 8 : i32
    "tpu.region"() ({
      %run_scoped3A = tpu.sem_alloc : memref<!tpu.dma_semaphore, #tpu.memory_space<semaphore_mem>>
      %dma_start3A_133 = tpu.memref_slice %arg8[%mul3A_2] : memref<16384xf32, #tpu.memory_space<hbm>> -> memref<512xf32, #tpu.memory_space<hbm>>
      %dma_start3A_134 = tpu.memref_slice %arg8[%mul3A_2] : memref<16384xf32, #tpu.memory_space<hbm>> -> memref<512xf32, #tpu.memory_space<hbm>>
      tpu.enqueue_dma source(%arg15 : memref<512xf32, #tpu.memory_space<vmem>>) target(%dma_start3A_134 : memref<512xf32, #tpu.memory_space<hbm>>) target_semaphore(%run_scoped3A : memref<!tpu.dma_semaphore, #tpu.memory_space<semaphore_mem>>)
      %dma_wait3A_135 = tpu.memref_slice %arg8[%mul3A_2] : memref<16384xf32, #tpu.memory_space<hbm>> -> memref<512xf32, #tpu.memory_space<hbm>>
      %dma_wait3A_136 = tpu.memref_slice %arg8[%mul3A_2] : memref<16384xf32, #tpu.memory_space<hbm>> -> memref<512xf32, #tpu.memory_space<hbm>>
      tpu.wait_dma2 semaphore(%run_scoped3A : memref<!tpu.dma_semaphore, #tpu.memory_space<semaphore_mem>>) src(%arg15 : memref<512xf32, #tpu.memory_space<vmem>>) dst(%dma_wait3A_136 : memref<512xf32, #tpu.memory_space<hbm>>)
      tpu.yield
    }) : () -> ()
    return
  }
}

</mosaic_0001>

<sc_bundles>
// kernel: kernel.3.cloned.1.call-start
scs
__scs_entry_jumppad:
0x0: {  	(pc) =	sbr.rel $0x88, $3  }
0x1: {  	(tag) =	ssettag $0x0;
	lr =	simm.s32 $0x1  }
0x2: {  	[smem:$0x3F9B] =	sst lr;
	_ =	strace $0xD0000000  }
0x3: {  	_ = 	snop  }
0x4: {  	_ = 	snop  }
0x5: {  	_ = 	snop  }
0x6: {  	_ = 	snop  }
0x7: {  	_ = 	snop  }
__scs_overlays_trampoline_lowered:
0x8: {  	[smem:$0x3FAA] =	sst s0  }
0x9: {  	[smem:$0x3FAB] =	sst s1  }
0xa: {  	[smem:$0x3FAC] =	sst s2  }
0xb: {  	[smem:$0x3FAD] =	sst s3  }
0xc: {  	[smem:$0x3FAE] =	sst s4  }
0xd: {  	[smem:$0x3FAF] =	sst s5  }
0xe: {  	[smem:$0x3FB0] =	sst s6  }
0xf: {  	[smem:$0x3FB1] =	sst s7  }
0x10: {  	[smem:$0x3FB2] =	sst s8  }
0x11: {  	[smem:$0x3FB3] =	sst s9;
	s0 =	simm.s32 @!p0 $0x0  }
0x12: {  	s1 =	sld [smem:$0x3F99];
	s0 =	simm.s32 @p0 $0x1  }
0x13: {  	[smem:$0x3FB4] =	sst s0;
	s0 =	simm.s32 @!p1 $0x0  }
0x14: {  	s2 =	sld [smem:$0x3F98];
	s0 =	simm.s32 @p1 $0x1  }
0x15: {  	[smem:$0x3FB5] =	sst s0;
	s0 =	simm.s32 @!p2 $0x0  }
0x16: {  	s3 =	sld [smem:$0x3FDB];
	s0 =	simm.s32 @p2 $0x1  }
0x17: {  	s4 =	simm.s32 $0x1BF5;
	[smem:$0x3FB7] =	sst s0  }
0x18: {  	s0 =	sld [smem:$0x3F9A];
	_ =	swait.ge [sflag:s4], $0x0  }
0x19: {  	s7 =	sld [smem:$0x3F9B]  }
0x1a: {  	s8 =	sadd.s32 $0xFFFFE003, lr  }
0x1b: {  	s9 =	sadd.s32 $0xFFFFFEF7, lr;
	s5 =	simm.s32 $0xFFFFFFFF;
	p2 =	slt.u32 s8, $0xFFFFF086  }
0x1c: {  	p1 =	slt.u32 s9, $0xF7A;
	s5 =	simm.s32 @!p2 $0x0  }
0x1d: {  	s5 =	simm.s32 @p1 $0x1;
	p0 =	seq.s32 s7, s2  }
0x1e: {  	s7 =	smul.u32 @!p0 $0xF7A, s2;
	p2 =	seq.s32 @!p0 s5, $0x0  }
0x1f: {  	s9 =	smul.u32 $0xF7A, s1;
	s8 =	simm.s32 @!p0 $0x1BF5;
	p2 =	por !p2, p0  }
0x20: {  	[sflag:s8] =	ssyncset.s32 @!p0 $0xFFFFF086;
	s6 =	sadd.s32 @!p0 s3, s7;
	s7 =	simm.s32 @!p0 $0x108  }
0x21: {  	s3 =	sadd.s32 s3, s9;
	s6 =	sadd.s32 @!p0 $0x88, s6;
	s7 =	simm.s32 @p2 $0x1082  }
0x22: {  	[simem:s7], [sflag:s8] =	dma.local @!p0 [hbm:s6], $0xF7A  }
0x23: {  	s9 =	sor.u32 $0xD0000000, s2;
	s6 =	simm.s32 $0x108;
	_ =	swait.ge @!p0 [sflag:s8], $0x0  }
0x24: {  	s3 =	sadd.s32 $0x88, s3;
	s6 =	simm.s32 @!p1 $0x1082;
	[sflag:s4] =	ssyncset.s32 $0xFFFFF086  }
0x25: {  	[simem:s6], [sflag:s4] =	dma.local [hbm:s3], $0xF7A  }
0x26: {  	[smem:$0x3F9B] =	sst s1;
	(tag) =	ssettag s2;
	_ =	strace s9  }
0x27: {  	s1 =	sld [smem:$0x3FAB]  }
0x28: {  	s2 =	sld [smem:$0x3FAC]  }
0x29: {  	s4 =	sld [smem:$0x3FAE]  }
0x2a: {  	p0 =	seq.s32 s5, $0x0;
	s5 =	sld [smem:$0x3FAF]  }
0x2b: {  	s6 =	sld [smem:$0x3FB0]  }
0x2c: {  	s7 =	sld [smem:$0x3FB1]  }
0x2d: {  	s3 =	simm.s32 $0x108;
	s8 =	sld [smem:$0x3FB2]  }
0x2e: {  	s3 =	simm.s32 @!p0 $0x1082;
	s9 =	sld [smem:$0x3FB3]  }
0x2f: {  	lr =	sadd.s32 s0, s3;
	s0 =	sld [smem:$0x3FAA]  }
0x30: {  	s3 =	sld [smem:$0x3FAD]  }
0x31: {  	[smem:$0x3FB6] =	sst s10  }
0x32: {  	s10 =	sld [smem:$0x3FB4];
	_ =	sdelay $0x3  }
0x33: {  	p0 =	seq.s32 s10, $0x1;
	s10 =	sld [smem:$0x3FB6];
	_ =	sdelay $0x3  }
0x34: {  	[smem:$0x3FB6] =	sst s10  }
0x35: {  	s10 =	sld [smem:$0x3FB5];
	_ =	sdelay $0x3  }
0x36: {  	p1 =	seq.s32 s10, $0x1;
	s10 =	sld [smem:$0x3FB6];
	_ =	sdelay $0x3  }
0x37: {  	[smem:$0x3FB6] =	sst s10  }
0x38: {  	s10 =	sld [smem:$0x3FB7]  }
0x39: {  	_ = 	snop;
	(pc) =	sbr.ind lr, $3  }
0x3a: {  	_ = 	snop  }
0x3b: {  	_ = 	snop  }
0x3c: {  	p2 =	seq.s32 s10, $0x1;
	s10 =	sld [smem:$0x3FB6]  }
0x3d: {  	_ =	shalt  }
0x3e: {  	_ =	shalt  }
0x3f: {  	_ =	shalt  }
0x40: {  	_ =	shalt  }
0x41: {  	_ =	shalt  }
0x42: {  	_ =	shalt  }
0x43: {  	_ =	shalt  }
0x44: {  	_ =	shalt  }
0x45: {  	_ =	shalt  }
0x46: {  	_ =	shalt  }
0x47: {  	_ =	shalt  }
0x48: {  	_ =	shalt  }
0x49: {  	_ =	shalt  }
0x4a: {  	_ =	shalt  }
0x4b: {  	_ =	shalt  }
0x4c: {  	_ =	shalt  }
0x4d: {  	_ =	shalt  }
0x4e: {  	_ =	shalt  }
0x4f: {  	_ =	shalt  }
0x50: {  	_ =	shalt  }
0x51: {  	_ =	shalt  }
0x52: {  	_ =	shalt  }
0x53: {  	_ =	shalt  }
0x54: {  	_ =	shalt  }
0x55: {  	_ =	shalt  }
0x56: {  	_ =	shalt  }
0x57: {  	_ =	shalt  }
0x58: {  	_ =	shalt  }
0x59: {  	_ =	shalt  }
0x5a: {  	_ =	shalt  }
0x5b: {  	_ =	shalt  }
0x5c: {  	_ =	shalt  }
0x5d: {  	_ =	shalt  }
0x5e: {  	_ =	shalt  }
0x5f: {  	_ =	shalt  }
0x60: {  	_ =	shalt  }
0x61: {  	_ =	shalt  }
0x62: {  	_ =	shalt  }
0x63: {  	_ =	shalt  }
0x64: {  	_ =	shalt  }
0x65: {  	_ =	shalt  }
0x66: {  	_ =	shalt  }
0x67: {  	_ =	shalt  }
0x68: {  	_ =	shalt  }
0x69: {  	_ =	shalt  }
0x6a: {  	_ =	shalt  }
0x6b: {  	_ =	shalt  }
0x6c: {  	_ =	shalt  }
0x6d: {  	_ =	shalt  }
0x6e: {  	_ =	shalt  }
0x6f: {  	_ =	shalt  }
0x70: {  	_ =	shalt  }
0x71: {  	_ =	shalt  }
0x72: {  	_ =	shalt  }
0x73: {  	_ =	shalt  }
0x74: {  	_ =	shalt  }
0x75: {  	_ =	shalt  }
0x76: {  	_ =	shalt  }
0x77: {  	_ =	shalt  }
0x78: {  	_ =	shalt  }
0x79: {  	_ =	shalt  }
0x7a: {  	_ =	shalt  }
0x7b: {  	_ =	shalt  }
0x7c: {  	_ =	shalt  }
0x7d: {  	_ =	shalt  }
0x7e: {  	_ =	shalt  }
0x7f: {  	_ =	shalt  }
0x80: {  	_ =	shalt  }
0x81: {  	_ =	shalt  }
0x82: {  	_ =	shalt  }
0x83: {  	_ =	shalt  }
0x84: {  	_ =	shalt  }
0x85: {  	_ =	shalt  }
0x86: {  	_ =	shalt  }
0x87: {  	_ =	shalt  }
.Lfunc_end0:
.L_simem_size_0:
called_computation_lowered:
.L_overlay_start_0:
0x88: {  	s2 =	sld [smem:$0x3FD9]  }
0x89: {  	s3 =	sld [smem:$0x3FFE];
	_ =	sdelay $0x1  }
0x8a: {  	s1 =	srdreg.scid  }
0x8b: {  	s0 =	sand.u32 $0x1, s1  }
0x8c: {  	s17 =	sshll.u32 s0, $0xA;
	s2 =	sadd.s32 s3, s2  }
0x8d: {  	s2 =	sadd.s32 s2, s17  }
0x8e: {  	[smem:$0x3FC2] =	sst s2  }
0x8f: {  	_ = 	snop  }
0x90: {  	s2 =	sld [smem:$0x3FC9]  }
0x91: {  	s18 =	sld [smem:$0x3FC8]  }
0x92: {  	s4 =	sld [smem:$0x3FC7]  }
0x93: {  	s5 =	sld [smem:$0x3FC6]  }
0x94: {  	s6 =	sld [smem:$0x3FD0];
	(tm) =	ssettm $0x1  }
0x95: {  	s7 =	sld [smem:$0x3FFB];
	_ =	sdelay $0x3  }
0x96: {  	_ =	strace s7  }
0x97: {  	s7 =	sld [smem:$0x3FFC];
	_ =	sdelay $0x3  }
0x98: {  	_ =	strace s7  }
0x99: {  	s7 =	sld [smem:$0x3FFD];
	_ =	sdelay $0x3  }
0x9a: {  	_ =	strace s7  }
0x9b: {  	_ =	strace $0x8FFFFFFF  }
0x9c: {  	s19 =	sld [smem:$0x3FDB];
	_ =	sdelay $0x1  }
0x9d: {  	s8 =	simm.s32 $_scs_section_size  }
0x9e: {  	s9 =	simm.s32 $_size__tile_overlayer_lowered;
	s10 =	simm.s32 $_tile_overlayer_lowered  }
0x9f: {  	s22 =	simm.s32 $0x1BFF;
	s21 =	sshll.u32 s10, $0x1;
	s7 =	sadd.s32 s8, s19  }
0xa0: {  	s11 =	simm.s32 $0x0;
	s20 =	sshll.u32 s9, $0x1;
	s9 =	sadd.s32 s21, s7  }
0xa1: {  	[timem:s11], [sflag:s22] =	dma.local [hbm:s9], s20  }
0xa2: {  	_ =	swait.ge [sflag:s22], s20  }
0xa3: {  	s8 =	ssub.s32 $0x0, s20;
	[sflag:s22] =	ssyncset.done $0x0  }
0xa4: {  	[sflag:s22] =	ssyncadd.s32 s8;
	_ =	sdelay $0x1  }
0xa5: {  	s23 =	simm.s32 $0x1B8B  }
0xa6: {  	_ =	swait.ge [sflag:s23], $0x1  }
0xa7: {  	[sflag:s23] =	ssyncset.done $0x0  }
0xa8: {  	s25 =	simm.s32 $0x1B8E;
	s24 =	sld [smem:$0x3FFE];
	[sflag:s23] =	ssyncadd.s32 $0xFFFFFFFF  }
0xa9: {  	s26 =	simm.s32 $execute0_lowered;
	[smem:$0x3FD2] =	sst s25  }
0xaa: {  	s9 =	sshll.u32 s26, $0x1;
	_ =	strace $0x80000046;
	[dreg:$0x1] =	wrdreg $0xFFFFFFFF  }
0xab: {  	s28 =	simm.s32 $_size_execute0_lowered;
	s7 =	sadd.s32 s7, s9;
	[dreg:$0x0] =	wrdreg $0x0  }
0xac: {  	s9 =	sshll.u32 s28, $0x1;
	[dreg:$0x2] =	wrdreg s7  }
0xad: {  	[dreg:$0x3] =	wrdreg s9  }
0xae: {  	[dreg:$0x4] =	wrdreg $0xC0  }
0xaf: {  	_ =	task [dreg:s11], $0x5FFFF  }
0xb0: {  	[dreg:$0x1] =	wrdreg $0xFFFFFFFF  }
0xb1: {  	[dreg:$0x0] =	wrdreg $0x60  }
0xb2: {  	[dreg:$0x2] =	wrdreg s2  }
0xb3: {  	[dreg:$0x3] =	wrdreg s18  }
0xb4: {  	[dreg:$0x4] =	wrdreg s4  }
0xb5: {  	[dreg:$0x5] =	wrdreg s5  }
0xb6: {  	[dreg:$0x6] =	wrdreg s24  }
0xb7: {  	[dreg:$0x7] =	wrdreg s6  }
0xb8: {  	[dreg:$0x8] =	wrdreg $0x9  }
0xb9: {  	_ =	task.clear_ibuf [dreg:s11], $0x9FFFF;
	_ =	strace $0x90000046  }
0xba: {  	s29 =	simm.s32 $0x9;
	_ =	strace $0x80000048  }
0xbb: {  	_ =	swait.ge [sflag:s29], $0x1  }
0xbc: {  	[sflag:s29] =	ssyncadd.s32 $0xFFFFFFFF  }
0xbd: {  	_ =	strace $0x90000048  }
0xbe: {  	_ =	sfence  }
0xbf: {  	s30 =	sld [smem:$0x0];
	_ =	sdelay $0x2  }
0xc0: {  	s31 =	sshll.u32 s1, $0xD;
	s1 =	sshrl.u32 s1, $0x2  }
0xc1: {  	s3 =	sand.u32 $0x4000, s31;
	s1 =	sadd.s32 s1, s30  }
0xc2: {  	s0 =	sor.u32 s3, s0;
	s1 =	sshll.u32 s1, $0x11  }
0xc3: {  	s0 =	sor.u32 s1, s0  }
0xc4: {  	s0 =	sadd.s32 $0x8F2B, s0  }
0xc5: {  	[sflag:s0] =	ssyncadd.remote.s32 $0x1  }
0xc6: {  	_ =	sfence.sel $0xFFFF  }
0xc7: {  	[dreg:$0x0] =	wrdreg $0xFFFFFFFF;
	(pc) =	sbr.abs _section_cstart, $3  }
0xc8: {  	[dreg:$0x1] =	wrdreg $0xFFFFFFFF  }
0xc9: {  	_ =	task.clear_ibuf [dreg:s11], $0x2FFFF;
	_ =	strace $0x9FFFFFFF  }
0xca: {  	(tm) =	ssettm $0x7FFFFFFF  }
0xcb: {  	_ =	shalt  }
tec
execute0_lowered:
.L_overlay_start_1:
0x0: {  	(tag) =	ssettag $0x1  }
0x1: {  	v0 =	vimm.s32 $0xEFCDAB89  }
0x2: {  	vm0 =	vcmask $0xB08;
	vm1 =	vcmask $0x300;
	v1 =	vimm.s32 $0x67452301  }
0x3: {  	v2 =	vimm.s32 $0xDCFE98BA;
	v3 =	vimm.s32 $0x54761032;
	vm2 =	vcmask $0x700  }
0x4: {  	vm3 =	vcmask $0x3B38;
	v61 =	vimm.s32 $0xBA98FEDC;
	v62 =	vimm.s32 $0x32107654  }
0x5: {  	v4 =	vimm.s32 $0xFEDCBA98;
	v5 =	vimm.s32 $0x76543210;
	v0 =	vunpack.c.l.s4.s8 v0  }
0x6: {  	vm0 =	vmor vm1, vm0;
	vm1 =	vcmask $0x1310;
	v1 =	vunpack.c.l.s4.s8 v1  }
0x7: {  	v2 =	vunpack.c.l.s4.s8 v2;
	v3 =	vunpack.c.l.s4.s8 v3;
	v4 =	vunpack.c.l.s4.s8 v4  }
0x8: {  	v5 =	vunpack.c.l.s4.s8 v5;
	vm0 =	vmor vm0, vm1;
	vm1 =	vcmask $0x1B18  }
0x9: {  	s0 =	rddreg [dreg:$0x0];
	v0 =	vunpack.c.0.s8.s32 v0;
	vm0 =	vmor vm0, vm1;
	vm1 =	vcmask $0x2320  }
0xa: {  	s1 =	rddreg [dreg:$0x1];
	v1 =	vunpack.c.0.s8.s32 v1;
	v59 =	vunpack.c.0.s8.s32 v2;
	v60 =	vunpack.c.0.s8.s32 v3  }
0xb: {  	s7 =	rddreg [dreg:$0x4];
	v2 =	vunpack.c.l.s4.s8 v61;
	v3 =	vunpack.c.l.s4.s8 v62;
	v4 =	vunpack.c.0.s8.s32 v4  }
0xc: {  	s2 =	rddreg [dreg:$0x5];
	s3 =	srdreg.scid;
	v63 =	vunpack.c.0.s8.s32 v5;
	vm0 =	vmor vm0, vm1;
	vm1 =	vcmask $0x2B28  }
0xd: {  	s8 =	simm.s32 $0x0;
	s5 =	stileid.u32;
	s3 =	sand.u32 $0x1, s3;
	vm0 =	vmor vm0, vm1;
	vm1 =	vcmask $0x3330;
	v0 =	vcombine.low v1, v0  }
0xe: {  	s5 =	sshll.u32 s5, $0x7;
	s4 =	ssub.s32 $0x2, s3;
	s3 =	sshll.u32 s3, $0x6;
	v1 =	vcombine.low v60, v59;
	v2 =	vunpack.c.0.s8.s32 v2;
	v3 =	vunpack.c.0.s8.s32 v3  }
0xf: {  	[smem:$0x7FF] =	sst s8;
	s28 =	sadd.s32 $0x3200, s7;
	s3 =	sor.u32 s3, s5;
	v4 =	vand.u32 $0xF, v4;
	vm0 =	vmor vm0, vm1;
	vm1 =	vcmask $0x1710  }
0x10: {  	_ =	strace $0x80000047;
	[dreg:$0x7] =	wrdreg s28;
	s0 =	sadd.s32 s0, s3;
	v6 =	vcombine.low v4, v63;
	vm1 =	vmor vm2, vm1;
	vm2 =	vcmask $0x2720  }
0x11: {  	s6 =	sshrl.u32 s4, $0x1;
	s29 =	sadd.s32 s1, s3;
	[dreg:$0x8] =	wrdreg s0;
	vm0 =	vmor vm0, vm3;
	vm3 =	vcmask $0xF00;
	v2 =	vcombine.low v3, v2  }
0x12: {  	s4 =	ssub.s32 s4, s6;
	s30 =	sadd.s32 s2, s3;
	[dreg:$0x9] =	wrdreg s29;
	v46 =	vand.u32 $0xF, v0;
	vm1 =	vmor vm1, vm2;
	vm2 =	vcmask $0x3730  }
0x13: {  	[dreg:$0xa] =	wrdreg s30;
	s31 =	smax.u32 s4, $0x1;
	[tilespmem:$0x1FFF0] =	vst v6;
	vm1 =	vmor vm1, vm2;
	vm2 =	vcmask $0x2F20;
	v8 =	vand.u32 $0xF, v2  }
0x14: {  	s2 =	simm.s32 $0x0;
	[dreg:$0xb] =	wrdreg s31;
	v45 =	vand.u32 $0xF, v1;
	vm2 =	vmor vm3, vm2;
	vm3 =	vmmov $0xff;
	[tilespmem:$0x1FFE0] =	vst v8  }
.LBB2_1:
0x15: {  	[dreg:$0xc] =	wrdreg s2  }
0x16: {  	s0 =	rddreg [dreg:$0x8]  }
0x17: {  	[tilespmem:s8], [sflag:$0x1] =	stream.linear.gather [hbm4b:s0+s8], $0x200, $0x38;
	[tilespmem:$0x8800] =	vst v63  }
0x18: {  	s20 =	rddreg [dreg:$0x9];
	s4 =	simm.s32 $0x200;
	s21 =	simm.s32 $0x1  }
0x19: {  	[tilespmem:s4], [sflag:$0x1] =	stream.linear.gather [hbm4b:s20+s8], $0x200, $0x38;
	[tilespmem:$0x8800] =	vst v63  }
0x1a: {  	_ =	swait.ge [sflag:s21], $0x200  }
0x1b: {  	[sflag:s21] =	ssyncset.done $0x0  }
0x1c: {  	[sflag:s21] =	ssyncadd.s32 $0xFFFFFE00  }
0x1d: {  	_ =	swait.ge [sflag:s21], $0x200  }
0x1e: {  	[sflag:s21] =	ssyncset.done $0x0  }
0x1f: {  	[sflag:s21] =	ssyncadd.s32 $0xFFFFFE00  }
0x20: {  	s5 =	simm.s32 $0x40;
	s1 =	simm.s32 $0x400;
	s0 =	rddreg [dreg:$0x2]  }
0x21: {  	[tilespmem:s1], [sflag:$0x1] =	stream.indirect.gather [hbm4b:s0+s5], $0x80, s8, s5, $0xb8;
	[tilespmem:$0x8800] =	vst v63  }
0x22: {  	s23 =	simm.s32 $0x4400;
	s22 =	rddreg [dreg:$0x3]  }
0x23: {  	[tilespmem:s23], [sflag:$0x1] =	stream.indirect.gather [hbm4b:s22+s5], $0x80, s4, s5, $0xb8;
	[tilespmem:$0x8800] =	vst v63  }
0x24: {  	s3 =	simm.s32 $0x8400;
	s24 =	rddreg [dreg:$0x4]  }
0x25: {  	[tilespmem:s3], [sflag:$0x1] =	stream.indirect.gather [hbm4b:s24+s5], $0x1, s8, s5, $0xb8;
	[tilespmem:$0x8800] =	vst v63  }
0x26: {  	s6 =	simm.s32 $0x8500;
	s25 =	rddreg [dreg:$0x7]  }
0x27: {  	[tilespmem:s6], [sflag:$0x1] =	stream.indirect.gather [hbm4b:s25+s5], $0x1, s4, s5, $0xb8;
	[tilespmem:$0x8800] =	vst v63  }
0x28: {  	s26 =	simm.s32 $0x2400  }
0x29: {  	[tilespmem:s26], [sflag:$0x2] =	stream.indirect.gather [hbm4b:s0+s5], $0x80, s5, s5, $0xb8;
	[tilespmem:$0x8800] =	vst v63  }
0x2a: {  	s28 =	simm.s32 $0x240;
	s29 =	simm.s32 $0x6400  }
0x2b: {  	[tilespmem:s29], [sflag:$0x2] =	stream.indirect.gather [hbm4b:s22+s5], $0x80, s28, s5, $0xb8;
	[tilespmem:$0x8800] =	vst v63  }
0x2c: {  	s30 =	simm.s32 $0x8480  }
0x2d: {  	[tilespmem:s30], [sflag:$0x2] =	stream.indirect.gather [hbm4b:s24+s5], $0x1, s5, s5, $0xb8;
	[tilespmem:$0x8800] =	vst v63  }
0x2e: {  	s31 =	simm.s32 $0x8580  }
0x2f: {  	[tilespmem:s31], [sflag:$0x2] =	stream.indirect.gather [hbm4b:s25+s5], $0x1, s28, s5, $0xb8;
	[tilespmem:$0x8800] =	vst v63  }
0x30: {  	s5 =	simm.s32 $0x0  }
.LBB2_2:
0x31: {  	s0 =	sand.u32 $0x1, s5  }
0x32: {  	s1 =	sadd.s32 $0x1, s0  }
0x33: {  	s31 =	sshll.u32 s5, $0x6;
	_ =	swait.ge [sflag:s1], $0x2000  }
0x34: {  	p0 =	por $0x1, $0x1;
	s29 =	sshll.u32 s0, $0xD;
	[sflag:s1] =	ssyncset.done $0x0  }
0x35: {  	s22 =	sor.u32 $0x80, s29;
	s23 =	sor.u32 $0x100, s29;
	[sflag:s1] =	ssyncadd.s32 $0xFFFFE000  }
0x36: {  	s24 =	sor.u32 $0x180, s29;
	s25 =	sor.u32 $0x200, s29;
	_ =	swait.ge [sflag:s1], $0x2000  }
0x37: {  	s26 =	sor.u32 $0x280, s29;
	s15 =	sor.u32 $0x300, s29;
	[sflag:s1] =	ssyncset.done $0x0  }
0x38: {  	s16 =	sor.u32 $0x380, s29;
	s17 =	sor.u32 $0x400, s29;
	[sflag:s1] =	ssyncadd.s32 $0xFFFFE000  }
0x39: {  	s18 =	sor.u32 $0x480, s29;
	s20 =	sor.u32 $0x500, s29;
	_ =	swait.ge [sflag:s1], $0x40  }
0x3a: {  	s21 =	sor.u32 $0x580, s29;
	s7 =	sor.u32 $0x680, s29;
	[sflag:s1] =	ssyncset.done $0x0  }
0x3b: {  	s8 =	sor.u32 $0x700, s29;
	s9 =	sor.u32 $0x780, s29;
	[sflag:s1] =	ssyncadd.s32 $0xFFFFFFC0  }
0x3c: {  	s19 =	sor.u32 $0x880, s29;
	_ =	swait.ge [sflag:s1], $0x40;
	[dreg:$0xe] =	wrdreg s1  }
0x3d: {  	s10 =	sor.u32 $0x900, s29;
	s11 =	sor.u32 $0x980, s29;
	[dreg:$0xf] =	wrdreg s22  }
0x3e: {  	s4 =	sor.u32 $0xA80, s29;
	s12 =	sor.u32 $0xB00, s29;
	[dreg:$0x10] =	wrdreg s23  }
0x3f: {  	s13 =	sor.u32 $0xB80, s29;
	s2 =	sor.u32 $0xD80, s29;
	[dreg:$0x11] =	wrdreg s24  }
0x40: {  	s6 =	sor.u32 $0xE00, s29;
	s28 =	sor.u32 $0xF00, s29;
	[dreg:$0x12] =	wrdreg s25  }
0x41: {  	s30 =	sor.u32 $0xF80, s29;
	[dreg:$0x13] =	wrdreg s26;
	[sflag:s1] =	ssyncset.done $0x0  }
0x42: {  	s22 =	sor.u32 $0x600, s29;
	[sflag:s1] =	ssyncadd.s32 $0xFFFFFFC0;
	s1 =	sand.u32 $0x3FFFFFC0, s31  }
0x43: {  	s24 =	sor.u32 $0xA00, s29;
	[dreg:$0xd] =	wrdreg s5;
	s3 =	sadd.s32 $0x8600, s1  }
0x44: {  	s23 =	sshll.u32 s0, $0x7;
	s25 =	sor.u32 $0xC00, s29;
	s0 =	sor.u32 $0xC80, s29;
	v0 =	vmov s3  }
0x45: {  	s26 =	sor.u32 $0xE80, s29;
	s1 =	sor.u32 $0xD00, s29;
	s3 =	simm.s32 $0x0;
	[tilespmem:$0x1FFD0] =	vst v0  }
.LBB2_3:
0x46: {  	s31 =	sshll.u32 s3, $0xC  }
0x47: {  	s5 =	sor.u32 s29, s31  }
0x48: {  	v26 =	vld [tilespmem:s5+$0x400]  }
0x49: {  	v22 =	vld [tilespmem:s5+$0x4400]  }
0x4a: {  	v23 =	vld [tilespmem:s5+$0x410]  }
0x4b: {  	v20 =	vld [tilespmem:s5+$0x4410]  }
0x4c: {  	v32 =	vld [tilespmem:s5+$0x420]  }
0x4d: {  	v27 =	vld [tilespmem:s5+$0x4420]  }
0x4e: {  	v35 =	vld [tilespmem:s5+$0x430]  }
0x4f: {  	v0 =	vld [tilespmem:s5+$0x460]  }
0x50: {  	v19 =	vld [tilespmem:s5+$0x4460]  }
0x51: {  	v34 =	vld [tilespmem:s5+$0x4430]  }
0x52: {  	v43 =	vld [tilespmem:s5+$0x440]  }
0x53: {  	v50 =	vld [tilespmem:s5+$0x4440]  }
0x54: {  	v44 =	vld [tilespmem:s5+$0x450];
	[tilespmem:$0x1F0C0] =	vst v0  }
0x55: {  	v41 =	vld [tilespmem:s5+$0x4450];
	[tilespmem:$0x1F0D0] =	vst v19  }
0x56: {  	v0 =	vld [tilespmem:s5+$0x470];
	s14 =	rddreg [dreg:$0xf]  }
0x57: {  	v21 =	vld [tilespmem:s5+$0x4470];
	s5 =	sor.u32 s14, s31  }
0x58: {  	v14 =	vld [tilespmem:s5+$0x400]  }
0x59: {  	v10 =	vld [tilespmem:s5+$0x4400]  }
0x5a: {  	v11 =	vld [tilespmem:s5+$0x410]  }
0x5b: {  	v8 =	vld [tilespmem:s5+$0x4410]  }
0x5c: {  	v19 =	vld [tilespmem:s5+$0x420]  }
0x5d: {  	v18 =	vld [tilespmem:s5+$0x4420]  }
0x5e: {  	v33 =	vld [tilespmem:s5+$0x430]  }
0x5f: {  	v30 =	vld [tilespmem:s5+$0x4430]  }
0x60: {  	v31 =	vld [tilespmem:s5+$0x440]  }
0x61: {  	v1 =	vld [tilespmem:s5+$0x4440]  }
0x62: {  	v56 =	vld [tilespmem:s5+$0x450]  }
0x63: {  	v52 =	vld [tilespmem:s5+$0x4450]  }
0x64: {  	v24 =	vld [tilespmem:s5+$0x460]  }
0x65: {  	v25 =	vld [tilespmem:s5+$0x4460]  }
0x66: {  	s14 =	rddreg [dreg:$0x10];
	v28 =	vld [tilespmem:s5+$0x470]  }
0x67: {  	v29 =	vld [tilespmem:s5+$0x4470];
	s5 =	sor.u32 s14, s31  }
0x68: {  	v17 =	vld [tilespmem:s5+$0x400]  }
0x69: {  	v15 =	vld [tilespmem:s5+$0x4400]  }
0x6a: {  	v16 =	vld [tilespmem:s5+$0x410]  }
0x6b: {  	v12 =	vld [tilespmem:s5+$0x4410]  }
0x6c: {  	v39 =	vld [tilespmem:s5+$0x430]  }
0x6d: {  	v38 =	vld [tilespmem:s5+$0x4430]  }
0x6e: {  	v42 =	vld [tilespmem:s5+$0x4440]  }
0x6f: {  	v57 =	vld [tilespmem:s5+$0x450]  }
0x70: {  	v55 =	vld [tilespmem:s5+$0x4450]  }
0x71: {  	v36 =	vld [tilespmem:s5+$0x460]  }
0x72: {  	v37 =	vld [tilespmem:s5+$0x4460]  }
0x73: {  	v40 =	vld [tilespmem:s5+$0x470]  }
0x74: {  	v47 =	vld [tilespmem:s5+$0x4470]  }
0x75: {  	[tilespmem:$0x1F120] =	vst v28;
	v28 =	vld [tilespmem:s5+$0x420]  }
0x76: {  	s14 =	rddreg [dreg:$0x11];
	[tilespmem:$0x1F0E0] =	vst v24;
	v24 =	vld [tilespmem:s5+$0x4420]  }
0x77: {  	[tilespmem:$0x1F130] =	vst v29;
	v29 =	vld [tilespmem:s5+$0x440];
	s5 =	sor.u32 s14, s31  }
0x78: {  	v5 =	vld [tilespmem:s5+$0x400]  }
0x79: {  	v4 =	vld [tilespmem:s5+$0x4400]  }
0x7a: {  	v3 =	vld [tilespmem:s5+$0x410]  }
0x7b: {  	v2 =	vld [tilespmem:s5+$0x4410]  }
0x7c: {  	v7 =	vld [tilespmem:s5+$0x420]  }
0x7d: {  	v6 =	vld [tilespmem:s5+$0x4420]  }
0x7e: {  	v13 =	vld [tilespmem:s5+$0x430]  }
0x7f: {  	v9 =	vld [tilespmem:s5+$0x4430]  }
0x80: {  	[tilespmem:$0x1F0F0] =	vst v25;
	v25 =	vld [tilespmem:s5+$0x440]  }
0x81: {  	[tilespmem:$0x1F110] =	vst v21;
	v21 =	vld [tilespmem:s5+$0x4440]  }
0x82: {  	[tilespmem:$0x1F150] =	vst v37;
	v37 =	vld [tilespmem:s5+$0x450]  }
0x83: {  	[tilespmem:$0x1F140] =	vst v36;
	v36 =	vld [tilespmem:s5+$0x4450]  }
0x84: {  	[tilespmem:$0x1F100] =	vst v0;
	v0 =	vld [tilespmem:s5+$0x460]  }
0x85: {  	[tilespmem:$0x1F160] =	vst v40;
	v40 =	vld [tilespmem:s5+$0x4460]  }
0x86: {  	s14 =	rddreg [dreg:$0x12];
	v54 =	vld [tilespmem:s5+$0x470]  }
0x87: {  	v51 =	vld [tilespmem:s5+$0x4470];
	s5 =	sor.u32 s14, s31  }
0x88: {  	v60 =	vld [tilespmem:s5+$0x440];
	_ =	sdelay $0x4  }
0x89: {  	[tilespmem:$0x1F1E0] =	vst v60;
	v60 =	vld [tilespmem:s5+$0x470];
	_ =	sdelay $0x2  }
0x8a: {  	s14 =	rddreg [dreg:$0x13]  }
0x8b: {  	s14 =	sor.u32 s14, s31  }
0x8c: {  	[tilespmem:$0x1F330] =	vst v60;
	v60 =	vld [tilespmem:s14+$0x430];
	_ =	sdelay $0x4  }
0x8d: {  	[tilespmem:$0x1F200] =	vst v60;
	v60 =	vld [tilespmem:s14+$0x4430];
	_ =	sdelay $0x4  }
0x8e: {  	[tilespmem:$0x1F210] =	vst v60;
	v60 =	vld [tilespmem:s14+$0x440];
	_ =	sdelay $0x4  }
0x8f: {  	[tilespmem:$0x1F240] =	vst v60;
	v60 =	vld [tilespmem:s14+$0x4440];
	_ =	sdelay $0x4  }
0x90: {  	[tilespmem:$0x1F250] =	vst v60;
	v60 =	vld [tilespmem:s14+$0x450];
	_ =	sdelay $0x4  }
0x91: {  	[tilespmem:$0x1F280] =	vst v60;
	v60 =	vld [tilespmem:s14+$0x4450];
	_ =	sdelay $0x4  }
0x92: {  	[tilespmem:$0x1F290] =	vst v60;
	v60 =	vld [tilespmem:s14+$0x460];
	_ =	sdelay $0x2  }
0x93: {  	[tilespmem:$0x1F170] =	vst v47;
	v47 =	vld [tilespmem:s5+$0x400]  }
0x94: {  	v61 =	vld [tilespmem:s5+$0x4400]  }
0x95: {  	[tilespmem:$0x1F2A0] =	vst v60;
	v60 =	vld [tilespmem:s14+$0x4460]  }
0x96: {  	v62 =	vld [tilespmem:s5+$0x410]  }
0x97: {  	v58 =	vld [tilespmem:s5+$0x4410]  }
0x98: {  	v48 =	vld [tilespmem:s5+$0x420]  }
0x99: {  	v49 =	vld [tilespmem:s5+$0x4420]  }
0x9a: {  	[tilespmem:$0x1F2B0] =	vst v60;
	v60 =	vld [tilespmem:s14+$0x470]  }
0x9b: {  	v53 =	vld [tilespmem:s5+$0x430]  }
0x9c: {  	v59 =	vld [tilespmem:s5+$0x4430]  }
0x9d: {  	v63 =	vld [tilespmem:s5+$0x4440]  }
0x9e: {  	[tilespmem:$0x1F190] =	vst v48;
	v48 =	vld [tilespmem:s5+$0x450]  }
0x9f: {  	[tilespmem:$0x1F390] =	vst v60;
	v60 =	vld [tilespmem:s14+$0x4470]  }
0xa0: {  	[tilespmem:$0x1F1A0] =	vst v49;
	v49 =	vld [tilespmem:s5+$0x4450]  }
0xa1: {  	[tilespmem:$0x1F1B0] =	vst v53;
	v53 =	vld [tilespmem:s5+$0x460]  }
0xa2: {  	[tilespmem:$0x1F1C0] =	vst v59;
	v59 =	vld [tilespmem:s5+$0x4460]  }
0xa3: {  	[tilespmem:$0x1F1F0] =	vst v63;
	v63 =	vld [tilespmem:s5+$0x4470];
	s5 =	sor.u32 s15, s31  }
0xa4: {  	[tilespmem:$0x1F3A0] =	vst v60;
	v60 =	vld [tilespmem:s5+$0x400];
	_ =	sdelay $0x4  }
0xa5: {  	[tilespmem:$0x1F2C0] =	vst v60;
	v60 =	vld [tilespmem:s5+$0x4400];
	_ =	sdelay $0x2  }
0xa6: {  	[tilespmem:$0x1F180] =	vst v47;
	v47 =	vld [tilespmem:s14+$0x4410]  }
0xa7: {  	[tilespmem:$0x1F270] =	vst v59;
	v59 =	vld [tilespmem:s14+$0x420]  }
0xa8: {  	[tilespmem:$0x1F2D0] =	vst v60;
	v60 =	vld [tilespmem:s5+$0x410]  }
0xa9: {  	[tilespmem:$0x1F260] =	vst v53;
	v53 =	vld [tilespmem:s14+$0x400]  }
0xaa: {  	[tilespmem:$0x1F230] =	vst v49;
	v49 =	vld [tilespmem:s14+$0x4400]  }
0xab: {  	[tilespmem:$0x1F220] =	vst v48;
	v48 =	vld [tilespmem:s14+$0x410]  }
0xac: {  	[tilespmem:$0x1F1D0] =	vst v59;
	v59 =	vld [tilespmem:s14+$0x4420]  }
0xad: {  	s14 =	sor.u32 s16, s31;
	[tilespmem:$0x1F2E0] =	vst v60;
	v60 =	vld [tilespmem:s5+$0x4410]  }
0xae: {  	[tilespmem:$0x1F340] =	vst v63;
	v63 =	vld [tilespmem:s14+$0x420];
	_ =	sdelay $0x3  }
0xaf: {  	[tilespmem:$0x1F2F0] =	vst v60;
	v60 =	vld [tilespmem:s5+$0x420]  }
0xb0: {  	[tilespmem:$0x1F370] =	vst v63;
	v63 =	vld [tilespmem:s14+$0x4420];
	_ =	sdelay $0x3  }
0xb1: {  	[tilespmem:$0x1F350] =	vst v60;
	v60 =	vld [tilespmem:s5+$0x4420]  }
0xb2: {  	[tilespmem:$0x1F380] =	vst v63;
	v63 =	vld [tilespmem:s14+$0x430];
	_ =	sdelay $0x3  }
0xb3: {  	[tilespmem:$0x1F360] =	vst v60;
	v60 =	vld [tilespmem:s5+$0x430]  }
0xb4: {  	[tilespmem:$0x1F3D0] =	vst v63;
	v63 =	vld [tilespmem:s14+$0x4430];
	_ =	sdelay $0x3  }
0xb5: {  	[tilespmem:$0x1F3B0] =	vst v60;
	v60 =	vld [tilespmem:s5+$0x4430]  }
0xb6: {  	[tilespmem:$0x1F3E0] =	vst v63;
	v63 =	vld [tilespmem:s14+$0x440];
	_ =	sdelay $0x3  }
0xb7: {  	[tilespmem:$0x1F3C0] =	vst v60;
	v60 =	vld [tilespmem:s5+$0x440]  }
0xb8: {  	[tilespmem:$0x1F410] =	vst v63;
	v63 =	vld [tilespmem:s14+$0x4440];
	_ =	sdelay $0x3  }
0xb9: {  	[tilespmem:$0x1F3F0] =	vst v60;
	v60 =	vld [tilespmem:s5+$0x4440]  }
0xba: {  	[tilespmem:$0x1F420] =	vst v63;
	v63 =	vld [tilespmem:s14+$0x450];
	_ =	sdelay $0x3  }
0xbb: {  	[tilespmem:$0x1F400] =	vst v60;
	v60 =	vld [tilespmem:s5+$0x450]  }
0xbc: {  	[tilespmem:$0x1F450] =	vst v63;
	v63 =	vld [tilespmem:s14+$0x4450];
	_ =	sdelay $0x3  }
0xbd: {  	[tilespmem:$0x1F430] =	vst v60;
	v60 =	vld [tilespmem:s5+$0x4450]  }
0xbe: {  	[tilespmem:$0x1F460] =	vst v63;
	v63 =	vld [tilespmem:s14+$0x460];
	_ =	sdelay $0x3  }
0xbf: {  	[tilespmem:$0x1F440] =	vst v60;
	v60 =	vld [tilespmem:s5+$0x460]  }
0xc0: {  	[tilespmem:$0x1F4B0] =	vst v63;
	v63 =	vld [tilespmem:s14+$0x4460];
	_ =	sdelay $0x3  }
0xc1: {  	[tilespmem:$0x1F470] =	vst v60;
	v60 =	vld [tilespmem:s5+$0x4460]  }
0xc2: {  	[tilespmem:$0x1F4C0] =	vst v63;
	v63 =	vld [tilespmem:s14+$0x470];
	_ =	sdelay $0x3  }
0xc3: {  	[tilespmem:$0x1F480] =	vst v60;
	v60 =	vld [tilespmem:s5+$0x470]  }
0xc4: {  	[tilespmem:$0x1F510] =	vst v63;
	v63 =	vld [tilespmem:s14+$0x4470];
	_ =	sdelay $0x3  }
0xc5: {  	[tilespmem:$0x1F490] =	vst v60;
	v60 =	vld [tilespmem:s5+$0x4470];
	s5 =	sor.u32 s17, s31  }
0xc6: {  	[tilespmem:$0x1F520] =	vst v63;
	v63 =	vld [tilespmem:s5+$0x400];
	_ =	sdelay $0x4  }
0xc7: {  	[tilespmem:$0x1F4D0] =	vst v63;
	v63 =	vld [tilespmem:s5+$0x4400];
	_ =	sdelay $0x4  }
0xc8: {  	[tilespmem:$0x1F4E0] =	vst v63;
	v63 =	vld [tilespmem:s5+$0x410];
	_ =	sdelay $0x4  }
0xc9: {  	[tilespmem:$0x1F4F0] =	vst v63;
	v63 =	vld [tilespmem:s5+$0x4410];
	_ =	sdelay $0x4  }
0xca: {  	[tilespmem:$0x1F500] =	vst v63;
	v63 =	vld [tilespmem:s5+$0x420];
	_ =	sdelay $0x4  }
0xcb: {  	[tilespmem:$0x1F530] =	vst v63;
	v63 =	vld [tilespmem:s5+$0x4420];
	_ =	sdelay $0x4  }
0xcc: {  	[tilespmem:$0x1F540] =	vst v63;
	v63 =	vld [tilespmem:s5+$0x430];
	_ =	sdelay $0x4  }
0xcd: {  	[tilespmem:$0x1F590] =	vst v63;
	v63 =	vld [tilespmem:s5+$0x4430];
	_ =	sdelay $0x4  }
0xce: {  	[tilespmem:$0x1F5A0] =	vst v63;
	v63 =	vld [tilespmem:s5+$0x440];
	_ =	sdelay $0x4  }
0xcf: {  	[tilespmem:$0x1F5D0] =	vst v63;
	v63 =	vld [tilespmem:s5+$0x4440];
	_ =	sdelay $0x4  }
0xd0: {  	[tilespmem:$0x1F5E0] =	vst v63;
	v63 =	vld [tilespmem:s5+$0x450];
	_ =	sdelay $0x4  }
0xd1: {  	[tilespmem:$0x1F610] =	vst v63;
	v63 =	vld [tilespmem:s5+$0x4450];
	_ =	sdelay $0x4  }
0xd2: {  	[tilespmem:$0x1F620] =	vst v63;
	v63 =	vld [tilespmem:s5+$0x460];
	_ =	sdelay $0x3  }
0xd3: {  	[tilespmem:$0x1F4A0] =	vst v60;
	v60 =	vld [tilespmem:s14+$0x400]  }
0xd4: {  	[tilespmem:$0x1F630] =	vst v63;
	v63 =	vld [tilespmem:s5+$0x4460];
	_ =	sdelay $0x3  }
0xd5: {  	[tilespmem:$0x1F300] =	vst v60;
	v60 =	vld [tilespmem:s14+$0x4400]  }
0xd6: {  	[tilespmem:$0x1F640] =	vst v63;
	v63 =	vld [tilespmem:s5+$0x470];
	_ =	sdelay $0x3  }
0xd7: {  	[tilespmem:$0x1F310] =	vst v60;
	v60 =	vld [tilespmem:s14+$0x410]  }
0xd8: {  	[tilespmem:$0x1F740] =	vst v63;
	v63 =	vld [tilespmem:s5+$0x4470];
	_ =	sdelay $0x3  }
0xd9: {  	[tilespmem:$0x1F320] =	vst v60;
	v60 =	vld [tilespmem:s14+$0x4410];
	s14 =	sor.u32 s18, s31  }
0xda: {  	[tilespmem:$0x1F750] =	vst v63;
	v63 =	vld [tilespmem:s14+$0x400];
	_ =	sdelay $0x4  }
0xdb: {  	[tilespmem:$0x1F550] =	vst v63;
	v63 =	vld [tilespmem:s14+$0x4400];
	_ =	sdelay $0x4  }
0xdc: {  	[tilespmem:$0x1F560] =	vst v63;
	v63 =	vld [tilespmem:s14+$0x410];
	_ =	sdelay $0x4  }
0xdd: {  	[tilespmem:$0x1F570] =	vst v63;
	v63 =	vld [tilespmem:s14+$0x4410];
	_ =	sdelay $0x4  }
0xde: {  	[tilespmem:$0x1F580] =	vst v63;
	v63 =	vld [tilespmem:s14+$0x420];
	_ =	sdelay $0x4  }
0xdf: {  	[tilespmem:$0x1F5B0] =	vst v63;
	v63 =	vld [tilespmem:s14+$0x4420];
	_ =	sdelay $0x4  }
0xe0: {  	[tilespmem:$0x1F5C0] =	vst v63;
	v63 =	vld [tilespmem:s14+$0x430];
	_ =	sdelay $0x4  }
0xe1: {  	[tilespmem:$0x1F5F0] =	vst v63;
	v63 =	vld [tilespmem:s14+$0x4430];
	_ =	sdelay $0x4  }
0xe2: {  	[tilespmem:$0x1F600] =	vst v63;
	v63 =	vld [tilespmem:s14+$0x440];
	_ =	sdelay $0x4  }
0xe3: {  	[tilespmem:$0x1F650] =	vst v63;
	v63 =	vld [tilespmem:s14+$0x4440];
	_ =	sdelay $0x4  }
0xe4: {  	[tilespmem:$0x1F660] =	vst v63;
	v63 =	vld [tilespmem:s14+$0x450];
	_ =	sdelay $0x4  }
0xe5: {  	[tilespmem:$0x1F6B0] =	vst v63;
	v63 =	vld [tilespmem:s14+$0x4450];
	_ =	sdelay $0x4  }
0xe6: {  	[tilespmem:$0x1F6C0] =	vst v63;
	v63 =	vld [tilespmem:s14+$0x460];
	_ =	sdelay $0x4  }
0xe7: {  	[tilespmem:$0x1F700] =	vst v63;
	v63 =	vld [tilespmem:s14+$0x4460];
	_ =	sdelay $0x4  }
0xe8: {  	[tilespmem:$0x1F710] =	vst v63;
	v63 =	vld [tilespmem:s14+$0x470];
	_ =	sdelay $0x1  }
0xe9: {  	v10 =	vmul.f32 v10, v14;
	v8 =	vmul.f32 v8, v11  }
0xea: {  	v35 =	vmul.f32 v34, v35;
	v34 =	vmul.f32 v18, v19;
	v19 =	vld [tilespmem:$0x1F0C0]  }
0xeb: {  	v8 =	vadd.f32 v8, v10;
	v10 =	vld [tilespmem:$0x1F120]  }
0xec: {  	v22 =	vmul.f32 v22, v26;
	v20 =	vmul.f32 v20, v23;
	[tilespmem:$0x1F780] =	vst v63;
	v63 =	vld [tilespmem:s14+$0x4470]  }
0xed: {  	v17 =	vmul.f32 v15, v17;
	v12 =	vmul.f32 v12, v16;
	v14 =	vld [tilespmem:$0x1F140]  }
0xee: {  	v15 =	vld [tilespmem:$0x1F150]  }
0xef: {  	v20 =	vadd.f32 v20, v22;
	v22 =	vadd.f32 v12, v17;
	v12 =	vld [tilespmem:$0x1F130];
	s5 =	sor.u32 s20, s31  }
0xf0: {  	v41 =	vmul.f32 v41, v44;
	v44 =	vmul.f32 v30, v33;
	v8 =	vadd.f32 v34, v8;
	v26 =	vld [tilespmem:s5+$0x440]  }
0xf1: {  	[tilespmem:$0x1F790] =	vst v63;
	v63 =	vld [tilespmem:s5+$0x400]  }
0xf2: {  	v8 =	vadd.f32 v44, v8;
	v44 =	vld [tilespmem:$0x1F100]  }
0xf3: {  	v34 =	vmul.f32 v42, v29;
	v42 =	vmul.f32 v21, v25;
	v25 =	vld [tilespmem:$0x1F170]  }
0xf4: {  	v23 =	vld [tilespmem:s5+$0x4460]  }
0xf5: {  	v47 =	vmul.f32 v47, v48;
	v48 =	vld [tilespmem:$0x1F1B0];
	[tilespmem:$0x1F760] =	vst v26  }
0xf6: {  	v26 =	vmul.f32 v27, v32;
	[tilespmem:$0x1F670] =	vst v63;
	v63 =	vld [tilespmem:s5+$0x4400]  }
0xf7: {  	v27 =	vld [tilespmem:s5+$0x450]  }
0xf8: {  	v32 =	vld [tilespmem:s5+$0x4450];
	v20 =	vadd.f32 v26, v20  }
0xf9: {  	[tilespmem:$0x1F7D0] =	vst v23;
	v23 =	vmul.f32 v24, v28;
	v24 =	vmul.f32 v52, v56;
	v52 =	vld [tilespmem:$0x1F110]  }
0xfa: {  	v26 =	vadd.f32 v35, v20;
	v35 =	vld [tilespmem:s5+$0x4470]  }
0xfb: {  	[tilespmem:$0x1F680] =	vst v63;
	v63 =	vld [tilespmem:s5+$0x410]  }
0xfc: {  	v20 =	vld [tilespmem:$0x1F0D0];
	[tilespmem:$0x1F7A0] =	vst v27  }
0xfd: {  	[tilespmem:$0x1F7B0] =	vst v32;
	v27 =	vmul.f32 v50, v43;
	v32 =	vld [tilespmem:s5+$0x470]  }
0xfe: {  	v56 =	vmul.f32 v52, v44;
	v44 =	vmul.f32 v49, v53;
	v53 =	vld [tilespmem:$0x1F1D0]  }
0xff: {  	v49 =	vld [tilespmem:$0x1F1C0]  }
0x100: {  	v11 =	vadd.f32 v27, v26;
	[tilespmem:$0x1F690] =	vst v63;
	v63 =	vld [tilespmem:s5+$0x4410]  }
0x101: {  	v4 =	vmul.f32 v4, v5;
	v5 =	vadd.f32 v23, v22;
	v27 =	vmul.f32 v38, v39;
	v38 =	vld [tilespmem:$0x1F0F0]  }
0x102: {  	v2 =	vmul.f32 v2, v3;
	[tilespmem:$0x1F800] =	vst v35;
	v11 =	vadd.f32 v41, v11;
	v3 =	vmul.f32 v20, v19;
	v35 =	vld [tilespmem:$0x1F0E0]  }
0x103: {  	v29 =	vmul.f32 v51, v54;
	v5 =	vadd.f32 v27, v5;
	v54 =	vmul.f32 v59, v53;
	v59 =	vld [tilespmem:$0x1F200]  }
0x104: {  	v51 =	vmul.f32 v49, v48;
	v48 =	vld [tilespmem:$0x1F260];
	v11 =	vadd.f32 v3, v11  }
0x105: {  	v57 =	vmul.f32 v55, v57;
	v5 =	vadd.f32 v34, v5;
	[tilespmem:$0x1F6A0] =	vst v63;
	v63 =	vld [tilespmem:s5+$0x420]  }
0x106: {  	[tilespmem:$0x1F7F0] =	vst v32;
	v32 =	vmul.f32 v9, v13;
	v9 =	vadd.f32 v56, v11;
	v56 =	vld [tilespmem:$0x1F1E0]  }
0x107: {  	v5 =	vadd.f32 v57, v5;
	v57 =	vld [tilespmem:$0x1F1F0]  }
0x108: {  	v49 =	vld [tilespmem:$0x1F270]  }
0x109: {  	v53 =	vld [tilespmem:$0x1F290]  }
0x10a: {  	[tilespmem:$0x1F6D0] =	vst v63;
	v63 =	vld [tilespmem:s5+$0x4420]  }
0x10b: {  	v39 =	vmul.f32 v38, v35;
	v38 =	vld [tilespmem:$0x1F190]  }
0x10c: {  	v35 =	vmul.f32 v58, v62;
	v58 =	vmul.f32 v57, v56;
	v56 =	vld [tilespmem:$0x1F2B0];
	s14 =	sor.u32 s21, s31  }
0x10d: {  	v43 =	vld [tilespmem:s14+$0x400]  }
0x10e: {  	v50 =	vld [tilespmem:s14+$0x4400]  }
0x10f: {  	[tilespmem:$0x1F6E0] =	vst v63;
	v63 =	vld [tilespmem:s5+$0x430]  }
0x110: {  	v41 =	vld [tilespmem:s14+$0x410]  }
0x111: {  	v26 =	vld [tilespmem:s14+$0x4410]  }
0x112: {  	v17 =	vld [tilespmem:s14+$0x4420]  }
0x113: {  	v22 =	vld [tilespmem:s14+$0x4430]  }
0x114: {  	v6 =	vmul.f32 v6, v7;
	v4 =	vadd.f32 v2, v4;
	[tilespmem:$0x1F720] =	vst v63;
	v63 =	vld [tilespmem:s5+$0x4430]  }
0x115: {  	v23 =	vld [tilespmem:s14+$0x440]  }
0x116: {  	v30 =	vadd.f32 v6, v4;
	v16 =	vld [tilespmem:s14+$0x4440]  }
0x117: {  	v19 =	vld [tilespmem:s14+$0x450]  }
0x118: {  	v3 =	vadd.f32 v32, v30;
	v28 =	vld [tilespmem:s14+$0x470]  }
0x119: {  	[tilespmem:$0x1F730] =	vst v63;
	v63 =	vld [tilespmem:s5+$0x4440]  }
0x11a: {  	v4 =	vadd.f32 v42, v3;
	v3 =	vld [tilespmem:s14+$0x4450]  }
0x11b: {  	v20 =	vld [tilespmem:s14+$0x460]  }
0x11c: {  	[tilespmem:$0x1F6F0] =	vst v43;
	v43 =	vld [tilespmem:s14+$0x420]  }
0x11d: {  	[tilespmem:$0x1F810] =	vst v28;
	v28 =	vld [tilespmem:$0x1F310]  }
0x11e: {  	[tilespmem:$0x1F770] =	vst v63;
	v63 =	vld [tilespmem:s5+$0x460];
	s5 =	sor.u32 s22, s31  }
0x11f: {  	v13 =	vmul.f32 v12, v10;
	v10 =	vld [tilespmem:s5+$0x400]  }
0x120: {  	v18 =	vmul.f32 v15, v14;
	v14 =	vld [tilespmem:s5+$0x4400]  }
0x121: {  	v12 =	vld [tilespmem:s5+$0x420]  }
0x122: {  	v30 =	vperm.xlane v9, v46;
	[tilespmem:$0x1F7E0] =	vst v20;
	v20 =	vld [tilespmem:s5+$0x4420]  }
0x123: {  	v5 =	vadd.f32 v18, v5;
	v18 =	vld [tilespmem:s5+$0x410]  }
0x124: {  	v7 =	vadd.f32 v30, v9;
	v30 =	vld [tilespmem:s5+$0x4450];
	[tilespmem:$0x1F7C0] =	vst v63;
	v63 =	vmul.f32 v1, v31  }
0x125: {  	v9 =	vld [tilespmem:s5+$0x4460]  }
0x126: {  	v31 =	vld [tilespmem:s14+$0x430];
	v8 =	vadd.f32 v63, v8;
	v63 =	vmul.f32 v36, v37  }
0x127: {  	v12 =	vmul.f32 v20, v12;
	v20 =	vld [tilespmem:$0x1F810]  }
0x128: {  	v21 =	vmul.f32 v40, v0;
	v33 =	vadd.f32 v24, v8;
	v4 =	vadd.f32 v63, v4;
	v8 =	vld [tilespmem:s14+$0x4460]  }
0x129: {  	v24 =	vld [tilespmem:$0x1F160]  }
0x12a: {  	v11 =	vadd.f32 v21, v4;
	v4 =	vld [tilespmem:s14+$0x4470]  }
0x12b: {  	v6 =	vadd.f32 v39, v33;
	v33 =	vld [tilespmem:$0x1F180]  }
0x12c: {  	v39 =	vld [tilespmem:$0x1F1A0]  }
0x12d: {  	v21 =	vld [tilespmem:s5+$0x4430];
	s14 =	sor.u32 s7, s31  }
0x12e: {  	v0 =	vld [tilespmem:s14+$0x440]  }
0x12f: {  	v6 =	vadd.f32 v13, v6;
	v11 =	vadd.f32 v29, v11;
	v13 =	vld [tilespmem:s5+$0x430]  }
0x130: {  	v27 =	vmul.f32 v25, v24;
	v25 =	vld [tilespmem:s5+$0x4410]  }
0x131: {  	v24 =	vld [tilespmem:s5+$0x4440];
	v42 =	vperm.xlane v11, v46  }
0x132: {  	v32 =	vperm.xlane v6, v46;
	v34 =	vmul.f32 v61, v33;
	v61 =	vld [tilespmem:$0x1F210]  }
0x133: {  	v52 =	vadd.f32 v47, v44;
	v11 =	vadd.f32 v42, v11;
	v42 =	vld [tilespmem:$0x1F250]  }
0x134: {  	v6 =	vadd.f32 v32, v6;
	v37 =	vadd.f32 v35, v34;
	v34 =	vld [tilespmem:$0x1F220]  }
0x135: {  	v40 =	vmul.f32 v39, v38;
	v35 =	vld [tilespmem:$0x1F230]  }
0x136: {  	v5 =	vadd.f32 v27, v5;
	v6 =	vsel vm0, v7, v6;
	v7 =	vadd.f32 v54, v52;
	v52 =	vld [tilespmem:$0x1F280]  }
0x137: {  	v15 =	vadd.f32 v40, v37;
	v63 =	vperm.xlane v6, v45;
	v40 =	vld [tilespmem:$0x1F240]  }
0x138: {  	v36 =	vperm.xlane v5, v46;
	v62 =	vmul.f32 v61, v59;
	v59 =	vld [tilespmem:$0x1F2D0]  }
0x139: {  	v38 =	vadd.f32 v63, v6;
	v63 =	vld [tilespmem:$0x1F2F0]  }
0x13a: {  	v5 =	vadd.f32 v36, v5;
	v55 =	vadd.f32 v51, v15;
	v51 =	vmul.f32 v49, v48;
	v48 =	vld [tilespmem:$0x1F340]  }
0x13b: {  	v39 =	vadd.f32 v62, v7;
	v62 =	vld [tilespmem:$0x1F2E0]  }
0x13c: {  	v5 =	vsel vm0, v5, v11;
	v11 =	vadd.f32 v58, v55;
	v55 =	vld [tilespmem:$0x1F2A0]  }
0x13d: {  	v37 =	vperm.xlane v5, v45;
	v58 =	vld [tilespmem:$0x1F2C0]  }
0x13e: {  	v36 =	vmul.f32 v35, v34;
	v54 =	vmul.f32 v53, v52;
	v52 =	vld [tilespmem:$0x1F360]  }
0x13f: {  	v44 =	vmul.f32 v42, v40;
	v47 =	vadd.f32 v37, v5;
	v42 =	vld [tilespmem:$0x1F320]  }
0x140: {  	v11 =	vadd.f32 v36, v11;
	v36 =	vld [tilespmem:$0x1F3F0]  }
0x141: {  	[tilespmem:$0x1F830] =	vst v47;
	v47 =	vld [tilespmem:$0x1F330]  }
0x142: {  	v6 =	vadd.f32 v44, v39;
	v39 =	vld [tilespmem:$0x1F400]  }
0x143: {  	v32 =	vadd.f32 v51, v11;
	v11 =	vld [tilespmem:$0x1F300]  }
0x144: {  	v51 =	vld [tilespmem:$0x1F350]  }
0x145: {  	v7 =	vmul.f32 v63, v62;
	v62 =	vld [tilespmem:$0x1F3C0]  }
0x146: {  	v57 =	vmul.f32 v56, v55;
	v55 =	vld [tilespmem:$0x1F370]  }
0x147: {  	v56 =	vld [tilespmem:$0x1F380]  }
0x148: {  	v61 =	vmul.f32 v59, v58;
	v58 =	vld [tilespmem:$0x1F390]  }
0x149: {  	v59 =	vld [tilespmem:$0x1F3A0]  }
0x14a: {  	v35 =	vadd.f32 v7, v61;
	v61 =	vld [tilespmem:$0x1F3B0]  }
0x14b: {  	v7 =	vld [tilespmem:$0x1F3D0]  }
0x14c: {  	v49 =	vmul.f32 v48, v47;
	v48 =	vld [tilespmem:$0x1F4C0]  }
0x14d: {  	v33 =	vadd.f32 v54, v6;
	v29 =	vmul.f32 v28, v11;
	v28 =	vld [tilespmem:$0x1F3E0]  }
0x14e: {  	v53 =	vmul.f32 v52, v51;
	v52 =	vld [tilespmem:$0x1F410]  }
0x14f: {  	v33 =	vadd.f32 v57, v33;
	v57 =	vmul.f32 v56, v55;
	v55 =	vld [tilespmem:$0x1F430]  }
0x150: {  	v56 =	vld [tilespmem:$0x1F440]  }
0x151: {  	v44 =	vmul.f32 v60, v42;
	v60 =	vmul.f32 v59, v58;
	v58 =	vld [tilespmem:$0x1F450]  }
0x152: {  	v59 =	vld [tilespmem:$0x1F460]  }
0x153: {  	v35 =	vadd.f32 v53, v35;
	v53 =	vld [tilespmem:$0x1F420]  }
0x154: {  	v63 =	vmul.f32 v62, v61;
	v61 =	vld [tilespmem:$0x1F470]  }
0x155: {  	v62 =	vld [tilespmem:$0x1F480]  }
0x156: {  	v54 =	vadd.f32 v44, v29;
	v29 =	vmul.f32 v28, v7;
	v7 =	vld [tilespmem:$0x1F490]  }
0x157: {  	v42 =	vmul.f32 v39, v36;
	v33 =	vadd.f32 v60, v33;
	v28 =	vld [tilespmem:$0x1F4A0]  }
0x158: {  	v34 =	vadd.f32 v57, v54;
	v35 =	vadd.f32 v63, v35;
	v57 =	vmul.f32 v56, v55;
	v55 =	vld [tilespmem:$0x1F4D0]  }
0x159: {  	v56 =	vld [tilespmem:$0x1F4E0]  }
0x15a: {  	v60 =	vmul.f32 v59, v58;
	v58 =	vld [tilespmem:$0x1F4F0];
	v35 =	vadd.f32 v42, v35;
	v42 =	vperm.xlane v33, v46  }
0x15b: {  	v59 =	vld [tilespmem:$0x1F500]  }
0x15c: {  	v63 =	vmul.f32 v62, v61;
	v33 =	vadd.f32 v42, v33;
	v35 =	vadd.f32 v57, v35;
	v42 =	vld [tilespmem:$0x1F4B0]  }
0x15d: {  	v34 =	vadd.f32 v29, v34;
	v54 =	vmul.f32 v53, v52;
	v62 =	vld [tilespmem:$0x1F510]  }
0x15e: {  	v35 =	vadd.f32 v63, v35;
	v63 =	vld [tilespmem:$0x1F520]  }
0x15f: {  	v27 =	vld [tilespmem:s5+$0x450];
	v34 =	vadd.f32 v54, v34  }
0x160: {  	v15 =	vld [tilespmem:s5+$0x440];
	v57 =	vmul.f32 v56, v55  }
0x161: {  	[tilespmem:$0x1F820] =	vst v38;
	v38 =	vld [tilespmem:s14+$0x450];
	v34 =	vadd.f32 v60, v34;
	v60 =	vmul.f32 v59, v58;
	v54 =	vmul.f32 v48, v42  }
0x162: {  	v5 =	vld [tilespmem:s5+$0x460];
	v29 =	vmul.f32 v28, v7  }
0x163: {  	v36 =	vadd.f32 v60, v57;
	v60 =	vld [tilespmem:$0x1F550];
	v61 =	vadd.f32 v54, v34;
	v7 =	vmul.f32 v63, v62  }
0x164: {  	v63 =	vld [tilespmem:$0x1F570]  }
0x165: {  	v34 =	vadd.f32 v7, v61;
	v61 =	vld [tilespmem:$0x1F560]  }
0x166: {  	v7 =	vld [tilespmem:$0x1F580]  }
0x167: {  	v58 =	vld [tilespmem:$0x1F540]  }
0x168: {  	v57 =	vld [tilespmem:$0x1F530]  }
0x169: {  	v37 =	vld [tilespmem:s14+$0x400]  }
0x16a: {  	v32 =	vadd.f32 v49, v32;
	v62 =	vmul.f32 v61, v60;
	v60 =	vld [tilespmem:$0x1F590]  }
0x16b: {  	v28 =	vmul.f32 v7, v63;
	v61 =	vld [tilespmem:$0x1F5A0]  }
0x16c: {  	v39 =	vperm.xlane v32, v46;
	v54 =	vadd.f32 v29, v35;
	v63 =	vld [tilespmem:$0x1F5C0]  }
0x16d: {  	v59 =	vmul.f32 v58, v57;
	v58 =	vadd.f32 v28, v62;
	v62 =	vld [tilespmem:$0x1F5B0]  }
0x16e: {  	v40 =	vld [tilespmem:s14+$0x4400];
	v32 =	vadd.f32 v39, v32;
	v57 =	vperm.xlane v54, v46  }
0x16f: {  	v6 =	vld [tilespmem:s5+$0x4470]  }
0x170: {  	v33 =	vsel vm0, v32, v33;
	v32 =	vadd.f32 v57, v54;
	v57 =	vld [tilespmem:$0x1F5D0]  }
0x171: {  	v56 =	vmul.f32 v61, v60;
	v61 =	vld [tilespmem:$0x1F5E0]  }
0x172: {  	v47 =	vld [tilespmem:s14+$0x420];
	v55 =	vadd.f32 v59, v36;
	v7 =	vmul.f32 v63, v62  }
0x173: {  	v63 =	vld [tilespmem:$0x1F5F0]  }
0x174: {  	v54 =	vadd.f32 v56, v55;
	v56 =	vadd.f32 v7, v58;
	v7 =	vld [tilespmem:$0x1F600]  }
0x175: {  	v11 =	vld [tilespmem:s5+$0x470]  }
0x176: {  	v60 =	vld [tilespmem:$0x1F610];
	v62 =	vmul.f32 v61, v57  }
0x177: {  	v28 =	vperm.xlane v34, v46;
	v61 =	vld [tilespmem:$0x1F620]  }
0x178: {  	v54 =	vadd.f32 v62, v54;
	v62 =	vld [tilespmem:$0x1F630]  }
0x179: {  	v34 =	vadd.f32 v28, v34;
	v28 =	vmul.f32 v7, v63;
	v63 =	vld [tilespmem:$0x1F640]  }
0x17a: {  	v7 =	vld [tilespmem:$0x1F650]  }
0x17b: {  	v56 =	vadd.f32 v28, v56;
	v28 =	vld [tilespmem:$0x1F660]  }
0x17c: {  	v51 =	vld [tilespmem:s14+$0x4420];
	v55 =	vmul.f32 v61, v60  }
0x17d: {  	v49 =	vld [tilespmem:s14+$0x4410]  }
0x17e: {  	v54 =	vadd.f32 v55, v54;
	v55 =	vld [tilespmem:$0x1F670]  }
0x17f: {  	v59 =	vmul.f32 v63, v62;
	v63 =	vld [tilespmem:$0x1F680]  }
0x180: {  	v57 =	vmul.f32 v28, v7;
	v7 =	vld [tilespmem:$0x1F690]  }
0x181: {  	s5 =	sor.u32 s8, s31;
	v61 =	vperm.xlane v33, v45;
	v28 =	vld [tilespmem:$0x1F6A0]  }
0x182: {  	v1 =	vld [tilespmem:s5+$0x4410]  }
0x183: {  	v33 =	vadd.f32 v61, v33;
	v61 =	vld [tilespmem:$0x1F6C0]  }
0x184: {  	v56 =	vadd.f32 v57, v56;
	v57 =	vld [tilespmem:$0x1F6B0]  }
0x185: {  	v26 =	vmul.f32 v26, v41;
	v41 =	vld [tilespmem:s5+$0x430]  }
0x186: {  	v2 =	vld [tilespmem:s5+$0x4430];
	v55 =	vmul.f32 v63, v55;
	v63 =	vmul.f32 v28, v7  }
0x187: {  	v54 =	vadd.f32 v59, v54;
	v59 =	vld [tilespmem:$0x1F6D0]  }
0x188: {  	v55 =	vadd.f32 v63, v55;
	v63 =	vld [tilespmem:$0x1F6E0]  }
0x189: {  	v17 =	vmul.f32 v17, v43;
	v43 =	vld [tilespmem:s5+$0x440];
	v28 =	vmul.f32 v61, v57  }
0x18a: {  	v57 =	vld [tilespmem:$0x1F710]  }
0x18b: {  	v56 =	vadd.f32 v28, v56;
	v28 =	vld [tilespmem:$0x1F700]  }
0x18c: {  	v10 =	vmul.f32 v14, v10;
	v14 =	vld [tilespmem:s5+$0x470]  }
0x18d: {  	v44 =	vld [tilespmem:s14+$0x410];
	v59 =	vmul.f32 v63, v59  }
0x18e: {  	v7 =	vld [tilespmem:$0x1F6F0]  }
0x18f: {  	v55 =	vadd.f32 v59, v55;
	v59 =	vld [tilespmem:$0x1F720]  }
0x190: {  	v57 =	vmul.f32 v57, v28;
	v28 =	vld [tilespmem:$0x1F730]  }
0x191: {  	v39 =	vld [tilespmem:s14+$0x4460]  }
0x192: {  	v52 =	vld [tilespmem:s14+$0x430]  }
0x193: {  	v53 =	vld [tilespmem:s14+$0x4430]  }
0x194: {  	v50 =	vmul.f32 v50, v7;
	v7 =	vld [tilespmem:$0x1F750]  }
0x195: {  	v59 =	vmul.f32 v28, v59;
	v28 =	vld [tilespmem:$0x1F740]  }
0x196: {  	v48 =	vld [tilespmem:s14+$0x4440]  }
0x197: {  	v42 =	vld [tilespmem:s14+$0x4470]  }
0x198: {  	v29 =	vld [tilespmem:s14+$0x4450]  }
0x199: {  	v26 =	vadd.f32 v26, v50;
	v50 =	vadd.f32 v57, v56;
	v56 =	vld [tilespmem:$0x1F770]  }
0x19a: {  	v28 =	vmul.f32 v7, v28;
	v7 =	vld [tilespmem:$0x1F760]  }
0x19b: {  	v18 =	vmul.f32 v25, v18;
	v35 =	vld [tilespmem:s14+$0x460]  }
0x19c: {  	v36 =	vld [tilespmem:s14+$0x470];
	s14 =	sor.u32 s9, s31  }
0x19d: {  	v10 =	vadd.f32 v18, v10;
	v18 =	vld [tilespmem:s14+$0x4400]  }
0x19e: {  	v55 =	vadd.f32 v59, v55;
	v59 =	vld [tilespmem:$0x1F790]  }
0x19f: {  	v56 =	vmul.f32 v56, v7;
	v7 =	vld [tilespmem:$0x1F780]  }
0x1a0: {  	v58 =	vld [tilespmem:s5+$0x400]  }
0x1a1: {  	v60 =	vld [tilespmem:s5+$0x4400]  }
0x1a2: {  	v62 =	vld [tilespmem:s5+$0x410]  }
0x1a3: {  	v28 =	vadd.f32 v28, v54;
	v54 =	vld [tilespmem:$0x1F7B0]  }
0x1a4: {  	v59 =	vmul.f32 v59, v7;
	v7 =	vld [tilespmem:$0x1F7A0]  }
0x1a5: {  	v22 =	vmul.f32 v22, v31;
	v31 =	vadd.f32 v56, v55;
	v56 =	vld [tilespmem:$0x1F7C0]  }
0x1a6: {  	v17 =	vadd.f32 v17, v26;
	v50 =	vadd.f32 v59, v50;
	v59 =	vld [tilespmem:$0x1F7D0]  }
0x1a7: {  	v61 =	vld [tilespmem:s5+$0x420]  }
0x1a8: {  	v16 =	vmul.f32 v16, v23;
	v63 =	vld [tilespmem:s5+$0x4420];
	v17 =	vadd.f32 v22, v17  }
0x1a9: {  	v26 =	vld [tilespmem:s5+$0x450];
	v54 =	vmul.f32 v54, v7  }
0x1aa: {  	v3 =	vmul.f32 v3, v19;
	v57 =	vld [tilespmem:s5+$0x4440];
	v16 =	vadd.f32 v16, v17  }
0x1ab: {  	v22 =	vld [tilespmem:s5+$0x460];
	v23 =	vadd.f32 v54, v31;
	v31 =	vmul.f32 v59, v56  }
0x1ac: {  	v3 =	vadd.f32 v3, v16;
	v16 =	vld [tilespmem:s14+$0x400]  }
0x1ad: {  	v23 =	vadd.f32 v31, v23;
	v31 =	vld [tilespmem:$0x1F7E0]  }
0x1ae: {  	v54 =	vld [tilespmem:$0x1F7F0]  }
0x1af: {  	v19 =	vperm.xlane v50, v46;
	v59 =	vld [tilespmem:$0x1F800]  }
0x1b0: {  	v4 =	vmul.f32 v4, v20;
	v55 =	vld [tilespmem:s5+$0x4450]  }
0x1b1: {  	v7 =	vperm.xlane v28, v46;
	v19 =	vadd.f32 v19, v50;
	v50 =	vmul.f32 v40, v37;
	v40 =	vld [tilespmem:s14+$0x4420]  }
0x1b2: {  	v37 =	vmul.f32 v30, v27;
	v27 =	vld [tilespmem:s14+$0x4460];
	v8 =	vmul.f32 v8, v31  }
0x1b3: {  	v5 =	vmul.f32 v9, v5;
	v31 =	vmul.f32 v21, v13;
	v13 =	vld [tilespmem:s14+$0x4410]  }
0x1b4: {  	v17 =	vadd.f32 v7, v28;
	v28 =	vmul.f32 v59, v54;
	v3 =	vadd.f32 v8, v3;
	v8 =	vld [tilespmem:s14+$0x410]  }
0x1b5: {  	v6 =	vmul.f32 v6, v11;
	v2 =	vmul.f32 v2, v41;
	v56 =	vld [tilespmem:s5+$0x4460]  }
0x1b6: {  	v1 =	vmul.f32 v1, v62;
	v16 =	vmul.f32 v18, v16;
	v20 =	vadd.f32 v28, v23;
	v23 =	vld [tilespmem:s14+$0x420]  }
0x1b7: {  	v10 =	vadd.f32 v12, v10;
	v54 =	vmul.f32 v49, v44;
	v59 =	vmul.f32 v24, v15;
	v49 =	vld [tilespmem:s14+$0x430]  }
0x1b8: {  	v44 =	vmul.f32 v51, v47;
	v47 =	vmul.f32 v53, v52;
	v51 =	vld [tilespmem:s14+$0x4430];
	v3 =	vadd.f32 v4, v3  }
0x1b9: {  	v52 =	vld [tilespmem:s14+$0x440];
	v4 =	vadd.f32 v54, v50;
	v50 =	vmul.f32 v60, v58;
	v8 =	vmul.f32 v13, v8  }
0x1ba: {  	v53 =	vmul.f32 v63, v61;
	v24 =	vmul.f32 v57, v43;
	v10 =	vadd.f32 v31, v10;
	v54 =	vld [tilespmem:s14+$0x4440]  }
0x1bb: {  	v61 =	vld [tilespmem:s14+$0x4450];
	v58 =	vmul.f32 v40, v23;
	v1 =	vadd.f32 v1, v50;
	v8 =	vadd.f32 v8, v16  }
0x1bc: {  	v41 =	vmul.f32 v56, v22;
	v10 =	vadd.f32 v59, v10;
	v59 =	vld [tilespmem:s14+$0x450];
	v4 =	vadd.f32 v44, v4  }
0x1bd: {  	v63 =	vld [tilespmem:s14+$0x460];
	v62 =	vmul.f32 v51, v49;
	v1 =	vadd.f32 v53, v1;
	v8 =	vadd.f32 v58, v8  }
0x1be: {  	v25 =	vld [tilespmem:s5+$0x4470];
	v28 =	vmul.f32 v29, v38;
	v60 =	vmul.f32 v48, v0;
	v4 =	vadd.f32 v47, v4  }
0x1bf: {  	v30 =	vld [tilespmem:s14+$0x470];
	v29 =	vmul.f32 v54, v52;
	v1 =	vadd.f32 v2, v1;
	v8 =	vadd.f32 v62, v8  }
0x1c0: {  	v31 =	vmul.f32 v55, v26;
	v10 =	vadd.f32 v37, v10;
	v37 =	vld [tilespmem:s14+$0x4470];
	v4 =	vadd.f32 v60, v4  }
0x1c1: {  	v38 =	vmul.f32 v61, v59;
	v1 =	vadd.f32 v24, v1;
	v8 =	vadd.f32 v29, v8  }
0x1c2: {  	v43 =	vmul.f32 v27, v63;
	v40 =	vmul.f32 v39, v35;
	v4 =	vadd.f32 v28, v4  }
0x1c3: {  	v44 =	vmul.f32 v42, v36;
	v1 =	vadd.f32 v31, v1;
	v8 =	vadd.f32 v38, v8  }
0x1c4: {  	v5 =	vadd.f32 v5, v10;
	v47 =	vmul.f32 v25, v14;
	v4 =	vadd.f32 v40, v4  }
0x1c5: {  	v48 =	vmul.f32 v37, v30;
	v1 =	vadd.f32 v41, v1;
	v8 =	vadd.f32 v43, v8  }
0x1c6: {  	v50 =	vperm.xlane v3, v46;
	v5 =	vadd.f32 v6, v5;
	v4 =	vadd.f32 v44, v4  }
0x1c7: {  	v49 =	vperm.xlane v20, v46;
	v1 =	vadd.f32 v47, v1;
	v51 =	vadd.f32 v48, v8  }
0x1c8: {  	v3 =	vadd.f32 v50, v3;
	v53 =	vperm.xlane v5, v46;
	v54 =	vperm.xlane v4, v46  }
0x1c9: {  	v12 =	vld [tilespmem:$0x1F820];
	v52 =	vadd.f32 v49, v20;
	v55 =	vperm.xlane v1, v46;
	v56 =	vperm.xlane v51, v46  }
0x1ca: {  	v18 =	vld [tilespmem:$0x1FFE0];
	v57 =	vsel vm0, v32, v34;
	v5 =	vadd.f32 v53, v5;
	v4 =	vadd.f32 v54, v4  }
0x1cb: {  	v13 =	vld [tilespmem:$0x1F830];
	v58 =	vsel vm0, v17, v19;
	v1 =	vadd.f32 v55, v1;
	v2 =	vadd.f32 v56, v51  }
0x1cc: {  	v14 =	vld [tilespmem:$0x1FFE0];
	v59 =	vperm.xlane v57, v45;
	v3 =	vsel vm0, v52, v3;
	v60 =	vperm.xlane v58, v45  }
0x1cd: {  	v16 =	vld [tilespmem:$0x1FFE0];
	v61 =	vperm.xlane v3, v45;
	v4 =	vsel vm0, v5, v4;
	v1 =	vsel vm0, v1, v2  }
0x1ce: {  	v20 =	vld [tilespmem:$0x1FFE0];
	v62 =	vadd.f32 v59, v57;
	v5 =	vperm.xlane v4, v45;
	v63 =	vperm.xlane v1, v45  }
0x1cf: {  	v3 =	vadd.f32 v61, v3;
	v8 =	vadd.f32 v60, v58  }
0x1d0: {  	v7 =	vsel vm1, v12, v13;
	v4 =	vadd.f32 v5, v4;
	v1 =	vadd.f32 v63, v1  }
0x1d1: {  	v15 =	vperm.xlane v7, v14;
	v3 =	vsel vm1, v8, v3  }
0x1d2: {  	v22 =	vld [tilespmem:$0x1FFF0];
	v19 =	vperm.xlane v3, v18;
	v2 =	vsel vm1, v33, v62;
	v1 =	vsel vm1, v4, v1  }
0x1d3: {  	v24 =	vld [tilespmem:$0x1FFF0];
	v17 =	vperm.xlane v2, v16;
	v21 =	vperm.xlane v1, v20  }
0x1d4: {  	v5 =	vadd.f32 v15, v7;
	v3 =	vadd.f32 v19, v3  }
0x1d5: {  	v2 =	vadd.f32 v17, v2;
	v1 =	vadd.f32 v21, v1  }
0x1d6: {  	s5 =	sshll.u32 s3, $0x5  }
0x1d7: {  	s3 =	sor.u32 s23, s5;
	v2 =	vsel vm2, v5, v2;
	v1 =	vsel vm2, v3, v1  }
0x1d8: {  	v26 =	vld [tilespmem:s3+$0x8400];
	v23 =	vperm.xlane v2, v22;
	v25 =	vperm.xlane v1, v24;
	_ =	sdelay $0x1  }
0x1d9: {  	v27 =	vld [tilespmem:s3+$0x8500];
	v2 =	vadd.f32 v23, v2;
	v1 =	vadd.f32 v25, v1  }
0x1da: {  	v28 =	vld [tilespmem:$0x1FFD0]  }
0x1db: {  	v1 =	vsel vm3, v2, v1  }
0x1dc: {  	v1 =	vadd.f32 v1, v26;
	_ =	sdelay $0x1  }
0x1dd: {  	v1 =	vadd.f32 v1, v27;
	_ =	sdelay $0x1  }
0x1de: {  	s3 =	sor.u32 $0x10, s5;
	v1 =	vadd.f32 $3.500000000e+00, v1  }
0x1df: {  	s14 =	sshll.u32 s3, $0x7  }
0x1e0: {  	s14 =	sor.u32 s29, s14;
	[tilespmem:v28+s5+$0x0 ss:$0x1] =	vst.idx.msk $0xffff, v1  }
0x1e1: {  	v26 =	vld [tilespmem:s14+$0x400]  }
0x1e2: {  	v24 =	vld [tilespmem:s14+$0x4400]  }
0x1e3: {  	v23 =	vld [tilespmem:s14+$0x410]  }
0x1e4: {  	v22 =	vld [tilespmem:s14+$0x4410]  }
0x1e5: {  	v28 =	vld [tilespmem:s14+$0x420]  }
0x1e6: {  	v27 =	vld [tilespmem:s14+$0x4420]  }
0x1e7: {  	v35 =	vld [tilespmem:s14+$0x430]  }
0x1e8: {  	v34 =	vld [tilespmem:s14+$0x4430]  }
0x1e9: {  	v53 =	vld [tilespmem:s14+$0x440]  }
0x1ea: {  	v60 =	vld [tilespmem:s14+$0x4440]  }
0x1eb: {  	v56 =	vld [tilespmem:s14+$0x450]  }
0x1ec: {  	v51 =	vld [tilespmem:s14+$0x4450]  }
0x1ed: {  	v58 =	vld [tilespmem:s14+$0x460]  }
0x1ee: {  	v55 =	vld [tilespmem:s14+$0x4460]  }
0x1ef: {  	v29 =	vld [tilespmem:s14+$0x470]  }
0x1f0: {  	s5 =	sor.u32 s24, s31;
	v30 =	vld [tilespmem:s14+$0x4470]  }
0x1f1: {  	s14 =	sor.u32 s19, s31;
	v62 =	vld [tilespmem:s5+$0x440]  }
0x1f2: {  	v11 =	vld [tilespmem:s14+$0x400]  }
0x1f3: {  	v8 =	vld [tilespmem:s14+$0x4400]  }
0x1f4: {  	v9 =	vld [tilespmem:s14+$0x410]  }
0x1f5: {  	v6 =	vld [tilespmem:s14+$0x4410]  }
0x1f6: {  	v13 =	vld [tilespmem:s14+$0x420]  }
0x1f7: {  	v12 =	vld [tilespmem:s14+$0x4420]  }
0x1f8: {  	v21 =	vld [tilespmem:s14+$0x430]  }
0x1f9: {  	v20 =	vld [tilespmem:s14+$0x4430]  }
0x1fa: {  	v33 =	vld [tilespmem:s14+$0x440]  }
0x1fb: {  	v32 =	vld [tilespmem:s14+$0x4440]  }
0x1fc: {  	v47 =	vld [tilespmem:s14+$0x450]  }
0x1fd: {  	v0 =	vld [tilespmem:s14+$0x4450]  }
0x1fe: {  	v31 =	vld [tilespmem:s14+$0x460]  }
0x1ff: {  	v36 =	vld [tilespmem:s14+$0x4460]  }
0x200: {  	v37 =	vld [tilespmem:s14+$0x470]  }
0x201: {  	v38 =	vld [tilespmem:s14+$0x4470];
	s14 =	sor.u32 s10, s31  }
0x202: {  	v19 =	vld [tilespmem:s14+$0x400]  }
0x203: {  	v18 =	vld [tilespmem:s14+$0x4400]  }
0x204: {  	v17 =	vld [tilespmem:s14+$0x410]  }
0x205: {  	v16 =	vld [tilespmem:s14+$0x4410]  }
0x206: {  	v41 =	vld [tilespmem:s14+$0x430]  }
0x207: {  	v57 =	vld [tilespmem:s14+$0x440]  }
0x208: {  	v54 =	vld [tilespmem:s14+$0x4440]  }
0x209: {  	v39 =	vld [tilespmem:s14+$0x450]  }
0x20a: {  	v40 =	vld [tilespmem:s14+$0x4450]  }
0x20b: {  	v42 =	vld [tilespmem:s14+$0x460]  }
0x20c: {  	v43 =	vld [tilespmem:s14+$0x4460]  }
0x20d: {  	v44 =	vld [tilespmem:s14+$0x470]  }
0x20e: {  	v48 =	vld [tilespmem:s14+$0x4470]  }
0x20f: {  	[tilespmem:$0x1F870] =	vst v30;
	v30 =	vld [tilespmem:s14+$0x4420]  }
0x210: {  	[tilespmem:$0x1F930] =	vst v62;
	v62 =	vld [tilespmem:s5+$0x460]  }
0x211: {  	[tilespmem:$0x1F840] =	vst v31;
	v31 =	vld [tilespmem:s14+$0x420]  }
0x212: {  	[tilespmem:$0x1F890] =	vst v38;
	v38 =	vld [tilespmem:s14+$0x4430];
	s14 =	sor.u32 s11, s31  }
0x213: {  	v5 =	vld [tilespmem:s14+$0x400]  }
0x214: {  	v4 =	vld [tilespmem:s14+$0x4400]  }
0x215: {  	v3 =	vld [tilespmem:s14+$0x410]  }
0x216: {  	v2 =	vld [tilespmem:s14+$0x4410]  }
0x217: {  	v10 =	vld [tilespmem:s14+$0x420]  }
0x218: {  	v7 =	vld [tilespmem:s14+$0x4420]  }
0x219: {  	v15 =	vld [tilespmem:s14+$0x430]  }
0x21a: {  	v14 =	vld [tilespmem:s14+$0x4430]  }
0x21b: {  	v1 =	vld [tilespmem:s14+$0x440]  }
0x21c: {  	v25 =	vld [tilespmem:s14+$0x4440]  }
0x21d: {  	[tilespmem:$0x1F8A0] =	vst v39;
	v39 =	vld [tilespmem:s14+$0x450]  }
0x21e: {  	[tilespmem:$0x1F850] =	vst v36;
	v36 =	vld [tilespmem:s14+$0x4450]  }
0x21f: {  	[tilespmem:$0x1F8F0] =	vst v48;
	v48 =	vld [tilespmem:s14+$0x460]  }
0x220: {  	[tilespmem:$0x1F860] =	vst v29;
	v29 =	vld [tilespmem:s14+$0x4460]  }
0x221: {  	v49 =	vld [tilespmem:s14+$0x470]  }
0x222: {  	v63 =	vld [tilespmem:s14+$0x4470];
	s14 =	sor.u32 s4, s31  }
0x223: {  	[tilespmem:$0x1F9B0] =	vst v62;
	v62 =	vld [tilespmem:s14+$0x420];
	_ =	sdelay $0x4  }
0x224: {  	[tilespmem:$0x1F950] =	vst v62;
	v62 =	vld [tilespmem:s14+$0x4420];
	_ =	sdelay $0x4  }
0x225: {  	[tilespmem:$0x1F960] =	vst v62;
	v62 =	vld [tilespmem:s14+$0x430];
	_ =	sdelay $0x4  }
0x226: {  	[tilespmem:$0x1F990] =	vst v62;
	v62 =	vld [tilespmem:s14+$0x4430];
	_ =	sdelay $0x4  }
0x227: {  	[tilespmem:$0x1F9A0] =	vst v62;
	v62 =	vld [tilespmem:s14+$0x440];
	_ =	sdelay $0x4  }
0x228: {  	[tilespmem:$0x1F9D0] =	vst v62;
	v62 =	vld [tilespmem:s14+$0x4440];
	_ =	sdelay $0x4  }
0x229: {  	[tilespmem:$0x1F9E0] =	vst v62;
	v62 =	vld [tilespmem:s14+$0x450];
	_ =	sdelay $0x4  }
0x22a: {  	[tilespmem:$0x1FA30] =	vst v62;
	v62 =	vld [tilespmem:s14+$0x4450];
	_ =	sdelay $0x4  }
0x22b: {  	[tilespmem:$0x1FA40] =	vst v62;
	v62 =	vld [tilespmem:s14+$0x460];
	_ =	sdelay $0x2  }
0x22c: {  	v50 =	vld [tilespmem:s5+$0x430]  }
0x22d: {  	v52 =	vld [tilespmem:s5+$0x4430]  }
0x22e: {  	[tilespmem:$0x1FA50] =	vst v62;
	v62 =	vld [tilespmem:s14+$0x4460]  }
0x22f: {  	v61 =	vld [tilespmem:s5+$0x420]  }
0x230: {  	v59 =	vld [tilespmem:s5+$0x4420]  }
0x231: {  	[tilespmem:$0x1F910] =	vst v50;
	v50 =	vld [tilespmem:s5+$0x450]  }
0x232: {  	[tilespmem:$0x1F920] =	vst v52;
	v52 =	vld [tilespmem:s5+$0x4450]  }
0x233: {  	[tilespmem:$0x1FA60] =	vst v62;
	v62 =	vld [tilespmem:s14+$0x470]  }
0x234: {  	[tilespmem:$0x1F880] =	vst v37;
	v37 =	vld [tilespmem:s5+$0x4400]  }
0x235: {  	[tilespmem:$0x1F8C0] =	vst v42;
	v42 =	vld [tilespmem:s5+$0x400]  }
0x236: {  	[tilespmem:$0x1F8D0] =	vst v43;
	v43 =	vld [tilespmem:s5+$0x410]  }
0x237: {  	[tilespmem:$0x1F900] =	vst v49;
	v49 =	vld [tilespmem:s5+$0x4440]  }
0x238: {  	[tilespmem:$0x1FB30] =	vst v62;
	v62 =	vld [tilespmem:s14+$0x4470]  }
0x239: {  	[tilespmem:$0x1F8B0] =	vst v40;
	v40 =	vld [tilespmem:s5+$0x4410]  }
0x23a: {  	[tilespmem:$0x1F970] =	vst v50;
	v50 =	vld [tilespmem:s5+$0x470]  }
0x23b: {  	[tilespmem:$0x1F980] =	vst v52;
	v52 =	vld [tilespmem:s5+$0x4470]  }
0x23c: {  	[tilespmem:$0x1F940] =	vst v49;
	v49 =	vld [tilespmem:s5+$0x4460];
	s5 =	sor.u32 s12, s31  }
0x23d: {  	[tilespmem:$0x1FB40] =	vst v62;
	v62 =	vld [tilespmem:s5+$0x400];
	_ =	sdelay $0x4  }
0x23e: {  	[tilespmem:$0x1F9F0] =	vst v62;
	v62 =	vld [tilespmem:s5+$0x4400];
	_ =	sdelay $0x4  }
0x23f: {  	[tilespmem:$0x1FA00] =	vst v62;
	v62 =	vld [tilespmem:s5+$0x410];
	_ =	sdelay $0x4  }
0x240: {  	[tilespmem:$0x1FA10] =	vst v62;
	v62 =	vld [tilespmem:s5+$0x4410];
	_ =	sdelay $0x4  }
0x241: {  	[tilespmem:$0x1FA20] =	vst v62;
	v62 =	vld [tilespmem:s5+$0x420];
	_ =	sdelay $0x4  }
0x242: {  	[tilespmem:$0x1FA70] =	vst v62;
	v62 =	vld [tilespmem:s5+$0x4420];
	_ =	sdelay $0x4  }
0x243: {  	[tilespmem:$0x1FA80] =	vst v62;
	v62 =	vld [tilespmem:s5+$0x430];
	_ =	sdelay $0x4  }
0x244: {  	[tilespmem:$0x1FAF0] =	vst v62;
	v62 =	vld [tilespmem:s5+$0x4430];
	_ =	sdelay $0x4  }
0x245: {  	[tilespmem:$0x1FB00] =	vst v62;
	v62 =	vld [tilespmem:s5+$0x440];
	_ =	sdelay $0x4  }
0x246: {  	[tilespmem:$0x1FB50] =	vst v62;
	v62 =	vld [tilespmem:s5+$0x4440];
	_ =	sdelay $0x4  }
0x247: {  	[tilespmem:$0x1FB60] =	vst v62;
	v62 =	vld [tilespmem:s5+$0x450];
	_ =	sdelay $0x4  }
0x248: {  	[tilespmem:$0x1FB90] =	vst v62;
	v62 =	vld [tilespmem:s5+$0x4450];
	_ =	sdelay $0x4  }
0x249: {  	[tilespmem:$0x1FBA0] =	vst v62;
	v62 =	vld [tilespmem:s5+$0x460];
	_ =	sdelay $0x4  }
0x24a: {  	[tilespmem:$0x1FBD0] =	vst v62;
	v62 =	vld [tilespmem:s5+$0x4460];
	_ =	sdelay $0x4  }
0x24b: {  	[tilespmem:$0x1FBE0] =	vst v62;
	v62 =	vld [tilespmem:s5+$0x470];
	_ =	sdelay $0x4  }
0x24c: {  	[tilespmem:$0x1FC10] =	vst v62;
	v62 =	vld [tilespmem:s5+$0x4470]  }
0x24d: {  	[tilespmem:$0x1F8E0] =	vst v44;
	v44 =	vld [tilespmem:s14+$0x4400]  }
0x24e: {  	[tilespmem:$0x1FAD0] =	vst v50;
	v50 =	vld [tilespmem:s14+$0x400]  }
0x24f: {  	[tilespmem:$0x1FAE0] =	vst v52;
	v52 =	vld [tilespmem:s14+$0x410]  }
0x250: {  	[tilespmem:$0x1F9C0] =	vst v49;
	v49 =	vld [tilespmem:s14+$0x4410];
	s14 =	sor.u32 s13, s31  }
0x251: {  	[tilespmem:$0x1FC20] =	vst v62;
	v62 =	vld [tilespmem:s14+$0x400];
	_ =	sdelay $0x4  }
0x252: {  	[tilespmem:$0x1FA90] =	vst v62;
	v62 =	vld [tilespmem:s14+$0x4400];
	_ =	sdelay $0x4  }
0x253: {  	[tilespmem:$0x1FAA0] =	vst v62;
	v62 =	vld [tilespmem:s14+$0x410];
	_ =	sdelay $0x4  }
0x254: {  	[tilespmem:$0x1FAB0] =	vst v62;
	v62 =	vld [tilespmem:s14+$0x4410];
	_ =	sdelay $0x4  }
0x255: {  	[tilespmem:$0x1FAC0] =	vst v62;
	v62 =	vld [tilespmem:s14+$0x420];
	_ =	sdelay $0x4  }
0x256: {  	[tilespmem:$0x1FB10] =	vst v62;
	v62 =	vld [tilespmem:s14+$0x4420];
	_ =	sdelay $0x4  }
0x257: {  	[tilespmem:$0x1FB20] =	vst v62;
	v62 =	vld [tilespmem:s14+$0x430];
	_ =	sdelay $0x4  }
0x258: {  	[tilespmem:$0x1FB70] =	vst v62;
	v62 =	vld [tilespmem:s14+$0x4430];
	_ =	sdelay $0x4  }
0x259: {  	[tilespmem:$0x1FB80] =	vst v62;
	v62 =	vld [tilespmem:s14+$0x440];
	_ =	sdelay $0x4  }
0x25a: {  	[tilespmem:$0x1FBB0] =	vst v62;
	v62 =	vld [tilespmem:s14+$0x4440];
	_ =	sdelay $0x4  }
0x25b: {  	[tilespmem:$0x1FBC0] =	vst v62;
	v62 =	vld [tilespmem:s14+$0x450];
	_ =	sdelay $0x4  }
0x25c: {  	[tilespmem:$0x1FBF0] =	vst v62;
	v62 =	vld [tilespmem:s14+$0x4450];
	_ =	sdelay $0x4  }
0x25d: {  	[tilespmem:$0x1FC00] =	vst v62;
	v62 =	vld [tilespmem:s14+$0x460];
	_ =	sdelay $0x4  }
0x25e: {  	[tilespmem:$0x1FC30] =	vst v62;
	v62 =	vld [tilespmem:s14+$0x4460];
	_ =	sdelay $0x4  }
0x25f: {  	[tilespmem:$0x1FC40] =	vst v62;
	v62 =	vld [tilespmem:s14+$0x470];
	_ =	sdelay $0x4  }
0x260: {  	[tilespmem:$0x1FC90] =	vst v62;
	v62 =	vld [tilespmem:s14+$0x4470];
	_ =	sdelay $0x3  }
0x261: {  	s5 =	sor.u32 s25, s31  }
0x262: {  	[tilespmem:$0x1FCA0] =	vst v62;
	v62 =	vld [tilespmem:s5+$0x400];
	_ =	sdelay $0x4  }
0x263: {  	[tilespmem:$0x1FC50] =	vst v62;
	v62 =	vld [tilespmem:s5+$0x4400];
	_ =	sdelay $0x4  }
0x264: {  	[tilespmem:$0x1FC60] =	vst v62;
	v62 =	vld [tilespmem:s5+$0x410];
	_ =	sdelay $0x4  }
0x265: {  	[tilespmem:$0x1FC70] =	vst v62;
	v62 =	vld [tilespmem:s5+$0x4410];
	_ =	sdelay $0x4  }
0x266: {  	[tilespmem:$0x1FC80] =	vst v62;
	v62 =	vld [tilespmem:s5+$0x420];
	_ =	sdelay $0x4  }
0x267: {  	[tilespmem:$0x1FCB0] =	vst v62;
	v62 =	vld [tilespmem:s5+$0x4420];
	_ =	sdelay $0x4  }
0x268: {  	[tilespmem:$0x1FCC0] =	vst v62;
	v62 =	vld [tilespmem:s5+$0x430];
	_ =	sdelay $0x4  }
0x269: {  	[tilespmem:$0x1FD10] =	vst v62;
	v62 =	vld [tilespmem:s5+$0x4430];
	_ =	sdelay $0x4  }
0x26a: {  	[tilespmem:$0x1FD20] =	vst v62;
	v62 =	vld [tilespmem:s5+$0x440];
	_ =	sdelay $0x4  }
0x26b: {  	[tilespmem:$0x1FD50] =	vst v62;
	v62 =	vld [tilespmem:s5+$0x4440];
	_ =	sdelay $0x4  }
0x26c: {  	[tilespmem:$0x1FD60] =	vst v62;
	v62 =	vld [tilespmem:s5+$0x450];
	_ =	sdelay $0x4  }
0x26d: {  	[tilespmem:$0x1FD90] =	vst v62;
	v62 =	vld [tilespmem:s5+$0x4450];
	_ =	sdelay $0x4  }
0x26e: {  	[tilespmem:$0x1FDA0] =	vst v62;
	v62 =	vld [tilespmem:s5+$0x460];
	_ =	sdelay $0x4  }
0x26f: {  	[tilespmem:$0x1FE10] =	vst v62;
	v62 =	vld [tilespmem:s5+$0x4460];
	_ =	sdelay $0x4  }
0x270: {  	[tilespmem:$0x1FE20] =	vst v62;
	v62 =	vld [tilespmem:s5+$0x470];
	_ =	sdelay $0x4  }
0x271: {  	[tilespmem:$0x1FE30] =	vst v62;
	v62 =	vld [tilespmem:s5+$0x4470];
	_ =	sdelay $0x3  }
0x272: {  	s14 =	sor.u32 s0, s31  }
0x273: {  	[tilespmem:$0x1FE40] =	vst v62;
	v62 =	vld [tilespmem:s14+$0x400];
	_ =	sdelay $0x4  }
0x274: {  	[tilespmem:$0x1FCD0] =	vst v62;
	v62 =	vld [tilespmem:s14+$0x4400];
	_ =	sdelay $0x4  }
0x275: {  	[tilespmem:$0x1FCE0] =	vst v62;
	v62 =	vld [tilespmem:s14+$0x410];
	_ =	sdelay $0x4  }
0x276: {  	[tilespmem:$0x1FCF0] =	vst v62;
	v62 =	vld [tilespmem:s14+$0x4410];
	_ =	sdelay $0x4  }
0x277: {  	[tilespmem:$0x1FD00] =	vst v62;
	v62 =	vld [tilespmem:s14+$0x420];
	_ =	sdelay $0x4  }
0x278: {  	[tilespmem:$0x1FD30] =	vst v62;
	v62 =	vld [tilespmem:s14+$0x4420];
	_ =	sdelay $0x4  }
0x279: {  	[tilespmem:$0x1FD40] =	vst v62;
	v62 =	vld [tilespmem:s14+$0x430];
	_ =	sdelay $0x4  }
0x27a: {  	[tilespmem:$0x1FD70] =	vst v62;
	v62 =	vld [tilespmem:s14+$0x4430];
	_ =	sdelay $0x4  }
0x27b: {  	[tilespmem:$0x1FD80] =	vst v62;
	v62 =	vld [tilespmem:s14+$0x440];
	_ =	sdelay $0x4  }
0x27c: {  	[tilespmem:$0x1FDB0] =	vst v62;
	v62 =	vld [tilespmem:s14+$0x4440];
	_ =	sdelay $0x4  }
0x27d: {  	[tilespmem:$0x1FDC0] =	vst v62;
	v62 =	vld [tilespmem:s14+$0x450];
	_ =	sdelay $0x4  }
0x27e: {  	[tilespmem:$0x1FE50] =	vst v62;
	v62 =	vld [tilespmem:s14+$0x4450];
	_ =	sdelay $0x1  }
0x27f: {  	v8 =	vmul.f32 v8, v11;
	v6 =	vmul.f32 v6, v9  }
0x280: {  	v28 =	vmul.f32 v27, v28  }
0x281: {  	v27 =	vmul.f32 v34, v35;
	v34 =	vmul.f32 v12, v13;
	v6 =	vadd.f32 v6, v8  }
0x282: {  	v22 =	vmul.f32 v22, v23;
	[tilespmem:$0x1FE60] =	vst v62;
	v62 =	vld [tilespmem:s14+$0x460]  }
0x283: {  	v23 =	vmul.f32 v51, v56;
	v21 =	vmul.f32 v20, v21;
	v6 =	vadd.f32 v34, v6  }
0x284: {  	v56 =	vmul.f32 v0, v47;
	v47 =	vmul.f32 v54, v57;
	v57 =	vld [tilespmem:$0x1F880]  }
0x285: {  	v6 =	vadd.f32 v21, v6;
	v21 =	vmul.f32 v36, v39;
	v36 =	vld [tilespmem:$0x1F8E0]  }
0x286: {  	v39 =	vld [tilespmem:$0x1F900]  }
0x287: {  	v24 =	vmul.f32 v24, v26;
	[tilespmem:$0x1FED0] =	vst v62;
	v62 =	vld [tilespmem:s14+$0x4460]  }
0x288: {  	v4 =	vmul.f32 v4, v5;
	v54 =	vmul.f32 v49, v52;
	v49 =	vld [tilespmem:$0x1FA00];
	s5 =	sor.u32 s1, s31  }
0x289: {  	v2 =	vmul.f32 v2, v3;
	v50 =	vmul.f32 v44, v50;
	v26 =	vld [tilespmem:s5+$0x450]  }
0x28a: {  	v52 =	vld [tilespmem:$0x1FA10]  }
0x28b: {  	v2 =	vadd.f32 v2, v4;
	v4 =	vadd.f32 v54, v50;
	v54 =	vld [tilespmem:$0x1FA20]  }
0x28c: {  	v22 =	vadd.f32 v22, v24;
	[tilespmem:$0x1FEE0] =	vst v62;
	v62 =	vld [tilespmem:s14+$0x470]  }
0x28d: {  	v35 =	vld [tilespmem:s5+$0x470]  }
0x28e: {  	v5 =	vld [tilespmem:$0x1FA80];
	[tilespmem:$0x1FF30] =	vst v26;
	v26 =	vadd.f32 v28, v22  }
0x28f: {  	v28 =	vld [tilespmem:s5+$0x4460]  }
0x290: {  	v60 =	vmul.f32 v60, v53;
	v24 =	vld [tilespmem:s5+$0x460];
	v9 =	vadd.f32 v27, v26  }
0x291: {  	v26 =	vmul.f32 v55, v58;
	v27 =	vmul.f32 v32, v33;
	[tilespmem:$0x1FF10] =	vst v62;
	v62 =	vld [tilespmem:s14+$0x4470]  }
0x292: {  	[tilespmem:$0x1FF80] =	vst v35;
	v35 =	vld [tilespmem:$0x1F860];
	v55 =	vmul.f32 v16, v17;
	v16 =	vmul.f32 v7, v10;
	v9 =	vadd.f32 v60, v9  }
0x293: {  	v6 =	vadd.f32 v27, v6;
	v27 =	vmul.f32 v29, v48;
	v29 =	vmul.f32 v37, v42;
	v37 =	vld [tilespmem:$0x1F8F0]  }
0x294: {  	[tilespmem:$0x1FF60] =	vst v28;
	v28 =	vmul.f32 v18, v19;
	v19 =	vmul.f32 v38, v41;
	v38 =	vld [tilespmem:$0x1F870]  }
0x295: {  	v9 =	vadd.f32 v23, v9;
	v23 =	vld [tilespmem:$0x1F840]  }
0x296: {  	v32 =	vmul.f32 v14, v15;
	v2 =	vadd.f32 v16, v2;
	[tilespmem:$0x1FF20] =	vst v62;
	v62 =	vld [tilespmem:s5+$0x400]  }
0x297: {  	v3 =	vadd.f32 v56, v6;
	v56 =	vmul.f32 v25, v1;
	v25 =	vld [tilespmem:$0x1F8D0]  }
0x298: {  	v2 =	vadd.f32 v32, v2;
	v32 =	vmul.f32 v40, v43;
	v43 =	vld [tilespmem:$0x1F910]  }
0x299: {  	v13 =	vmul.f32 v30, v31;
	v40 =	vmul.f32 v63, v39;
	v39 =	vld [tilespmem:$0x1F9B0];
	v58 =	vadd.f32 v55, v28  }
0x29a: {  	v2 =	vadd.f32 v56, v2;
	v56 =	vld [tilespmem:$0x1F930]  }
0x29b: {  	v17 =	vadd.f32 v13, v58;
	[tilespmem:$0x1FDD0] =	vst v62;
	v62 =	vld [tilespmem:s5+$0x4400]  }
0x29c: {  	v8 =	vadd.f32 v32, v29;
	v29 =	vld [tilespmem:$0x1F980]  }
0x29d: {  	v32 =	vld [tilespmem:$0x1F990];
	v6 =	vadd.f32 v19, v17  }
0x29e: {  	v58 =	vld [tilespmem:$0x1F890]  }
0x29f: {  	v6 =	vadd.f32 v47, v6;
	v47 =	vld [tilespmem:$0x1F920]  }
0x2a0: {  	[tilespmem:$0x1FDE0] =	vst v62;
	v62 =	vld [tilespmem:s5+$0x410]  }
0x2a1: {  	v9 =	vadd.f32 v26, v9;
	v41 =	vmul.f32 v38, v35;
	v17 =	vld [tilespmem:$0x1F8A0]  }
0x2a2: {  	v2 =	vadd.f32 v21, v2;
	v19 =	vld [tilespmem:$0x1F8B0]  }
0x2a3: {  	v12 =	vadd.f32 v41, v9;
	v41 =	vmul.f32 v59, v61;
	v61 =	vld [tilespmem:$0x1F950]  }
0x2a4: {  	v2 =	vadd.f32 v27, v2;
	v27 =	vld [tilespmem:$0x1F970]  }
0x2a5: {  	v8 =	vadd.f32 v41, v8;
	v48 =	vmul.f32 v47, v43;
	[tilespmem:$0x1FDF0] =	vst v62;
	v62 =	vld [tilespmem:s5+$0x4410]  }
0x2a6: {  	v35 =	vperm.xlane v12, v46;
	v2 =	vadd.f32 v40, v2;
	v40 =	vld [tilespmem:$0x1F9C0]  }
0x2a7: {  	v8 =	vadd.f32 v48, v8;
	v48 =	vld [tilespmem:$0x1F9F0]  }
0x2a8: {  	v13 =	vadd.f32 v35, v12;
	v35 =	vld [tilespmem:$0x1F9A0]  }
0x2a9: {  	v59 =	vperm.xlane v2, v46;
	v43 =	vld [tilespmem:$0x1F9E0]  }
0x2aa: {  	[tilespmem:$0x1FE00] =	vst v62;
	v62 =	vld [tilespmem:s5+$0x420]  }
0x2ab: {  	v2 =	vadd.f32 v59, v2;
	v59 =	vld [tilespmem:$0x1FA50]  }
0x2ac: {  	v50 =	vmul.f32 v49, v48;
	v48 =	vld [tilespmem:$0x1FAC0];
	s14 =	sor.u32 s2, s31  }
0x2ad: {  	v22 =	vld [tilespmem:s14+$0x400]  }
0x2ae: {  	[tilespmem:$0x1FF50] =	vst v24;
	v24 =	vld [tilespmem:s14+$0x4400]  }
0x2af: {  	[tilespmem:$0x1FE70] =	vst v62;
	v62 =	vld [tilespmem:s5+$0x4420]  }
0x2b0: {  	v33 =	vld [tilespmem:s14+$0x410]  }
0x2b1: {  	v51 =	vld [tilespmem:s14+$0x4410]  }
0x2b2: {  	v34 =	vld [tilespmem:s14+$0x420]  }
0x2b3: {  	[tilespmem:$0x1FEA0] =	vst v24;
	v24 =	vld [tilespmem:$0x1F850]  }
0x2b4: {  	[tilespmem:$0x1FE80] =	vst v62;
	v62 =	vld [tilespmem:s5+$0x430]  }
0x2b5: {  	v18 =	vld [tilespmem:s14+$0x4420]  }
0x2b6: {  	v60 =	vld [tilespmem:s14+$0x430]  }
0x2b7: {  	v30 =	vld [tilespmem:s14+$0x4430]  }
0x2b8: {  	v26 =	vmul.f32 v24, v23;
	v24 =	vld [tilespmem:$0x1F8C0]  }
0x2b9: {  	[tilespmem:$0x1FEB0] =	vst v62;
	v62 =	vld [tilespmem:s5+$0x4430]  }
0x2ba: {  	v28 =	vld [tilespmem:s14+$0x4440]  }
0x2bb: {  	v20 =	vmul.f32 v19, v17;
	v53 =	vld [tilespmem:s14+$0x450]  }
0x2bc: {  	v16 =	vld [tilespmem:s14+$0x4450]  }
0x2bd: {  	v6 =	vadd.f32 v20, v6;
	v17 =	vld [tilespmem:s14+$0x4460];
	v3 =	vadd.f32 v26, v3;
	v26 =	vmul.f32 v25, v24  }
0x2be: {  	[tilespmem:$0x1FEC0] =	vst v62;
	v62 =	vld [tilespmem:s5+$0x440]  }
0x2bf: {  	v38 =	vmul.f32 v37, v36;
	v31 =	vld [tilespmem:s14+$0x470];
	v6 =	vadd.f32 v26, v6  }
0x2c0: {  	v10 =	vld [tilespmem:s14+$0x4470]  }
0x2c1: {  	[tilespmem:$0x1FE90] =	vst v22;
	v22 =	vld [tilespmem:s14+$0x460];
	v6 =	vadd.f32 v38, v6  }
0x2c2: {  	v30 =	vmul.f32 v30, v60;
	v60 =	vld [tilespmem:$0x1FF10]  }
0x2c3: {  	v55 =	vperm.xlane v6, v46;
	[tilespmem:$0x1FEF0] =	vst v62;
	v62 =	vld [tilespmem:s5+$0x4440]  }
0x2c4: {  	v16 =	vmul.f32 v16, v53;
	v53 =	vld [tilespmem:$0x1FF80]  }
0x2c5: {  	v1 =	vld [tilespmem:$0x1FE90];
	v6 =	vadd.f32 v55, v6;
	v55 =	vmul.f32 v54, v52  }
0x2c6: {  	v52 =	vld [tilespmem:$0x1FAE0]  }
0x2c7: {  	v36 =	vmul.f32 v35, v32;
	v32 =	vadd.f32 v55, v50;
	v50 =	vld [tilespmem:$0x1FAD0]  }
0x2c8: {  	[tilespmem:$0x1FF00] =	vst v62;
	v62 =	vld [tilespmem:s5+$0x4450]  }
0x2c9: {  	v23 =	vld [tilespmem:s14+$0x440]  }
0x2ca: {  	s14 =	sor.u32 s26, s31;
	v55 =	vld [tilespmem:$0x1FAF0]  }
0x2cb: {  	v25 =	vsel vm0, v6, v2;
	v2 =	vld [tilespmem:s14+$0x420]  }
0x2cc: {  	v54 =	vmul.f32 v52, v50;
	v50 =	vld [tilespmem:$0x1FB80]  }
0x2cd: {  	[tilespmem:$0x1FF40] =	vst v62;
	v62 =	vld [tilespmem:s5+$0x4470];
	s5 =	sor.u32 s6, s31  }
0x2ce: {  	v9 =	vld [tilespmem:s5+$0x400]  }
0x2cf: {  	v7 =	vld [tilespmem:s5+$0x4400]  }
0x2d0: {  	v12 =	vld [tilespmem:s5+$0x410]  }
0x2d1: {  	v19 =	vld [tilespmem:s5+$0x4410]  }
0x2d2: {  	v14 =	vld [tilespmem:s5+$0x420]  }
0x2d3: {  	v21 =	vld [tilespmem:s5+$0x4420]  }
0x2d4: {  	v15 =	vld [tilespmem:s5+$0x430]  }
0x2d5: {  	[tilespmem:$0x1FF70] =	vst v22;
	v22 =	vld [tilespmem:s5+$0x4430]  }
0x2d6: {  	v24 =	vld [tilespmem:s5+$0x4440]  }
0x2d7: {  	[tilespmem:$0x1FFA0] =	vst v31;
	v31 =	vmul.f32 v29, v27;
	v27 =	vld [tilespmem:s5+$0x450]  }
0x2d8: {  	[tilespmem:$0x1FF90] =	vst v62;
	v62 =	vmul.f32 v58, v57;
	v57 =	vld [tilespmem:$0x1F940]  }
0x2d9: {  	v26 =	vld [tilespmem:s5+$0x4450]  }
0x2da: {  	v6 =	vld [tilespmem:s5+$0x460]  }
0x2db: {  	v3 =	vadd.f32 v62, v3;
	v62 =	vld [tilespmem:$0x1F960]  }
0x2dc: {  	v20 =	vld [tilespmem:s5+$0x470]  }
0x2dd: {  	v42 =	vperm.xlane v3, v46;
	v58 =	vmul.f32 v57, v56;
	v56 =	vld [tilespmem:$0x1FA30]  }
0x2de: {  	v57 =	vld [tilespmem:$0x1FA40]  }
0x2df: {  	v3 =	vadd.f32 v42, v3;
	v42 =	vld [tilespmem:$0x1F9D0]  }
0x2e0: {  	v63 =	vmul.f32 v62, v61;
	v61 =	vld [tilespmem:$0x1FA60]  }
0x2e1: {  	v3 =	vsel vm0, v13, v3;
	v13 =	vld [tilespmem:s5+$0x440]  }
0x2e2: {  	v8 =	vadd.f32 v58, v8;
	v4 =	vadd.f32 v63, v4;
	v63 =	vld [tilespmem:$0x1FA70]  }
0x2e3: {  	v58 =	vmul.f32 v57, v56;
	v56 =	vld [tilespmem:$0x1FB00]  }
0x2e4: {  	v41 =	vmul.f32 v40, v39;
	v37 =	vadd.f32 v31, v8;
	v44 =	vmul.f32 v43, v42;
	v42 =	vld [tilespmem:$0x1FA90]  }
0x2e5: {  	v38 =	vperm.xlane v3, v45;
	v43 =	vld [tilespmem:$0x1FAA0]  }
0x2e6: {  	v8 =	vadd.f32 v41, v37;
	v37 =	vld [tilespmem:s14+$0x400]  }
0x2e7: {  	v47 =	vadd.f32 v38, v3;
	v62 =	vmul.f32 v61, v59;
	v59 =	vld [tilespmem:$0x1FB10]  }
0x2e8: {  	v4 =	vadd.f32 v36, v4;
	v61 =	vld [tilespmem:$0x1FB20]  }
0x2e9: {  	[tilespmem:$0x1FFB0] =	vst v47;
	v47 =	vld [tilespmem:$0x1FAB0]  }
0x2ea: {  	v4 =	vadd.f32 v44, v4;
	v8 =	vadd.f32 v54, v8;
	v54 =	vld [tilespmem:$0x1FB90]  }
0x2eb: {  	v11 =	vmul.f32 v5, v63;
	v63 =	vld [tilespmem:$0x1FB30]  }
0x2ec: {  	v31 =	vadd.f32 v58, v4;
	v4 =	vld [tilespmem:$0x1FB40]  }
0x2ed: {  	v57 =	vmul.f32 v56, v55;
	v55 =	vld [tilespmem:$0x1FBA0]  }
0x2ee: {  	v44 =	vmul.f32 v43, v42;
	v42 =	vld [tilespmem:$0x1FBF0]  }
0x2ef: {  	v32 =	vadd.f32 v11, v32;
	v43 =	vld [tilespmem:$0x1FC00];
	v31 =	vadd.f32 v62, v31;
	v62 =	vmul.f32 v61, v59  }
0x2f0: {  	v61 =	vperm.xlane v25, v45;
	v49 =	vmul.f32 v48, v47;
	v47 =	vld [tilespmem:$0x1FB60]  }
0x2f1: {  	v32 =	vadd.f32 v57, v32;
	v57 =	vld [tilespmem:$0x1FBB0]  }
0x2f2: {  	v39 =	vadd.f32 v61, v25;
	v61 =	vld [tilespmem:$0x1FC50]  }
0x2f3: {  	v58 =	vadd.f32 v49, v44;
	v44 =	vld [tilespmem:$0x1FB50]  }
0x2f4: {  	v49 =	vld [tilespmem:$0x1FB70]  }
0x2f5: {  	v35 =	vadd.f32 v62, v58;
	v58 =	vld [tilespmem:$0x1FBC0]  }
0x2f6: {  	v29 =	vmul.f32 v4, v63;
	v63 =	vld [tilespmem:$0x1FBE0]  }
0x2f7: {  	v56 =	vmul.f32 v55, v54;
	v54 =	vld [tilespmem:$0x1FC10]  }
0x2f8: {  	v62 =	vld [tilespmem:$0x1FBD0]  }
0x2f9: {  	v55 =	vld [tilespmem:$0x1FC20];
	v48 =	vmul.f32 v47, v44  }
0x2fa: {  	v59 =	vmul.f32 v58, v57;
	v57 =	vld [tilespmem:$0x1FC30]  }
0x2fb: {  	v52 =	vmul.f32 v50, v49;
	v32 =	vadd.f32 v48, v32;
	v58 =	vld [tilespmem:$0x1FC40]  }
0x2fc: {  	v25 =	vld [tilespmem:$0x1FC80]  }
0x2fd: {  	v35 =	vadd.f32 v52, v35;
	v4 =	vmul.f32 v63, v62;
	v62 =	vld [tilespmem:$0x1FC60];
	v32 =	vadd.f32 v56, v32  }
0x2fe: {  	v56 =	vmul.f32 v55, v54;
	v55 =	vld [tilespmem:$0x1FC90]  }
0x2ff: {  	v44 =	vmul.f32 v43, v42;
	v35 =	vadd.f32 v59, v35;
	v32 =	vadd.f32 v4, v32;
	v4 =	vld [tilespmem:$0x1FC70]  }
0x300: {  	v59 =	vmul.f32 v58, v57;
	v57 =	vld [tilespmem:$0x1FCB0]  }
0x301: {  	v35 =	vadd.f32 v44, v35;
	v58 =	vld [tilespmem:$0x1FCC0]  }
0x302: {  	v31 =	vadd.f32 v29, v31;
	v29 =	vperm.xlane v8, v46;
	v63 =	vmul.f32 v62, v61;
	v61 =	vld [tilespmem:$0x1FCE0]  }
0x303: {  	[tilespmem:$0x1FFC0] =	vst v39;
	v39 =	vadd.f32 v59, v35;
	v59 =	vld [tilespmem:$0x1FCD0]  }
0x304: {  	v8 =	vadd.f32 v29, v8;
	v32 =	vadd.f32 v56, v32;
	v56 =	vld [tilespmem:$0x1FCA0];
	v29 =	vmul.f32 v25, v4  }
0x305: {  	v4 =	vld [tilespmem:$0x1FD00]  }
0x306: {  	v36 =	vadd.f32 v29, v63;
	v63 =	vld [tilespmem:$0x1FCF0]  }
0x307: {  	v40 =	vmul.f32 v58, v57;
	v58 =	vld [tilespmem:$0x1FD30]  }
0x308: {  	v62 =	vmul.f32 v61, v59;
	v59 =	vld [tilespmem:$0x1FD40]  }
0x309: {  	v41 =	vld [tilespmem:s14+$0x4400];
	v47 =	vperm.xlane v31, v46;
	v54 =	vmul.f32 v56, v55  }
0x30a: {  	v40 =	vadd.f32 v40, v36;
	v36 =	vld [tilespmem:$0x1FD10]  }
0x30b: {  	v31 =	vadd.f32 v47, v31;
	v54 =	vadd.f32 v54, v39;
	v39 =	vld [tilespmem:$0x1FD20];
	v25 =	vmul.f32 v4, v63  }
0x30c: {  	v29 =	vperm.xlane v32, v46;
	v63 =	vld [tilespmem:$0x1FD60]  }
0x30d: {  	v8 =	vsel vm0, v8, v31;
	v61 =	vmul.f32 v59, v58;
	v31 =	vadd.f32 v25, v62;
	v62 =	vld [tilespmem:$0x1FD50]  }
0x30e: {  	v32 =	vadd.f32 v29, v32;
	v29 =	vld [tilespmem:$0x1FD70]  }
0x30f: {  	v55 =	vadd.f32 v61, v31;
	v31 =	vld [tilespmem:$0x1FD80]  }
0x310: {  	v3 =	vld [tilespmem:s14+$0x410];
	v44 =	vmul.f32 v39, v36  }
0x311: {  	v38 =	vld [tilespmem:s14+$0x450]  }
0x312: {  	v5 =	vld [tilespmem:s5+$0x4460];
	v25 =	vperm.xlane v54, v46;
	v56 =	vadd.f32 v44, v40;
	v4 =	vmul.f32 v63, v62  }
0x313: {  	v44 =	vperm.xlane v8, v45;
	v63 =	vld [tilespmem:$0x1FD90]  }
0x314: {  	v59 =	vmul.f32 v31, v29;
	v31 =	vadd.f32 v25, v54;
	v54 =	vadd.f32 v4, v56;
	v4 =	vld [tilespmem:$0x1FDA0]  }
0x315: {  	v61 =	vld [tilespmem:$0x1FDE0]  }
0x316: {  	v8 =	vadd.f32 v44, v8;
	v44 =	vld [tilespmem:$0x1FDC0]  }
0x317: {  	v29 =	vld [tilespmem:$0x1FDB0]  }
0x318: {  	v56 =	vld [tilespmem:$0x1FDD0]  }
0x319: {  	v25 =	vmul.f32 v4, v63;
	v63 =	vld [tilespmem:$0x1FDF0]  }
0x31a: {  	v4 =	vld [tilespmem:$0x1FE00]  }
0x31b: {  	v11 =	vld [tilespmem:s5+$0x4470]  }
0x31c: {  	v58 =	vmul.f32 v44, v29;
	v29 =	vld [tilespmem:$0x1FE20]  }
0x31d: {  	v44 =	vld [tilespmem:$0x1FE30]  }
0x31e: {  	v54 =	vadd.f32 v25, v54;
	v25 =	vld [tilespmem:$0x1FE10]  }
0x31f: {  	s5 =	sor.u32 s28, s31;
	v56 =	vmul.f32 v61, v56;
	v61 =	vmul.f32 v4, v63;
	v4 =	vld [tilespmem:$0x1FE40]  }
0x320: {  	v33 =	vmul.f32 v51, v33;
	v51 =	vld [tilespmem:s5+$0x430]  }
0x321: {  	v18 =	vmul.f32 v18, v34;
	v34 =	vld [tilespmem:s5+$0x440]  }
0x322: {  	v49 =	vld [tilespmem:s14+$0x4420]  }
0x323: {  	v29 =	vmul.f32 v29, v25;
	v25 =	vld [tilespmem:$0x1FE50]  }
0x324: {  	v0 =	vmul.f32 v4, v44;
	v44 =	vld [tilespmem:$0x1FE60]  }
0x325: {  	v50 =	vld [tilespmem:s14+$0x430]  }
0x326: {  	v42 =	vld [tilespmem:s14+$0x440]  }
0x327: {  	v56 =	vadd.f32 v61, v56;
	v61 =	vld [tilespmem:$0x1FE70]  }
0x328: {  	v29 =	vadd.f32 v29, v54;
	v54 =	vld [tilespmem:$0x1FEA0]  }
0x329: {  	v44 =	vmul.f32 v44, v25;
	v25 =	vld [tilespmem:$0x1FE80]  }
0x32a: {  	v43 =	vld [tilespmem:s14+$0x4450]  }
0x32b: {  	v48 =	vld [tilespmem:s14+$0x4410]  }
0x32c: {  	v52 =	vld [tilespmem:s14+$0x4430]  }
0x32d: {  	v54 =	vmul.f32 v54, v1;
	v1 =	vmov v45;
	v45 =	vld [tilespmem:$0x1FED0]  }
0x32e: {  	v61 =	vmul.f32 v25, v61;
	v25 =	vld [tilespmem:$0x1FEE0]  }
0x32f: {  	v47 =	vld [tilespmem:s14+$0x4440]  }
0x330: {  	v35 =	vld [tilespmem:s14+$0x460]  }
0x331: {  	v57 =	vld [tilespmem:s5+$0x4400]  }
0x332: {  	v33 =	vadd.f32 v33, v54;
	v54 =	vld [tilespmem:$0x1FF00]  }
0x333: {  	v45 =	vmul.f32 v25, v45;
	v25 =	vld [tilespmem:$0x1FEF0]  }
0x334: {  	v39 =	vld [tilespmem:s14+$0x4460]  }
0x335: {  	v36 =	vld [tilespmem:s14+$0x470];
	v55 =	vadd.f32 v59, v55  }
0x336: {  	v7 =	vmul.f32 v7, v9;
	v9 =	vmul.f32 v19, v12;
	v40 =	vld [tilespmem:s14+$0x4470];
	s14 =	sor.u32 s30, s31  }
0x337: {  	v21 =	vmul.f32 v21, v14;
	v14 =	vld [tilespmem:s14+$0x4400];
	v55 =	vadd.f32 v58, v55  }
0x338: {  	v7 =	vadd.f32 v9, v7;
	v54 =	vmul.f32 v54, v25;
	v25 =	vld [tilespmem:$0x1FF20]  }
0x339: {  	v44 =	vadd.f32 v44, v55;
	v55 =	vadd.f32 v61, v56;
	v61 =	vld [tilespmem:$0x1FEB0]  }
0x33a: {  	v37 =	vmul.f32 v41, v37;
	v3 =	vmul.f32 v48, v3;
	v56 =	vld [tilespmem:$0x1FEC0]  }
0x33b: {  	v7 =	vadd.f32 v21, v7;
	v21 =	vld [tilespmem:s14+$0x420]  }
0x33c: {  	v2 =	vmul.f32 v49, v2;
	v3 =	vadd.f32 v3, v37;
	v48 =	vld [tilespmem:s14+$0x4420]  }
0x33d: {  	v44 =	vadd.f32 v45, v44;
	v45 =	vmul.f32 v25, v60;
	v25 =	vld [tilespmem:$0x1FF30]  }
0x33e: {  	v52 =	vmul.f32 v52, v50;
	v2 =	vadd.f32 v2, v3;
	v60 =	vld [tilespmem:$0x1FF40]  }
0x33f: {  	v37 =	vld [tilespmem:s14+$0x440];
	v56 =	vmul.f32 v56, v61  }
0x340: {  	v2 =	vadd.f32 v52, v2;
	v49 =	vld [tilespmem:s14+$0x450]  }
0x341: {  	v52 =	vld [tilespmem:s14+$0x4450];
	v0 =	vadd.f32 v0, v29;
	v29 =	vadd.f32 v56, v55  }
0x342: {  	v62 =	vld [tilespmem:s5+$0x400]  }
0x343: {  	v59 =	vld [tilespmem:s5+$0x410];
	v29 =	vadd.f32 v54, v29;
	v54 =	vmul.f32 v60, v25  }
0x344: {  	v60 =	vld [tilespmem:$0x1FF60]  }
0x345: {  	v29 =	vadd.f32 v54, v29;
	v54 =	vld [tilespmem:$0x1FF50]  }
0x346: {  	v58 =	vld [tilespmem:s5+$0x420]  }
0x347: {  	v63 =	vld [tilespmem:s5+$0x4410]  }
0x348: {  	v4 =	vld [tilespmem:s5+$0x4420];
	v18 =	vadd.f32 v18, v33  }
0x349: {  	v23 =	vmul.f32 v28, v23;
	v25 =	vld [tilespmem:$0x1FF70]  }
0x34a: {  	v18 =	vadd.f32 v30, v18;
	v44 =	vadd.f32 v45, v44;
	v45 =	vmul.f32 v60, v54;
	v60 =	vld [tilespmem:$0x1FF90]  }
0x34b: {  	v33 =	vld [tilespmem:s5+$0x450]  }
0x34c: {  	v30 =	vld [tilespmem:s5+$0x460];
	v18 =	vadd.f32 v23, v18  }
0x34d: {  	v28 =	vperm.xlane v0, v46;
	v23 =	vld [tilespmem:s5+$0x470]  }
0x34e: {  	v12 =	vadd.f32 v16, v18;
	v18 =	vld [tilespmem:s14+$0x400];
	v17 =	vmul.f32 v17, v25  }
0x34f: {  	v0 =	vadd.f32 v28, v0;
	v25 =	vld [tilespmem:$0x1FFA0];
	v28 =	vadd.f32 v45, v29;
	v19 =	vmul.f32 v60, v53  }
0x350: {  	v12 =	vadd.f32 v17, v12;
	v17 =	vld [tilespmem:s14+$0x410]  }
0x351: {  	v19 =	vadd.f32 v19, v28;
	v28 =	vmul.f32 v22, v15;
	v15 =	vld [tilespmem:s14+$0x4410]  }
0x352: {  	v61 =	vld [tilespmem:s5+$0x4430];
	v16 =	vperm.xlane v44, v46  }
0x353: {  	v41 =	vmul.f32 v24, v13;
	v5 =	vmul.f32 v5, v6;
	v55 =	vld [tilespmem:s5+$0x4440];
	v7 =	vadd.f32 v28, v7  }
0x354: {  	v16 =	vadd.f32 v16, v44;
	v44 =	vmul.f32 v26, v27;
	v10 =	vmul.f32 v10, v25;
	v53 =	vld [tilespmem:s14+$0x430]  }
0x355: {  	v60 =	vmul.f32 v57, v62;
	v62 =	vmul.f32 v63, v59;
	v63 =	vld [tilespmem:s14+$0x4430];
	v7 =	vadd.f32 v41, v7  }
0x356: {  	v56 =	vld [tilespmem:s5+$0x4450];
	v25 =	vmul.f32 v14, v18;
	v28 =	vmul.f32 v15, v17  }
0x357: {  	v50 =	vmul.f32 v47, v42;
	v48 =	vmul.f32 v48, v21;
	v7 =	vadd.f32 v44, v7;
	v44 =	vld [tilespmem:s14+$0x4440]  }
0x358: {  	v54 =	vld [tilespmem:s5+$0x4460];
	v9 =	vadd.f32 v62, v60;
	v41 =	vmul.f32 v4, v58;
	v3 =	vadd.f32 v28, v25  }
0x359: {  	v24 =	vmul.f32 v52, v49;
	v51 =	vmul.f32 v61, v51;
	v29 =	vld [tilespmem:s5+$0x4470]  }
0x35a: {  	v45 =	vmovc v1;
	v57 =	vld [tilespmem:s14+$0x460];
	v53 =	vmul.f32 v63, v53;
	v1 =	vadd.f32 v41, v9;
	v3 =	vadd.f32 v48, v3  }
0x35b: {  	v2 =	vadd.f32 v50, v2;
	v27 =	vmul.f32 v11, v20;
	v59 =	vld [tilespmem:s14+$0x4460];
	v58 =	vmul.f32 v55, v34  }
0x35c: {  	v62 =	vld [tilespmem:s14+$0x470];
	v1 =	vadd.f32 v51, v1;
	v3 =	vadd.f32 v53, v3;
	v61 =	vmul.f32 v44, v37  }
0x35d: {  	v10 =	vadd.f32 v10, v12;
	v26 =	vmul.f32 v54, v30;
	v60 =	vmul.f32 v43, v38;
	v22 =	vld [tilespmem:s14+$0x4470]  }
0x35e: {  	v63 =	vmul.f32 v56, v33;
	v1 =	vadd.f32 v58, v1;
	v3 =	vadd.f32 v61, v3  }
0x35f: {  	v30 =	vmul.f32 v40, v36;
	v2 =	vadd.f32 v60, v2;
	v25 =	vmul.f32 v39, v35  }
0x360: {  	v28 =	vmul.f32 v59, v57;
	v1 =	vadd.f32 v63, v1;
	v3 =	vadd.f32 v24, v3  }
0x361: {  	v33 =	vmul.f32 v29, v23;
	v5 =	vadd.f32 v5, v7;
	v2 =	vadd.f32 v25, v2  }
0x362: {  	v34 =	vmul.f32 v22, v62;
	v1 =	vadd.f32 v26, v1;
	v3 =	vadd.f32 v28, v3  }
0x363: {  	v36 =	vperm.xlane v10, v46;
	v4 =	vadd.f32 v27, v5;
	v2 =	vadd.f32 v30, v2  }
0x364: {  	v35 =	vperm.xlane v19, v46;
	v1 =	vadd.f32 v33, v1;
	v3 =	vadd.f32 v34, v3  }
0x365: {  	v9 =	vadd.f32 v36, v10;
	v37 =	vperm.xlane v4, v46;
	v38 =	vperm.xlane v2, v46  }
0x366: {  	v5 =	vadd.f32 v35, v19;
	v39 =	vperm.xlane v1, v46;
	v40 =	vperm.xlane v3, v46  }
0x367: {  	v50 =	vld [tilespmem:$0x1FFB0];
	v0 =	vsel vm0, v0, v16;
	v4 =	vadd.f32 v37, v4;
	v2 =	vadd.f32 v38, v2  }
0x368: {  	v41 =	vsel vm0, v32, v31;
	v51 =	vld [tilespmem:$0x1FFC0];
	v1 =	vadd.f32 v39, v1;
	v3 =	vadd.f32 v40, v3  }
0x369: {  	v52 =	vld [tilespmem:$0x1FFE0];
	v43 =	vperm.xlane v0, v45;
	v42 =	vperm.xlane v41, v45;
	v5 =	vsel vm0, v5, v9  }
0x36a: {  	v44 =	vperm.xlane v5, v45;
	v2 =	vsel vm0, v4, v2;
	v1 =	vsel vm0, v1, v3  }
0x36b: {  	v0 =	vadd.f32 v43, v0;
	v48 =	vperm.xlane v2, v45;
	v49 =	vperm.xlane v1, v45  }
0x36c: {  	v47 =	vadd.f32 v42, v41;
	v4 =	vadd.f32 v44, v5  }
0x36d: {  	v5 =	vsel vm1, v50, v51;
	v2 =	vadd.f32 v48, v2;
	v1 =	vadd.f32 v49, v1  }
0x36e: {  	v53 =	vperm.xlane v5, v52;
	v0 =	vsel vm1, v0, v4  }
0x36f: {  	v55 =	vperm.xlane v0, v52;
	v3 =	vsel vm1, v8, v47;
	v1 =	vsel vm1, v2, v1  }
0x370: {  	v57 =	vld [tilespmem:$0x1FFF0];
	v54 =	vperm.xlane v3, v52;
	v56 =	vperm.xlane v1, v52  }
0x371: {  	v5 =	vadd.f32 v53, v5;
	v0 =	vadd.f32 v55, v0  }
0x372: {  	v3 =	vadd.f32 v54, v3;
	v1 =	vadd.f32 v56, v1;
	_ =	sdelay $0x1  }
0x373: {  	s31 =	sor.u32 s23, s3;
	v58 =	vsel vm2, v5, v3;
	v0 =	vsel vm2, v0, v1  }
0x374: {  	v61 =	vld [tilespmem:s31+$0x8400];
	v59 =	vperm.xlane v58, v57;
	v60 =	vperm.xlane v0, v57;
	_ =	sdelay $0x1  }
0x375: {  	v62 =	vld [tilespmem:s31+$0x8500];
	v1 =	vadd.f32 v59, v58;
	v0 =	vadd.f32 v60, v0  }
0x376: {  	v63 =	vld [tilespmem:$0x1FFD0]  }
0x377: {  	v0 =	vsel vm3, v1, v0  }
0x378: {  	v0 =	vadd.f32 v0, v61  }
0x379: {  	p1 =	por p0, p0  }
.Ltmp0:
0x37a: {  	v0 =	vadd.f32 v0, v62;
	(pc) =	sbr.rel @p1 .LBB2_3-.Ltmp0, $3  }
0x37b: {  	_ = 	snop  }
0x37c: {  	v0 =	vadd.f32 $3.500000000e+00, v0;
	_ =	sdelay $0x1  }
0x37d: {  	p0 =	por $0x0, $0x0;
	[tilespmem:v63+s3+$0x0 ss:$0x1] =	vst.idx.msk $0xffff, v0;
	s3 =	simm.s32 $0x1  }
0x37e: {  	s5 =	rddreg [dreg:$0xd]  }
0x37f: {  	s4 =	rddreg [dreg:$0x2];
	p0 =	sgt.u32 s5, $0x5  }
0x380: {  	s6 =	rddreg [dreg:$0xe];
	s0 =	sshll.u32 @!p0 s5, $0x6  }
0x381: {  	s2 =	sadd.s32 @!p0 $0x400, s29;
	s3 =	simm.s32 @!p0 $0x40;
	s1 =	sadd.s32 @!p0 $0x80, s0  }
0x382: {  	[tilespmem:s2], [sflag:s6] =	stream.indirect.gather @!p0 [hbm4b:s4+s3], $0x80, s1, s3, $0xb8;
	[tilespmem:$0x8800] =	vst v63  }
0x383: {  	s0 =	sadd.s32 @!p0 $0x280, s0;
	s2 =	sadd.s32 @!p0 $0x4400, s29;
	s4 =	rddreg [dreg:$0x3]  }
0x384: {  	[tilespmem:s2], [sflag:s6] =	stream.indirect.gather @!p0 [hbm4b:s4+s3], $0x80, s0, s3, $0xb8;
	[tilespmem:$0x8800] =	vst v63  }
0x385: {  	s2 =	sor.u32 @!p0 $0x8400, s23;
	s4 =	rddreg [dreg:$0x4]  }
0x386: {  	[tilespmem:s2], [sflag:s6] =	stream.indirect.gather @!p0 [hbm4b:s4+s3], $0x1, s1, s3, $0xb8;
	[tilespmem:$0x8800] =	vst v63  }
0x387: {  	s5 =	sadd.s32 $0x1, s5;
	s1 =	sor.u32 @!p0 $0x8500, s23;
	s2 =	rddreg [dreg:$0x7]  }
0x388: {  	[tilespmem:s1], [sflag:s6] =	stream.indirect.gather @!p0 [hbm4b:s2+s3], $0x1, s0, s3, $0xb8;
	[tilespmem:$0x8800] =	vst v63  }
0x389: {  	p0 =	sne.s32 s5, $0x8  }
.Ltmp1:
0x38a: {  	_ = 	snop;
	(pc) =	sbr.rel @p0 .LBB2_2-.Ltmp1, $1  }
0x38b: {  	_ =	sdelay $0x3  }
0x38c: {  	s8 =	simm.s32 $0x0  }
0x38d: {  	s0 =	rddreg [dreg:$0xa];
	s1 =	simm.s32 $0x8600;
	s30 =	simm.s32 $0x3  }
0x38e: {  	[hbm4b:s0+s8] =	stream.linear.scatter [tilespmem:s1], [sflag:$0x3], $0x200, $0x38;
	[tilespmem:$0x8800] =	vst v63  }
0x38f: {  	_ =	swait.ge [sflag:s30], $0x200  }
0x390: {  	s2 =	rddreg [dreg:$0xc]  }
0x391: {  	s31 =	rddreg [dreg:$0xb];
	s2 =	sadd.s32 $0x1, s2  }
0x392: {  	p0 =	sne.s32 s2, s31  }
.Ltmp2:
0x393: {  	_ = 	snop;
	(pc) =	sbr.rel @p0 .LBB2_1-.Ltmp2, $3  }
0x394: {  	_ =	sdelay $0x1  }
0x395: {  	[sflag:s30] =	ssyncset.done $0x0  }
0x396: {  	[sflag:s30] =	ssyncadd.s32 $0xFFFFFE00  }
0x397: {  	_ =	sfence.sel $0x180000  }
0x398: {  	[bflag:$0x0] =	sbarrier.arrive $0xFFFF  }
0x399: {  	_ =	strace $0x90000047  }
0x39a: {  	s0 =	stileid.u32;
	[bflag:$0x2] =	sbarrier.arrive $0xFFFF  }
0x39b: {  	p0 =	sne.s32 s0, $0x0;
	s0 =	rddreg [dreg:$0x6]  }
0x39c: {  	s0 =	sadd.s32 @!p0 $0x100000, s0  }
0x39d: {  	[sflag:s0] =	ssyncadd.tile.s32 @!p0 $0x1;
	_ =	shalt  }
.Lfunc_end2:
_tile_overlayer_lowered:
.L_overlay_start_2:
0x39e: {  	(tag) =	ssettag $0x2  }
0x39f: {  	s0 =	rddreg [dreg:$0x0];
	s2 =	stileid.u32  }
0x3a0: {  	s1 =	rddreg [dreg:$0x1];
	p0 =	sne.s32 s2, $0x0  }
0x3a1: {  	s3 =	rddreg [dreg:$0x2];
	[bflag:$0x3] =	sbarrier.arrive $0xFFFF;
	s2 =	simm.s32 @!p0 $0x1C03  }
0x3a2: {  	[timem:s3], [sflag:s2] =	dma.local @!p0 [hbm:s0], s1  }
0x3a3: {  	s0 =	simm.s32 @!p0 $0x3  }
0x3a4: {  	_ =	swait.ge @!p0 [sflag:s0], s1  }
0x3a5: {  	s1 =	ssub.s32 @!p0 $0x0, s1;
	[sflag:s0] =	ssyncset.done @!p0 $0x0  }
0x3a6: {  	[sflag:s0] =	ssyncadd.s32 @!p0 s1  }
0x3a7: {  	[bflag:$0x3] =	sbarrier.arrive $0xFFFF  }
0x3a8: {  	_ =	shalt  }

</sc_bundles>
